<compile_context>
chip_gen: v7x
topology: tpu7x:2x2x1
jax: 0.10.2.dev20260603
libtpu: 0.0.44.dev20260713+nightly
codegen_flags: <defaults>
</compile_context>

<pallas_src>
import functools

import jax
import jax.numpy as jnp
from jax import lax
from jax.experimental import pallas as pl
from jax.experimental.pallas import tpu as pltpu
from jax.experimental.pallas import tpu_sc as plsc

D_MODEL = 128
ATTR_DIM = 4
NUM_PRIMITIVES = 10
LANES = 16
NJ = D_MODEL // LANES

NUM_CORES = 2
NUM_SUBCORES = 16
NUM_WORKERS = NUM_CORES * NUM_SUBCORES

PANEL = 128
CN = 40
PB = 4


N_SC_FRAC_NUM = 2
N_SC_FRAC_DEN = 5
TC_BB = 128
TC_BN = 40


def _run(ids_t, attr_t, table, wt, n_b, n_n, n_sc):
    n_chunks = n_sc // CN
    n_pieces = PANEL // PB

    mesh = plsc.VectorSubcoreMesh(core_axis_name="c", subcore_axis_name="s")

    @functools.partial(
        pl.kernel,
        mesh=mesh,
        out_type=jax.ShapeDtypeStruct((n_b * n_n, D_MODEL), jnp.float32),
        scratch_types=[
            pltpu.VMEM((NUM_PRIMITIVES, D_MODEL), jnp.float32),
            pltpu.VMEM((ATTR_DIM, D_MODEL), jnp.float32),
            pltpu.VMEM((CN + 1, PANEL), jnp.int32),
            pltpu.VMEM((CN + 1, ATTR_DIM, PANEL), jnp.float32),
            pltpu.VMEM((PB * CN, D_MODEL), jnp.float32),
            pltpu.VMEM((PB * CN, D_MODEL), jnp.float32),
            pltpu.SemaphoreType.DMA,
            pltpu.SemaphoreType.DMA,
        ],
    )
    def k(ids_hbm, attr_hbm, table_hbm, wt_hbm, out_hbm,
          table_v, wt_v, ids_v, attr_v, out0, out1, sout0, sout1):
        outb = (out0, out1)
        sout = (sout0, sout1)

        wid = lax.axis_index("s") * NUM_CORES + lax.axis_index("c")
        b0w = wid * PANEL
        pltpu.sync_copy(table_hbm, table_v)
        pltpu.sync_copy(wt_hbm, wt_v)
        w = [[wt_v[a, pl.ds(LANES * j, LANES)] for j in range(NJ)]
             for a in range(ATTR_DIM)]

        def wait_out(p):
            for bb in range(PB):
                pltpu.make_async_copy(
                    outb[p].at[pl.ds(bb * CN, CN), :],
                    out_hbm.at[pl.ds(0, CN)], sout[p]).wait()

        def chunk_body(c, carry):
            n0 = c * CN
            pltpu.sync_copy(ids_hbm.at[pl.ds(n0, CN), pl.ds(b0w, PANEL)],
                            ids_v.at[pl.ds(0, CN), :])
            pltpu.sync_copy(
                attr_hbm.at[pl.ds(n0, CN), :, pl.ds(b0w, PANEL)],
                attr_v.at[pl.ds(0, CN), :, :])

            def piece_pair(pp, carry2):
                for p in range(2):
                    pb = 2 * pp + p
                    bcol = PB * pb

                    @pl.when(c * n_pieces + pb >= 2)
                    def _():
                        wait_out(p)

                    out_v = outb[p]

                    @plsc.parallel_loop(0, CN)
                    def _(n):
                        idsg = ids_v[n, pl.ds(bcol, LANES)]
                        avg = [attr_v[n, a, pl.ds(bcol, LANES)]
                               for a in range(ATTR_DIM)]
                        for bb in range(PB):
                            pid = idsg[bb]
                            a0 = avg[0][bb]
                            a1 = avg[1][bb]
                            a2 = avg[2][bb]
                            a3 = avg[3][bb]
                            for j in range(NJ):
                                e = table_v[pid, pl.ds(LANES * j, LANES)]
                                r = e + a0 * w[0][j] + a1 * w[1][j] \
                                    + a2 * w[2][j] + a3 * w[3][j]
                                out_v[bb * CN + n, pl.ds(LANES * j, LANES)] = r

                    for bb in range(PB):
                        row0 = (b0w + bcol + bb) * n_n + n0
                        pltpu.async_copy(out_v.at[pl.ds(bb * CN, CN), :],
                                         out_hbm.at[pl.ds(row0, CN)], sout[p])
                return carry2

            lax.fori_loop(0, n_pieces // 2, piece_pair, 0)
            return carry

        lax.fori_loop(0, n_chunks, chunk_body, 0)
        wait_out(0)
        wait_out(1)

    return k(ids_t, attr_t, table, wt)


def _tc_kernel(ids_ref, attr_ref, tabp_ref, wt_ref, alias_ref, out_ref):
    t = TC_BB * TC_BN
    idsb = jnp.transpose(ids_ref[...].astype(jnp.float32))
    iota = lax.broadcasted_iota(jnp.int32,
                                (TC_BB, TC_BN, D_MODEL), 2).astype(jnp.float32)
    oh = (idsb[:, :, None] == iota).astype(jnp.float32)
    base = jnp.dot(oh.reshape(t, D_MODEL), tabp_ref[...],
                   preferred_element_type=jnp.float32)
    acc = base.reshape(TC_BB, TC_BN, D_MODEL)
    for a in range(ATTR_DIM):
        atta = jnp.transpose(attr_ref[:, a, :])
        acc = acc + atta[:, :, None] * wt_ref[a, :][None, None, :]
    out_ref[...] = acc


def _tc_fill(out3, ids_t, attr_t, tab_pad, wt, n_sc):
    N, B = ids_t.shape
    joff = n_sc // TC_BN
    grid = (B // TC_BB, (N - n_sc) // TC_BN)
    return pl.pallas_call(
        _tc_kernel,
        grid=grid,
        in_specs=[
            pl.BlockSpec((TC_BN, TC_BB), lambda i, j: (j + joff, i)),
            pl.BlockSpec((TC_BN, ATTR_DIM, TC_BB),
                         lambda i, j: (j + joff, 0, i)),
            pl.BlockSpec((D_MODEL, D_MODEL), lambda i, j: (0, 0)),
            pl.BlockSpec((ATTR_DIM, D_MODEL), lambda i, j: (0, 0)),
            pl.BlockSpec(memory_space=pl.ANY),
        ],
        out_specs=pl.BlockSpec((TC_BB, TC_BN, D_MODEL),
                               lambda i, j: (i, j + joff, 0)),
        out_shape=jax.ShapeDtypeStruct((B, N, D_MODEL), jnp.float32),
        input_output_aliases={4: 0},
    )(ids_t, attr_t, tab_pad, wt, out3)


@functools.partial(jax.jit, static_argnames=("n_b", "n_n", "n_sc"))
def _run_all(ids_t, attr_t, table, wt, n_b, n_n, n_sc):
    out = _run(ids_t, attr_t, table, wt, n_b, n_n, n_sc)
    out3 = out.reshape(n_b, n_n, D_MODEL)
    if n_sc < n_n:
        tab_pad = jnp.concatenate(
            [table, jnp.zeros((D_MODEL - NUM_PRIMITIVES, D_MODEL),
                              jnp.float32)], axis=0)
        out3 = _tc_fill(out3, ids_t, attr_t, tab_pad, wt, n_sc)
    return out3


def kernel(primitive_ids, attr_vec, emb_table, attr_W):
    B, N = primitive_ids.shape
    n_sc = (N * N_SC_FRAC_NUM // (N_SC_FRAC_DEN * CN)) * CN
    if n_sc <= 0 or (N - n_sc) % TC_BN != 0 or N % CN != 0:
        n_sc = N
    ids32 = primitive_ids.astype(jnp.int32)
    attrf = attr_vec.astype(jnp.float32)
    ids_t = ids32.T
    attr_t = jnp.transpose(attrf, (1, 2, 0))
    wt = attr_W.astype(jnp.float32).T
    out3 = _run_all(ids_t, attr_t,
                    emb_table.astype(jnp.float32), wt, B, N, n_sc)
    return out3

# --- scband reference (transcript-rebuilt; emitter-appended) ---
"""Pipeline reference for scband-node-tokenizer-63814624084538 (READ-ONLY COPY).

The authoritative reference and input builder live on the scoring server;
editing this copy changes nothing except your own understanding.
"""

import jax, jax.numpy as jnp
import numpy as np

D_MODEL = 128
NUM_PRIMITIVES = 10
ATTR_DIM = 4
B, N = 4096, 200


def setup_inputs(seed: int = 0) -> dict:
    key = jax.random.key(seed)
    k1, k2, k3, k4 = jax.random.split(key, 4)
    primitive_ids = jax.random.randint(k1, (B, N), 0, NUM_PRIMITIVES, dtype=jnp.int64 if jax.config.jax_enable_x64 else jnp.int32)
    attr_vec = jax.random.normal(k2, (B, N, ATTR_DIM), dtype=jnp.float32)
    emb_table = 0.02 * jax.random.normal(k3, (NUM_PRIMITIVES, D_MODEL), dtype=jnp.float32)
    # torch nn.Linear(ATTR_DIM, D_MODEL, bias=False).weight has shape (D_MODEL, ATTR_DIM)
    attr_W = 0.02 * jax.random.normal(k4, (D_MODEL, ATTR_DIM), dtype=jnp.float32)
    return {"primitive_ids": primitive_ids, "attr_vec": attr_vec, "emb_table": emb_table, "attr_W": attr_W}


def reference(primitive_ids, attr_vec, emb_table, attr_W):
    # prim_emb = embedding lookup
    prim_emb = jnp.take(emb_table, primitive_ids, axis=0)  # (B, N, d_model)
    # attr_emb = attr_vec @ W^T  (torch Linear, no bias)
    attr_emb = jnp.einsum('bna,da->bnd', attr_vec.astype(prim_emb.dtype), attr_W)
    return prim_emb + attr_emb

if __name__ == "__main__":
    import jax
    _d = setup_inputs()
    print(jax.jit(kernel)(*tuple(_d.values())))

</pallas_src>

<mosaic_0001>
#map = affine_map<(d0, d1) -> (0, 0)>
#map1 = affine_map<(d0, d1) -> (0, 0, 0)>
module attributes {stable_mosaic.version = 14 : i64} {
  func.func @k(%arg0: i32, %arg1: i32, %arg2: memref<200x4096xi32, #tpu.memory_space<hbm>>, %arg3: memref<200x4x4096xf32, #tpu.memory_space<hbm>>, %arg4: memref<10x128xf32, #tpu.memory_space<hbm>>, %arg5: memref<4x128xf32, #tpu.memory_space<hbm>>, %arg6: memref<819200x128xf32, #tpu.memory_space<hbm>>, %arg7: memref<10x128xf32, #tpu.memory_space<vmem>>, %arg8: memref<4x128xf32, #tpu.memory_space<vmem>>, %arg9: memref<41x128xi32, #tpu.memory_space<vmem>>, %arg10: memref<41x4x128xf32, #tpu.memory_space<vmem>>, %arg11: memref<160x128xf32, #tpu.memory_space<vmem>>, %arg12: memref<160x128xf32, #tpu.memory_space<vmem>>, %arg13: memref<!tpu.dma_semaphore, #tpu.memory_space<semaphore_mem>>, %arg14: memref<!tpu.dma_semaphore, #tpu.memory_space<semaphore_mem>>) attributes {dimension_semantics = [#tpu.dimension_semantics<core_parallel>, #tpu.dimension_semantics<subcore_parallel>], iteration_bounds = array<i64: 2, 16>, scalar_prefetch = 0 : i64, scratch_operands = 8 : i64, tpu.core_type = #tpu.core_type<sc_vector_subcore>, window_params = [{transform_indices = #map}, {transform_indices = #map1}, {transform_indices = #map}, {transform_indices = #map}, {transform_indices = #map}]} {
    %mul3A = arith.constant 2 : i32
    %mul3A_0 = arith.muli %arg1, %mul3A : i32
    %add3A = arith.addi %mul3A_0, %arg0 : i32
    %mul3A_1 = arith.constant 128 : i32
    %mul3A_2 = arith.muli %add3A, %mul3A_1 : i32
    "tpu.region"() ({
      %run_scoped3A = tpu.sem_alloc : memref<!tpu.dma_semaphore, #tpu.memory_space<semaphore_mem>>
      tpu.enqueue_dma source(%arg4 : memref<10x128xf32, #tpu.memory_space<hbm>>) target(%arg7 : memref<10x128xf32, #tpu.memory_space<vmem>>) target_semaphore(%run_scoped3A : memref<!tpu.dma_semaphore, #tpu.memory_space<semaphore_mem>>)
      tpu.wait_dma2 semaphore(%run_scoped3A : memref<!tpu.dma_semaphore, #tpu.memory_space<semaphore_mem>>) src(%arg4 : memref<10x128xf32, #tpu.memory_space<hbm>>) dst(%arg7 : memref<10x128xf32, #tpu.memory_space<vmem>>)
      tpu.yield
    }) : () -> ()
    "tpu.region"() ({
      %run_scoped3A = tpu.sem_alloc : memref<!tpu.dma_semaphore, #tpu.memory_space<semaphore_mem>>
      tpu.enqueue_dma source(%arg5 : memref<4x128xf32, #tpu.memory_space<hbm>>) target(%arg8 : memref<4x128xf32, #tpu.memory_space<vmem>>) target_semaphore(%run_scoped3A : memref<!tpu.dma_semaphore, #tpu.memory_space<semaphore_mem>>)
      tpu.wait_dma2 semaphore(%run_scoped3A : memref<!tpu.dma_semaphore, #tpu.memory_space<semaphore_mem>>) src(%arg5 : memref<4x128xf32, #tpu.memory_space<hbm>>) dst(%arg8 : memref<4x128xf32, #tpu.memory_space<vmem>>)
      tpu.yield
    }) : () -> ()
    %get3A = arith.constant 0 : i32
    %get3A_3 = arith.index_cast %get3A : i32 to index
    %get3A_4 = arith.constant 0 : index
    %get3A_5 = tpu.vector_load %arg8[%get3A_3, %get3A_4] {strides = array<i32>} : memref<4x128xf32, #tpu.memory_space<vmem>>, vector<1x16xf32>,
    %get3A_6 = vector.shape_cast %get3A_5 : vector<1x16xf32> to vector<16xf32>
    %get3A_7 = arith.constant 0 : i32
    %get3A_8 = arith.index_cast %get3A_7 : i32 to index
    %get3A_9 = arith.constant 16 : index
    %get3A_10 = tpu.vector_load %arg8[%get3A_8, %get3A_9] {strides = array<i32>} : memref<4x128xf32, #tpu.memory_space<vmem>>, vector<1x16xf32>,
    %get3A_11 = vector.shape_cast %get3A_10 : vector<1x16xf32> to vector<16xf32>
    %get3A_12 = arith.constant 0 : i32
    %get3A_13 = arith.index_cast %get3A_12 : i32 to index
    %get3A_14 = arith.constant 32 : index
    %get3A_15 = tpu.vector_load %arg8[%get3A_13, %get3A_14] {strides = array<i32>} : memref<4x128xf32, #tpu.memory_space<vmem>>, vector<1x16xf32>,
    %get3A_16 = vector.shape_cast %get3A_15 : vector<1x16xf32> to vector<16xf32>
    %get3A_17 = arith.constant 0 : i32
    %get3A_18 = arith.index_cast %get3A_17 : i32 to index
    %get3A_19 = arith.constant 48 : index
    %get3A_20 = tpu.vector_load %arg8[%get3A_18, %get3A_19] {strides = array<i32>} : memref<4x128xf32, #tpu.memory_space<vmem>>, vector<1x16xf32>,
    %get3A_21 = vector.shape_cast %get3A_20 : vector<1x16xf32> to vector<16xf32>
    %get3A_22 = arith.constant 0 : i32
    %get3A_23 = arith.index_cast %get3A_22 : i32 to index
    %get3A_24 = arith.constant 64 : index
    %get3A_25 = tpu.vector_load %arg8[%get3A_23, %get3A_24] {strides = array<i32>} : memref<4x128xf32, #tpu.memory_space<vmem>>, vector<1x16xf32>,
    %get3A_26 = vector.shape_cast %get3A_25 : vector<1x16xf32> to vector<16xf32>
    %get3A_27 = arith.constant 0 : i32
    %get3A_28 = arith.index_cast %get3A_27 : i32 to index
    %get3A_29 = arith.constant 80 : index
    %get3A_30 = tpu.vector_load %arg8[%get3A_28, %get3A_29] {strides = array<i32>} : memref<4x128xf32, #tpu.memory_space<vmem>>, vector<1x16xf32>,
    %get3A_31 = vector.shape_cast %get3A_30 : vector<1x16xf32> to vector<16xf32>
    %get3A_32 = arith.constant 0 : i32
    %get3A_33 = arith.index_cast %get3A_32 : i32 to index
    %get3A_34 = arith.constant 96 : index
    %get3A_35 = tpu.vector_load %arg8[%get3A_33, %get3A_34] {strides = array<i32>} : memref<4x128xf32, #tpu.memory_space<vmem>>, vector<1x16xf32>,
    %get3A_36 = vector.shape_cast %get3A_35 : vector<1x16xf32> to vector<16xf32>
    %get3A_37 = arith.constant 0 : i32
    %get3A_38 = arith.index_cast %get3A_37 : i32 to index
    %get3A_39 = arith.constant 112 : index
    %get3A_40 = tpu.vector_load %arg8[%get3A_38, %get3A_39] {strides = array<i32>} : memref<4x128xf32, #tpu.memory_space<vmem>>, vector<1x16xf32>,
    %get3A_41 = vector.shape_cast %get3A_40 : vector<1x16xf32> to vector<16xf32>
    %get3A_42 = arith.constant 1 : i32
    %get3A_43 = arith.index_cast %get3A_42 : i32 to index
    %get3A_44 = arith.constant 0 : index
    %get3A_45 = tpu.vector_load %arg8[%get3A_43, %get3A_44] {strides = array<i32>} : memref<4x128xf32, #tpu.memory_space<vmem>>, vector<1x16xf32>,
    %get3A_46 = vector.shape_cast %get3A_45 : vector<1x16xf32> to vector<16xf32>
    %get3A_47 = arith.constant 1 : i32
    %get3A_48 = arith.index_cast %get3A_47 : i32 to index
    %get3A_49 = arith.constant 16 : index
    %get3A_50 = tpu.vector_load %arg8[%get3A_48, %get3A_49] {strides = array<i32>} : memref<4x128xf32, #tpu.memory_space<vmem>>, vector<1x16xf32>,
    %get3A_51 = vector.shape_cast %get3A_50 : vector<1x16xf32> to vector<16xf32>
    %get3A_52 = arith.constant 1 : i32
    %get3A_53 = arith.index_cast %get3A_52 : i32 to index
    %get3A_54 = arith.constant 32 : index
    %get3A_55 = tpu.vector_load %arg8[%get3A_53, %get3A_54] {strides = array<i32>} : memref<4x128xf32, #tpu.memory_space<vmem>>, vector<1x16xf32>,
    %get3A_56 = vector.shape_cast %get3A_55 : vector<1x16xf32> to vector<16xf32>
    %get3A_57 = arith.constant 1 : i32
    %get3A_58 = arith.index_cast %get3A_57 : i32 to index
    %get3A_59 = arith.constant 48 : index
    %get3A_60 = tpu.vector_load %arg8[%get3A_58, %get3A_59] {strides = array<i32>} : memref<4x128xf32, #tpu.memory_space<vmem>>, vector<1x16xf32>,
    %get3A_61 = vector.shape_cast %get3A_60 : vector<1x16xf32> to vector<16xf32>
    %get3A_62 = arith.constant 1 : i32
    %get3A_63 = arith.index_cast %get3A_62 : i32 to index
    %get3A_64 = arith.constant 64 : index
    %get3A_65 = tpu.vector_load %arg8[%get3A_63, %get3A_64] {strides = array<i32>} : memref<4x128xf32, #tpu.memory_space<vmem>>, vector<1x16xf32>,
    %get3A_66 = vector.shape_cast %get3A_65 : vector<1x16xf32> to vector<16xf32>
    %get3A_67 = arith.constant 1 : i32
    %get3A_68 = arith.index_cast %get3A_67 : i32 to index
    %get3A_69 = arith.constant 80 : index
    %get3A_70 = tpu.vector_load %arg8[%get3A_68, %get3A_69] {strides = array<i32>} : memref<4x128xf32, #tpu.memory_space<vmem>>, vector<1x16xf32>,
    %get3A_71 = vector.shape_cast %get3A_70 : vector<1x16xf32> to vector<16xf32>
    %get3A_72 = arith.constant 1 : i32
    %get3A_73 = arith.index_cast %get3A_72 : i32 to index
    %get3A_74 = arith.constant 96 : index
    %get3A_75 = tpu.vector_load %arg8[%get3A_73, %get3A_74] {strides = array<i32>} : memref<4x128xf32, #tpu.memory_space<vmem>>, vector<1x16xf32>,
    %get3A_76 = vector.shape_cast %get3A_75 : vector<1x16xf32> to vector<16xf32>
    %get3A_77 = arith.constant 1 : i32
    %get3A_78 = arith.index_cast %get3A_77 : i32 to index
    %get3A_79 = arith.constant 112 : index
    %get3A_80 = tpu.vector_load %arg8[%get3A_78, %get3A_79] {strides = array<i32>} : memref<4x128xf32, #tpu.memory_space<vmem>>, vector<1x16xf32>,
    %get3A_81 = vector.shape_cast %get3A_80 : vector<1x16xf32> to vector<16xf32>
    %get3A_82 = arith.constant 2 : i32
    %get3A_83 = arith.index_cast %get3A_82 : i32 to index
    %get3A_84 = arith.constant 0 : index
    %get3A_85 = tpu.vector_load %arg8[%get3A_83, %get3A_84] {strides = array<i32>} : memref<4x128xf32, #tpu.memory_space<vmem>>, vector<1x16xf32>,
    %get3A_86 = vector.shape_cast %get3A_85 : vector<1x16xf32> to vector<16xf32>
    %get3A_87 = arith.constant 2 : i32
    %get3A_88 = arith.index_cast %get3A_87 : i32 to index
    %get3A_89 = arith.constant 16 : index
    %get3A_90 = tpu.vector_load %arg8[%get3A_88, %get3A_89] {strides = array<i32>} : memref<4x128xf32, #tpu.memory_space<vmem>>, vector<1x16xf32>,
    %get3A_91 = vector.shape_cast %get3A_90 : vector<1x16xf32> to vector<16xf32>
    %get3A_92 = arith.constant 2 : i32
    %get3A_93 = arith.index_cast %get3A_92 : i32 to index
    %get3A_94 = arith.constant 32 : index
    %get3A_95 = tpu.vector_load %arg8[%get3A_93, %get3A_94] {strides = array<i32>} : memref<4x128xf32, #tpu.memory_space<vmem>>, vector<1x16xf32>,
    %get3A_96 = vector.shape_cast %get3A_95 : vector<1x16xf32> to vector<16xf32>
    %get3A_97 = arith.constant 2 : i32
    %get3A_98 = arith.index_cast %get3A_97 : i32 to index
    %get3A_99 = arith.constant 48 : index
    %get3A_100 = tpu.vector_load %arg8[%get3A_98, %get3A_99] {strides = array<i32>} : memref<4x128xf32, #tpu.memory_space<vmem>>, vector<1x16xf32>,
    %get3A_101 = vector.shape_cast %get3A_100 : vector<1x16xf32> to vector<16xf32>
    %get3A_102 = arith.constant 2 : i32
    %get3A_103 = arith.index_cast %get3A_102 : i32 to index
    %get3A_104 = arith.constant 64 : index
    %get3A_105 = tpu.vector_load %arg8[%get3A_103, %get3A_104] {strides = array<i32>} : memref<4x128xf32, #tpu.memory_space<vmem>>, vector<1x16xf32>,
    %get3A_106 = vector.shape_cast %get3A_105 : vector<1x16xf32> to vector<16xf32>
    %get3A_107 = arith.constant 2 : i32
    %get3A_108 = arith.index_cast %get3A_107 : i32 to index
    %get3A_109 = arith.constant 80 : index
    %get3A_110 = tpu.vector_load %arg8[%get3A_108, %get3A_109] {strides = array<i32>} : memref<4x128xf32, #tpu.memory_space<vmem>>, vector<1x16xf32>,
    %get3A_111 = vector.shape_cast %get3A_110 : vector<1x16xf32> to vector<16xf32>
    %get3A_112 = arith.constant 2 : i32
    %get3A_113 = arith.index_cast %get3A_112 : i32 to index
    %get3A_114 = arith.constant 96 : index
    %get3A_115 = tpu.vector_load %arg8[%get3A_113, %get3A_114] {strides = array<i32>} : memref<4x128xf32, #tpu.memory_space<vmem>>, vector<1x16xf32>,
    %get3A_116 = vector.shape_cast %get3A_115 : vector<1x16xf32> to vector<16xf32>
    %get3A_117 = arith.constant 2 : i32
    %get3A_118 = arith.index_cast %get3A_117 : i32 to index
    %get3A_119 = arith.constant 112 : index
    %get3A_120 = tpu.vector_load %arg8[%get3A_118, %get3A_119] {strides = array<i32>} : memref<4x128xf32, #tpu.memory_space<vmem>>, vector<1x16xf32>,
    %get3A_121 = vector.shape_cast %get3A_120 : vector<1x16xf32> to vector<16xf32>
    %get3A_122 = arith.constant 3 : i32
    %get3A_123 = arith.index_cast %get3A_122 : i32 to index
    %get3A_124 = arith.constant 0 : index
    %get3A_125 = tpu.vector_load %arg8[%get3A_123, %get3A_124] {strides = array<i32>} : memref<4x128xf32, #tpu.memory_space<vmem>>, vector<1x16xf32>,
    %get3A_126 = vector.shape_cast %get3A_125 : vector<1x16xf32> to vector<16xf32>
    %get3A_127 = arith.constant 3 : i32
    %get3A_128 = arith.index_cast %get3A_127 : i32 to index
    %get3A_129 = arith.constant 16 : index
    %get3A_130 = tpu.vector_load %arg8[%get3A_128, %get3A_129] {strides = array<i32>} : memref<4x128xf32, #tpu.memory_space<vmem>>, vector<1x16xf32>,
    %get3A_131 = vector.shape_cast %get3A_130 : vector<1x16xf32> to vector<16xf32>
    %get3A_132 = arith.constant 3 : i32
    %get3A_133 = arith.index_cast %get3A_132 : i32 to index
    %get3A_134 = arith.constant 32 : index
    %get3A_135 = tpu.vector_load %arg8[%get3A_133, %get3A_134] {strides = array<i32>} : memref<4x128xf32, #tpu.memory_space<vmem>>, vector<1x16xf32>,
    %get3A_136 = vector.shape_cast %get3A_135 : vector<1x16xf32> to vector<16xf32>
    %get3A_137 = arith.constant 3 : i32
    %get3A_138 = arith.index_cast %get3A_137 : i32 to index
    %get3A_139 = arith.constant 48 : index
    %get3A_140 = tpu.vector_load %arg8[%get3A_138, %get3A_139] {strides = array<i32>} : memref<4x128xf32, #tpu.memory_space<vmem>>, vector<1x16xf32>,
    %get3A_141 = vector.shape_cast %get3A_140 : vector<1x16xf32> to vector<16xf32>
    %get3A_142 = arith.constant 3 : i32
    %get3A_143 = arith.index_cast %get3A_142 : i32 to index
    %get3A_144 = arith.constant 64 : index
    %get3A_145 = tpu.vector_load %arg8[%get3A_143, %get3A_144] {strides = array<i32>} : memref<4x128xf32, #tpu.memory_space<vmem>>, vector<1x16xf32>,
    %get3A_146 = vector.shape_cast %get3A_145 : vector<1x16xf32> to vector<16xf32>
    %get3A_147 = arith.constant 3 : i32
    %get3A_148 = arith.index_cast %get3A_147 : i32 to index
    %get3A_149 = arith.constant 80 : index
    %get3A_150 = tpu.vector_load %arg8[%get3A_148, %get3A_149] {strides = array<i32>} : memref<4x128xf32, #tpu.memory_space<vmem>>, vector<1x16xf32>,
    %get3A_151 = vector.shape_cast %get3A_150 : vector<1x16xf32> to vector<16xf32>
    %get3A_152 = arith.constant 3 : i32
    %get3A_153 = arith.index_cast %get3A_152 : i32 to index
    %get3A_154 = arith.constant 96 : index
    %get3A_155 = tpu.vector_load %arg8[%get3A_153, %get3A_154] {strides = array<i32>} : memref<4x128xf32, #tpu.memory_space<vmem>>, vector<1x16xf32>,
    %get3A_156 = vector.shape_cast %get3A_155 : vector<1x16xf32> to vector<16xf32>
    %get3A_157 = arith.constant 3 : i32
    %get3A_158 = arith.index_cast %get3A_157 : i32 to index
    %get3A_159 = arith.constant 112 : index
    %get3A_160 = tpu.vector_load %arg8[%get3A_158, %get3A_159] {strides = array<i32>} : memref<4x128xf32, #tpu.memory_space<vmem>>, vector<1x16xf32>,
    %get3A_161 = vector.shape_cast %get3A_160 : vector<1x16xf32> to vector<16xf32>
    %scan3A = arith.constant 0 : i32
    %scan3A_162 = arith.constant 0 : i32
    %scan3A_163 = arith.constant 2 : i32
    %scan3A_164 = arith.addi %scan3A_162, %scan3A_163 : i32
    %scan3A_165 = arith.constant 1 : i32
    scf.for %scan3A_262 = %scan3A_162 to %scan3A_164 step %scan3A_165  : i32 {
      %mul3A_263 = arith.constant 40 : i32
      %mul3A_264 = arith.muli %scan3A_262, %mul3A_263 : i32
      "tpu.region"() ({
        %run_scoped3A = tpu.sem_alloc : memref<!tpu.dma_semaphore, #tpu.memory_space<semaphore_mem>>
        %dma_start3A = arith.constant 0 : i32
        %dma_start3A_271 = arith.constant 0 : i32
        %dma_start3A_272 = tpu.memref_slice %arg9[%dma_start3A, %dma_start3A_271] : memref<41x128xi32, #tpu.memory_space<vmem>> -> memref<40x128xi32, #tpu.memory_space<vmem>>
        %dma_start3A_273 = tpu.memref_slice %arg2[%mul3A_264, %mul3A_2] : memref<200x4096xi32, #tpu.memory_space<hbm>> -> memref<40x128xi32, #tpu.memory_space<hbm>>
        %dma_start3A_274 = arith.constant 0 : i32
        %dma_start3A_275 = arith.constant 0 : i32
        %dma_start3A_276 = tpu.memref_slice %arg9[%dma_start3A_274, %dma_start3A_275] : memref<41x128xi32, #tpu.memory_space<vmem>> -> memref<40x128xi32, #tpu.memory_space<vmem>>
        %dma_start3A_277 = tpu.memref_slice %arg2[%mul3A_264, %mul3A_2] : memref<200x4096xi32, #tpu.memory_space<hbm>> -> memref<40x128xi32, #tpu.memory_space<hbm>>
        tpu.enqueue_dma source(%dma_start3A_277 : memref<40x128xi32, #tpu.memory_space<hbm>>) target(%dma_start3A_276 : memref<40x128xi32, #tpu.memory_space<vmem>>) target_semaphore(%run_scoped3A : memref<!tpu.dma_semaphore, #tpu.memory_space<semaphore_mem>>)
        %dma_wait3A_278 = arith.constant 0 : i32
        %dma_wait3A_279 = arith.constant 0 : i32
        %dma_wait3A_280 = tpu.memref_slice %arg9[%dma_wait3A_278, %dma_wait3A_279] : memref<41x128xi32, #tpu.memory_space<vmem>> -> memref<40x128xi32, #tpu.memory_space<vmem>>
        %dma_wait3A_281 = tpu.memref_slice %arg2[%mul3A_264, %mul3A_2] : memref<200x4096xi32, #tpu.memory_space<hbm>> -> memref<40x128xi32, #tpu.memory_space<hbm>>
        %dma_wait3A_282 = arith.constant 0 : i32
        %dma_wait3A_283 = arith.constant 0 : i32
        %dma_wait3A_284 = tpu.memref_slice %arg9[%dma_wait3A_282, %dma_wait3A_283] : memref<41x128xi32, #tpu.memory_space<vmem>> -> memref<40x128xi32, #tpu.memory_space<vmem>>
        %dma_wait3A_285 = tpu.memref_slice %arg2[%mul3A_264, %mul3A_2] : memref<200x4096xi32, #tpu.memory_space<hbm>> -> memref<40x128xi32, #tpu.memory_space<hbm>>
        tpu.wait_dma2 semaphore(%run_scoped3A : memref<!tpu.dma_semaphore, #tpu.memory_space<semaphore_mem>>) src(%dma_wait3A_285 : memref<40x128xi32, #tpu.memory_space<hbm>>) dst(%dma_wait3A_284 : memref<40x128xi32, #tpu.memory_space<vmem>>)
        tpu.yield
      }) : () -> ()
      "tpu.region"() ({
        %run_scoped3A = tpu.sem_alloc : memref<!tpu.dma_semaphore, #tpu.memory_space<semaphore_mem>>
        %dma_start3A = arith.constant 0 : i32
        %dma_start3A_271 = arith.constant 0 : i32
        %dma_start3A_272 = arith.constant 0 : i32
        %dma_start3A_273 = tpu.memref_slice %arg10[%dma_start3A, %dma_start3A_271, %dma_start3A_272] : memref<41x4x128xf32, #tpu.memory_space<vmem>> -> memref<40x4x128xf32, #tpu.memory_space<vmem>>
        %dma_start3A_274 = arith.constant 0 : i32
        %dma_start3A_275 = tpu.memref_slice %arg3[%mul3A_264, %dma_start3A_274, %mul3A_2] : memref<200x4x4096xf32, #tpu.memory_space<hbm>> -> memref<40x4x128xf32, #tpu.memory_space<hbm>>
        %dma_start3A_276 = arith.constant 0 : i32
        %dma_start3A_277 = arith.constant 0 : i32
        %dma_start3A_278 = arith.constant 0 : i32
        %dma_start3A_279 = tpu.memref_slice %arg10[%dma_start3A_276, %dma_start3A_277, %dma_start3A_278] : memref<41x4x128xf32, #tpu.memory_space<vmem>> -> memref<40x4x128xf32, #tpu.memory_space<vmem>>
        %dma_start3A_280 = arith.constant 0 : i32
        %dma_start3A_281 = tpu.memref_slice %arg3[%mul3A_264, %dma_start3A_280, %mul3A_2] : memref<200x4x4096xf32, #tpu.memory_space<hbm>> -> memref<40x4x128xf32, #tpu.memory_space<hbm>>
        tpu.enqueue_dma source(%dma_start3A_281 : memref<40x4x128xf32, #tpu.memory_space<hbm>>) target(%dma_start3A_279 : memref<40x4x128xf32, #tpu.memory_space<vmem>>) target_semaphore(%run_scoped3A : memref<!tpu.dma_semaphore, #tpu.memory_space<semaphore_mem>>)
        %dma_wait3A_282 = arith.constant 0 : i32
        %dma_wait3A_283 = arith.constant 0 : i32
        %dma_wait3A_284 = arith.constant 0 : i32
        %dma_wait3A_285 = tpu.memref_slice %arg10[%dma_wait3A_282, %dma_wait3A_283, %dma_wait3A_284] : memref<41x4x128xf32, #tpu.memory_space<vmem>> -> memref<40x4x128xf32, #tpu.memory_space<vmem>>
        %dma_wait3A_286 = arith.constant 0 : i32
        %dma_wait3A_287 = tpu.memref_slice %arg3[%mul3A_264, %dma_wait3A_286, %mul3A_2] : memref<200x4x4096xf32, #tpu.memory_space<hbm>> -> memref<40x4x128xf32, #tpu.memory_space<hbm>>
        %dma_wait3A_288 = arith.constant 0 : i32
        %dma_wait3A_289 = arith.constant 0 : i32
        %dma_wait3A_290 = arith.constant 0 : i32
        %dma_wait3A_291 = tpu.memref_slice %arg10[%dma_wait3A_288, %dma_wait3A_289, %dma_wait3A_290] : memref<41x4x128xf32, #tpu.memory_space<vmem>> -> memref<40x4x128xf32, #tpu.memory_space<vmem>>
        %dma_wait3A_292 = arith.constant 0 : i32
        %dma_wait3A_293 = tpu.memref_slice %arg3[%mul3A_264, %dma_wait3A_292, %mul3A_2] : memref<200x4x4096xf32, #tpu.memory_space<hbm>> -> memref<40x4x128xf32, #tpu.memory_space<hbm>>
        tpu.wait_dma2 semaphore(%run_scoped3A : memref<!tpu.dma_semaphore, #tpu.memory_space<semaphore_mem>>) src(%dma_wait3A_293 : memref<40x4x128xf32, #tpu.memory_space<hbm>>) dst(%dma_wait3A_291 : memref<40x4x128xf32, #tpu.memory_space<vmem>>)
        tpu.yield
      }) : () -> ()
      %scan3A_265 = arith.constant 0 : i32
      %scan3A_266 = arith.constant 0 : i32
      %scan3A_267 = arith.constant 16 : i32
      %scan3A_268 = arith.addi %scan3A_266, %scan3A_267 : i32
      %scan3A_269 = arith.constant 1 : i32
      scf.for %scan3A_271 = %scan3A_266 to %scan3A_268 step %scan3A_269  : i32 {
        %mul3A_272 = arith.constant 2 : i32
        %mul3A_273 = arith.muli %mul3A_272, %scan3A_271 : i32
        %add3A_274 = arith.constant 0 : i32
        %add3A_275 = arith.addi %mul3A_273, %add3A_274 : i32
        %mul3A_276 = arith.constant 4 : i32
        %mul3A_277 = arith.muli %mul3A_276, %add3A_275 : i32
        %mul3A_278 = arith.constant 32 : i32
        %mul3A_279 = arith.muli %scan3A_262, %mul3A_278 : i32
        %add3A_280 = arith.addi %mul3A_279, %add3A_275 : i32
        %ge3A = arith.constant 2 : i32
        %ge3A_281 = arith.cmpi sge, %add3A_280, %ge3A : i32
        %convert_element_type3A = arith.extui %ge3A_281 : i1 to i32
        %cond3A = arith.constant 0 : i32
        %cond3A_282 = arith.cmpi ne, %convert_element_type3A, %cond3A : i32
        scf.if %cond3A_282 {
          %dma_wait3A_429 = arith.constant 0 : i32
          %dma_wait3A_430 = arith.constant 0 : i32
          %dma_wait3A_431 = tpu.memref_slice %arg11[%dma_wait3A_429, %dma_wait3A_430] : memref<160x128xf32, #tpu.memory_space<vmem>> -> memref<40x128xf32, #tpu.memory_space<vmem>>
          %dma_wait3A_432 = arith.constant 0 : i32
          %dma_wait3A_433 = arith.constant 0 : i32
          %dma_wait3A_434 = tpu.memref_slice %arg6[%dma_wait3A_432, %dma_wait3A_433] : memref<819200x128xf32, #tpu.memory_space<hbm>> -> memref<40x128xf32, #tpu.memory_space<hbm>>
          %dma_wait3A_435 = arith.constant 0 : i32
          %dma_wait3A_436 = arith.constant 0 : i32
          %dma_wait3A_437 = tpu.memref_slice %arg6[%dma_wait3A_435, %dma_wait3A_436] : memref<819200x128xf32, #tpu.memory_space<hbm>> -> memref<40x128xf32, #tpu.memory_space<hbm>>
          %dma_wait3A_438 = arith.constant 0 : i32
          %dma_wait3A_439 = arith.constant 0 : i32
          %dma_wait3A_440 = tpu.memref_slice %arg11[%dma_wait3A_438, %dma_wait3A_439] : memref<160x128xf32, #tpu.memory_space<vmem>> -> memref<40x128xf32, #tpu.memory_space<vmem>>
          tpu.wait_dma2 semaphore(%arg13 : memref<!tpu.dma_semaphore, #tpu.memory_space<semaphore_mem>>) src(%dma_wait3A_440 : memref<40x128xf32, #tpu.memory_space<vmem>>) dst(%dma_wait3A_437 : memref<40x128xf32, #tpu.memory_space<hbm>>)
          %dma_wait3A_441 = arith.constant 40 : i32
          %dma_wait3A_442 = arith.constant 0 : i32
          %dma_wait3A_443 = tpu.memref_slice %arg11[%dma_wait3A_441, %dma_wait3A_442] : memref<160x128xf32, #tpu.memory_space<vmem>> -> memref<40x128xf32, #tpu.memory_space<vmem>>
          %dma_wait3A_444 = arith.constant 0 : i32
          %dma_wait3A_445 = arith.constant 0 : i32
          %dma_wait3A_446 = tpu.memref_slice %arg6[%dma_wait3A_444, %dma_wait3A_445] : memref<819200x128xf32, #tpu.memory_space<hbm>> -> memref<40x128xf32, #tpu.memory_space<hbm>>
          %dma_wait3A_447 = arith.constant 0 : i32
          %dma_wait3A_448 = arith.constant 0 : i32
          %dma_wait3A_449 = tpu.memref_slice %arg6[%dma_wait3A_447, %dma_wait3A_448] : memref<819200x128xf32, #tpu.memory_space<hbm>> -> memref<40x128xf32, #tpu.memory_space<hbm>>
          %dma_wait3A_450 = arith.constant 40 : i32
          %dma_wait3A_451 = arith.constant 0 : i32
          %dma_wait3A_452 = tpu.memref_slice %arg11[%dma_wait3A_450, %dma_wait3A_451] : memref<160x128xf32, #tpu.memory_space<vmem>> -> memref<40x128xf32, #tpu.memory_space<vmem>>
          tpu.wait_dma2 semaphore(%arg13 : memref<!tpu.dma_semaphore, #tpu.memory_space<semaphore_mem>>) src(%dma_wait3A_452 : memref<40x128xf32, #tpu.memory_space<vmem>>) dst(%dma_wait3A_449 : memref<40x128xf32, #tpu.memory_space<hbm>>)
          %dma_wait3A_453 = arith.constant 80 : i32
          %dma_wait3A_454 = arith.constant 0 : i32
          %dma_wait3A_455 = tpu.memref_slice %arg11[%dma_wait3A_453, %dma_wait3A_454] : memref<160x128xf32, #tpu.memory_space<vmem>> -> memref<40x128xf32, #tpu.memory_space<vmem>>
          %dma_wait3A_456 = arith.constant 0 : i32
          %dma_wait3A_457 = arith.constant 0 : i32
          %dma_wait3A_458 = tpu.memref_slice %arg6[%dma_wait3A_456, %dma_wait3A_457] : memref<819200x128xf32, #tpu.memory_space<hbm>> -> memref<40x128xf32, #tpu.memory_space<hbm>>
          %dma_wait3A_459 = arith.constant 0 : i32
          %dma_wait3A_460 = arith.constant 0 : i32
          %dma_wait3A_461 = tpu.memref_slice %arg6[%dma_wait3A_459, %dma_wait3A_460] : memref<819200x128xf32, #tpu.memory_space<hbm>> -> memref<40x128xf32, #tpu.memory_space<hbm>>
          %dma_wait3A_462 = arith.constant 80 : i32
          %dma_wait3A_463 = arith.constant 0 : i32
          %dma_wait3A_464 = tpu.memref_slice %arg11[%dma_wait3A_462, %dma_wait3A_463] : memref<160x128xf32, #tpu.memory_space<vmem>> -> memref<40x128xf32, #tpu.memory_space<vmem>>
          tpu.wait_dma2 semaphore(%arg13 : memref<!tpu.dma_semaphore, #tpu.memory_space<semaphore_mem>>) src(%dma_wait3A_464 : memref<40x128xf32, #tpu.memory_space<vmem>>) dst(%dma_wait3A_461 : memref<40x128xf32, #tpu.memory_space<hbm>>)
          %dma_wait3A_465 = arith.constant 120 : i32
          %dma_wait3A_466 = arith.constant 0 : i32
          %dma_wait3A_467 = tpu.memref_slice %arg11[%dma_wait3A_465, %dma_wait3A_466] : memref<160x128xf32, #tpu.memory_space<vmem>> -> memref<40x128xf32, #tpu.memory_space<vmem>>
          %dma_wait3A_468 = arith.constant 0 : i32
          %dma_wait3A_469 = arith.constant 0 : i32
          %dma_wait3A_470 = tpu.memref_slice %arg6[%dma_wait3A_468, %dma_wait3A_469] : memref<819200x128xf32, #tpu.memory_space<hbm>> -> memref<40x128xf32, #tpu.memory_space<hbm>>
          %dma_wait3A_471 = arith.constant 0 : i32
          %dma_wait3A_472 = arith.constant 0 : i32
          %dma_wait3A_473 = tpu.memref_slice %arg6[%dma_wait3A_471, %dma_wait3A_472] : memref<819200x128xf32, #tpu.memory_space<hbm>> -> memref<40x128xf32, #tpu.memory_space<hbm>>
          %dma_wait3A_474 = arith.constant 120 : i32
          %dma_wait3A_475 = arith.constant 0 : i32
          %dma_wait3A_476 = tpu.memref_slice %arg11[%dma_wait3A_474, %dma_wait3A_475] : memref<160x128xf32, #tpu.memory_space<vmem>> -> memref<40x128xf32, #tpu.memory_space<vmem>>
          tpu.wait_dma2 semaphore(%arg13 : memref<!tpu.dma_semaphore, #tpu.memory_space<semaphore_mem>>) src(%dma_wait3A_476 : memref<40x128xf32, #tpu.memory_space<vmem>>) dst(%dma_wait3A_473 : memref<40x128xf32, #tpu.memory_space<hbm>>)
        } else {
        }
        %parallel_loop3A = arith.constant 0 : i32
        %parallel_loop3A_283 = arith.constant 40 : i32
        %parallel_loop3A_284 = arith.constant 1 : i32
        scf.for %parallel_loop3A_429 = %parallel_loop3A to %parallel_loop3A_283 step %parallel_loop3A_284  : i32 {
          %parallel_loop3A_430 = arith.index_cast %parallel_loop3A_429 : i32 to index
          %parallel_loop3A_431 = arith.index_cast %mul3A_277 : i32 to index
          %parallel_loop3A_432 = tpu.vector_load %arg9[%parallel_loop3A_430, %parallel_loop3A_431] {strides = array<i32>} : memref<41x128xi32, #tpu.memory_space<vmem>>, vector<1x16xi32>,
          %parallel_loop3A_433 = vector.shape_cast %parallel_loop3A_432 : vector<1x16xi32> to vector<16xi32>
          %parallel_loop3A_434 = arith.constant 0 : i32
          %parallel_loop3A_435 = arith.index_cast %parallel_loop3A_429 : i32 to index
          %parallel_loop3A_436 = arith.index_cast %parallel_loop3A_434 : i32 to index
          %parallel_loop3A_437 = arith.index_cast %mul3A_277 : i32 to index
          %parallel_loop3A_438 = tpu.vector_load %arg10[%parallel_loop3A_435, %parallel_loop3A_436, %parallel_loop3A_437] {strides = array<i32>} : memref<41x4x128xf32, #tpu.memory_space<vmem>>, vector<1x1x16xf32>,
          %parallel_loop3A_439 = vector.shape_cast %parallel_loop3A_438 : vector<1x1x16xf32> to vector<16xf32>
          %parallel_loop3A_440 = arith.constant 1 : i32
          %parallel_loop3A_441 = arith.index_cast %parallel_loop3A_429 : i32 to index
          %parallel_loop3A_442 = arith.index_cast %parallel_loop3A_440 : i32 to index
          %parallel_loop3A_443 = arith.index_cast %mul3A_277 : i32 to index
          %parallel_loop3A_444 = tpu.vector_load %arg10[%parallel_loop3A_441, %parallel_loop3A_442, %parallel_loop3A_443] {strides = array<i32>} : memref<41x4x128xf32, #tpu.memory_space<vmem>>, vector<1x1x16xf32>,
          %parallel_loop3A_445 = vector.shape_cast %parallel_loop3A_444 : vector<1x1x16xf32> to vector<16xf32>
          %parallel_loop3A_446 = arith.constant 2 : i32
          %parallel_loop3A_447 = arith.index_cast %parallel_loop3A_429 : i32 to index
          %parallel_loop3A_448 = arith.index_cast %parallel_loop3A_446 : i32 to index
          %parallel_loop3A_449 = arith.index_cast %mul3A_277 : i32 to index
          %parallel_loop3A_450 = tpu.vector_load %arg10[%parallel_loop3A_447, %parallel_loop3A_448, %parallel_loop3A_449] {strides = array<i32>} : memref<41x4x128xf32, #tpu.memory_space<vmem>>, vector<1x1x16xf32>,
          %parallel_loop3A_451 = vector.shape_cast %parallel_loop3A_450 : vector<1x1x16xf32> to vector<16xf32>
          %parallel_loop3A_452 = arith.constant 3 : i32
          %parallel_loop3A_453 = arith.index_cast %parallel_loop3A_429 : i32 to index
          %parallel_loop3A_454 = arith.index_cast %parallel_loop3A_452 : i32 to index
          %parallel_loop3A_455 = arith.index_cast %mul3A_277 : i32 to index
          %parallel_loop3A_456 = tpu.vector_load %arg10[%parallel_loop3A_453, %parallel_loop3A_454, %parallel_loop3A_455] {strides = array<i32>} : memref<41x4x128xf32, #tpu.memory_space<vmem>>, vector<1x1x16xf32>,
          %parallel_loop3A_457 = vector.shape_cast %parallel_loop3A_456 : vector<1x1x16xf32> to vector<16xf32>
          %parallel_loop3A_458 = vector.extract_strided_slice %parallel_loop3A_433 {offsets = [0], sizes = [1], strides = [1]} : vector<16xi32> to vector<1xi32>
          %parallel_loop3A_459 = vector.extract %parallel_loop3A_458[0] : i32 from vector<1xi32>
          %parallel_loop3A_460 = vector.extract_strided_slice %parallel_loop3A_439 {offsets = [0], sizes = [1], strides = [1]} : vector<16xf32> to vector<1xf32>
          %parallel_loop3A_461 = vector.extract %parallel_loop3A_460[0] : f32 from vector<1xf32>
          %parallel_loop3A_462 = vector.extract_strided_slice %parallel_loop3A_445 {offsets = [0], sizes = [1], strides = [1]} : vector<16xf32> to vector<1xf32>
          %parallel_loop3A_463 = vector.extract %parallel_loop3A_462[0] : f32 from vector<1xf32>
          %parallel_loop3A_464 = vector.extract_strided_slice %parallel_loop3A_451 {offsets = [0], sizes = [1], strides = [1]} : vector<16xf32> to vector<1xf32>
          %parallel_loop3A_465 = vector.extract %parallel_loop3A_464[0] : f32 from vector<1xf32>
          %parallel_loop3A_466 = vector.extract_strided_slice %parallel_loop3A_457 {offsets = [0], sizes = [1], strides = [1]} : vector<16xf32> to vector<1xf32>
          %parallel_loop3A_467 = vector.extract %parallel_loop3A_466[0] : f32 from vector<1xf32>
          %parallel_loop3A_468 = arith.index_cast %parallel_loop3A_459 : i32 to index
          %parallel_loop3A_469 = arith.constant 0 : index
          %parallel_loop3A_470 = tpu.vector_load %arg7[%parallel_loop3A_468, %parallel_loop3A_469] {strides = array<i32>} : memref<10x128xf32, #tpu.memory_space<vmem>>, vector<1x16xf32>,
          %parallel_loop3A_471 = vector.shape_cast %parallel_loop3A_470 : vector<1x16xf32> to vector<16xf32>
          %parallel_loop3A_472 = vector.broadcast %parallel_loop3A_461 : f32 to vector<16xf32>
          %parallel_loop3A_473 = arith.mulf %parallel_loop3A_472, %get3A_6 : vector<16xf32>
          %parallel_loop3A_474 = arith.addf %parallel_loop3A_471, %parallel_loop3A_473 : vector<16xf32>
          %parallel_loop3A_475 = vector.broadcast %parallel_loop3A_463 : f32 to vector<16xf32>
          %parallel_loop3A_476 = arith.mulf %parallel_loop3A_475, %get3A_46 : vector<16xf32>
          %parallel_loop3A_477 = arith.addf %parallel_loop3A_474, %parallel_loop3A_476 : vector<16xf32>
          %parallel_loop3A_478 = vector.broadcast %parallel_loop3A_465 : f32 to vector<16xf32>
          %parallel_loop3A_479 = arith.mulf %parallel_loop3A_478, %get3A_86 : vector<16xf32>
          %parallel_loop3A_480 = arith.addf %parallel_loop3A_477, %parallel_loop3A_479 : vector<16xf32>
          %parallel_loop3A_481 = vector.broadcast %parallel_loop3A_467 : f32 to vector<16xf32>
          %parallel_loop3A_482 = arith.mulf %parallel_loop3A_481, %get3A_126 : vector<16xf32>
          %parallel_loop3A_483 = arith.addf %parallel_loop3A_480, %parallel_loop3A_482 : vector<16xf32>
          %parallel_loop3A_484 = arith.constant 0 : i32
          %parallel_loop3A_485 = arith.addi %parallel_loop3A_484, %parallel_loop3A_429 : i32
          %parallel_loop3A_486 = arith.index_cast %parallel_loop3A_485 : i32 to index
          %parallel_loop3A_487 = arith.constant 0 : index
          %parallel_loop3A_488 = tpu.vector_load %arg11[%parallel_loop3A_486, %parallel_loop3A_487] {strides = array<i32>} : memref<160x128xf32, #tpu.memory_space<vmem>>, vector<1x16xf32>,
          %parallel_loop3A_489 = vector.shape_cast %parallel_loop3A_488 : vector<1x16xf32> to vector<16xf32>
          %parallel_loop3A_490 = vector.shape_cast %parallel_loop3A_483 : vector<16xf32> to vector<1x16xf32>
          tpu.vector_store %arg11[%parallel_loop3A_486, %parallel_loop3A_487], %parallel_loop3A_490 {strides = array<i32>} : memref<160x128xf32, #tpu.memory_space<vmem>>, vector<1x16xf32>,
          %parallel_loop3A_491 = arith.index_cast %parallel_loop3A_459 : i32 to index
          %parallel_loop3A_492 = arith.constant 16 : index
          %parallel_loop3A_493 = tpu.vector_load %arg7[%parallel_loop3A_491, %parallel_loop3A_492] {strides = array<i32>} : memref<10x128xf32, #tpu.memory_space<vmem>>, vector<1x16xf32>,
          %parallel_loop3A_494 = vector.shape_cast %parallel_loop3A_493 : vector<1x16xf32> to vector<16xf32>
          %parallel_loop3A_495 = vector.broadcast %parallel_loop3A_461 : f32 to vector<16xf32>
          %parallel_loop3A_496 = arith.mulf %parallel_loop3A_495, %get3A_11 : vector<16xf32>
          %parallel_loop3A_497 = arith.addf %parallel_loop3A_494, %parallel_loop3A_496 : vector<16xf32>
          %parallel_loop3A_498 = vector.broadcast %parallel_loop3A_463 : f32 to vector<16xf32>
          %parallel_loop3A_499 = arith.mulf %parallel_loop3A_498, %get3A_51 : vector<16xf32>
          %parallel_loop3A_500 = arith.addf %parallel_loop3A_497, %parallel_loop3A_499 : vector<16xf32>
          %parallel_loop3A_501 = vector.broadcast %parallel_loop3A_465 : f32 to vector<16xf32>
          %parallel_loop3A_502 = arith.mulf %parallel_loop3A_501, %get3A_91 : vector<16xf32>
          %parallel_loop3A_503 = arith.addf %parallel_loop3A_500, %parallel_loop3A_502 : vector<16xf32>
          %parallel_loop3A_504 = vector.broadcast %parallel_loop3A_467 : f32 to vector<16xf32>
          %parallel_loop3A_505 = arith.mulf %parallel_loop3A_504, %get3A_131 : vector<16xf32>
          %parallel_loop3A_506 = arith.addf %parallel_loop3A_503, %parallel_loop3A_505 : vector<16xf32>
          %parallel_loop3A_507 = arith.constant 0 : i32
          %parallel_loop3A_508 = arith.addi %parallel_loop3A_507, %parallel_loop3A_429 : i32
          %parallel_loop3A_509 = arith.index_cast %parallel_loop3A_508 : i32 to index
          %parallel_loop3A_510 = arith.constant 16 : index
          %parallel_loop3A_511 = tpu.vector_load %arg11[%parallel_loop3A_509, %parallel_loop3A_510] {strides = array<i32>} : memref<160x128xf32, #tpu.memory_space<vmem>>, vector<1x16xf32>,
          %parallel_loop3A_512 = vector.shape_cast %parallel_loop3A_511 : vector<1x16xf32> to vector<16xf32>
          %parallel_loop3A_513 = vector.shape_cast %parallel_loop3A_506 : vector<16xf32> to vector<1x16xf32>
          tpu.vector_store %arg11[%parallel_loop3A_509, %parallel_loop3A_510], %parallel_loop3A_513 {strides = array<i32>} : memref<160x128xf32, #tpu.memory_space<vmem>>, vector<1x16xf32>,
          %parallel_loop3A_514 = arith.index_cast %parallel_loop3A_459 : i32 to index
          %parallel_loop3A_515 = arith.constant 32 : index
          %parallel_loop3A_516 = tpu.vector_load %arg7[%parallel_loop3A_514, %parallel_loop3A_515] {strides = array<i32>} : memref<10x128xf32, #tpu.memory_space<vmem>>, vector<1x16xf32>,
          %parallel_loop3A_517 = vector.shape_cast %parallel_loop3A_516 : vector<1x16xf32> to vector<16xf32>
          %parallel_loop3A_518 = vector.broadcast %parallel_loop3A_461 : f32 to vector<16xf32>
          %parallel_loop3A_519 = arith.mulf %parallel_loop3A_518, %get3A_16 : vector<16xf32>
          %parallel_loop3A_520 = arith.addf %parallel_loop3A_517, %parallel_loop3A_519 : vector<16xf32>
          %parallel_loop3A_521 = vector.broadcast %parallel_loop3A_463 : f32 to vector<16xf32>
          %parallel_loop3A_522 = arith.mulf %parallel_loop3A_521, %get3A_56 : vector<16xf32>
          %parallel_loop3A_523 = arith.addf %parallel_loop3A_520, %parallel_loop3A_522 : vector<16xf32>
          %parallel_loop3A_524 = vector.broadcast %parallel_loop3A_465 : f32 to vector<16xf32>
          %parallel_loop3A_525 = arith.mulf %parallel_loop3A_524, %get3A_96 : vector<16xf32>
          %parallel_loop3A_526 = arith.addf %parallel_loop3A_523, %parallel_loop3A_525 : vector<16xf32>
          %parallel_loop3A_527 = vector.broadcast %parallel_loop3A_467 : f32 to vector<16xf32>
          %parallel_loop3A_528 = arith.mulf %parallel_loop3A_527, %get3A_136 : vector<16xf32>
          %parallel_loop3A_529 = arith.addf %parallel_loop3A_526, %parallel_loop3A_528 : vector<16xf32>
          %parallel_loop3A_530 = arith.constant 0 : i32
          %parallel_loop3A_531 = arith.addi %parallel_loop3A_530, %parallel_loop3A_429 : i32
          %parallel_loop3A_532 = arith.index_cast %parallel_loop3A_531 : i32 to index
          %parallel_loop3A_533 = arith.constant 32 : index
          %parallel_loop3A_534 = tpu.vector_load %arg11[%parallel_loop3A_532, %parallel_loop3A_533] {strides = array<i32>} : memref<160x128xf32, #tpu.memory_space<vmem>>, vector<1x16xf32>,
          %parallel_loop3A_535 = vector.shape_cast %parallel_loop3A_534 : vector<1x16xf32> to vector<16xf32>
          %parallel_loop3A_536 = vector.shape_cast %parallel_loop3A_529 : vector<16xf32> to vector<1x16xf32>
          tpu.vector_store %arg11[%parallel_loop3A_532, %parallel_loop3A_533], %parallel_loop3A_536 {strides = array<i32>} : memref<160x128xf32, #tpu.memory_space<vmem>>, vector<1x16xf32>,
          %parallel_loop3A_537 = arith.index_cast %parallel_loop3A_459 : i32 to index
          %parallel_loop3A_538 = arith.constant 48 : index
          %parallel_loop3A_539 = tpu.vector_load %arg7[%parallel_loop3A_537, %parallel_loop3A_538] {strides = array<i32>} : memref<10x128xf32, #tpu.memory_space<vmem>>, vector<1x16xf32>,
          %parallel_loop3A_540 = vector.shape_cast %parallel_loop3A_539 : vector<1x16xf32> to vector<16xf32>
          %parallel_loop3A_541 = vector.broadcast %parallel_loop3A_461 : f32 to vector<16xf32>
          %parallel_loop3A_542 = arith.mulf %parallel_loop3A_541, %get3A_21 : vector<16xf32>
          %parallel_loop3A_543 = arith.addf %parallel_loop3A_540, %parallel_loop3A_542 : vector<16xf32>
          %parallel_loop3A_544 = vector.broadcast %parallel_loop3A_463 : f32 to vector<16xf32>
          %parallel_loop3A_545 = arith.mulf %parallel_loop3A_544, %get3A_61 : vector<16xf32>
          %parallel_loop3A_546 = arith.addf %parallel_loop3A_543, %parallel_loop3A_545 : vector<16xf32>
          %parallel_loop3A_547 = vector.broadcast %parallel_loop3A_465 : f32 to vector<16xf32>
          %parallel_loop3A_548 = arith.mulf %parallel_loop3A_547, %get3A_101 : vector<16xf32>
          %parallel_loop3A_549 = arith.addf %parallel_loop3A_546, %parallel_loop3A_548 : vector<16xf32>
          %parallel_loop3A_550 = vector.broadcast %parallel_loop3A_467 : f32 to vector<16xf32>
          %parallel_loop3A_551 = arith.mulf %parallel_loop3A_550, %get3A_141 : vector<16xf32>
          %parallel_loop3A_552 = arith.addf %parallel_loop3A_549, %parallel_loop3A_551 : vector<16xf32>
          %parallel_loop3A_553 = arith.constant 0 : i32
          %parallel_loop3A_554 = arith.addi %parallel_loop3A_553, %parallel_loop3A_429 : i32
          %parallel_loop3A_555 = arith.index_cast %parallel_loop3A_554 : i32 to index
          %parallel_loop3A_556 = arith.constant 48 : index
          %parallel_loop3A_557 = tpu.vector_load %arg11[%parallel_loop3A_555, %parallel_loop3A_556] {strides = array<i32>} : memref<160x128xf32, #tpu.memory_space<vmem>>, vector<1x16xf32>,
          %parallel_loop3A_558 = vector.shape_cast %parallel_loop3A_557 : vector<1x16xf32> to vector<16xf32>
          %parallel_loop3A_559 = vector.shape_cast %parallel_loop3A_552 : vector<16xf32> to vector<1x16xf32>
          tpu.vector_store %arg11[%parallel_loop3A_555, %parallel_loop3A_556], %parallel_loop3A_559 {strides = array<i32>} : memref<160x128xf32, #tpu.memory_space<vmem>>, vector<1x16xf32>,
          %parallel_loop3A_560 = arith.index_cast %parallel_loop3A_459 : i32 to index
          %parallel_loop3A_561 = arith.constant 64 : index
          %parallel_loop3A_562 = tpu.vector_load %arg7[%parallel_loop3A_560, %parallel_loop3A_561] {strides = array<i32>} : memref<10x128xf32, #tpu.memory_space<vmem>>, vector<1x16xf32>,
          %parallel_loop3A_563 = vector.shape_cast %parallel_loop3A_562 : vector<1x16xf32> to vector<16xf32>
          %parallel_loop3A_564 = vector.broadcast %parallel_loop3A_461 : f32 to vector<16xf32>
          %parallel_loop3A_565 = arith.mulf %parallel_loop3A_564, %get3A_26 : vector<16xf32>
          %parallel_loop3A_566 = arith.addf %parallel_loop3A_563, %parallel_loop3A_565 : vector<16xf32>
          %parallel_loop3A_567 = vector.broadcast %parallel_loop3A_463 : f32 to vector<16xf32>
          %parallel_loop3A_568 = arith.mulf %parallel_loop3A_567, %get3A_66 : vector<16xf32>
          %parallel_loop3A_569 = arith.addf %parallel_loop3A_566, %parallel_loop3A_568 : vector<16xf32>
          %parallel_loop3A_570 = vector.broadcast %parallel_loop3A_465 : f32 to vector<16xf32>
          %parallel_loop3A_571 = arith.mulf %parallel_loop3A_570, %get3A_106 : vector<16xf32>
          %parallel_loop3A_572 = arith.addf %parallel_loop3A_569, %parallel_loop3A_571 : vector<16xf32>
          %parallel_loop3A_573 = vector.broadcast %parallel_loop3A_467 : f32 to vector<16xf32>
          %parallel_loop3A_574 = arith.mulf %parallel_loop3A_573, %get3A_146 : vector<16xf32>
          %parallel_loop3A_575 = arith.addf %parallel_loop3A_572, %parallel_loop3A_574 : vector<16xf32>
          %parallel_loop3A_576 = arith.constant 0 : i32
          %parallel_loop3A_577 = arith.addi %parallel_loop3A_576, %parallel_loop3A_429 : i32
          %parallel_loop3A_578 = arith.index_cast %parallel_loop3A_577 : i32 to index
          %parallel_loop3A_579 = arith.constant 64 : index
          %parallel_loop3A_580 = tpu.vector_load %arg11[%parallel_loop3A_578, %parallel_loop3A_579] {strides = array<i32>} : memref<160x128xf32, #tpu.memory_space<vmem>>, vector<1x16xf32>,
          %parallel_loop3A_581 = vector.shape_cast %parallel_loop3A_580 : vector<1x16xf32> to vector<16xf32>
          %parallel_loop3A_582 = vector.shape_cast %parallel_loop3A_575 : vector<16xf32> to vector<1x16xf32>
          tpu.vector_store %arg11[%parallel_loop3A_578, %parallel_loop3A_579], %parallel_loop3A_582 {strides = array<i32>} : memref<160x128xf32, #tpu.memory_space<vmem>>, vector<1x16xf32>,
          %parallel_loop3A_583 = arith.index_cast %parallel_loop3A_459 : i32 to index
          %parallel_loop3A_584 = arith.constant 80 : index
          %parallel_loop3A_585 = tpu.vector_load %arg7[%parallel_loop3A_583, %parallel_loop3A_584] {strides = array<i32>} : memref<10x128xf32, #tpu.memory_space<vmem>>, vector<1x16xf32>,
          %parallel_loop3A_586 = vector.shape_cast %parallel_loop3A_585 : vector<1x16xf32> to vector<16xf32>
          %parallel_loop3A_587 = vector.broadcast %parallel_loop3A_461 : f32 to vector<16xf32>
          %parallel_loop3A_588 = arith.mulf %parallel_loop3A_587, %get3A_31 : vector<16xf32>
          %parallel_loop3A_589 = arith.addf %parallel_loop3A_586, %parallel_loop3A_588 : vector<16xf32>
          %parallel_loop3A_590 = vector.broadcast %parallel_loop3A_463 : f32 to vector<16xf32>
          %parallel_loop3A_591 = arith.mulf %parallel_loop3A_590, %get3A_71 : vector<16xf32>
          %parallel_loop3A_592 = arith.addf %parallel_loop3A_589, %parallel_loop3A_591 : vector<16xf32>
          %parallel_loop3A_593 = vector.broadcast %parallel_loop3A_465 : f32 to vector<16xf32>
          %parallel_loop3A_594 = arith.mulf %parallel_loop3A_593, %get3A_111 : vector<16xf32>
          %parallel_loop3A_595 = arith.addf %parallel_loop3A_592, %parallel_loop3A_594 : vector<16xf32>
          %parallel_loop3A_596 = vector.broadcast %parallel_loop3A_467 : f32 to vector<16xf32>
          %parallel_loop3A_597 = arith.mulf %parallel_loop3A_596, %get3A_151 : vector<16xf32>
          %parallel_loop3A_598 = arith.addf %parallel_loop3A_595, %parallel_loop3A_597 : vector<16xf32>
          %parallel_loop3A_599 = arith.constant 0 : i32
          %parallel_loop3A_600 = arith.addi %parallel_loop3A_599, %parallel_loop3A_429 : i32
          %parallel_loop3A_601 = arith.index_cast %parallel_loop3A_600 : i32 to index
          %parallel_loop3A_602 = arith.constant 80 : index
          %parallel_loop3A_603 = tpu.vector_load %arg11[%parallel_loop3A_601, %parallel_loop3A_602] {strides = array<i32>} : memref<160x128xf32, #tpu.memory_space<vmem>>, vector<1x16xf32>,
          %parallel_loop3A_604 = vector.shape_cast %parallel_loop3A_603 : vector<1x16xf32> to vector<16xf32>
          %parallel_loop3A_605 = vector.shape_cast %parallel_loop3A_598 : vector<16xf32> to vector<1x16xf32>
          tpu.vector_store %arg11[%parallel_loop3A_601, %parallel_loop3A_602], %parallel_loop3A_605 {strides = array<i32>} : memref<160x128xf32, #tpu.memory_space<vmem>>, vector<1x16xf32>,
          %parallel_loop3A_606 = arith.index_cast %parallel_loop3A_459 : i32 to index
          %parallel_loop3A_607 = arith.constant 96 : index
          %parallel_loop3A_608 = tpu.vector_load %arg7[%parallel_loop3A_606, %parallel_loop3A_607] {strides = array<i32>} : memref<10x128xf32, #tpu.memory_space<vmem>>, vector<1x16xf32>,
          %parallel_loop3A_609 = vector.shape_cast %parallel_loop3A_608 : vector<1x16xf32> to vector<16xf32>
          %parallel_loop3A_610 = vector.broadcast %parallel_loop3A_461 : f32 to vector<16xf32>
          %parallel_loop3A_611 = arith.mulf %parallel_loop3A_610, %get3A_36 : vector<16xf32>
          %parallel_loop3A_612 = arith.addf %parallel_loop3A_609, %parallel_loop3A_611 : vector<16xf32>
          %parallel_loop3A_613 = vector.broadcast %parallel_loop3A_463 : f32 to vector<16xf32>
          %parallel_loop3A_614 = arith.mulf %parallel_loop3A_613, %get3A_76 : vector<16xf32>
          %parallel_loop3A_615 = arith.addf %parallel_loop3A_612, %parallel_loop3A_614 : vector<16xf32>
          %parallel_loop3A_616 = vector.broadcast %parallel_loop3A_465 : f32 to vector<16xf32>
          %parallel_loop3A_617 = arith.mulf %parallel_loop3A_616, %get3A_116 : vector<16xf32>
          %parallel_loop3A_618 = arith.addf %parallel_loop3A_615, %parallel_loop3A_617 : vector<16xf32>
          %parallel_loop3A_619 = vector.broadcast %parallel_loop3A_467 : f32 to vector<16xf32>
          %parallel_loop3A_620 = arith.mulf %parallel_loop3A_619, %get3A_156 : vector<16xf32>
          %parallel_loop3A_621 = arith.addf %parallel_loop3A_618, %parallel_loop3A_620 : vector<16xf32>
          %parallel_loop3A_622 = arith.constant 0 : i32
          %parallel_loop3A_623 = arith.addi %parallel_loop3A_622, %parallel_loop3A_429 : i32
          %parallel_loop3A_624 = arith.index_cast %parallel_loop3A_623 : i32 to index
          %parallel_loop3A_625 = arith.constant 96 : index
          %parallel_loop3A_626 = tpu.vector_load %arg11[%parallel_loop3A_624, %parallel_loop3A_625] {strides = array<i32>} : memref<160x128xf32, #tpu.memory_space<vmem>>, vector<1x16xf32>,
          %parallel_loop3A_627 = vector.shape_cast %parallel_loop3A_626 : vector<1x16xf32> to vector<16xf32>
          %parallel_loop3A_628 = vector.shape_cast %parallel_loop3A_621 : vector<16xf32> to vector<1x16xf32>
          tpu.vector_store %arg11[%parallel_loop3A_624, %parallel_loop3A_625], %parallel_loop3A_628 {strides = array<i32>} : memref<160x128xf32, #tpu.memory_space<vmem>>, vector<1x16xf32>,
          %parallel_loop3A_629 = arith.index_cast %parallel_loop3A_459 : i32 to index
          %parallel_loop3A_630 = arith.constant 112 : index
          %parallel_loop3A_631 = tpu.vector_load %arg7[%parallel_loop3A_629, %parallel_loop3A_630] {strides = array<i32>} : memref<10x128xf32, #tpu.memory_space<vmem>>, vector<1x16xf32>,
          %parallel_loop3A_632 = vector.shape_cast %parallel_loop3A_631 : vector<1x16xf32> to vector<16xf32>
          %parallel_loop3A_633 = vector.broadcast %parallel_loop3A_461 : f32 to vector<16xf32>
          %parallel_loop3A_634 = arith.mulf %parallel_loop3A_633, %get3A_41 : vector<16xf32>
          %parallel_loop3A_635 = arith.addf %parallel_loop3A_632, %parallel_loop3A_634 : vector<16xf32>
          %parallel_loop3A_636 = vector.broadcast %parallel_loop3A_463 : f32 to vector<16xf32>
          %parallel_loop3A_637 = arith.mulf %parallel_loop3A_636, %get3A_81 : vector<16xf32>
          %parallel_loop3A_638 = arith.addf %parallel_loop3A_635, %parallel_loop3A_637 : vector<16xf32>
          %parallel_loop3A_639 = vector.broadcast %parallel_loop3A_465 : f32 to vector<16xf32>
          %parallel_loop3A_640 = arith.mulf %parallel_loop3A_639, %get3A_121 : vector<16xf32>
          %parallel_loop3A_641 = arith.addf %parallel_loop3A_638, %parallel_loop3A_640 : vector<16xf32>
          %parallel_loop3A_642 = vector.broadcast %parallel_loop3A_467 : f32 to vector<16xf32>
          %parallel_loop3A_643 = arith.mulf %parallel_loop3A_642, %get3A_161 : vector<16xf32>
          %parallel_loop3A_644 = arith.addf %parallel_loop3A_641, %parallel_loop3A_643 : vector<16xf32>
          %parallel_loop3A_645 = arith.constant 0 : i32
          %parallel_loop3A_646 = arith.addi %parallel_loop3A_645, %parallel_loop3A_429 : i32
          %parallel_loop3A_647 = arith.index_cast %parallel_loop3A_646 : i32 to index
          %parallel_loop3A_648 = arith.constant 112 : index
          %parallel_loop3A_649 = tpu.vector_load %arg11[%parallel_loop3A_647, %parallel_loop3A_648] {strides = array<i32>} : memref<160x128xf32, #tpu.memory_space<vmem>>, vector<1x16xf32>,
          %parallel_loop3A_650 = vector.shape_cast %parallel_loop3A_649 : vector<1x16xf32> to vector<16xf32>
          %parallel_loop3A_651 = vector.shape_cast %parallel_loop3A_644 : vector<16xf32> to vector<1x16xf32>
          tpu.vector_store %arg11[%parallel_loop3A_647, %parallel_loop3A_648], %parallel_loop3A_651 {strides = array<i32>} : memref<160x128xf32, #tpu.memory_space<vmem>>, vector<1x16xf32>,
          %parallel_loop3A_652 = vector.extract_strided_slice %parallel_loop3A_433 {offsets = [1], sizes = [1], strides = [1]} : vector<16xi32> to vector<1xi32>
          %parallel_loop3A_653 = vector.extract %parallel_loop3A_652[0] : i32 from vector<1xi32>
          %parallel_loop3A_654 = vector.extract_strided_slice %parallel_loop3A_439 {offsets = [1], sizes = [1], strides = [1]} : vector<16xf32> to vector<1xf32>
          %parallel_loop3A_655 = vector.extract %parallel_loop3A_654[0] : f32 from vector<1xf32>
          %parallel_loop3A_656 = vector.extract_strided_slice %parallel_loop3A_445 {offsets = [1], sizes = [1], strides = [1]} : vector<16xf32> to vector<1xf32>
          %parallel_loop3A_657 = vector.extract %parallel_loop3A_656[0] : f32 from vector<1xf32>
          %parallel_loop3A_658 = vector.extract_strided_slice %parallel_loop3A_451 {offsets = [1], sizes = [1], strides = [1]} : vector<16xf32> to vector<1xf32>
          %parallel_loop3A_659 = vector.extract %parallel_loop3A_658[0] : f32 from vector<1xf32>
          %parallel_loop3A_660 = vector.extract_strided_slice %parallel_loop3A_457 {offsets = [1], sizes = [1], strides = [1]} : vector<16xf32> to vector<1xf32>
          %parallel_loop3A_661 = vector.extract %parallel_loop3A_660[0] : f32 from vector<1xf32>
          %parallel_loop3A_662 = arith.index_cast %parallel_loop3A_653 : i32 to index
          %parallel_loop3A_663 = arith.constant 0 : index
          %parallel_loop3A_664 = tpu.vector_load %arg7[%parallel_loop3A_662, %parallel_loop3A_663] {strides = array<i32>} : memref<10x128xf32, #tpu.memory_space<vmem>>, vector<1x16xf32>,
          %parallel_loop3A_665 = vector.shape_cast %parallel_loop3A_664 : vector<1x16xf32> to vector<16xf32>
          %parallel_loop3A_666 = vector.broadcast %parallel_loop3A_655 : f32 to vector<16xf32>
          %parallel_loop3A_667 = arith.mulf %parallel_loop3A_666, %get3A_6 : vector<16xf32>
          %parallel_loop3A_668 = arith.addf %parallel_loop3A_665, %parallel_loop3A_667 : vector<16xf32>
          %parallel_loop3A_669 = vector.broadcast %parallel_loop3A_657 : f32 to vector<16xf32>
          %parallel_loop3A_670 = arith.mulf %parallel_loop3A_669, %get3A_46 : vector<16xf32>
          %parallel_loop3A_671 = arith.addf %parallel_loop3A_668, %parallel_loop3A_670 : vector<16xf32>
          %parallel_loop3A_672 = vector.broadcast %parallel_loop3A_659 : f32 to vector<16xf32>
          %parallel_loop3A_673 = arith.mulf %parallel_loop3A_672, %get3A_86 : vector<16xf32>
          %parallel_loop3A_674 = arith.addf %parallel_loop3A_671, %parallel_loop3A_673 : vector<16xf32>
          %parallel_loop3A_675 = vector.broadcast %parallel_loop3A_661 : f32 to vector<16xf32>
          %parallel_loop3A_676 = arith.mulf %parallel_loop3A_675, %get3A_126 : vector<16xf32>
          %parallel_loop3A_677 = arith.addf %parallel_loop3A_674, %parallel_loop3A_676 : vector<16xf32>
          %parallel_loop3A_678 = arith.constant 40 : i32
          %parallel_loop3A_679 = arith.addi %parallel_loop3A_678, %parallel_loop3A_429 : i32
          %parallel_loop3A_680 = arith.index_cast %parallel_loop3A_679 : i32 to index
          %parallel_loop3A_681 = arith.constant 0 : index
          %parallel_loop3A_682 = tpu.vector_load %arg11[%parallel_loop3A_680, %parallel_loop3A_681] {strides = array<i32>} : memref<160x128xf32, #tpu.memory_space<vmem>>, vector<1x16xf32>,
          %parallel_loop3A_683 = vector.shape_cast %parallel_loop3A_682 : vector<1x16xf32> to vector<16xf32>
          %parallel_loop3A_684 = vector.shape_cast %parallel_loop3A_677 : vector<16xf32> to vector<1x16xf32>
          tpu.vector_store %arg11[%parallel_loop3A_680, %parallel_loop3A_681], %parallel_loop3A_684 {strides = array<i32>} : memref<160x128xf32, #tpu.memory_space<vmem>>, vector<1x16xf32>,
          %parallel_loop3A_685 = arith.index_cast %parallel_loop3A_653 : i32 to index
          %parallel_loop3A_686 = arith.constant 16 : index
          %parallel_loop3A_687 = tpu.vector_load %arg7[%parallel_loop3A_685, %parallel_loop3A_686] {strides = array<i32>} : memref<10x128xf32, #tpu.memory_space<vmem>>, vector<1x16xf32>,
          %parallel_loop3A_688 = vector.shape_cast %parallel_loop3A_687 : vector<1x16xf32> to vector<16xf32>
          %parallel_loop3A_689 = vector.broadcast %parallel_loop3A_655 : f32 to vector<16xf32>
          %parallel_loop3A_690 = arith.mulf %parallel_loop3A_689, %get3A_11 : vector<16xf32>
          %parallel_loop3A_691 = arith.addf %parallel_loop3A_688, %parallel_loop3A_690 : vector<16xf32>
          %parallel_loop3A_692 = vector.broadcast %parallel_loop3A_657 : f32 to vector<16xf32>
          %parallel_loop3A_693 = arith.mulf %parallel_loop3A_692, %get3A_51 : vector<16xf32>
          %parallel_loop3A_694 = arith.addf %parallel_loop3A_691, %parallel_loop3A_693 : vector<16xf32>
          %parallel_loop3A_695 = vector.broadcast %parallel_loop3A_659 : f32 to vector<16xf32>
          %parallel_loop3A_696 = arith.mulf %parallel_loop3A_695, %get3A_91 : vector<16xf32>
          %parallel_loop3A_697 = arith.addf %parallel_loop3A_694, %parallel_loop3A_696 : vector<16xf32>
          %parallel_loop3A_698 = vector.broadcast %parallel_loop3A_661 : f32 to vector<16xf32>
          %parallel_loop3A_699 = arith.mulf %parallel_loop3A_698, %get3A_131 : vector<16xf32>
          %parallel_loop3A_700 = arith.addf %parallel_loop3A_697, %parallel_loop3A_699 : vector<16xf32>
          %parallel_loop3A_701 = arith.constant 40 : i32
          %parallel_loop3A_702 = arith.addi %parallel_loop3A_701, %parallel_loop3A_429 : i32
          %parallel_loop3A_703 = arith.index_cast %parallel_loop3A_702 : i32 to index
          %parallel_loop3A_704 = arith.constant 16 : index
          %parallel_loop3A_705 = tpu.vector_load %arg11[%parallel_loop3A_703, %parallel_loop3A_704] {strides = array<i32>} : memref<160x128xf32, #tpu.memory_space<vmem>>, vector<1x16xf32>,
          %parallel_loop3A_706 = vector.shape_cast %parallel_loop3A_705 : vector<1x16xf32> to vector<16xf32>
          %parallel_loop3A_707 = vector.shape_cast %parallel_loop3A_700 : vector<16xf32> to vector<1x16xf32>
          tpu.vector_store %arg11[%parallel_loop3A_703, %parallel_loop3A_704], %parallel_loop3A_707 {strides = array<i32>} : memref<160x128xf32, #tpu.memory_space<vmem>>, vector<1x16xf32>,
          %parallel_loop3A_708 = arith.index_cast %parallel_loop3A_653 : i32 to index
          %parallel_loop3A_709 = arith.constant 32 : index
          %parallel_loop3A_710 = tpu.vector_load %arg7[%parallel_loop3A_708, %parallel_loop3A_709] {strides = array<i32>} : memref<10x128xf32, #tpu.memory_space<vmem>>, vector<1x16xf32>,
          %parallel_loop3A_711 = vector.shape_cast %parallel_loop3A_710 : vector<1x16xf32> to vector<16xf32>
          %parallel_loop3A_712 = vector.broadcast %parallel_loop3A_655 : f32 to vector<16xf32>
          %parallel_loop3A_713 = arith.mulf %parallel_loop3A_712, %get3A_16 : vector<16xf32>
          %parallel_loop3A_714 = arith.addf %parallel_loop3A_711, %parallel_loop3A_713 : vector<16xf32>
          %parallel_loop3A_715 = vector.broadcast %parallel_loop3A_657 : f32 to vector<16xf32>
          %parallel_loop3A_716 = arith.mulf %parallel_loop3A_715, %get3A_56 : vector<16xf32>
          %parallel_loop3A_717 = arith.addf %parallel_loop3A_714, %parallel_loop3A_716 : vector<16xf32>
          %parallel_loop3A_718 = vector.broadcast %parallel_loop3A_659 : f32 to vector<16xf32>
          %parallel_loop3A_719 = arith.mulf %parallel_loop3A_718, %get3A_96 : vector<16xf32>
          %parallel_loop3A_720 = arith.addf %parallel_loop3A_717, %parallel_loop3A_719 : vector<16xf32>
          %parallel_loop3A_721 = vector.broadcast %parallel_loop3A_661 : f32 to vector<16xf32>
          %parallel_loop3A_722 = arith.mulf %parallel_loop3A_721, %get3A_136 : vector<16xf32>
          %parallel_loop3A_723 = arith.addf %parallel_loop3A_720, %parallel_loop3A_722 : vector<16xf32>
          %parallel_loop3A_724 = arith.constant 40 : i32
          %parallel_loop3A_725 = arith.addi %parallel_loop3A_724, %parallel_loop3A_429 : i32
          %parallel_loop3A_726 = arith.index_cast %parallel_loop3A_725 : i32 to index
          %parallel_loop3A_727 = arith.constant 32 : index
          %parallel_loop3A_728 = tpu.vector_load %arg11[%parallel_loop3A_726, %parallel_loop3A_727] {strides = array<i32>} : memref<160x128xf32, #tpu.memory_space<vmem>>, vector<1x16xf32>,
          %parallel_loop3A_729 = vector.shape_cast %parallel_loop3A_728 : vector<1x16xf32> to vector<16xf32>
          %parallel_loop3A_730 = vector.shape_cast %parallel_loop3A_723 : vector<16xf32> to vector<1x16xf32>
          tpu.vector_store %arg11[%parallel_loop3A_726, %parallel_loop3A_727], %parallel_loop3A_730 {strides = array<i32>} : memref<160x128xf32, #tpu.memory_space<vmem>>, vector<1x16xf32>,
          %parallel_loop3A_731 = arith.index_cast %parallel_loop3A_653 : i32 to index
          %parallel_loop3A_732 = arith.constant 48 : index
          %parallel_loop3A_733 = tpu.vector_load %arg7[%parallel_loop3A_731, %parallel_loop3A_732] {strides = array<i32>} : memref<10x128xf32, #tpu.memory_space<vmem>>, vector<1x16xf32>,
          %parallel_loop3A_734 = vector.shape_cast %parallel_loop3A_733 : vector<1x16xf32> to vector<16xf32>
          %parallel_loop3A_735 = vector.broadcast %parallel_loop3A_655 : f32 to vector<16xf32>
          %parallel_loop3A_736 = arith.mulf %parallel_loop3A_735, %get3A_21 : vector<16xf32>
          %parallel_loop3A_737 = arith.addf %parallel_loop3A_734, %parallel_loop3A_736 : vector<16xf32>
          %parallel_loop3A_738 = vector.broadcast %parallel_loop3A_657 : f32 to vector<16xf32>
          %parallel_loop3A_739 = arith.mulf %parallel_loop3A_738, %get3A_61 : vector<16xf32>
          %parallel_loop3A_740 = arith.addf %parallel_loop3A_737, %parallel_loop3A_739 : vector<16xf32>
          %parallel_loop3A_741 = vector.broadcast %parallel_loop3A_659 : f32 to vector<16xf32>
          %parallel_loop3A_742 = arith.mulf %parallel_loop3A_741, %get3A_101 : vector<16xf32>
          %parallel_loop3A_743 = arith.addf %parallel_loop3A_740, %parallel_loop3A_742 : vector<16xf32>
          %parallel_loop3A_744 = vector.broadcast %parallel_loop3A_661 : f32 to vector<16xf32>
          %parallel_loop3A_745 = arith.mulf %parallel_loop3A_744, %get3A_141 : vector<16xf32>
          %parallel_loop3A_746 = arith.addf %parallel_loop3A_743, %parallel_loop3A_745 : vector<16xf32>
          %parallel_loop3A_747 = arith.constant 40 : i32
          %parallel_loop3A_748 = arith.addi %parallel_loop3A_747, %parallel_loop3A_429 : i32
          %parallel_loop3A_749 = arith.index_cast %parallel_loop3A_748 : i32 to index
          %parallel_loop3A_750 = arith.constant 48 : index
          %parallel_loop3A_751 = tpu.vector_load %arg11[%parallel_loop3A_749, %parallel_loop3A_750] {strides = array<i32>} : memref<160x128xf32, #tpu.memory_space<vmem>>, vector<1x16xf32>,
          %parallel_loop3A_752 = vector.shape_cast %parallel_loop3A_751 : vector<1x16xf32> to vector<16xf32>
          %parallel_loop3A_753 = vector.shape_cast %parallel_loop3A_746 : vector<16xf32> to vector<1x16xf32>
          tpu.vector_store %arg11[%parallel_loop3A_749, %parallel_loop3A_750], %parallel_loop3A_753 {strides = array<i32>} : memref<160x128xf32, #tpu.memory_space<vmem>>, vector<1x16xf32>,
          %parallel_loop3A_754 = arith.index_cast %parallel_loop3A_653 : i32 to index
          %parallel_loop3A_755 = arith.constant 64 : index
          %parallel_loop3A_756 = tpu.vector_load %arg7[%parallel_loop3A_754, %parallel_loop3A_755] {strides = array<i32>} : memref<10x128xf32, #tpu.memory_space<vmem>>, vector<1x16xf32>,
          %parallel_loop3A_757 = vector.shape_cast %parallel_loop3A_756 : vector<1x16xf32> to vector<16xf32>
          %parallel_loop3A_758 = vector.broadcast %parallel_loop3A_655 : f32 to vector<16xf32>
          %parallel_loop3A_759 = arith.mulf %parallel_loop3A_758, %get3A_26 : vector<16xf32>
          %parallel_loop3A_760 = arith.addf %parallel_loop3A_757, %parallel_loop3A_759 : vector<16xf32>
          %parallel_loop3A_761 = vector.broadcast %parallel_loop3A_657 : f32 to vector<16xf32>
          %parallel_loop3A_762 = arith.mulf %parallel_loop3A_761, %get3A_66 : vector<16xf32>
          %parallel_loop3A_763 = arith.addf %parallel_loop3A_760, %parallel_loop3A_762 : vector<16xf32>
          %parallel_loop3A_764 = vector.broadcast %parallel_loop3A_659 : f32 to vector<16xf32>
          %parallel_loop3A_765 = arith.mulf %parallel_loop3A_764, %get3A_106 : vector<16xf32>
          %parallel_loop3A_766 = arith.addf %parallel_loop3A_763, %parallel_loop3A_765 : vector<16xf32>
          %parallel_loop3A_767 = vector.broadcast %parallel_loop3A_661 : f32 to vector<16xf32>
          %parallel_loop3A_768 = arith.mulf %parallel_loop3A_767, %get3A_146 : vector<16xf32>
          %parallel_loop3A_769 = arith.addf %parallel_loop3A_766, %parallel_loop3A_768 : vector<16xf32>
          %parallel_loop3A_770 = arith.constant 40 : i32
          %parallel_loop3A_771 = arith.addi %parallel_loop3A_770, %parallel_loop3A_429 : i32
          %parallel_loop3A_772 = arith.index_cast %parallel_loop3A_771 : i32 to index
          %parallel_loop3A_773 = arith.constant 64 : index
          %parallel_loop3A_774 = tpu.vector_load %arg11[%parallel_loop3A_772, %parallel_loop3A_773] {strides = array<i32>} : memref<160x128xf32, #tpu.memory_space<vmem>>, vector<1x16xf32>,
          %parallel_loop3A_775 = vector.shape_cast %parallel_loop3A_774 : vector<1x16xf32> to vector<16xf32>
          %parallel_loop3A_776 = vector.shape_cast %parallel_loop3A_769 : vector<16xf32> to vector<1x16xf32>
          tpu.vector_store %arg11[%parallel_loop3A_772, %parallel_loop3A_773], %parallel_loop3A_776 {strides = array<i32>} : memref<160x128xf32, #tpu.memory_space<vmem>>, vector<1x16xf32>,
          %parallel_loop3A_777 = arith.index_cast %parallel_loop3A_653 : i32 to index
          %parallel_loop3A_778 = arith.constant 80 : index
          %parallel_loop3A_779 = tpu.vector_load %arg7[%parallel_loop3A_777, %parallel_loop3A_778] {strides = array<i32>} : memref<10x128xf32, #tpu.memory_space<vmem>>, vector<1x16xf32>,
          %parallel_loop3A_780 = vector.shape_cast %parallel_loop3A_779 : vector<1x16xf32> to vector<16xf32>
          %parallel_loop3A_781 = vector.broadcast %parallel_loop3A_655 : f32 to vector<16xf32>
          %parallel_loop3A_782 = arith.mulf %parallel_loop3A_781, %get3A_31 : vector<16xf32>
          %parallel_loop3A_783 = arith.addf %parallel_loop3A_780, %parallel_loop3A_782 : vector<16xf32>
          %parallel_loop3A_784 = vector.broadcast %parallel_loop3A_657 : f32 to vector<16xf32>
          %parallel_loop3A_785 = arith.mulf %parallel_loop3A_784, %get3A_71 : vector<16xf32>
          %parallel_loop3A_786 = arith.addf %parallel_loop3A_783, %parallel_loop3A_785 : vector<16xf32>
          %parallel_loop3A_787 = vector.broadcast %parallel_loop3A_659 : f32 to vector<16xf32>
          %parallel_loop3A_788 = arith.mulf %parallel_loop3A_787, %get3A_111 : vector<16xf32>
          %parallel_loop3A_789 = arith.addf %parallel_loop3A_786, %parallel_loop3A_788 : vector<16xf32>
          %parallel_loop3A_790 = vector.broadcast %parallel_loop3A_661 : f32 to vector<16xf32>
          %parallel_loop3A_791 = arith.mulf %parallel_loop3A_790, %get3A_151 : vector<16xf32>
          %parallel_loop3A_792 = arith.addf %parallel_loop3A_789, %parallel_loop3A_791 : vector<16xf32>
          %parallel_loop3A_793 = arith.constant 40 : i32
          %parallel_loop3A_794 = arith.addi %parallel_loop3A_793, %parallel_loop3A_429 : i32
          %parallel_loop3A_795 = arith.index_cast %parallel_loop3A_794 : i32 to index
          %parallel_loop3A_796 = arith.constant 80 : index
          %parallel_loop3A_797 = tpu.vector_load %arg11[%parallel_loop3A_795, %parallel_loop3A_796] {strides = array<i32>} : memref<160x128xf32, #tpu.memory_space<vmem>>, vector<1x16xf32>,
          %parallel_loop3A_798 = vector.shape_cast %parallel_loop3A_797 : vector<1x16xf32> to vector<16xf32>
          %parallel_loop3A_799 = vector.shape_cast %parallel_loop3A_792 : vector<16xf32> to vector<1x16xf32>
          tpu.vector_store %arg11[%parallel_loop3A_795, %parallel_loop3A_796], %parallel_loop3A_799 {strides = array<i32>} : memref<160x128xf32, #tpu.memory_space<vmem>>, vector<1x16xf32>,
          %parallel_loop3A_800 = arith.index_cast %parallel_loop3A_653 : i32 to index
          %parallel_loop3A_801 = arith.constant 96 : index
          %parallel_loop3A_802 = tpu.vector_load %arg7[%parallel_loop3A_800, %parallel_loop3A_801] {strides = array<i32>} : memref<10x128xf32, #tpu.memory_space<vmem>>, vector<1x16xf32>,
          %parallel_loop3A_803 = vector.shape_cast %parallel_loop3A_802 : vector<1x16xf32> to vector<16xf32>
          %parallel_loop3A_804 = vector.broadcast %parallel_loop3A_655 : f32 to vector<16xf32>
          %parallel_loop3A_805 = arith.mulf %parallel_loop3A_804, %get3A_36 : vector<16xf32>
          %parallel_loop3A_806 = arith.addf %parallel_loop3A_803, %parallel_loop3A_805 : vector<16xf32>
          %parallel_loop3A_807 = vector.broadcast %parallel_loop3A_657 : f32 to vector<16xf32>
          %parallel_loop3A_808 = arith.mulf %parallel_loop3A_807, %get3A_76 : vector<16xf32>
          %parallel_loop3A_809 = arith.addf %parallel_loop3A_806, %parallel_loop3A_808 : vector<16xf32>
          %parallel_loop3A_810 = vector.broadcast %parallel_loop3A_659 : f32 to vector<16xf32>
          %parallel_loop3A_811 = arith.mulf %parallel_loop3A_810, %get3A_116 : vector<16xf32>
          %parallel_loop3A_812 = arith.addf %parallel_loop3A_809, %parallel_loop3A_811 : vector<16xf32>
          %parallel_loop3A_813 = vector.broadcast %parallel_loop3A_661 : f32 to vector<16xf32>
          %parallel_loop3A_814 = arith.mulf %parallel_loop3A_813, %get3A_156 : vector<16xf32>
          %parallel_loop3A_815 = arith.addf %parallel_loop3A_812, %parallel_loop3A_814 : vector<16xf32>
          %parallel_loop3A_816 = arith.constant 40 : i32
          %parallel_loop3A_817 = arith.addi %parallel_loop3A_816, %parallel_loop3A_429 : i32
          %parallel_loop3A_818 = arith.index_cast %parallel_loop3A_817 : i32 to index
          %parallel_loop3A_819 = arith.constant 96 : index
          %parallel_loop3A_820 = tpu.vector_load %arg11[%parallel_loop3A_818, %parallel_loop3A_819] {strides = array<i32>} : memref<160x128xf32, #tpu.memory_space<vmem>>, vector<1x16xf32>,
          %parallel_loop3A_821 = vector.shape_cast %parallel_loop3A_820 : vector<1x16xf32> to vector<16xf32>
          %parallel_loop3A_822 = vector.shape_cast %parallel_loop3A_815 : vector<16xf32> to vector<1x16xf32>
          tpu.vector_store %arg11[%parallel_loop3A_818, %parallel_loop3A_819], %parallel_loop3A_822 {strides = array<i32>} : memref<160x128xf32, #tpu.memory_space<vmem>>, vector<1x16xf32>,
          %parallel_loop3A_823 = arith.index_cast %parallel_loop3A_653 : i32 to index
          %parallel_loop3A_824 = arith.constant 112 : index
          %parallel_loop3A_825 = tpu.vector_load %arg7[%parallel_loop3A_823, %parallel_loop3A_824] {strides = array<i32>} : memref<10x128xf32, #tpu.memory_space<vmem>>, vector<1x16xf32>,
          %parallel_loop3A_826 = vector.shape_cast %parallel_loop3A_825 : vector<1x16xf32> to vector<16xf32>
          %parallel_loop3A_827 = vector.broadcast %parallel_loop3A_655 : f32 to vector<16xf32>
          %parallel_loop3A_828 = arith.mulf %parallel_loop3A_827, %get3A_41 : vector<16xf32>
          %parallel_loop3A_829 = arith.addf %parallel_loop3A_826, %parallel_loop3A_828 : vector<16xf32>
          %parallel_loop3A_830 = vector.broadcast %parallel_loop3A_657 : f32 to vector<16xf32>
          %parallel_loop3A_831 = arith.mulf %parallel_loop3A_830, %get3A_81 : vector<16xf32>
          %parallel_loop3A_832 = arith.addf %parallel_loop3A_829, %parallel_loop3A_831 : vector<16xf32>
          %parallel_loop3A_833 = vector.broadcast %parallel_loop3A_659 : f32 to vector<16xf32>
          %parallel_loop3A_834 = arith.mulf %parallel_loop3A_833, %get3A_121 : vector<16xf32>
          %parallel_loop3A_835 = arith.addf %parallel_loop3A_832, %parallel_loop3A_834 : vector<16xf32>
          %parallel_loop3A_836 = vector.broadcast %parallel_loop3A_661 : f32 to vector<16xf32>
          %parallel_loop3A_837 = arith.mulf %parallel_loop3A_836, %get3A_161 : vector<16xf32>
          %parallel_loop3A_838 = arith.addf %parallel_loop3A_835, %parallel_loop3A_837 : vector<16xf32>
          %parallel_loop3A_839 = arith.constant 40 : i32
          %parallel_loop3A_840 = arith.addi %parallel_loop3A_839, %parallel_loop3A_429 : i32
          %parallel_loop3A_841 = arith.index_cast %parallel_loop3A_840 : i32 to index
          %parallel_loop3A_842 = arith.constant 112 : index
          %parallel_loop3A_843 = tpu.vector_load %arg11[%parallel_loop3A_841, %parallel_loop3A_842] {strides = array<i32>} : memref<160x128xf32, #tpu.memory_space<vmem>>, vector<1x16xf32>,
          %parallel_loop3A_844 = vector.shape_cast %parallel_loop3A_843 : vector<1x16xf32> to vector<16xf32>
          %parallel_loop3A_845 = vector.shape_cast %parallel_loop3A_838 : vector<16xf32> to vector<1x16xf32>
          tpu.vector_store %arg11[%parallel_loop3A_841, %parallel_loop3A_842], %parallel_loop3A_845 {strides = array<i32>} : memref<160x128xf32, #tpu.memory_space<vmem>>, vector<1x16xf32>,
          %parallel_loop3A_846 = vector.extract_strided_slice %parallel_loop3A_433 {offsets = [2], sizes = [1], strides = [1]} : vector<16xi32> to vector<1xi32>
          %parallel_loop3A_847 = vector.extract %parallel_loop3A_846[0] : i32 from vector<1xi32>
          %parallel_loop3A_848 = vector.extract_strided_slice %parallel_loop3A_439 {offsets = [2], sizes = [1], strides = [1]} : vector<16xf32> to vector<1xf32>
          %parallel_loop3A_849 = vector.extract %parallel_loop3A_848[0] : f32 from vector<1xf32>
          %parallel_loop3A_850 = vector.extract_strided_slice %parallel_loop3A_445 {offsets = [2], sizes = [1], strides = [1]} : vector<16xf32> to vector<1xf32>
          %parallel_loop3A_851 = vector.extract %parallel_loop3A_850[0] : f32 from vector<1xf32>
          %parallel_loop3A_852 = vector.extract_strided_slice %parallel_loop3A_451 {offsets = [2], sizes = [1], strides = [1]} : vector<16xf32> to vector<1xf32>
          %parallel_loop3A_853 = vector.extract %parallel_loop3A_852[0] : f32 from vector<1xf32>
          %parallel_loop3A_854 = vector.extract_strided_slice %parallel_loop3A_457 {offsets = [2], sizes = [1], strides = [1]} : vector<16xf32> to vector<1xf32>
          %parallel_loop3A_855 = vector.extract %parallel_loop3A_854[0] : f32 from vector<1xf32>
          %parallel_loop3A_856 = arith.index_cast %parallel_loop3A_847 : i32 to index
          %parallel_loop3A_857 = arith.constant 0 : index
          %parallel_loop3A_858 = tpu.vector_load %arg7[%parallel_loop3A_856, %parallel_loop3A_857] {strides = array<i32>} : memref<10x128xf32, #tpu.memory_space<vmem>>, vector<1x16xf32>,
          %parallel_loop3A_859 = vector.shape_cast %parallel_loop3A_858 : vector<1x16xf32> to vector<16xf32>
          %parallel_loop3A_860 = vector.broadcast %parallel_loop3A_849 : f32 to vector<16xf32>
          %parallel_loop3A_861 = arith.mulf %parallel_loop3A_860, %get3A_6 : vector<16xf32>
          %parallel_loop3A_862 = arith.addf %parallel_loop3A_859, %parallel_loop3A_861 : vector<16xf32>
          %parallel_loop3A_863 = vector.broadcast %parallel_loop3A_851 : f32 to vector<16xf32>
          %parallel_loop3A_864 = arith.mulf %parallel_loop3A_863, %get3A_46 : vector<16xf32>
          %parallel_loop3A_865 = arith.addf %parallel_loop3A_862, %parallel_loop3A_864 : vector<16xf32>
          %parallel_loop3A_866 = vector.broadcast %parallel_loop3A_853 : f32 to vector<16xf32>
          %parallel_loop3A_867 = arith.mulf %parallel_loop3A_866, %get3A_86 : vector<16xf32>
          %parallel_loop3A_868 = arith.addf %parallel_loop3A_865, %parallel_loop3A_867 : vector<16xf32>
          %parallel_loop3A_869 = vector.broadcast %parallel_loop3A_855 : f32 to vector<16xf32>
          %parallel_loop3A_870 = arith.mulf %parallel_loop3A_869, %get3A_126 : vector<16xf32>
          %parallel_loop3A_871 = arith.addf %parallel_loop3A_868, %parallel_loop3A_870 : vector<16xf32>
          %parallel_loop3A_872 = arith.constant 80 : i32
          %parallel_loop3A_873 = arith.addi %parallel_loop3A_872, %parallel_loop3A_429 : i32
          %parallel_loop3A_874 = arith.index_cast %parallel_loop3A_873 : i32 to index
          %parallel_loop3A_875 = arith.constant 0 : index
          %parallel_loop3A_876 = tpu.vector_load %arg11[%parallel_loop3A_874, %parallel_loop3A_875] {strides = array<i32>} : memref<160x128xf32, #tpu.memory_space<vmem>>, vector<1x16xf32>,
          %parallel_loop3A_877 = vector.shape_cast %parallel_loop3A_876 : vector<1x16xf32> to vector<16xf32>
          %parallel_loop3A_878 = vector.shape_cast %parallel_loop3A_871 : vector<16xf32> to vector<1x16xf32>
          tpu.vector_store %arg11[%parallel_loop3A_874, %parallel_loop3A_875], %parallel_loop3A_878 {strides = array<i32>} : memref<160x128xf32, #tpu.memory_space<vmem>>, vector<1x16xf32>,
          %parallel_loop3A_879 = arith.index_cast %parallel_loop3A_847 : i32 to index
          %parallel_loop3A_880 = arith.constant 16 : index
          %parallel_loop3A_881 = tpu.vector_load %arg7[%parallel_loop3A_879, %parallel_loop3A_880] {strides = array<i32>} : memref<10x128xf32, #tpu.memory_space<vmem>>, vector<1x16xf32>,
          %parallel_loop3A_882 = vector.shape_cast %parallel_loop3A_881 : vector<1x16xf32> to vector<16xf32>
          %parallel_loop3A_883 = vector.broadcast %parallel_loop3A_849 : f32 to vector<16xf32>
          %parallel_loop3A_884 = arith.mulf %parallel_loop3A_883, %get3A_11 : vector<16xf32>
          %parallel_loop3A_885 = arith.addf %parallel_loop3A_882, %parallel_loop3A_884 : vector<16xf32>
          %parallel_loop3A_886 = vector.broadcast %parallel_loop3A_851 : f32 to vector<16xf32>
          %parallel_loop3A_887 = arith.mulf %parallel_loop3A_886, %get3A_51 : vector<16xf32>
          %parallel_loop3A_888 = arith.addf %parallel_loop3A_885, %parallel_loop3A_887 : vector<16xf32>
          %parallel_loop3A_889 = vector.broadcast %parallel_loop3A_853 : f32 to vector<16xf32>
          %parallel_loop3A_890 = arith.mulf %parallel_loop3A_889, %get3A_91 : vector<16xf32>
          %parallel_loop3A_891 = arith.addf %parallel_loop3A_888, %parallel_loop3A_890 : vector<16xf32>
          %parallel_loop3A_892 = vector.broadcast %parallel_loop3A_855 : f32 to vector<16xf32>
          %parallel_loop3A_893 = arith.mulf %parallel_loop3A_892, %get3A_131 : vector<16xf32>
          %parallel_loop3A_894 = arith.addf %parallel_loop3A_891, %parallel_loop3A_893 : vector<16xf32>
          %parallel_loop3A_895 = arith.constant 80 : i32
          %parallel_loop3A_896 = arith.addi %parallel_loop3A_895, %parallel_loop3A_429 : i32
          %parallel_loop3A_897 = arith.index_cast %parallel_loop3A_896 : i32 to index
          %parallel_loop3A_898 = arith.constant 16 : index
          %parallel_loop3A_899 = tpu.vector_load %arg11[%parallel_loop3A_897, %parallel_loop3A_898] {strides = array<i32>} : memref<160x128xf32, #tpu.memory_space<vmem>>, vector<1x16xf32>,
          %parallel_loop3A_900 = vector.shape_cast %parallel_loop3A_899 : vector<1x16xf32> to vector<16xf32>
          %parallel_loop3A_901 = vector.shape_cast %parallel_loop3A_894 : vector<16xf32> to vector<1x16xf32>
          tpu.vector_store %arg11[%parallel_loop3A_897, %parallel_loop3A_898], %parallel_loop3A_901 {strides = array<i32>} : memref<160x128xf32, #tpu.memory_space<vmem>>, vector<1x16xf32>,
          %parallel_loop3A_902 = arith.index_cast %parallel_loop3A_847 : i32 to index
          %parallel_loop3A_903 = arith.constant 32 : index
          %parallel_loop3A_904 = tpu.vector_load %arg7[%parallel_loop3A_902, %parallel_loop3A_903] {strides = array<i32>} : memref<10x128xf32, #tpu.memory_space<vmem>>, vector<1x16xf32>,
          %parallel_loop3A_905 = vector.shape_cast %parallel_loop3A_904 : vector<1x16xf32> to vector<16xf32>
          %parallel_loop3A_906 = vector.broadcast %parallel_loop3A_849 : f32 to vector<16xf32>
          %parallel_loop3A_907 = arith.mulf %parallel_loop3A_906, %get3A_16 : vector<16xf32>
          %parallel_loop3A_908 = arith.addf %parallel_loop3A_905, %parallel_loop3A_907 : vector<16xf32>
          %parallel_loop3A_909 = vector.broadcast %parallel_loop3A_851 : f32 to vector<16xf32>
          %parallel_loop3A_910 = arith.mulf %parallel_loop3A_909, %get3A_56 : vector<16xf32>
          %parallel_loop3A_911 = arith.addf %parallel_loop3A_908, %parallel_loop3A_910 : vector<16xf32>
          %parallel_loop3A_912 = vector.broadcast %parallel_loop3A_853 : f32 to vector<16xf32>
          %parallel_loop3A_913 = arith.mulf %parallel_loop3A_912, %get3A_96 : vector<16xf32>
          %parallel_loop3A_914 = arith.addf %parallel_loop3A_911, %parallel_loop3A_913 : vector<16xf32>
          %parallel_loop3A_915 = vector.broadcast %parallel_loop3A_855 : f32 to vector<16xf32>
          %parallel_loop3A_916 = arith.mulf %parallel_loop3A_915, %get3A_136 : vector<16xf32>
          %parallel_loop3A_917 = arith.addf %parallel_loop3A_914, %parallel_loop3A_916 : vector<16xf32>
          %parallel_loop3A_918 = arith.constant 80 : i32
          %parallel_loop3A_919 = arith.addi %parallel_loop3A_918, %parallel_loop3A_429 : i32
          %parallel_loop3A_920 = arith.index_cast %parallel_loop3A_919 : i32 to index
          %parallel_loop3A_921 = arith.constant 32 : index
          %parallel_loop3A_922 = tpu.vector_load %arg11[%parallel_loop3A_920, %parallel_loop3A_921] {strides = array<i32>} : memref<160x128xf32, #tpu.memory_space<vmem>>, vector<1x16xf32>,
          %parallel_loop3A_923 = vector.shape_cast %parallel_loop3A_922 : vector<1x16xf32> to vector<16xf32>
          %parallel_loop3A_924 = vector.shape_cast %parallel_loop3A_917 : vector<16xf32> to vector<1x16xf32>
          tpu.vector_store %arg11[%parallel_loop3A_920, %parallel_loop3A_921], %parallel_loop3A_924 {strides = array<i32>} : memref<160x128xf32, #tpu.memory_space<vmem>>, vector<1x16xf32>,
          %parallel_loop3A_925 = arith.index_cast %parallel_loop3A_847 : i32 to index
          %parallel_loop3A_926 = arith.constant 48 : index
          %parallel_loop3A_927 = tpu.vector_load %arg7[%parallel_loop3A_925, %parallel_loop3A_926] {strides = array<i32>} : memref<10x128xf32, #tpu.memory_space<vmem>>, vector<1x16xf32>,
          %parallel_loop3A_928 = vector.shape_cast %parallel_loop3A_927 : vector<1x16xf32> to vector<16xf32>
          %parallel_loop3A_929 = vector.broadcast %parallel_loop3A_849 : f32 to vector<16xf32>
          %parallel_loop3A_930 = arith.mulf %parallel_loop3A_929, %get3A_21 : vector<16xf32>
          %parallel_loop3A_931 = arith.addf %parallel_loop3A_928, %parallel_loop3A_930 : vector<16xf32>
          %parallel_loop3A_932 = vector.broadcast %parallel_loop3A_851 : f32 to vector<16xf32>
          %parallel_loop3A_933 = arith.mulf %parallel_loop3A_932, %get3A_61 : vector<16xf32>
          %parallel_loop3A_934 = arith.addf %parallel_loop3A_931, %parallel_loop3A_933 : vector<16xf32>
          %parallel_loop3A_935 = vector.broadcast %parallel_loop3A_853 : f32 to vector<16xf32>
          %parallel_loop3A_936 = arith.mulf %parallel_loop3A_935, %get3A_101 : vector<16xf32>
          %parallel_loop3A_937 = arith.addf %parallel_loop3A_934, %parallel_loop3A_936 : vector<16xf32>
          %parallel_loop3A_938 = vector.broadcast %parallel_loop3A_855 : f32 to vector<16xf32>
          %parallel_loop3A_939 = arith.mulf %parallel_loop3A_938, %get3A_141 : vector<16xf32>
          %parallel_loop3A_940 = arith.addf %parallel_loop3A_937, %parallel_loop3A_939 : vector<16xf32>
          %parallel_loop3A_941 = arith.constant 80 : i32
          %parallel_loop3A_942 = arith.addi %parallel_loop3A_941, %parallel_loop3A_429 : i32
          %parallel_loop3A_943 = arith.index_cast %parallel_loop3A_942 : i32 to index
          %parallel_loop3A_944 = arith.constant 48 : index
          %parallel_loop3A_945 = tpu.vector_load %arg11[%parallel_loop3A_943, %parallel_loop3A_944] {strides = array<i32>} : memref<160x128xf32, #tpu.memory_space<vmem>>, vector<1x16xf32>,
          %parallel_loop3A_946 = vector.shape_cast %parallel_loop3A_945 : vector<1x16xf32> to vector<16xf32>
          %parallel_loop3A_947 = vector.shape_cast %parallel_loop3A_940 : vector<16xf32> to vector<1x16xf32>
          tpu.vector_store %arg11[%parallel_loop3A_943, %parallel_loop3A_944], %parallel_loop3A_947 {strides = array<i32>} : memref<160x128xf32, #tpu.memory_space<vmem>>, vector<1x16xf32>,
          %parallel_loop3A_948 = arith.index_cast %parallel_loop3A_847 : i32 to index
          %parallel_loop3A_949 = arith.constant 64 : index
          %parallel_loop3A_950 = tpu.vector_load %arg7[%parallel_loop3A_948, %parallel_loop3A_949] {strides = array<i32>} : memref<10x128xf32, #tpu.memory_space<vmem>>, vector<1x16xf32>,
          %parallel_loop3A_951 = vector.shape_cast %parallel_loop3A_950 : vector<1x16xf32> to vector<16xf32>
          %parallel_loop3A_952 = vector.broadcast %parallel_loop3A_849 : f32 to vector<16xf32>
          %parallel_loop3A_953 = arith.mulf %parallel_loop3A_952, %get3A_26 : vector<16xf32>
          %parallel_loop3A_954 = arith.addf %parallel_loop3A_951, %parallel_loop3A_953 : vector<16xf32>
          %parallel_loop3A_955 = vector.broadcast %parallel_loop3A_851 : f32 to vector<16xf32>
          %parallel_loop3A_956 = arith.mulf %parallel_loop3A_955, %get3A_66 : vector<16xf32>
          %parallel_loop3A_957 = arith.addf %parallel_loop3A_954, %parallel_loop3A_956 : vector<16xf32>
          %parallel_loop3A_958 = vector.broadcast %parallel_loop3A_853 : f32 to vector<16xf32>
          %parallel_loop3A_959 = arith.mulf %parallel_loop3A_958, %get3A_106 : vector<16xf32>
          %parallel_loop3A_960 = arith.addf %parallel_loop3A_957, %parallel_loop3A_959 : vector<16xf32>
          %parallel_loop3A_961 = vector.broadcast %parallel_loop3A_855 : f32 to vector<16xf32>
          %parallel_loop3A_962 = arith.mulf %parallel_loop3A_961, %get3A_146 : vector<16xf32>
          %parallel_loop3A_963 = arith.addf %parallel_loop3A_960, %parallel_loop3A_962 : vector<16xf32>
          %parallel_loop3A_964 = arith.constant 80 : i32
          %parallel_loop3A_965 = arith.addi %parallel_loop3A_964, %parallel_loop3A_429 : i32
          %parallel_loop3A_966 = arith.index_cast %parallel_loop3A_965 : i32 to index
          %parallel_loop3A_967 = arith.constant 64 : index
          %parallel_loop3A_968 = tpu.vector_load %arg11[%parallel_loop3A_966, %parallel_loop3A_967] {strides = array<i32>} : memref<160x128xf32, #tpu.memory_space<vmem>>, vector<1x16xf32>,
          %parallel_loop3A_969 = vector.shape_cast %parallel_loop3A_968 : vector<1x16xf32> to vector<16xf32>
          %parallel_loop3A_970 = vector.shape_cast %parallel_loop3A_963 : vector<16xf32> to vector<1x16xf32>
          tpu.vector_store %arg11[%parallel_loop3A_966, %parallel_loop3A_967], %parallel_loop3A_970 {strides = array<i32>} : memref<160x128xf32, #tpu.memory_space<vmem>>, vector<1x16xf32>,
          %parallel_loop3A_971 = arith.index_cast %parallel_loop3A_847 : i32 to index
          %parallel_loop3A_972 = arith.constant 80 : index
          %parallel_loop3A_973 = tpu.vector_load %arg7[%parallel_loop3A_971, %parallel_loop3A_972] {strides = array<i32>} : memref<10x128xf32, #tpu.memory_space<vmem>>, vector<1x16xf32>,
          %parallel_loop3A_974 = vector.shape_cast %parallel_loop3A_973 : vector<1x16xf32> to vector<16xf32>
          %parallel_loop3A_975 = vector.broadcast %parallel_loop3A_849 : f32 to vector<16xf32>
          %parallel_loop3A_976 = arith.mulf %parallel_loop3A_975, %get3A_31 : vector<16xf32>
          %parallel_loop3A_977 = arith.addf %parallel_loop3A_974, %parallel_loop3A_976 : vector<16xf32>
          %parallel_loop3A_978 = vector.broadcast %parallel_loop3A_851 : f32 to vector<16xf32>
          %parallel_loop3A_979 = arith.mulf %parallel_loop3A_978, %get3A_71 : vector<16xf32>
          %parallel_loop3A_980 = arith.addf %parallel_loop3A_977, %parallel_loop3A_979 : vector<16xf32>
          %parallel_loop3A_981 = vector.broadcast %parallel_loop3A_853 : f32 to vector<16xf32>
          %parallel_loop3A_982 = arith.mulf %parallel_loop3A_981, %get3A_111 : vector<16xf32>
          %parallel_loop3A_983 = arith.addf %parallel_loop3A_980, %parallel_loop3A_982 : vector<16xf32>
          %parallel_loop3A_984 = vector.broadcast %parallel_loop3A_855 : f32 to vector<16xf32>
          %parallel_loop3A_985 = arith.mulf %parallel_loop3A_984, %get3A_151 : vector<16xf32>
          %parallel_loop3A_986 = arith.addf %parallel_loop3A_983, %parallel_loop3A_985 : vector<16xf32>
          %parallel_loop3A_987 = arith.constant 80 : i32
          %parallel_loop3A_988 = arith.addi %parallel_loop3A_987, %parallel_loop3A_429 : i32
          %parallel_loop3A_989 = arith.index_cast %parallel_loop3A_988 : i32 to index
          %parallel_loop3A_990 = arith.constant 80 : index
          %parallel_loop3A_991 = tpu.vector_load %arg11[%parallel_loop3A_989, %parallel_loop3A_990] {strides = array<i32>} : memref<160x128xf32, #tpu.memory_space<vmem>>, vector<1x16xf32>,
          %parallel_loop3A_992 = vector.shape_cast %parallel_loop3A_991 : vector<1x16xf32> to vector<16xf32>
          %parallel_loop3A_993 = vector.shape_cast %parallel_loop3A_986 : vector<16xf32> to vector<1x16xf32>
          tpu.vector_store %arg11[%parallel_loop3A_989, %parallel_loop3A_990], %parallel_loop3A_993 {strides = array<i32>} : memref<160x128xf32, #tpu.memory_space<vmem>>, vector<1x16xf32>,
          %parallel_loop3A_994 = arith.index_cast %parallel_loop3A_847 : i32 to index
          %parallel_loop3A_995 = arith.constant 96 : index
          %parallel_loop3A_996 = tpu.vector_load %arg7[%parallel_loop3A_994, %parallel_loop3A_995] {strides = array<i32>} : memref<10x128xf32, #tpu.memory_space<vmem>>, vector<1x16xf32>,
          %parallel_loop3A_997 = vector.shape_cast %parallel_loop3A_996 : vector<1x16xf32> to vector<16xf32>
          %parallel_loop3A_998 = vector.broadcast %parallel_loop3A_849 : f32 to vector<16xf32>
          %parallel_loop3A_999 = arith.mulf %parallel_loop3A_998, %get3A_36 : vector<16xf32>
          %parallel_loop3A_1000 = arith.addf %parallel_loop3A_997, %parallel_loop3A_999 : vector<16xf32>
          %parallel_loop3A_1001 = vector.broadcast %parallel_loop3A_851 : f32 to vector<16xf32>
          %parallel_loop3A_1002 = arith.mulf %parallel_loop3A_1001, %get3A_76 : vector<16xf32>
          %parallel_loop3A_1003 = arith.addf %parallel_loop3A_1000, %parallel_loop3A_1002 : vector<16xf32>
          %parallel_loop3A_1004 = vector.broadcast %parallel_loop3A_853 : f32 to vector<16xf32>
          %parallel_loop3A_1005 = arith.mulf %parallel_loop3A_1004, %get3A_116 : vector<16xf32>
          %parallel_loop3A_1006 = arith.addf %parallel_loop3A_1003, %parallel_loop3A_1005 : vector<16xf32>
          %parallel_loop3A_1007 = vector.broadcast %parallel_loop3A_855 : f32 to vector<16xf32>
          %parallel_loop3A_1008 = arith.mulf %parallel_loop3A_1007, %get3A_156 : vector<16xf32>
          %parallel_loop3A_1009 = arith.addf %parallel_loop3A_1006, %parallel_loop3A_1008 : vector<16xf32>
          %parallel_loop3A_1010 = arith.constant 80 : i32
          %parallel_loop3A_1011 = arith.addi %parallel_loop3A_1010, %parallel_loop3A_429 : i32
          %parallel_loop3A_1012 = arith.index_cast %parallel_loop3A_1011 : i32 to index
          %parallel_loop3A_1013 = arith.constant 96 : index
          %parallel_loop3A_1014 = tpu.vector_load %arg11[%parallel_loop3A_1012, %parallel_loop3A_1013] {strides = array<i32>} : memref<160x128xf32, #tpu.memory_space<vmem>>, vector<1x16xf32>,
          %parallel_loop3A_1015 = vector.shape_cast %parallel_loop3A_1014 : vector<1x16xf32> to vector<16xf32>
          %parallel_loop3A_1016 = vector.shape_cast %parallel_loop3A_1009 : vector<16xf32> to vector<1x16xf32>
          tpu.vector_store %arg11[%parallel_loop3A_1012, %parallel_loop3A_1013], %parallel_loop3A_1016 {strides = array<i32>} : memref<160x128xf32, #tpu.memory_space<vmem>>, vector<1x16xf32>,
          %parallel_loop3A_1017 = arith.index_cast %parallel_loop3A_847 : i32 to index
          %parallel_loop3A_1018 = arith.constant 112 : index
          %parallel_loop3A_1019 = tpu.vector_load %arg7[%parallel_loop3A_1017, %parallel_loop3A_1018] {strides = array<i32>} : memref<10x128xf32, #tpu.memory_space<vmem>>, vector<1x16xf32>,
          %parallel_loop3A_1020 = vector.shape_cast %parallel_loop3A_1019 : vector<1x16xf32> to vector<16xf32>
          %parallel_loop3A_1021 = vector.broadcast %parallel_loop3A_849 : f32 to vector<16xf32>
          %parallel_loop3A_1022 = arith.mulf %parallel_loop3A_1021, %get3A_41 : vector<16xf32>
          %parallel_loop3A_1023 = arith.addf %parallel_loop3A_1020, %parallel_loop3A_1022 : vector<16xf32>
          %parallel_loop3A_1024 = vector.broadcast %parallel_loop3A_851 : f32 to vector<16xf32>
          %parallel_loop3A_1025 = arith.mulf %parallel_loop3A_1024, %get3A_81 : vector<16xf32>
          %parallel_loop3A_1026 = arith.addf %parallel_loop3A_1023, %parallel_loop3A_1025 : vector<16xf32>
          %parallel_loop3A_1027 = vector.broadcast %parallel_loop3A_853 : f32 to vector<16xf32>
          %parallel_loop3A_1028 = arith.mulf %parallel_loop3A_1027, %get3A_121 : vector<16xf32>
          %parallel_loop3A_1029 = arith.addf %parallel_loop3A_1026, %parallel_loop3A_1028 : vector<16xf32>
          %parallel_loop3A_1030 = vector.broadcast %parallel_loop3A_855 : f32 to vector<16xf32>
          %parallel_loop3A_1031 = arith.mulf %parallel_loop3A_1030, %get3A_161 : vector<16xf32>
          %parallel_loop3A_1032 = arith.addf %parallel_loop3A_1029, %parallel_loop3A_1031 : vector<16xf32>
          %parallel_loop3A_1033 = arith.constant 80 : i32
          %parallel_loop3A_1034 = arith.addi %parallel_loop3A_1033, %parallel_loop3A_429 : i32
          %parallel_loop3A_1035 = arith.index_cast %parallel_loop3A_1034 : i32 to index
          %parallel_loop3A_1036 = arith.constant 112 : index
          %parallel_loop3A_1037 = tpu.vector_load %arg11[%parallel_loop3A_1035, %parallel_loop3A_1036] {strides = array<i32>} : memref<160x128xf32, #tpu.memory_space<vmem>>, vector<1x16xf32>,
          %parallel_loop3A_1038 = vector.shape_cast %parallel_loop3A_1037 : vector<1x16xf32> to vector<16xf32>
          %parallel_loop3A_1039 = vector.shape_cast %parallel_loop3A_1032 : vector<16xf32> to vector<1x16xf32>
          tpu.vector_store %arg11[%parallel_loop3A_1035, %parallel_loop3A_1036], %parallel_loop3A_1039 {strides = array<i32>} : memref<160x128xf32, #tpu.memory_space<vmem>>, vector<1x16xf32>,
          %parallel_loop3A_1040 = vector.extract_strided_slice %parallel_loop3A_433 {offsets = [3], sizes = [1], strides = [1]} : vector<16xi32> to vector<1xi32>
          %parallel_loop3A_1041 = vector.extract %parallel_loop3A_1040[0] : i32 from vector<1xi32>
          %parallel_loop3A_1042 = vector.extract_strided_slice %parallel_loop3A_439 {offsets = [3], sizes = [1], strides = [1]} : vector<16xf32> to vector<1xf32>
          %parallel_loop3A_1043 = vector.extract %parallel_loop3A_1042[0] : f32 from vector<1xf32>
          %parallel_loop3A_1044 = vector.extract_strided_slice %parallel_loop3A_445 {offsets = [3], sizes = [1], strides = [1]} : vector<16xf32> to vector<1xf32>
          %parallel_loop3A_1045 = vector.extract %parallel_loop3A_1044[0] : f32 from vector<1xf32>
          %parallel_loop3A_1046 = vector.extract_strided_slice %parallel_loop3A_451 {offsets = [3], sizes = [1], strides = [1]} : vector<16xf32> to vector<1xf32>
          %parallel_loop3A_1047 = vector.extract %parallel_loop3A_1046[0] : f32 from vector<1xf32>
          %parallel_loop3A_1048 = vector.extract_strided_slice %parallel_loop3A_457 {offsets = [3], sizes = [1], strides = [1]} : vector<16xf32> to vector<1xf32>
          %parallel_loop3A_1049 = vector.extract %parallel_loop3A_1048[0] : f32 from vector<1xf32>
          %parallel_loop3A_1050 = arith.index_cast %parallel_loop3A_1041 : i32 to index
          %parallel_loop3A_1051 = arith.constant 0 : index
          %parallel_loop3A_1052 = tpu.vector_load %arg7[%parallel_loop3A_1050, %parallel_loop3A_1051] {strides = array<i32>} : memref<10x128xf32, #tpu.memory_space<vmem>>, vector<1x16xf32>,
          %parallel_loop3A_1053 = vector.shape_cast %parallel_loop3A_1052 : vector<1x16xf32> to vector<16xf32>
          %parallel_loop3A_1054 = vector.broadcast %parallel_loop3A_1043 : f32 to vector<16xf32>
          %parallel_loop3A_1055 = arith.mulf %parallel_loop3A_1054, %get3A_6 : vector<16xf32>
          %parallel_loop3A_1056 = arith.addf %parallel_loop3A_1053, %parallel_loop3A_1055 : vector<16xf32>
          %parallel_loop3A_1057 = vector.broadcast %parallel_loop3A_1045 : f32 to vector<16xf32>
          %parallel_loop3A_1058 = arith.mulf %parallel_loop3A_1057, %get3A_46 : vector<16xf32>
          %parallel_loop3A_1059 = arith.addf %parallel_loop3A_1056, %parallel_loop3A_1058 : vector<16xf32>
          %parallel_loop3A_1060 = vector.broadcast %parallel_loop3A_1047 : f32 to vector<16xf32>
          %parallel_loop3A_1061 = arith.mulf %parallel_loop3A_1060, %get3A_86 : vector<16xf32>
          %parallel_loop3A_1062 = arith.addf %parallel_loop3A_1059, %parallel_loop3A_1061 : vector<16xf32>
          %parallel_loop3A_1063 = vector.broadcast %parallel_loop3A_1049 : f32 to vector<16xf32>
          %parallel_loop3A_1064 = arith.mulf %parallel_loop3A_1063, %get3A_126 : vector<16xf32>
          %parallel_loop3A_1065 = arith.addf %parallel_loop3A_1062, %parallel_loop3A_1064 : vector<16xf32>
          %parallel_loop3A_1066 = arith.constant 120 : i32
          %parallel_loop3A_1067 = arith.addi %parallel_loop3A_1066, %parallel_loop3A_429 : i32
          %parallel_loop3A_1068 = arith.index_cast %parallel_loop3A_1067 : i32 to index
          %parallel_loop3A_1069 = arith.constant 0 : index
          %parallel_loop3A_1070 = tpu.vector_load %arg11[%parallel_loop3A_1068, %parallel_loop3A_1069] {strides = array<i32>} : memref<160x128xf32, #tpu.memory_space<vmem>>, vector<1x16xf32>,
          %parallel_loop3A_1071 = vector.shape_cast %parallel_loop3A_1070 : vector<1x16xf32> to vector<16xf32>
          %parallel_loop3A_1072 = vector.shape_cast %parallel_loop3A_1065 : vector<16xf32> to vector<1x16xf32>
          tpu.vector_store %arg11[%parallel_loop3A_1068, %parallel_loop3A_1069], %parallel_loop3A_1072 {strides = array<i32>} : memref<160x128xf32, #tpu.memory_space<vmem>>, vector<1x16xf32>,
          %parallel_loop3A_1073 = arith.index_cast %parallel_loop3A_1041 : i32 to index
          %parallel_loop3A_1074 = arith.constant 16 : index
          %parallel_loop3A_1075 = tpu.vector_load %arg7[%parallel_loop3A_1073, %parallel_loop3A_1074] {strides = array<i32>} : memref<10x128xf32, #tpu.memory_space<vmem>>, vector<1x16xf32>,
          %parallel_loop3A_1076 = vector.shape_cast %parallel_loop3A_1075 : vector<1x16xf32> to vector<16xf32>
          %parallel_loop3A_1077 = vector.broadcast %parallel_loop3A_1043 : f32 to vector<16xf32>
          %parallel_loop3A_1078 = arith.mulf %parallel_loop3A_1077, %get3A_11 : vector<16xf32>
          %parallel_loop3A_1079 = arith.addf %parallel_loop3A_1076, %parallel_loop3A_1078 : vector<16xf32>
          %parallel_loop3A_1080 = vector.broadcast %parallel_loop3A_1045 : f32 to vector<16xf32>
          %parallel_loop3A_1081 = arith.mulf %parallel_loop3A_1080, %get3A_51 : vector<16xf32>
          %parallel_loop3A_1082 = arith.addf %parallel_loop3A_1079, %parallel_loop3A_1081 : vector<16xf32>
          %parallel_loop3A_1083 = vector.broadcast %parallel_loop3A_1047 : f32 to vector<16xf32>
          %parallel_loop3A_1084 = arith.mulf %parallel_loop3A_1083, %get3A_91 : vector<16xf32>
          %parallel_loop3A_1085 = arith.addf %parallel_loop3A_1082, %parallel_loop3A_1084 : vector<16xf32>
          %parallel_loop3A_1086 = vector.broadcast %parallel_loop3A_1049 : f32 to vector<16xf32>
          %parallel_loop3A_1087 = arith.mulf %parallel_loop3A_1086, %get3A_131 : vector<16xf32>
          %parallel_loop3A_1088 = arith.addf %parallel_loop3A_1085, %parallel_loop3A_1087 : vector<16xf32>
          %parallel_loop3A_1089 = arith.constant 120 : i32
          %parallel_loop3A_1090 = arith.addi %parallel_loop3A_1089, %parallel_loop3A_429 : i32
          %parallel_loop3A_1091 = arith.index_cast %parallel_loop3A_1090 : i32 to index
          %parallel_loop3A_1092 = arith.constant 16 : index
          %parallel_loop3A_1093 = tpu.vector_load %arg11[%parallel_loop3A_1091, %parallel_loop3A_1092] {strides = array<i32>} : memref<160x128xf32, #tpu.memory_space<vmem>>, vector<1x16xf32>,
          %parallel_loop3A_1094 = vector.shape_cast %parallel_loop3A_1093 : vector<1x16xf32> to vector<16xf32>
          %parallel_loop3A_1095 = vector.shape_cast %parallel_loop3A_1088 : vector<16xf32> to vector<1x16xf32>
          tpu.vector_store %arg11[%parallel_loop3A_1091, %parallel_loop3A_1092], %parallel_loop3A_1095 {strides = array<i32>} : memref<160x128xf32, #tpu.memory_space<vmem>>, vector<1x16xf32>,
          %parallel_loop3A_1096 = arith.index_cast %parallel_loop3A_1041 : i32 to index
          %parallel_loop3A_1097 = arith.constant 32 : index
          %parallel_loop3A_1098 = tpu.vector_load %arg7[%parallel_loop3A_1096, %parallel_loop3A_1097] {strides = array<i32>} : memref<10x128xf32, #tpu.memory_space<vmem>>, vector<1x16xf32>,
          %parallel_loop3A_1099 = vector.shape_cast %parallel_loop3A_1098 : vector<1x16xf32> to vector<16xf32>
          %parallel_loop3A_1100 = vector.broadcast %parallel_loop3A_1043 : f32 to vector<16xf32>
          %parallel_loop3A_1101 = arith.mulf %parallel_loop3A_1100, %get3A_16 : vector<16xf32>
          %parallel_loop3A_1102 = arith.addf %parallel_loop3A_1099, %parallel_loop3A_1101 : vector<16xf32>
          %parallel_loop3A_1103 = vector.broadcast %parallel_loop3A_1045 : f32 to vector<16xf32>
          %parallel_loop3A_1104 = arith.mulf %parallel_loop3A_1103, %get3A_56 : vector<16xf32>
          %parallel_loop3A_1105 = arith.addf %parallel_loop3A_1102, %parallel_loop3A_1104 : vector<16xf32>
          %parallel_loop3A_1106 = vector.broadcast %parallel_loop3A_1047 : f32 to vector<16xf32>
          %parallel_loop3A_1107 = arith.mulf %parallel_loop3A_1106, %get3A_96 : vector<16xf32>
          %parallel_loop3A_1108 = arith.addf %parallel_loop3A_1105, %parallel_loop3A_1107 : vector<16xf32>
          %parallel_loop3A_1109 = vector.broadcast %parallel_loop3A_1049 : f32 to vector<16xf32>
          %parallel_loop3A_1110 = arith.mulf %parallel_loop3A_1109, %get3A_136 : vector<16xf32>
          %parallel_loop3A_1111 = arith.addf %parallel_loop3A_1108, %parallel_loop3A_1110 : vector<16xf32>
          %parallel_loop3A_1112 = arith.constant 120 : i32
          %parallel_loop3A_1113 = arith.addi %parallel_loop3A_1112, %parallel_loop3A_429 : i32
          %parallel_loop3A_1114 = arith.index_cast %parallel_loop3A_1113 : i32 to index
          %parallel_loop3A_1115 = arith.constant 32 : index
          %parallel_loop3A_1116 = tpu.vector_load %arg11[%parallel_loop3A_1114, %parallel_loop3A_1115] {strides = array<i32>} : memref<160x128xf32, #tpu.memory_space<vmem>>, vector<1x16xf32>,
          %parallel_loop3A_1117 = vector.shape_cast %parallel_loop3A_1116 : vector<1x16xf32> to vector<16xf32>
          %parallel_loop3A_1118 = vector.shape_cast %parallel_loop3A_1111 : vector<16xf32> to vector<1x16xf32>
          tpu.vector_store %arg11[%parallel_loop3A_1114, %parallel_loop3A_1115], %parallel_loop3A_1118 {strides = array<i32>} : memref<160x128xf32, #tpu.memory_space<vmem>>, vector<1x16xf32>,
          %parallel_loop3A_1119 = arith.index_cast %parallel_loop3A_1041 : i32 to index
          %parallel_loop3A_1120 = arith.constant 48 : index
          %parallel_loop3A_1121 = tpu.vector_load %arg7[%parallel_loop3A_1119, %parallel_loop3A_1120] {strides = array<i32>} : memref<10x128xf32, #tpu.memory_space<vmem>>, vector<1x16xf32>,
          %parallel_loop3A_1122 = vector.shape_cast %parallel_loop3A_1121 : vector<1x16xf32> to vector<16xf32>
          %parallel_loop3A_1123 = vector.broadcast %parallel_loop3A_1043 : f32 to vector<16xf32>
          %parallel_loop3A_1124 = arith.mulf %parallel_loop3A_1123, %get3A_21 : vector<16xf32>
          %parallel_loop3A_1125 = arith.addf %parallel_loop3A_1122, %parallel_loop3A_1124 : vector<16xf32>
          %parallel_loop3A_1126 = vector.broadcast %parallel_loop3A_1045 : f32 to vector<16xf32>
          %parallel_loop3A_1127 = arith.mulf %parallel_loop3A_1126, %get3A_61 : vector<16xf32>
          %parallel_loop3A_1128 = arith.addf %parallel_loop3A_1125, %parallel_loop3A_1127 : vector<16xf32>
          %parallel_loop3A_1129 = vector.broadcast %parallel_loop3A_1047 : f32 to vector<16xf32>
          %parallel_loop3A_1130 = arith.mulf %parallel_loop3A_1129, %get3A_101 : vector<16xf32>
          %parallel_loop3A_1131 = arith.addf %parallel_loop3A_1128, %parallel_loop3A_1130 : vector<16xf32>
          %parallel_loop3A_1132 = vector.broadcast %parallel_loop3A_1049 : f32 to vector<16xf32>
          %parallel_loop3A_1133 = arith.mulf %parallel_loop3A_1132, %get3A_141 : vector<16xf32>
          %parallel_loop3A_1134 = arith.addf %parallel_loop3A_1131, %parallel_loop3A_1133 : vector<16xf32>
          %parallel_loop3A_1135 = arith.constant 120 : i32
          %parallel_loop3A_1136 = arith.addi %parallel_loop3A_1135, %parallel_loop3A_429 : i32
          %parallel_loop3A_1137 = arith.index_cast %parallel_loop3A_1136 : i32 to index
          %parallel_loop3A_1138 = arith.constant 48 : index
          %parallel_loop3A_1139 = tpu.vector_load %arg11[%parallel_loop3A_1137, %parallel_loop3A_1138] {strides = array<i32>} : memref<160x128xf32, #tpu.memory_space<vmem>>, vector<1x16xf32>,
          %parallel_loop3A_1140 = vector.shape_cast %parallel_loop3A_1139 : vector<1x16xf32> to vector<16xf32>
          %parallel_loop3A_1141 = vector.shape_cast %parallel_loop3A_1134 : vector<16xf32> to vector<1x16xf32>
          tpu.vector_store %arg11[%parallel_loop3A_1137, %parallel_loop3A_1138], %parallel_loop3A_1141 {strides = array<i32>} : memref<160x128xf32, #tpu.memory_space<vmem>>, vector<1x16xf32>,
          %parallel_loop3A_1142 = arith.index_cast %parallel_loop3A_1041 : i32 to index
          %parallel_loop3A_1143 = arith.constant 64 : index
          %parallel_loop3A_1144 = tpu.vector_load %arg7[%parallel_loop3A_1142, %parallel_loop3A_1143] {strides = array<i32>} : memref<10x128xf32, #tpu.memory_space<vmem>>, vector<1x16xf32>,
          %parallel_loop3A_1145 = vector.shape_cast %parallel_loop3A_1144 : vector<1x16xf32> to vector<16xf32>
          %parallel_loop3A_1146 = vector.broadcast %parallel_loop3A_1043 : f32 to vector<16xf32>
          %parallel_loop3A_1147 = arith.mulf %parallel_loop3A_1146, %get3A_26 : vector<16xf32>
          %parallel_loop3A_1148 = arith.addf %parallel_loop3A_1145, %parallel_loop3A_1147 : vector<16xf32>
          %parallel_loop3A_1149 = vector.broadcast %parallel_loop3A_1045 : f32 to vector<16xf32>
          %parallel_loop3A_1150 = arith.mulf %parallel_loop3A_1149, %get3A_66 : vector<16xf32>
          %parallel_loop3A_1151 = arith.addf %parallel_loop3A_1148, %parallel_loop3A_1150 : vector<16xf32>
          %parallel_loop3A_1152 = vector.broadcast %parallel_loop3A_1047 : f32 to vector<16xf32>
          %parallel_loop3A_1153 = arith.mulf %parallel_loop3A_1152, %get3A_106 : vector<16xf32>
          %parallel_loop3A_1154 = arith.addf %parallel_loop3A_1151, %parallel_loop3A_1153 : vector<16xf32>
          %parallel_loop3A_1155 = vector.broadcast %parallel_loop3A_1049 : f32 to vector<16xf32>
          %parallel_loop3A_1156 = arith.mulf %parallel_loop3A_1155, %get3A_146 : vector<16xf32>
          %parallel_loop3A_1157 = arith.addf %parallel_loop3A_1154, %parallel_loop3A_1156 : vector<16xf32>
          %parallel_loop3A_1158 = arith.constant 120 : i32
          %parallel_loop3A_1159 = arith.addi %parallel_loop3A_1158, %parallel_loop3A_429 : i32
          %parallel_loop3A_1160 = arith.index_cast %parallel_loop3A_1159 : i32 to index
          %parallel_loop3A_1161 = arith.constant 64 : index
          %parallel_loop3A_1162 = tpu.vector_load %arg11[%parallel_loop3A_1160, %parallel_loop3A_1161] {strides = array<i32>} : memref<160x128xf32, #tpu.memory_space<vmem>>, vector<1x16xf32>,
          %parallel_loop3A_1163 = vector.shape_cast %parallel_loop3A_1162 : vector<1x16xf32> to vector<16xf32>
          %parallel_loop3A_1164 = vector.shape_cast %parallel_loop3A_1157 : vector<16xf32> to vector<1x16xf32>
          tpu.vector_store %arg11[%parallel_loop3A_1160, %parallel_loop3A_1161], %parallel_loop3A_1164 {strides = array<i32>} : memref<160x128xf32, #tpu.memory_space<vmem>>, vector<1x16xf32>,
          %parallel_loop3A_1165 = arith.index_cast %parallel_loop3A_1041 : i32 to index
          %parallel_loop3A_1166 = arith.constant 80 : index
          %parallel_loop3A_1167 = tpu.vector_load %arg7[%parallel_loop3A_1165, %parallel_loop3A_1166] {strides = array<i32>} : memref<10x128xf32, #tpu.memory_space<vmem>>, vector<1x16xf32>,
          %parallel_loop3A_1168 = vector.shape_cast %parallel_loop3A_1167 : vector<1x16xf32> to vector<16xf32>
          %parallel_loop3A_1169 = vector.broadcast %parallel_loop3A_1043 : f32 to vector<16xf32>
          %parallel_loop3A_1170 = arith.mulf %parallel_loop3A_1169, %get3A_31 : vector<16xf32>
          %parallel_loop3A_1171 = arith.addf %parallel_loop3A_1168, %parallel_loop3A_1170 : vector<16xf32>
          %parallel_loop3A_1172 = vector.broadcast %parallel_loop3A_1045 : f32 to vector<16xf32>
          %parallel_loop3A_1173 = arith.mulf %parallel_loop3A_1172, %get3A_71 : vector<16xf32>
          %parallel_loop3A_1174 = arith.addf %parallel_loop3A_1171, %parallel_loop3A_1173 : vector<16xf32>
          %parallel_loop3A_1175 = vector.broadcast %parallel_loop3A_1047 : f32 to vector<16xf32>
          %parallel_loop3A_1176 = arith.mulf %parallel_loop3A_1175, %get3A_111 : vector<16xf32>
          %parallel_loop3A_1177 = arith.addf %parallel_loop3A_1174, %parallel_loop3A_1176 : vector<16xf32>
          %parallel_loop3A_1178 = vector.broadcast %parallel_loop3A_1049 : f32 to vector<16xf32>
          %parallel_loop3A_1179 = arith.mulf %parallel_loop3A_1178, %get3A_151 : vector<16xf32>
          %parallel_loop3A_1180 = arith.addf %parallel_loop3A_1177, %parallel_loop3A_1179 : vector<16xf32>
          %parallel_loop3A_1181 = arith.constant 120 : i32
          %parallel_loop3A_1182 = arith.addi %parallel_loop3A_1181, %parallel_loop3A_429 : i32
          %parallel_loop3A_1183 = arith.index_cast %parallel_loop3A_1182 : i32 to index
          %parallel_loop3A_1184 = arith.constant 80 : index
          %parallel_loop3A_1185 = tpu.vector_load %arg11[%parallel_loop3A_1183, %parallel_loop3A_1184] {strides = array<i32>} : memref<160x128xf32, #tpu.memory_space<vmem>>, vector<1x16xf32>,
          %parallel_loop3A_1186 = vector.shape_cast %parallel_loop3A_1185 : vector<1x16xf32> to vector<16xf32>
          %parallel_loop3A_1187 = vector.shape_cast %parallel_loop3A_1180 : vector<16xf32> to vector<1x16xf32>
          tpu.vector_store %arg11[%parallel_loop3A_1183, %parallel_loop3A_1184], %parallel_loop3A_1187 {strides = array<i32>} : memref<160x128xf32, #tpu.memory_space<vmem>>, vector<1x16xf32>,
          %parallel_loop3A_1188 = arith.index_cast %parallel_loop3A_1041 : i32 to index
          %parallel_loop3A_1189 = arith.constant 96 : index
          %parallel_loop3A_1190 = tpu.vector_load %arg7[%parallel_loop3A_1188, %parallel_loop3A_1189] {strides = array<i32>} : memref<10x128xf32, #tpu.memory_space<vmem>>, vector<1x16xf32>,
          %parallel_loop3A_1191 = vector.shape_cast %parallel_loop3A_1190 : vector<1x16xf32> to vector<16xf32>
          %parallel_loop3A_1192 = vector.broadcast %parallel_loop3A_1043 : f32 to vector<16xf32>
          %parallel_loop3A_1193 = arith.mulf %parallel_loop3A_1192, %get3A_36 : vector<16xf32>
          %parallel_loop3A_1194 = arith.addf %parallel_loop3A_1191, %parallel_loop3A_1193 : vector<16xf32>
          %parallel_loop3A_1195 = vector.broadcast %parallel_loop3A_1045 : f32 to vector<16xf32>
          %parallel_loop3A_1196 = arith.mulf %parallel_loop3A_1195, %get3A_76 : vector<16xf32>
          %parallel_loop3A_1197 = arith.addf %parallel_loop3A_1194, %parallel_loop3A_1196 : vector<16xf32>
          %parallel_loop3A_1198 = vector.broadcast %parallel_loop3A_1047 : f32 to vector<16xf32>
          %parallel_loop3A_1199 = arith.mulf %parallel_loop3A_1198, %get3A_116 : vector<16xf32>
          %parallel_loop3A_1200 = arith.addf %parallel_loop3A_1197, %parallel_loop3A_1199 : vector<16xf32>
          %parallel_loop3A_1201 = vector.broadcast %parallel_loop3A_1049 : f32 to vector<16xf32>
          %parallel_loop3A_1202 = arith.mulf %parallel_loop3A_1201, %get3A_156 : vector<16xf32>
          %parallel_loop3A_1203 = arith.addf %parallel_loop3A_1200, %parallel_loop3A_1202 : vector<16xf32>
          %parallel_loop3A_1204 = arith.constant 120 : i32
          %parallel_loop3A_1205 = arith.addi %parallel_loop3A_1204, %parallel_loop3A_429 : i32
          %parallel_loop3A_1206 = arith.index_cast %parallel_loop3A_1205 : i32 to index
          %parallel_loop3A_1207 = arith.constant 96 : index
          %parallel_loop3A_1208 = tpu.vector_load %arg11[%parallel_loop3A_1206, %parallel_loop3A_1207] {strides = array<i32>} : memref<160x128xf32, #tpu.memory_space<vmem>>, vector<1x16xf32>,
          %parallel_loop3A_1209 = vector.shape_cast %parallel_loop3A_1208 : vector<1x16xf32> to vector<16xf32>
          %parallel_loop3A_1210 = vector.shape_cast %parallel_loop3A_1203 : vector<16xf32> to vector<1x16xf32>
          tpu.vector_store %arg11[%parallel_loop3A_1206, %parallel_loop3A_1207], %parallel_loop3A_1210 {strides = array<i32>} : memref<160x128xf32, #tpu.memory_space<vmem>>, vector<1x16xf32>,
          %parallel_loop3A_1211 = arith.index_cast %parallel_loop3A_1041 : i32 to index
          %parallel_loop3A_1212 = arith.constant 112 : index
          %parallel_loop3A_1213 = tpu.vector_load %arg7[%parallel_loop3A_1211, %parallel_loop3A_1212] {strides = array<i32>} : memref<10x128xf32, #tpu.memory_space<vmem>>, vector<1x16xf32>,
          %parallel_loop3A_1214 = vector.shape_cast %parallel_loop3A_1213 : vector<1x16xf32> to vector<16xf32>
          %parallel_loop3A_1215 = vector.broadcast %parallel_loop3A_1043 : f32 to vector<16xf32>
          %parallel_loop3A_1216 = arith.mulf %parallel_loop3A_1215, %get3A_41 : vector<16xf32>
          %parallel_loop3A_1217 = arith.addf %parallel_loop3A_1214, %parallel_loop3A_1216 : vector<16xf32>
          %parallel_loop3A_1218 = vector.broadcast %parallel_loop3A_1045 : f32 to vector<16xf32>
          %parallel_loop3A_1219 = arith.mulf %parallel_loop3A_1218, %get3A_81 : vector<16xf32>
          %parallel_loop3A_1220 = arith.addf %parallel_loop3A_1217, %parallel_loop3A_1219 : vector<16xf32>
          %parallel_loop3A_1221 = vector.broadcast %parallel_loop3A_1047 : f32 to vector<16xf32>
          %parallel_loop3A_1222 = arith.mulf %parallel_loop3A_1221, %get3A_121 : vector<16xf32>
          %parallel_loop3A_1223 = arith.addf %parallel_loop3A_1220, %parallel_loop3A_1222 : vector<16xf32>
          %parallel_loop3A_1224 = vector.broadcast %parallel_loop3A_1049 : f32 to vector<16xf32>
          %parallel_loop3A_1225 = arith.mulf %parallel_loop3A_1224, %get3A_161 : vector<16xf32>
          %parallel_loop3A_1226 = arith.addf %parallel_loop3A_1223, %parallel_loop3A_1225 : vector<16xf32>
          %parallel_loop3A_1227 = arith.constant 120 : i32
          %parallel_loop3A_1228 = arith.addi %parallel_loop3A_1227, %parallel_loop3A_429 : i32
          %parallel_loop3A_1229 = arith.index_cast %parallel_loop3A_1228 : i32 to index
          %parallel_loop3A_1230 = arith.constant 112 : index
          %parallel_loop3A_1231 = tpu.vector_load %arg11[%parallel_loop3A_1229, %parallel_loop3A_1230] {strides = array<i32>} : memref<160x128xf32, #tpu.memory_space<vmem>>, vector<1x16xf32>,
          %parallel_loop3A_1232 = vector.shape_cast %parallel_loop3A_1231 : vector<1x16xf32> to vector<16xf32>
          %parallel_loop3A_1233 = vector.shape_cast %parallel_loop3A_1226 : vector<16xf32> to vector<1x16xf32>
          tpu.vector_store %arg11[%parallel_loop3A_1229, %parallel_loop3A_1230], %parallel_loop3A_1233 {strides = array<i32>} : memref<160x128xf32, #tpu.memory_space<vmem>>, vector<1x16xf32>,
        } {sc.loop_unroll_factor = 1 : i64, sc.parallel_access}
        %add3A_285 = arith.addi %mul3A_2, %mul3A_277 : i32
        %add3A_286 = arith.constant 0 : i32
        %add3A_287 = arith.addi %add3A_285, %add3A_286 : i32
        %mul3A_288 = arith.constant 200 : i32
        %mul3A_289 = arith.muli %add3A_287, %mul3A_288 : i32
        %add3A_290 = arith.addi %mul3A_289, %mul3A_264 : i32
        %dma_start3A = arith.constant 0 : i32
        %dma_start3A_291 = arith.constant 0 : i32
        %dma_start3A_292 = tpu.memref_slice %arg11[%dma_start3A, %dma_start3A_291] : memref<160x128xf32, #tpu.memory_space<vmem>> -> memref<40x128xf32, #tpu.memory_space<vmem>>
        %dma_start3A_293 = arith.constant 0 : i32
        %dma_start3A_294 = tpu.memref_slice %arg6[%add3A_290, %dma_start3A_293] : memref<819200x128xf32, #tpu.memory_space<hbm>> -> memref<40x128xf32, #tpu.memory_space<hbm>>
        %dma_start3A_295 = arith.constant 0 : i32
        %dma_start3A_296 = tpu.memref_slice %arg6[%add3A_290, %dma_start3A_295] : memref<819200x128xf32, #tpu.memory_space<hbm>> -> memref<40x128xf32, #tpu.memory_space<hbm>>
        %dma_start3A_297 = arith.constant 0 : i32
        %dma_start3A_298 = arith.constant 0 : i32
        %dma_start3A_299 = tpu.memref_slice %arg11[%dma_start3A_297, %dma_start3A_298] : memref<160x128xf32, #tpu.memory_space<vmem>> -> memref<40x128xf32, #tpu.memory_space<vmem>>
        tpu.enqueue_dma source(%dma_start3A_299 : memref<40x128xf32, #tpu.memory_space<vmem>>) target(%dma_start3A_296 : memref<40x128xf32, #tpu.memory_space<hbm>>) target_semaphore(%arg13 : memref<!tpu.dma_semaphore, #tpu.memory_space<semaphore_mem>>)
        %add3A_300 = arith.addi %mul3A_2, %mul3A_277 : i32
        %add3A_301 = arith.constant 1 : i32
        %add3A_302 = arith.addi %add3A_300, %add3A_301 : i32
        %mul3A_303 = arith.constant 200 : i32
        %mul3A_304 = arith.muli %add3A_302, %mul3A_303 : i32
        %add3A_305 = arith.addi %mul3A_304, %mul3A_264 : i32
        %dma_start3A_306 = arith.constant 40 : i32
        %dma_start3A_307 = arith.constant 0 : i32
        %dma_start3A_308 = tpu.memref_slice %arg11[%dma_start3A_306, %dma_start3A_307] : memref<160x128xf32, #tpu.memory_space<vmem>> -> memref<40x128xf32, #tpu.memory_space<vmem>>
        %dma_start3A_309 = arith.constant 0 : i32
        %dma_start3A_310 = tpu.memref_slice %arg6[%add3A_305, %dma_start3A_309] : memref<819200x128xf32, #tpu.memory_space<hbm>> -> memref<40x128xf32, #tpu.memory_space<hbm>>
        %dma_start3A_311 = arith.constant 0 : i32
        %dma_start3A_312 = tpu.memref_slice %arg6[%add3A_305, %dma_start3A_311] : memref<819200x128xf32, #tpu.memory_space<hbm>> -> memref<40x128xf32, #tpu.memory_space<hbm>>
        %dma_start3A_313 = arith.constant 40 : i32
        %dma_start3A_314 = arith.constant 0 : i32
        %dma_start3A_315 = tpu.memref_slice %arg11[%dma_start3A_313, %dma_start3A_314] : memref<160x128xf32, #tpu.memory_space<vmem>> -> memref<40x128xf32, #tpu.memory_space<vmem>>
        tpu.enqueue_dma source(%dma_start3A_315 : memref<40x128xf32, #tpu.memory_space<vmem>>) target(%dma_start3A_312 : memref<40x128xf32, #tpu.memory_space<hbm>>) target_semaphore(%arg13 : memref<!tpu.dma_semaphore, #tpu.memory_space<semaphore_mem>>)
        %add3A_316 = arith.addi %mul3A_2, %mul3A_277 : i32
        %add3A_317 = arith.constant 2 : i32
        %add3A_318 = arith.addi %add3A_316, %add3A_317 : i32
        %mul3A_319 = arith.constant 200 : i32
        %mul3A_320 = arith.muli %add3A_318, %mul3A_319 : i32
        %add3A_321 = arith.addi %mul3A_320, %mul3A_264 : i32
        %dma_start3A_322 = arith.constant 80 : i32
        %dma_start3A_323 = arith.constant 0 : i32
        %dma_start3A_324 = tpu.memref_slice %arg11[%dma_start3A_322, %dma_start3A_323] : memref<160x128xf32, #tpu.memory_space<vmem>> -> memref<40x128xf32, #tpu.memory_space<vmem>>
        %dma_start3A_325 = arith.constant 0 : i32
        %dma_start3A_326 = tpu.memref_slice %arg6[%add3A_321, %dma_start3A_325] : memref<819200x128xf32, #tpu.memory_space<hbm>> -> memref<40x128xf32, #tpu.memory_space<hbm>>
        %dma_start3A_327 = arith.constant 0 : i32
        %dma_start3A_328 = tpu.memref_slice %arg6[%add3A_321, %dma_start3A_327] : memref<819200x128xf32, #tpu.memory_space<hbm>> -> memref<40x128xf32, #tpu.memory_space<hbm>>
        %dma_start3A_329 = arith.constant 80 : i32
        %dma_start3A_330 = arith.constant 0 : i32
        %dma_start3A_331 = tpu.memref_slice %arg11[%dma_start3A_329, %dma_start3A_330] : memref<160x128xf32, #tpu.memory_space<vmem>> -> memref<40x128xf32, #tpu.memory_space<vmem>>
        tpu.enqueue_dma source(%dma_start3A_331 : memref<40x128xf32, #tpu.memory_space<vmem>>) target(%dma_start3A_328 : memref<40x128xf32, #tpu.memory_space<hbm>>) target_semaphore(%arg13 : memref<!tpu.dma_semaphore, #tpu.memory_space<semaphore_mem>>)
        %add3A_332 = arith.addi %mul3A_2, %mul3A_277 : i32
        %add3A_333 = arith.constant 3 : i32
        %add3A_334 = arith.addi %add3A_332, %add3A_333 : i32
        %mul3A_335 = arith.constant 200 : i32
        %mul3A_336 = arith.muli %add3A_334, %mul3A_335 : i32
        %add3A_337 = arith.addi %mul3A_336, %mul3A_264 : i32
        %dma_start3A_338 = arith.constant 120 : i32
        %dma_start3A_339 = arith.constant 0 : i32
        %dma_start3A_340 = tpu.memref_slice %arg11[%dma_start3A_338, %dma_start3A_339] : memref<160x128xf32, #tpu.memory_space<vmem>> -> memref<40x128xf32, #tpu.memory_space<vmem>>
        %dma_start3A_341 = arith.constant 0 : i32
        %dma_start3A_342 = tpu.memref_slice %arg6[%add3A_337, %dma_start3A_341] : memref<819200x128xf32, #tpu.memory_space<hbm>> -> memref<40x128xf32, #tpu.memory_space<hbm>>
        %dma_start3A_343 = arith.constant 0 : i32
        %dma_start3A_344 = tpu.memref_slice %arg6[%add3A_337, %dma_start3A_343] : memref<819200x128xf32, #tpu.memory_space<hbm>> -> memref<40x128xf32, #tpu.memory_space<hbm>>
        %dma_start3A_345 = arith.constant 120 : i32
        %dma_start3A_346 = arith.constant 0 : i32
        %dma_start3A_347 = tpu.memref_slice %arg11[%dma_start3A_345, %dma_start3A_346] : memref<160x128xf32, #tpu.memory_space<vmem>> -> memref<40x128xf32, #tpu.memory_space<vmem>>
        tpu.enqueue_dma source(%dma_start3A_347 : memref<40x128xf32, #tpu.memory_space<vmem>>) target(%dma_start3A_344 : memref<40x128xf32, #tpu.memory_space<hbm>>) target_semaphore(%arg13 : memref<!tpu.dma_semaphore, #tpu.memory_space<semaphore_mem>>)
        %mul3A_348 = arith.constant 2 : i32
        %mul3A_349 = arith.muli %mul3A_348, %scan3A_271 : i32
        %add3A_350 = arith.constant 1 : i32
        %add3A_351 = arith.addi %mul3A_349, %add3A_350 : i32
        %mul3A_352 = arith.constant 4 : i32
        %mul3A_353 = arith.muli %mul3A_352, %add3A_351 : i32
        %mul3A_354 = arith.constant 32 : i32
        %mul3A_355 = arith.muli %scan3A_262, %mul3A_354 : i32
        %add3A_356 = arith.addi %mul3A_355, %add3A_351 : i32
        %ge3A_357 = arith.constant 2 : i32
        %ge3A_358 = arith.cmpi sge, %add3A_356, %ge3A_357 : i32
        %convert_element_type3A_359 = arith.extui %ge3A_358 : i1 to i32
        %cond3A_360 = arith.constant 0 : i32
        %cond3A_361 = arith.cmpi ne, %convert_element_type3A_359, %cond3A_360 : i32
        scf.if %cond3A_361 {
          %dma_wait3A_429 = arith.constant 0 : i32
          %dma_wait3A_430 = arith.constant 0 : i32
          %dma_wait3A_431 = tpu.memref_slice %arg12[%dma_wait3A_429, %dma_wait3A_430] : memref<160x128xf32, #tpu.memory_space<vmem>> -> memref<40x128xf32, #tpu.memory_space<vmem>>
          %dma_wait3A_432 = arith.constant 0 : i32
          %dma_wait3A_433 = arith.constant 0 : i32
          %dma_wait3A_434 = tpu.memref_slice %arg6[%dma_wait3A_432, %dma_wait3A_433] : memref<819200x128xf32, #tpu.memory_space<hbm>> -> memref<40x128xf32, #tpu.memory_space<hbm>>
          %dma_wait3A_435 = arith.constant 0 : i32
          %dma_wait3A_436 = arith.constant 0 : i32
          %dma_wait3A_437 = tpu.memref_slice %arg6[%dma_wait3A_435, %dma_wait3A_436] : memref<819200x128xf32, #tpu.memory_space<hbm>> -> memref<40x128xf32, #tpu.memory_space<hbm>>
          %dma_wait3A_438 = arith.constant 0 : i32
          %dma_wait3A_439 = arith.constant 0 : i32
          %dma_wait3A_440 = tpu.memref_slice %arg12[%dma_wait3A_438, %dma_wait3A_439] : memref<160x128xf32, #tpu.memory_space<vmem>> -> memref<40x128xf32, #tpu.memory_space<vmem>>
          tpu.wait_dma2 semaphore(%arg14 : memref<!tpu.dma_semaphore, #tpu.memory_space<semaphore_mem>>) src(%dma_wait3A_440 : memref<40x128xf32, #tpu.memory_space<vmem>>) dst(%dma_wait3A_437 : memref<40x128xf32, #tpu.memory_space<hbm>>)
          %dma_wait3A_441 = arith.constant 40 : i32
          %dma_wait3A_442 = arith.constant 0 : i32
          %dma_wait3A_443 = tpu.memref_slice %arg12[%dma_wait3A_441, %dma_wait3A_442] : memref<160x128xf32, #tpu.memory_space<vmem>> -> memref<40x128xf32, #tpu.memory_space<vmem>>
          %dma_wait3A_444 = arith.constant 0 : i32
          %dma_wait3A_445 = arith.constant 0 : i32
          %dma_wait3A_446 = tpu.memref_slice %arg6[%dma_wait3A_444, %dma_wait3A_445] : memref<819200x128xf32, #tpu.memory_space<hbm>> -> memref<40x128xf32, #tpu.memory_space<hbm>>
          %dma_wait3A_447 = arith.constant 0 : i32
          %dma_wait3A_448 = arith.constant 0 : i32
          %dma_wait3A_449 = tpu.memref_slice %arg6[%dma_wait3A_447, %dma_wait3A_448] : memref<819200x128xf32, #tpu.memory_space<hbm>> -> memref<40x128xf32, #tpu.memory_space<hbm>>
          %dma_wait3A_450 = arith.constant 40 : i32
          %dma_wait3A_451 = arith.constant 0 : i32
          %dma_wait3A_452 = tpu.memref_slice %arg12[%dma_wait3A_450, %dma_wait3A_451] : memref<160x128xf32, #tpu.memory_space<vmem>> -> memref<40x128xf32, #tpu.memory_space<vmem>>
          tpu.wait_dma2 semaphore(%arg14 : memref<!tpu.dma_semaphore, #tpu.memory_space<semaphore_mem>>) src(%dma_wait3A_452 : memref<40x128xf32, #tpu.memory_space<vmem>>) dst(%dma_wait3A_449 : memref<40x128xf32, #tpu.memory_space<hbm>>)
          %dma_wait3A_453 = arith.constant 80 : i32
          %dma_wait3A_454 = arith.constant 0 : i32
          %dma_wait3A_455 = tpu.memref_slice %arg12[%dma_wait3A_453, %dma_wait3A_454] : memref<160x128xf32, #tpu.memory_space<vmem>> -> memref<40x128xf32, #tpu.memory_space<vmem>>
          %dma_wait3A_456 = arith.constant 0 : i32
          %dma_wait3A_457 = arith.constant 0 : i32
          %dma_wait3A_458 = tpu.memref_slice %arg6[%dma_wait3A_456, %dma_wait3A_457] : memref<819200x128xf32, #tpu.memory_space<hbm>> -> memref<40x128xf32, #tpu.memory_space<hbm>>
          %dma_wait3A_459 = arith.constant 0 : i32
          %dma_wait3A_460 = arith.constant 0 : i32
          %dma_wait3A_461 = tpu.memref_slice %arg6[%dma_wait3A_459, %dma_wait3A_460] : memref<819200x128xf32, #tpu.memory_space<hbm>> -> memref<40x128xf32, #tpu.memory_space<hbm>>
          %dma_wait3A_462 = arith.constant 80 : i32
          %dma_wait3A_463 = arith.constant 0 : i32
          %dma_wait3A_464 = tpu.memref_slice %arg12[%dma_wait3A_462, %dma_wait3A_463] : memref<160x128xf32, #tpu.memory_space<vmem>> -> memref<40x128xf32, #tpu.memory_space<vmem>>
          tpu.wait_dma2 semaphore(%arg14 : memref<!tpu.dma_semaphore, #tpu.memory_space<semaphore_mem>>) src(%dma_wait3A_464 : memref<40x128xf32, #tpu.memory_space<vmem>>) dst(%dma_wait3A_461 : memref<40x128xf32, #tpu.memory_space<hbm>>)
          %dma_wait3A_465 = arith.constant 120 : i32
          %dma_wait3A_466 = arith.constant 0 : i32
          %dma_wait3A_467 = tpu.memref_slice %arg12[%dma_wait3A_465, %dma_wait3A_466] : memref<160x128xf32, #tpu.memory_space<vmem>> -> memref<40x128xf32, #tpu.memory_space<vmem>>
          %dma_wait3A_468 = arith.constant 0 : i32
          %dma_wait3A_469 = arith.constant 0 : i32
          %dma_wait3A_470 = tpu.memref_slice %arg6[%dma_wait3A_468, %dma_wait3A_469] : memref<819200x128xf32, #tpu.memory_space<hbm>> -> memref<40x128xf32, #tpu.memory_space<hbm>>
          %dma_wait3A_471 = arith.constant 0 : i32
          %dma_wait3A_472 = arith.constant 0 : i32
          %dma_wait3A_473 = tpu.memref_slice %arg6[%dma_wait3A_471, %dma_wait3A_472] : memref<819200x128xf32, #tpu.memory_space<hbm>> -> memref<40x128xf32, #tpu.memory_space<hbm>>
          %dma_wait3A_474 = arith.constant 120 : i32
          %dma_wait3A_475 = arith.constant 0 : i32
          %dma_wait3A_476 = tpu.memref_slice %arg12[%dma_wait3A_474, %dma_wait3A_475] : memref<160x128xf32, #tpu.memory_space<vmem>> -> memref<40x128xf32, #tpu.memory_space<vmem>>
          tpu.wait_dma2 semaphore(%arg14 : memref<!tpu.dma_semaphore, #tpu.memory_space<semaphore_mem>>) src(%dma_wait3A_476 : memref<40x128xf32, #tpu.memory_space<vmem>>) dst(%dma_wait3A_473 : memref<40x128xf32, #tpu.memory_space<hbm>>)
        } else {
        }
        %parallel_loop3A_362 = arith.constant 0 : i32
        %parallel_loop3A_363 = arith.constant 40 : i32
        %parallel_loop3A_364 = arith.constant 1 : i32
        scf.for %parallel_loop3A_429 = %parallel_loop3A_362 to %parallel_loop3A_363 step %parallel_loop3A_364  : i32 {
          %parallel_loop3A_430 = arith.index_cast %parallel_loop3A_429 : i32 to index
          %parallel_loop3A_431 = arith.index_cast %mul3A_353 : i32 to index
          %parallel_loop3A_432 = tpu.vector_load %arg9[%parallel_loop3A_430, %parallel_loop3A_431] {strides = array<i32>} : memref<41x128xi32, #tpu.memory_space<vmem>>, vector<1x16xi32>,
          %parallel_loop3A_433 = vector.shape_cast %parallel_loop3A_432 : vector<1x16xi32> to vector<16xi32>
          %parallel_loop3A_434 = arith.constant 0 : i32
          %parallel_loop3A_435 = arith.index_cast %parallel_loop3A_429 : i32 to index
          %parallel_loop3A_436 = arith.index_cast %parallel_loop3A_434 : i32 to index
          %parallel_loop3A_437 = arith.index_cast %mul3A_353 : i32 to index
          %parallel_loop3A_438 = tpu.vector_load %arg10[%parallel_loop3A_435, %parallel_loop3A_436, %parallel_loop3A_437] {strides = array<i32>} : memref<41x4x128xf32, #tpu.memory_space<vmem>>, vector<1x1x16xf32>,
          %parallel_loop3A_439 = vector.shape_cast %parallel_loop3A_438 : vector<1x1x16xf32> to vector<16xf32>
          %parallel_loop3A_440 = arith.constant 1 : i32
          %parallel_loop3A_441 = arith.index_cast %parallel_loop3A_429 : i32 to index
          %parallel_loop3A_442 = arith.index_cast %parallel_loop3A_440 : i32 to index
          %parallel_loop3A_443 = arith.index_cast %mul3A_353 : i32 to index
          %parallel_loop3A_444 = tpu.vector_load %arg10[%parallel_loop3A_441, %parallel_loop3A_442, %parallel_loop3A_443] {strides = array<i32>} : memref<41x4x128xf32, #tpu.memory_space<vmem>>, vector<1x1x16xf32>,
          %parallel_loop3A_445 = vector.shape_cast %parallel_loop3A_444 : vector<1x1x16xf32> to vector<16xf32>
          %parallel_loop3A_446 = arith.constant 2 : i32
          %parallel_loop3A_447 = arith.index_cast %parallel_loop3A_429 : i32 to index
          %parallel_loop3A_448 = arith.index_cast %parallel_loop3A_446 : i32 to index
          %parallel_loop3A_449 = arith.index_cast %mul3A_353 : i32 to index
          %parallel_loop3A_450 = tpu.vector_load %arg10[%parallel_loop3A_447, %parallel_loop3A_448, %parallel_loop3A_449] {strides = array<i32>} : memref<41x4x128xf32, #tpu.memory_space<vmem>>, vector<1x1x16xf32>,
          %parallel_loop3A_451 = vector.shape_cast %parallel_loop3A_450 : vector<1x1x16xf32> to vector<16xf32>
          %parallel_loop3A_452 = arith.constant 3 : i32
          %parallel_loop3A_453 = arith.index_cast %parallel_loop3A_429 : i32 to index
          %parallel_loop3A_454 = arith.index_cast %parallel_loop3A_452 : i32 to index
          %parallel_loop3A_455 = arith.index_cast %mul3A_353 : i32 to index
          %parallel_loop3A_456 = tpu.vector_load %arg10[%parallel_loop3A_453, %parallel_loop3A_454, %parallel_loop3A_455] {strides = array<i32>} : memref<41x4x128xf32, #tpu.memory_space<vmem>>, vector<1x1x16xf32>,
          %parallel_loop3A_457 = vector.shape_cast %parallel_loop3A_456 : vector<1x1x16xf32> to vector<16xf32>
          %parallel_loop3A_458 = vector.extract_strided_slice %parallel_loop3A_433 {offsets = [0], sizes = [1], strides = [1]} : vector<16xi32> to vector<1xi32>
          %parallel_loop3A_459 = vector.extract %parallel_loop3A_458[0] : i32 from vector<1xi32>
          %parallel_loop3A_460 = vector.extract_strided_slice %parallel_loop3A_439 {offsets = [0], sizes = [1], strides = [1]} : vector<16xf32> to vector<1xf32>
          %parallel_loop3A_461 = vector.extract %parallel_loop3A_460[0] : f32 from vector<1xf32>
          %parallel_loop3A_462 = vector.extract_strided_slice %parallel_loop3A_445 {offsets = [0], sizes = [1], strides = [1]} : vector<16xf32> to vector<1xf32>
          %parallel_loop3A_463 = vector.extract %parallel_loop3A_462[0] : f32 from vector<1xf32>
          %parallel_loop3A_464 = vector.extract_strided_slice %parallel_loop3A_451 {offsets = [0], sizes = [1], strides = [1]} : vector<16xf32> to vector<1xf32>
          %parallel_loop3A_465 = vector.extract %parallel_loop3A_464[0] : f32 from vector<1xf32>
          %parallel_loop3A_466 = vector.extract_strided_slice %parallel_loop3A_457 {offsets = [0], sizes = [1], strides = [1]} : vector<16xf32> to vector<1xf32>
          %parallel_loop3A_467 = vector.extract %parallel_loop3A_466[0] : f32 from vector<1xf32>
          %parallel_loop3A_468 = arith.index_cast %parallel_loop3A_459 : i32 to index
          %parallel_loop3A_469 = arith.constant 0 : index
          %parallel_loop3A_470 = tpu.vector_load %arg7[%parallel_loop3A_468, %parallel_loop3A_469] {strides = array<i32>} : memref<10x128xf32, #tpu.memory_space<vmem>>, vector<1x16xf32>,
          %parallel_loop3A_471 = vector.shape_cast %parallel_loop3A_470 : vector<1x16xf32> to vector<16xf32>
          %parallel_loop3A_472 = vector.broadcast %parallel_loop3A_461 : f32 to vector<16xf32>
          %parallel_loop3A_473 = arith.mulf %parallel_loop3A_472, %get3A_6 : vector<16xf32>
          %parallel_loop3A_474 = arith.addf %parallel_loop3A_471, %parallel_loop3A_473 : vector<16xf32>
          %parallel_loop3A_475 = vector.broadcast %parallel_loop3A_463 : f32 to vector<16xf32>
          %parallel_loop3A_476 = arith.mulf %parallel_loop3A_475, %get3A_46 : vector<16xf32>
          %parallel_loop3A_477 = arith.addf %parallel_loop3A_474, %parallel_loop3A_476 : vector<16xf32>
          %parallel_loop3A_478 = vector.broadcast %parallel_loop3A_465 : f32 to vector<16xf32>
          %parallel_loop3A_479 = arith.mulf %parallel_loop3A_478, %get3A_86 : vector<16xf32>
          %parallel_loop3A_480 = arith.addf %parallel_loop3A_477, %parallel_loop3A_479 : vector<16xf32>
          %parallel_loop3A_481 = vector.broadcast %parallel_loop3A_467 : f32 to vector<16xf32>
          %parallel_loop3A_482 = arith.mulf %parallel_loop3A_481, %get3A_126 : vector<16xf32>
          %parallel_loop3A_483 = arith.addf %parallel_loop3A_480, %parallel_loop3A_482 : vector<16xf32>
          %parallel_loop3A_484 = arith.constant 0 : i32
          %parallel_loop3A_485 = arith.addi %parallel_loop3A_484, %parallel_loop3A_429 : i32
          %parallel_loop3A_486 = arith.index_cast %parallel_loop3A_485 : i32 to index
          %parallel_loop3A_487 = arith.constant 0 : index
          %parallel_loop3A_488 = tpu.vector_load %arg12[%parallel_loop3A_486, %parallel_loop3A_487] {strides = array<i32>} : memref<160x128xf32, #tpu.memory_space<vmem>>, vector<1x16xf32>,
          %parallel_loop3A_489 = vector.shape_cast %parallel_loop3A_488 : vector<1x16xf32> to vector<16xf32>
          %parallel_loop3A_490 = vector.shape_cast %parallel_loop3A_483 : vector<16xf32> to vector<1x16xf32>
          tpu.vector_store %arg12[%parallel_loop3A_486, %parallel_loop3A_487], %parallel_loop3A_490 {strides = array<i32>} : memref<160x128xf32, #tpu.memory_space<vmem>>, vector<1x16xf32>,
          %parallel_loop3A_491 = arith.index_cast %parallel_loop3A_459 : i32 to index
          %parallel_loop3A_492 = arith.constant 16 : index
          %parallel_loop3A_493 = tpu.vector_load %arg7[%parallel_loop3A_491, %parallel_loop3A_492] {strides = array<i32>} : memref<10x128xf32, #tpu.memory_space<vmem>>, vector<1x16xf32>,
          %parallel_loop3A_494 = vector.shape_cast %parallel_loop3A_493 : vector<1x16xf32> to vector<16xf32>
          %parallel_loop3A_495 = vector.broadcast %parallel_loop3A_461 : f32 to vector<16xf32>
          %parallel_loop3A_496 = arith.mulf %parallel_loop3A_495, %get3A_11 : vector<16xf32>
          %parallel_loop3A_497 = arith.addf %parallel_loop3A_494, %parallel_loop3A_496 : vector<16xf32>
          %parallel_loop3A_498 = vector.broadcast %parallel_loop3A_463 : f32 to vector<16xf32>
          %parallel_loop3A_499 = arith.mulf %parallel_loop3A_498, %get3A_51 : vector<16xf32>
          %parallel_loop3A_500 = arith.addf %parallel_loop3A_497, %parallel_loop3A_499 : vector<16xf32>
          %parallel_loop3A_501 = vector.broadcast %parallel_loop3A_465 : f32 to vector<16xf32>
          %parallel_loop3A_502 = arith.mulf %parallel_loop3A_501, %get3A_91 : vector<16xf32>
          %parallel_loop3A_503 = arith.addf %parallel_loop3A_500, %parallel_loop3A_502 : vector<16xf32>
          %parallel_loop3A_504 = vector.broadcast %parallel_loop3A_467 : f32 to vector<16xf32>
          %parallel_loop3A_505 = arith.mulf %parallel_loop3A_504, %get3A_131 : vector<16xf32>
          %parallel_loop3A_506 = arith.addf %parallel_loop3A_503, %parallel_loop3A_505 : vector<16xf32>
          %parallel_loop3A_507 = arith.constant 0 : i32
          %parallel_loop3A_508 = arith.addi %parallel_loop3A_507, %parallel_loop3A_429 : i32
          %parallel_loop3A_509 = arith.index_cast %parallel_loop3A_508 : i32 to index
          %parallel_loop3A_510 = arith.constant 16 : index
          %parallel_loop3A_511 = tpu.vector_load %arg12[%parallel_loop3A_509, %parallel_loop3A_510] {strides = array<i32>} : memref<160x128xf32, #tpu.memory_space<vmem>>, vector<1x16xf32>,
          %parallel_loop3A_512 = vector.shape_cast %parallel_loop3A_511 : vector<1x16xf32> to vector<16xf32>
          %parallel_loop3A_513 = vector.shape_cast %parallel_loop3A_506 : vector<16xf32> to vector<1x16xf32>
          tpu.vector_store %arg12[%parallel_loop3A_509, %parallel_loop3A_510], %parallel_loop3A_513 {strides = array<i32>} : memref<160x128xf32, #tpu.memory_space<vmem>>, vector<1x16xf32>,
          %parallel_loop3A_514 = arith.index_cast %parallel_loop3A_459 : i32 to index
          %parallel_loop3A_515 = arith.constant 32 : index
          %parallel_loop3A_516 = tpu.vector_load %arg7[%parallel_loop3A_514, %parallel_loop3A_515] {strides = array<i32>} : memref<10x128xf32, #tpu.memory_space<vmem>>, vector<1x16xf32>,
          %parallel_loop3A_517 = vector.shape_cast %parallel_loop3A_516 : vector<1x16xf32> to vector<16xf32>
          %parallel_loop3A_518 = vector.broadcast %parallel_loop3A_461 : f32 to vector<16xf32>
          %parallel_loop3A_519 = arith.mulf %parallel_loop3A_518, %get3A_16 : vector<16xf32>
          %parallel_loop3A_520 = arith.addf %parallel_loop3A_517, %parallel_loop3A_519 : vector<16xf32>
          %parallel_loop3A_521 = vector.broadcast %parallel_loop3A_463 : f32 to vector<16xf32>
          %parallel_loop3A_522 = arith.mulf %parallel_loop3A_521, %get3A_56 : vector<16xf32>
          %parallel_loop3A_523 = arith.addf %parallel_loop3A_520, %parallel_loop3A_522 : vector<16xf32>
          %parallel_loop3A_524 = vector.broadcast %parallel_loop3A_465 : f32 to vector<16xf32>
          %parallel_loop3A_525 = arith.mulf %parallel_loop3A_524, %get3A_96 : vector<16xf32>
          %parallel_loop3A_526 = arith.addf %parallel_loop3A_523, %parallel_loop3A_525 : vector<16xf32>
          %parallel_loop3A_527 = vector.broadcast %parallel_loop3A_467 : f32 to vector<16xf32>
          %parallel_loop3A_528 = arith.mulf %parallel_loop3A_527, %get3A_136 : vector<16xf32>
          %parallel_loop3A_529 = arith.addf %parallel_loop3A_526, %parallel_loop3A_528 : vector<16xf32>
          %parallel_loop3A_530 = arith.constant 0 : i32
          %parallel_loop3A_531 = arith.addi %parallel_loop3A_530, %parallel_loop3A_429 : i32
          %parallel_loop3A_532 = arith.index_cast %parallel_loop3A_531 : i32 to index
          %parallel_loop3A_533 = arith.constant 32 : index
          %parallel_loop3A_534 = tpu.vector_load %arg12[%parallel_loop3A_532, %parallel_loop3A_533] {strides = array<i32>} : memref<160x128xf32, #tpu.memory_space<vmem>>, vector<1x16xf32>,
          %parallel_loop3A_535 = vector.shape_cast %parallel_loop3A_534 : vector<1x16xf32> to vector<16xf32>
          %parallel_loop3A_536 = vector.shape_cast %parallel_loop3A_529 : vector<16xf32> to vector<1x16xf32>
          tpu.vector_store %arg12[%parallel_loop3A_532, %parallel_loop3A_533], %parallel_loop3A_536 {strides = array<i32>} : memref<160x128xf32, #tpu.memory_space<vmem>>, vector<1x16xf32>,
          %parallel_loop3A_537 = arith.index_cast %parallel_loop3A_459 : i32 to index
          %parallel_loop3A_538 = arith.constant 48 : index
          %parallel_loop3A_539 = tpu.vector_load %arg7[%parallel_loop3A_537, %parallel_loop3A_538] {strides = array<i32>} : memref<10x128xf32, #tpu.memory_space<vmem>>, vector<1x16xf32>,
          %parallel_loop3A_540 = vector.shape_cast %parallel_loop3A_539 : vector<1x16xf32> to vector<16xf32>
          %parallel_loop3A_541 = vector.broadcast %parallel_loop3A_461 : f32 to vector<16xf32>
          %parallel_loop3A_542 = arith.mulf %parallel_loop3A_541, %get3A_21 : vector<16xf32>
          %parallel_loop3A_543 = arith.addf %parallel_loop3A_540, %parallel_loop3A_542 : vector<16xf32>
          %parallel_loop3A_544 = vector.broadcast %parallel_loop3A_463 : f32 to vector<16xf32>
          %parallel_loop3A_545 = arith.mulf %parallel_loop3A_544, %get3A_61 : vector<16xf32>
          %parallel_loop3A_546 = arith.addf %parallel_loop3A_543, %parallel_loop3A_545 : vector<16xf32>
          %parallel_loop3A_547 = vector.broadcast %parallel_loop3A_465 : f32 to vector<16xf32>
          %parallel_loop3A_548 = arith.mulf %parallel_loop3A_547, %get3A_101 : vector<16xf32>
          %parallel_loop3A_549 = arith.addf %parallel_loop3A_546, %parallel_loop3A_548 : vector<16xf32>
          %parallel_loop3A_550 = vector.broadcast %parallel_loop3A_467 : f32 to vector<16xf32>
          %parallel_loop3A_551 = arith.mulf %parallel_loop3A_550, %get3A_141 : vector<16xf32>
          %parallel_loop3A_552 = arith.addf %parallel_loop3A_549, %parallel_loop3A_551 : vector<16xf32>
          %parallel_loop3A_553 = arith.constant 0 : i32
          %parallel_loop3A_554 = arith.addi %parallel_loop3A_553, %parallel_loop3A_429 : i32
          %parallel_loop3A_555 = arith.index_cast %parallel_loop3A_554 : i32 to index
          %parallel_loop3A_556 = arith.constant 48 : index
          %parallel_loop3A_557 = tpu.vector_load %arg12[%parallel_loop3A_555, %parallel_loop3A_556] {strides = array<i32>} : memref<160x128xf32, #tpu.memory_space<vmem>>, vector<1x16xf32>,
          %parallel_loop3A_558 = vector.shape_cast %parallel_loop3A_557 : vector<1x16xf32> to vector<16xf32>
          %parallel_loop3A_559 = vector.shape_cast %parallel_loop3A_552 : vector<16xf32> to vector<1x16xf32>
          tpu.vector_store %arg12[%parallel_loop3A_555, %parallel_loop3A_556], %parallel_loop3A_559 {strides = array<i32>} : memref<160x128xf32, #tpu.memory_space<vmem>>, vector<1x16xf32>,
          %parallel_loop3A_560 = arith.index_cast %parallel_loop3A_459 : i32 to index
          %parallel_loop3A_561 = arith.constant 64 : index
          %parallel_loop3A_562 = tpu.vector_load %arg7[%parallel_loop3A_560, %parallel_loop3A_561] {strides = array<i32>} : memref<10x128xf32, #tpu.memory_space<vmem>>, vector<1x16xf32>,
          %parallel_loop3A_563 = vector.shape_cast %parallel_loop3A_562 : vector<1x16xf32> to vector<16xf32>
          %parallel_loop3A_564 = vector.broadcast %parallel_loop3A_461 : f32 to vector<16xf32>
          %parallel_loop3A_565 = arith.mulf %parallel_loop3A_564, %get3A_26 : vector<16xf32>
          %parallel_loop3A_566 = arith.addf %parallel_loop3A_563, %parallel_loop3A_565 : vector<16xf32>
          %parallel_loop3A_567 = vector.broadcast %parallel_loop3A_463 : f32 to vector<16xf32>
          %parallel_loop3A_568 = arith.mulf %parallel_loop3A_567, %get3A_66 : vector<16xf32>
          %parallel_loop3A_569 = arith.addf %parallel_loop3A_566, %parallel_loop3A_568 : vector<16xf32>
          %parallel_loop3A_570 = vector.broadcast %parallel_loop3A_465 : f32 to vector<16xf32>
          %parallel_loop3A_571 = arith.mulf %parallel_loop3A_570, %get3A_106 : vector<16xf32>
          %parallel_loop3A_572 = arith.addf %parallel_loop3A_569, %parallel_loop3A_571 : vector<16xf32>
          %parallel_loop3A_573 = vector.broadcast %parallel_loop3A_467 : f32 to vector<16xf32>
          %parallel_loop3A_574 = arith.mulf %parallel_loop3A_573, %get3A_146 : vector<16xf32>
          %parallel_loop3A_575 = arith.addf %parallel_loop3A_572, %parallel_loop3A_574 : vector<16xf32>
          %parallel_loop3A_576 = arith.constant 0 : i32
          %parallel_loop3A_577 = arith.addi %parallel_loop3A_576, %parallel_loop3A_429 : i32
          %parallel_loop3A_578 = arith.index_cast %parallel_loop3A_577 : i32 to index
          %parallel_loop3A_579 = arith.constant 64 : index
          %parallel_loop3A_580 = tpu.vector_load %arg12[%parallel_loop3A_578, %parallel_loop3A_579] {strides = array<i32>} : memref<160x128xf32, #tpu.memory_space<vmem>>, vector<1x16xf32>,
          %parallel_loop3A_581 = vector.shape_cast %parallel_loop3A_580 : vector<1x16xf32> to vector<16xf32>
          %parallel_loop3A_582 = vector.shape_cast %parallel_loop3A_575 : vector<16xf32> to vector<1x16xf32>
          tpu.vector_store %arg12[%parallel_loop3A_578, %parallel_loop3A_579], %parallel_loop3A_582 {strides = array<i32>} : memref<160x128xf32, #tpu.memory_space<vmem>>, vector<1x16xf32>,
          %parallel_loop3A_583 = arith.index_cast %parallel_loop3A_459 : i32 to index
          %parallel_loop3A_584 = arith.constant 80 : index
          %parallel_loop3A_585 = tpu.vector_load %arg7[%parallel_loop3A_583, %parallel_loop3A_584] {strides = array<i32>} : memref<10x128xf32, #tpu.memory_space<vmem>>, vector<1x16xf32>,
          %parallel_loop3A_586 = vector.shape_cast %parallel_loop3A_585 : vector<1x16xf32> to vector<16xf32>
          %parallel_loop3A_587 = vector.broadcast %parallel_loop3A_461 : f32 to vector<16xf32>
          %parallel_loop3A_588 = arith.mulf %parallel_loop3A_587, %get3A_31 : vector<16xf32>
          %parallel_loop3A_589 = arith.addf %parallel_loop3A_586, %parallel_loop3A_588 : vector<16xf32>
          %parallel_loop3A_590 = vector.broadcast %parallel_loop3A_463 : f32 to vector<16xf32>
          %parallel_loop3A_591 = arith.mulf %parallel_loop3A_590, %get3A_71 : vector<16xf32>
          %parallel_loop3A_592 = arith.addf %parallel_loop3A_589, %parallel_loop3A_591 : vector<16xf32>
          %parallel_loop3A_593 = vector.broadcast %parallel_loop3A_465 : f32 to vector<16xf32>
          %parallel_loop3A_594 = arith.mulf %parallel_loop3A_593, %get3A_111 : vector<16xf32>
          %parallel_loop3A_595 = arith.addf %parallel_loop3A_592, %parallel_loop3A_594 : vector<16xf32>
          %parallel_loop3A_596 = vector.broadcast %parallel_loop3A_467 : f32 to vector<16xf32>
          %parallel_loop3A_597 = arith.mulf %parallel_loop3A_596, %get3A_151 : vector<16xf32>
          %parallel_loop3A_598 = arith.addf %parallel_loop3A_595, %parallel_loop3A_597 : vector<16xf32>
          %parallel_loop3A_599 = arith.constant 0 : i32
          %parallel_loop3A_600 = arith.addi %parallel_loop3A_599, %parallel_loop3A_429 : i32
          %parallel_loop3A_601 = arith.index_cast %parallel_loop3A_600 : i32 to index
          %parallel_loop3A_602 = arith.constant 80 : index
          %parallel_loop3A_603 = tpu.vector_load %arg12[%parallel_loop3A_601, %parallel_loop3A_602] {strides = array<i32>} : memref<160x128xf32, #tpu.memory_space<vmem>>, vector<1x16xf32>,
          %parallel_loop3A_604 = vector.shape_cast %parallel_loop3A_603 : vector<1x16xf32> to vector<16xf32>
          %parallel_loop3A_605 = vector.shape_cast %parallel_loop3A_598 : vector<16xf32> to vector<1x16xf32>
          tpu.vector_store %arg12[%parallel_loop3A_601, %parallel_loop3A_602], %parallel_loop3A_605 {strides = array<i32>} : memref<160x128xf32, #tpu.memory_space<vmem>>, vector<1x16xf32>,
          %parallel_loop3A_606 = arith.index_cast %parallel_loop3A_459 : i32 to index
          %parallel_loop3A_607 = arith.constant 96 : index
          %parallel_loop3A_608 = tpu.vector_load %arg7[%parallel_loop3A_606, %parallel_loop3A_607] {strides = array<i32>} : memref<10x128xf32, #tpu.memory_space<vmem>>, vector<1x16xf32>,
          %parallel_loop3A_609 = vector.shape_cast %parallel_loop3A_608 : vector<1x16xf32> to vector<16xf32>
          %parallel_loop3A_610 = vector.broadcast %parallel_loop3A_461 : f32 to vector<16xf32>
          %parallel_loop3A_611 = arith.mulf %parallel_loop3A_610, %get3A_36 : vector<16xf32>
          %parallel_loop3A_612 = arith.addf %parallel_loop3A_609, %parallel_loop3A_611 : vector<16xf32>
          %parallel_loop3A_613 = vector.broadcast %parallel_loop3A_463 : f32 to vector<16xf32>
          %parallel_loop3A_614 = arith.mulf %parallel_loop3A_613, %get3A_76 : vector<16xf32>
          %parallel_loop3A_615 = arith.addf %parallel_loop3A_612, %parallel_loop3A_614 : vector<16xf32>
          %parallel_loop3A_616 = vector.broadcast %parallel_loop3A_465 : f32 to vector<16xf32>
          %parallel_loop3A_617 = arith.mulf %parallel_loop3A_616, %get3A_116 : vector<16xf32>
          %parallel_loop3A_618 = arith.addf %parallel_loop3A_615, %parallel_loop3A_617 : vector<16xf32>
          %parallel_loop3A_619 = vector.broadcast %parallel_loop3A_467 : f32 to vector<16xf32>
          %parallel_loop3A_620 = arith.mulf %parallel_loop3A_619, %get3A_156 : vector<16xf32>
          %parallel_loop3A_621 = arith.addf %parallel_loop3A_618, %parallel_loop3A_620 : vector<16xf32>
          %parallel_loop3A_622 = arith.constant 0 : i32
          %parallel_loop3A_623 = arith.addi %parallel_loop3A_622, %parallel_loop3A_429 : i32
          %parallel_loop3A_624 = arith.index_cast %parallel_loop3A_623 : i32 to index
          %parallel_loop3A_625 = arith.constant 96 : index
          %parallel_loop3A_626 = tpu.vector_load %arg12[%parallel_loop3A_624, %parallel_loop3A_625] {strides = array<i32>} : memref<160x128xf32, #tpu.memory_space<vmem>>, vector<1x16xf32>,
          %parallel_loop3A_627 = vector.shape_cast %parallel_loop3A_626 : vector<1x16xf32> to vector<16xf32>
          %parallel_loop3A_628 = vector.shape_cast %parallel_loop3A_621 : vector<16xf32> to vector<1x16xf32>
          tpu.vector_store %arg12[%parallel_loop3A_624, %parallel_loop3A_625], %parallel_loop3A_628 {strides = array<i32>} : memref<160x128xf32, #tpu.memory_space<vmem>>, vector<1x16xf32>,
          %parallel_loop3A_629 = arith.index_cast %parallel_loop3A_459 : i32 to index
          %parallel_loop3A_630 = arith.constant 112 : index
          %parallel_loop3A_631 = tpu.vector_load %arg7[%parallel_loop3A_629, %parallel_loop3A_630] {strides = array<i32>} : memref<10x128xf32, #tpu.memory_space<vmem>>, vector<1x16xf32>,
          %parallel_loop3A_632 = vector.shape_cast %parallel_loop3A_631 : vector<1x16xf32> to vector<16xf32>
          %parallel_loop3A_633 = vector.broadcast %parallel_loop3A_461 : f32 to vector<16xf32>
          %parallel_loop3A_634 = arith.mulf %parallel_loop3A_633, %get3A_41 : vector<16xf32>
          %parallel_loop3A_635 = arith.addf %parallel_loop3A_632, %parallel_loop3A_634 : vector<16xf32>
          %parallel_loop3A_636 = vector.broadcast %parallel_loop3A_463 : f32 to vector<16xf32>
          %parallel_loop3A_637 = arith.mulf %parallel_loop3A_636, %get3A_81 : vector<16xf32>
          %parallel_loop3A_638 = arith.addf %parallel_loop3A_635, %parallel_loop3A_637 : vector<16xf32>
          %parallel_loop3A_639 = vector.broadcast %parallel_loop3A_465 : f32 to vector<16xf32>
          %parallel_loop3A_640 = arith.mulf %parallel_loop3A_639, %get3A_121 : vector<16xf32>
          %parallel_loop3A_641 = arith.addf %parallel_loop3A_638, %parallel_loop3A_640 : vector<16xf32>
          %parallel_loop3A_642 = vector.broadcast %parallel_loop3A_467 : f32 to vector<16xf32>
          %parallel_loop3A_643 = arith.mulf %parallel_loop3A_642, %get3A_161 : vector<16xf32>
          %parallel_loop3A_644 = arith.addf %parallel_loop3A_641, %parallel_loop3A_643 : vector<16xf32>
          %parallel_loop3A_645 = arith.constant 0 : i32
          %parallel_loop3A_646 = arith.addi %parallel_loop3A_645, %parallel_loop3A_429 : i32
          %parallel_loop3A_647 = arith.index_cast %parallel_loop3A_646 : i32 to index
          %parallel_loop3A_648 = arith.constant 112 : index
          %parallel_loop3A_649 = tpu.vector_load %arg12[%parallel_loop3A_647, %parallel_loop3A_648] {strides = array<i32>} : memref<160x128xf32, #tpu.memory_space<vmem>>, vector<1x16xf32>,
          %parallel_loop3A_650 = vector.shape_cast %parallel_loop3A_649 : vector<1x16xf32> to vector<16xf32>
          %parallel_loop3A_651 = vector.shape_cast %parallel_loop3A_644 : vector<16xf32> to vector<1x16xf32>
          tpu.vector_store %arg12[%parallel_loop3A_647, %parallel_loop3A_648], %parallel_loop3A_651 {strides = array<i32>} : memref<160x128xf32, #tpu.memory_space<vmem>>, vector<1x16xf32>,
          %parallel_loop3A_652 = vector.extract_strided_slice %parallel_loop3A_433 {offsets = [1], sizes = [1], strides = [1]} : vector<16xi32> to vector<1xi32>
          %parallel_loop3A_653 = vector.extract %parallel_loop3A_652[0] : i32 from vector<1xi32>
          %parallel_loop3A_654 = vector.extract_strided_slice %parallel_loop3A_439 {offsets = [1], sizes = [1], strides = [1]} : vector<16xf32> to vector<1xf32>
          %parallel_loop3A_655 = vector.extract %parallel_loop3A_654[0] : f32 from vector<1xf32>
          %parallel_loop3A_656 = vector.extract_strided_slice %parallel_loop3A_445 {offsets = [1], sizes = [1], strides = [1]} : vector<16xf32> to vector<1xf32>
          %parallel_loop3A_657 = vector.extract %parallel_loop3A_656[0] : f32 from vector<1xf32>
          %parallel_loop3A_658 = vector.extract_strided_slice %parallel_loop3A_451 {offsets = [1], sizes = [1], strides = [1]} : vector<16xf32> to vector<1xf32>
          %parallel_loop3A_659 = vector.extract %parallel_loop3A_658[0] : f32 from vector<1xf32>
          %parallel_loop3A_660 = vector.extract_strided_slice %parallel_loop3A_457 {offsets = [1], sizes = [1], strides = [1]} : vector<16xf32> to vector<1xf32>
          %parallel_loop3A_661 = vector.extract %parallel_loop3A_660[0] : f32 from vector<1xf32>
          %parallel_loop3A_662 = arith.index_cast %parallel_loop3A_653 : i32 to index
          %parallel_loop3A_663 = arith.constant 0 : index
          %parallel_loop3A_664 = tpu.vector_load %arg7[%parallel_loop3A_662, %parallel_loop3A_663] {strides = array<i32>} : memref<10x128xf32, #tpu.memory_space<vmem>>, vector<1x16xf32>,
          %parallel_loop3A_665 = vector.shape_cast %parallel_loop3A_664 : vector<1x16xf32> to vector<16xf32>
          %parallel_loop3A_666 = vector.broadcast %parallel_loop3A_655 : f32 to vector<16xf32>
          %parallel_loop3A_667 = arith.mulf %parallel_loop3A_666, %get3A_6 : vector<16xf32>
          %parallel_loop3A_668 = arith.addf %parallel_loop3A_665, %parallel_loop3A_667 : vector<16xf32>
          %parallel_loop3A_669 = vector.broadcast %parallel_loop3A_657 : f32 to vector<16xf32>
          %parallel_loop3A_670 = arith.mulf %parallel_loop3A_669, %get3A_46 : vector<16xf32>
          %parallel_loop3A_671 = arith.addf %parallel_loop3A_668, %parallel_loop3A_670 : vector<16xf32>
          %parallel_loop3A_672 = vector.broadcast %parallel_loop3A_659 : f32 to vector<16xf32>
          %parallel_loop3A_673 = arith.mulf %parallel_loop3A_672, %get3A_86 : vector<16xf32>
          %parallel_loop3A_674 = arith.addf %parallel_loop3A_671, %parallel_loop3A_673 : vector<16xf32>
          %parallel_loop3A_675 = vector.broadcast %parallel_loop3A_661 : f32 to vector<16xf32>
          %parallel_loop3A_676 = arith.mulf %parallel_loop3A_675, %get3A_126 : vector<16xf32>
          %parallel_loop3A_677 = arith.addf %parallel_loop3A_674, %parallel_loop3A_676 : vector<16xf32>
          %parallel_loop3A_678 = arith.constant 40 : i32
          %parallel_loop3A_679 = arith.addi %parallel_loop3A_678, %parallel_loop3A_429 : i32
          %parallel_loop3A_680 = arith.index_cast %parallel_loop3A_679 : i32 to index
          %parallel_loop3A_681 = arith.constant 0 : index
          %parallel_loop3A_682 = tpu.vector_load %arg12[%parallel_loop3A_680, %parallel_loop3A_681] {strides = array<i32>} : memref<160x128xf32, #tpu.memory_space<vmem>>, vector<1x16xf32>,
          %parallel_loop3A_683 = vector.shape_cast %parallel_loop3A_682 : vector<1x16xf32> to vector<16xf32>
          %parallel_loop3A_684 = vector.shape_cast %parallel_loop3A_677 : vector<16xf32> to vector<1x16xf32>
          tpu.vector_store %arg12[%parallel_loop3A_680, %parallel_loop3A_681], %parallel_loop3A_684 {strides = array<i32>} : memref<160x128xf32, #tpu.memory_space<vmem>>, vector<1x16xf32>,
          %parallel_loop3A_685 = arith.index_cast %parallel_loop3A_653 : i32 to index
          %parallel_loop3A_686 = arith.constant 16 : index
          %parallel_loop3A_687 = tpu.vector_load %arg7[%parallel_loop3A_685, %parallel_loop3A_686] {strides = array<i32>} : memref<10x128xf32, #tpu.memory_space<vmem>>, vector<1x16xf32>,
          %parallel_loop3A_688 = vector.shape_cast %parallel_loop3A_687 : vector<1x16xf32> to vector<16xf32>
          %parallel_loop3A_689 = vector.broadcast %parallel_loop3A_655 : f32 to vector<16xf32>
          %parallel_loop3A_690 = arith.mulf %parallel_loop3A_689, %get3A_11 : vector<16xf32>
          %parallel_loop3A_691 = arith.addf %parallel_loop3A_688, %parallel_loop3A_690 : vector<16xf32>
          %parallel_loop3A_692 = vector.broadcast %parallel_loop3A_657 : f32 to vector<16xf32>
          %parallel_loop3A_693 = arith.mulf %parallel_loop3A_692, %get3A_51 : vector<16xf32>
          %parallel_loop3A_694 = arith.addf %parallel_loop3A_691, %parallel_loop3A_693 : vector<16xf32>
          %parallel_loop3A_695 = vector.broadcast %parallel_loop3A_659 : f32 to vector<16xf32>
          %parallel_loop3A_696 = arith.mulf %parallel_loop3A_695, %get3A_91 : vector<16xf32>
          %parallel_loop3A_697 = arith.addf %parallel_loop3A_694, %parallel_loop3A_696 : vector<16xf32>
          %parallel_loop3A_698 = vector.broadcast %parallel_loop3A_661 : f32 to vector<16xf32>
          %parallel_loop3A_699 = arith.mulf %parallel_loop3A_698, %get3A_131 : vector<16xf32>
          %parallel_loop3A_700 = arith.addf %parallel_loop3A_697, %parallel_loop3A_699 : vector<16xf32>
          %parallel_loop3A_701 = arith.constant 40 : i32
          %parallel_loop3A_702 = arith.addi %parallel_loop3A_701, %parallel_loop3A_429 : i32
          %parallel_loop3A_703 = arith.index_cast %parallel_loop3A_702 : i32 to index
          %parallel_loop3A_704 = arith.constant 16 : index
          %parallel_loop3A_705 = tpu.vector_load %arg12[%parallel_loop3A_703, %parallel_loop3A_704] {strides = array<i32>} : memref<160x128xf32, #tpu.memory_space<vmem>>, vector<1x16xf32>,
          %parallel_loop3A_706 = vector.shape_cast %parallel_loop3A_705 : vector<1x16xf32> to vector<16xf32>
          %parallel_loop3A_707 = vector.shape_cast %parallel_loop3A_700 : vector<16xf32> to vector<1x16xf32>
          tpu.vector_store %arg12[%parallel_loop3A_703, %parallel_loop3A_704], %parallel_loop3A_707 {strides = array<i32>} : memref<160x128xf32, #tpu.memory_space<vmem>>, vector<1x16xf32>,
          %parallel_loop3A_708 = arith.index_cast %parallel_loop3A_653 : i32 to index
          %parallel_loop3A_709 = arith.constant 32 : index
          %parallel_loop3A_710 = tpu.vector_load %arg7[%parallel_loop3A_708, %parallel_loop3A_709] {strides = array<i32>} : memref<10x128xf32, #tpu.memory_space<vmem>>, vector<1x16xf32>,
          %parallel_loop3A_711 = vector.shape_cast %parallel_loop3A_710 : vector<1x16xf32> to vector<16xf32>
          %parallel_loop3A_712 = vector.broadcast %parallel_loop3A_655 : f32 to vector<16xf32>
          %parallel_loop3A_713 = arith.mulf %parallel_loop3A_712, %get3A_16 : vector<16xf32>
          %parallel_loop3A_714 = arith.addf %parallel_loop3A_711, %parallel_loop3A_713 : vector<16xf32>
          %parallel_loop3A_715 = vector.broadcast %parallel_loop3A_657 : f32 to vector<16xf32>
          %parallel_loop3A_716 = arith.mulf %parallel_loop3A_715, %get3A_56 : vector<16xf32>
          %parallel_loop3A_717 = arith.addf %parallel_loop3A_714, %parallel_loop3A_716 : vector<16xf32>
          %parallel_loop3A_718 = vector.broadcast %parallel_loop3A_659 : f32 to vector<16xf32>
          %parallel_loop3A_719 = arith.mulf %parallel_loop3A_718, %get3A_96 : vector<16xf32>
          %parallel_loop3A_720 = arith.addf %parallel_loop3A_717, %parallel_loop3A_719 : vector<16xf32>
          %parallel_loop3A_721 = vector.broadcast %parallel_loop3A_661 : f32 to vector<16xf32>
          %parallel_loop3A_722 = arith.mulf %parallel_loop3A_721, %get3A_136 : vector<16xf32>
          %parallel_loop3A_723 = arith.addf %parallel_loop3A_720, %parallel_loop3A_722 : vector<16xf32>
          %parallel_loop3A_724 = arith.constant 40 : i32
          %parallel_loop3A_725 = arith.addi %parallel_loop3A_724, %parallel_loop3A_429 : i32
          %parallel_loop3A_726 = arith.index_cast %parallel_loop3A_725 : i32 to index
          %parallel_loop3A_727 = arith.constant 32 : index
          %parallel_loop3A_728 = tpu.vector_load %arg12[%parallel_loop3A_726, %parallel_loop3A_727] {strides = array<i32>} : memref<160x128xf32, #tpu.memory_space<vmem>>, vector<1x16xf32>,
          %parallel_loop3A_729 = vector.shape_cast %parallel_loop3A_728 : vector<1x16xf32> to vector<16xf32>
          %parallel_loop3A_730 = vector.shape_cast %parallel_loop3A_723 : vector<16xf32> to vector<1x16xf32>
          tpu.vector_store %arg12[%parallel_loop3A_726, %parallel_loop3A_727], %parallel_loop3A_730 {strides = array<i32>} : memref<160x128xf32, #tpu.memory_space<vmem>>, vector<1x16xf32>,
          %parallel_loop3A_731 = arith.index_cast %parallel_loop3A_653 : i32 to index
          %parallel_loop3A_732 = arith.constant 48 : index
          %parallel_loop3A_733 = tpu.vector_load %arg7[%parallel_loop3A_731, %parallel_loop3A_732] {strides = array<i32>} : memref<10x128xf32, #tpu.memory_space<vmem>>, vector<1x16xf32>,
          %parallel_loop3A_734 = vector.shape_cast %parallel_loop3A_733 : vector<1x16xf32> to vector<16xf32>
          %parallel_loop3A_735 = vector.broadcast %parallel_loop3A_655 : f32 to vector<16xf32>
          %parallel_loop3A_736 = arith.mulf %parallel_loop3A_735, %get3A_21 : vector<16xf32>
          %parallel_loop3A_737 = arith.addf %parallel_loop3A_734, %parallel_loop3A_736 : vector<16xf32>
          %parallel_loop3A_738 = vector.broadcast %parallel_loop3A_657 : f32 to vector<16xf32>
          %parallel_loop3A_739 = arith.mulf %parallel_loop3A_738, %get3A_61 : vector<16xf32>
          %parallel_loop3A_740 = arith.addf %parallel_loop3A_737, %parallel_loop3A_739 : vector<16xf32>
          %parallel_loop3A_741 = vector.broadcast %parallel_loop3A_659 : f32 to vector<16xf32>
          %parallel_loop3A_742 = arith.mulf %parallel_loop3A_741, %get3A_101 : vector<16xf32>
          %parallel_loop3A_743 = arith.addf %parallel_loop3A_740, %parallel_loop3A_742 : vector<16xf32>
          %parallel_loop3A_744 = vector.broadcast %parallel_loop3A_661 : f32 to vector<16xf32>
          %parallel_loop3A_745 = arith.mulf %parallel_loop3A_744, %get3A_141 : vector<16xf32>
          %parallel_loop3A_746 = arith.addf %parallel_loop3A_743, %parallel_loop3A_745 : vector<16xf32>
          %parallel_loop3A_747 = arith.constant 40 : i32
          %parallel_loop3A_748 = arith.addi %parallel_loop3A_747, %parallel_loop3A_429 : i32
          %parallel_loop3A_749 = arith.index_cast %parallel_loop3A_748 : i32 to index
          %parallel_loop3A_750 = arith.constant 48 : index
          %parallel_loop3A_751 = tpu.vector_load %arg12[%parallel_loop3A_749, %parallel_loop3A_750] {strides = array<i32>} : memref<160x128xf32, #tpu.memory_space<vmem>>, vector<1x16xf32>,
          %parallel_loop3A_752 = vector.shape_cast %parallel_loop3A_751 : vector<1x16xf32> to vector<16xf32>
          %parallel_loop3A_753 = vector.shape_cast %parallel_loop3A_746 : vector<16xf32> to vector<1x16xf32>
          tpu.vector_store %arg12[%parallel_loop3A_749, %parallel_loop3A_750], %parallel_loop3A_753 {strides = array<i32>} : memref<160x128xf32, #tpu.memory_space<vmem>>, vector<1x16xf32>,
          %parallel_loop3A_754 = arith.index_cast %parallel_loop3A_653 : i32 to index
          %parallel_loop3A_755 = arith.constant 64 : index
          %parallel_loop3A_756 = tpu.vector_load %arg7[%parallel_loop3A_754, %parallel_loop3A_755] {strides = array<i32>} : memref<10x128xf32, #tpu.memory_space<vmem>>, vector<1x16xf32>,
          %parallel_loop3A_757 = vector.shape_cast %parallel_loop3A_756 : vector<1x16xf32> to vector<16xf32>
          %parallel_loop3A_758 = vector.broadcast %parallel_loop3A_655 : f32 to vector<16xf32>
          %parallel_loop3A_759 = arith.mulf %parallel_loop3A_758, %get3A_26 : vector<16xf32>
          %parallel_loop3A_760 = arith.addf %parallel_loop3A_757, %parallel_loop3A_759 : vector<16xf32>
          %parallel_loop3A_761 = vector.broadcast %parallel_loop3A_657 : f32 to vector<16xf32>
          %parallel_loop3A_762 = arith.mulf %parallel_loop3A_761, %get3A_66 : vector<16xf32>
          %parallel_loop3A_763 = arith.addf %parallel_loop3A_760, %parallel_loop3A_762 : vector<16xf32>
          %parallel_loop3A_764 = vector.broadcast %parallel_loop3A_659 : f32 to vector<16xf32>
          %parallel_loop3A_765 = arith.mulf %parallel_loop3A_764, %get3A_106 : vector<16xf32>
          %parallel_loop3A_766 = arith.addf %parallel_loop3A_763, %parallel_loop3A_765 : vector<16xf32>
          %parallel_loop3A_767 = vector.broadcast %parallel_loop3A_661 : f32 to vector<16xf32>
          %parallel_loop3A_768 = arith.mulf %parallel_loop3A_767, %get3A_146 : vector<16xf32>
          %parallel_loop3A_769 = arith.addf %parallel_loop3A_766, %parallel_loop3A_768 : vector<16xf32>
          %parallel_loop3A_770 = arith.constant 40 : i32
          %parallel_loop3A_771 = arith.addi %parallel_loop3A_770, %parallel_loop3A_429 : i32
          %parallel_loop3A_772 = arith.index_cast %parallel_loop3A_771 : i32 to index
          %parallel_loop3A_773 = arith.constant 64 : index
          %parallel_loop3A_774 = tpu.vector_load %arg12[%parallel_loop3A_772, %parallel_loop3A_773] {strides = array<i32>} : memref<160x128xf32, #tpu.memory_space<vmem>>, vector<1x16xf32>,
          %parallel_loop3A_775 = vector.shape_cast %parallel_loop3A_774 : vector<1x16xf32> to vector<16xf32>
          %parallel_loop3A_776 = vector.shape_cast %parallel_loop3A_769 : vector<16xf32> to vector<1x16xf32>
          tpu.vector_store %arg12[%parallel_loop3A_772, %parallel_loop3A_773], %parallel_loop3A_776 {strides = array<i32>} : memref<160x128xf32, #tpu.memory_space<vmem>>, vector<1x16xf32>,
          %parallel_loop3A_777 = arith.index_cast %parallel_loop3A_653 : i32 to index
          %parallel_loop3A_778 = arith.constant 80 : index
          %parallel_loop3A_779 = tpu.vector_load %arg7[%parallel_loop3A_777, %parallel_loop3A_778] {strides = array<i32>} : memref<10x128xf32, #tpu.memory_space<vmem>>, vector<1x16xf32>,
          %parallel_loop3A_780 = vector.shape_cast %parallel_loop3A_779 : vector<1x16xf32> to vector<16xf32>
          %parallel_loop3A_781 = vector.broadcast %parallel_loop3A_655 : f32 to vector<16xf32>
          %parallel_loop3A_782 = arith.mulf %parallel_loop3A_781, %get3A_31 : vector<16xf32>
          %parallel_loop3A_783 = arith.addf %parallel_loop3A_780, %parallel_loop3A_782 : vector<16xf32>
          %parallel_loop3A_784 = vector.broadcast %parallel_loop3A_657 : f32 to vector<16xf32>
          %parallel_loop3A_785 = arith.mulf %parallel_loop3A_784, %get3A_71 : vector<16xf32>
          %parallel_loop3A_786 = arith.addf %parallel_loop3A_783, %parallel_loop3A_785 : vector<16xf32>
          %parallel_loop3A_787 = vector.broadcast %parallel_loop3A_659 : f32 to vector<16xf32>
          %parallel_loop3A_788 = arith.mulf %parallel_loop3A_787, %get3A_111 : vector<16xf32>
          %parallel_loop3A_789 = arith.addf %parallel_loop3A_786, %parallel_loop3A_788 : vector<16xf32>
          %parallel_loop3A_790 = vector.broadcast %parallel_loop3A_661 : f32 to vector<16xf32>
          %parallel_loop3A_791 = arith.mulf %parallel_loop3A_790, %get3A_151 : vector<16xf32>
          %parallel_loop3A_792 = arith.addf %parallel_loop3A_789, %parallel_loop3A_791 : vector<16xf32>
          %parallel_loop3A_793 = arith.constant 40 : i32
          %parallel_loop3A_794 = arith.addi %parallel_loop3A_793, %parallel_loop3A_429 : i32
          %parallel_loop3A_795 = arith.index_cast %parallel_loop3A_794 : i32 to index
          %parallel_loop3A_796 = arith.constant 80 : index
          %parallel_loop3A_797 = tpu.vector_load %arg12[%parallel_loop3A_795, %parallel_loop3A_796] {strides = array<i32>} : memref<160x128xf32, #tpu.memory_space<vmem>>, vector<1x16xf32>,
          %parallel_loop3A_798 = vector.shape_cast %parallel_loop3A_797 : vector<1x16xf32> to vector<16xf32>
          %parallel_loop3A_799 = vector.shape_cast %parallel_loop3A_792 : vector<16xf32> to vector<1x16xf32>
          tpu.vector_store %arg12[%parallel_loop3A_795, %parallel_loop3A_796], %parallel_loop3A_799 {strides = array<i32>} : memref<160x128xf32, #tpu.memory_space<vmem>>, vector<1x16xf32>,
          %parallel_loop3A_800 = arith.index_cast %parallel_loop3A_653 : i32 to index
          %parallel_loop3A_801 = arith.constant 96 : index
          %parallel_loop3A_802 = tpu.vector_load %arg7[%parallel_loop3A_800, %parallel_loop3A_801] {strides = array<i32>} : memref<10x128xf32, #tpu.memory_space<vmem>>, vector<1x16xf32>,
          %parallel_loop3A_803 = vector.shape_cast %parallel_loop3A_802 : vector<1x16xf32> to vector<16xf32>
          %parallel_loop3A_804 = vector.broadcast %parallel_loop3A_655 : f32 to vector<16xf32>
          %parallel_loop3A_805 = arith.mulf %parallel_loop3A_804, %get3A_36 : vector<16xf32>
          %parallel_loop3A_806 = arith.addf %parallel_loop3A_803, %parallel_loop3A_805 : vector<16xf32>
          %parallel_loop3A_807 = vector.broadcast %parallel_loop3A_657 : f32 to vector<16xf32>
          %parallel_loop3A_808 = arith.mulf %parallel_loop3A_807, %get3A_76 : vector<16xf32>
          %parallel_loop3A_809 = arith.addf %parallel_loop3A_806, %parallel_loop3A_808 : vector<16xf32>
          %parallel_loop3A_810 = vector.broadcast %parallel_loop3A_659 : f32 to vector<16xf32>
          %parallel_loop3A_811 = arith.mulf %parallel_loop3A_810, %get3A_116 : vector<16xf32>
          %parallel_loop3A_812 = arith.addf %parallel_loop3A_809, %parallel_loop3A_811 : vector<16xf32>
          %parallel_loop3A_813 = vector.broadcast %parallel_loop3A_661 : f32 to vector<16xf32>
          %parallel_loop3A_814 = arith.mulf %parallel_loop3A_813, %get3A_156 : vector<16xf32>
          %parallel_loop3A_815 = arith.addf %parallel_loop3A_812, %parallel_loop3A_814 : vector<16xf32>
          %parallel_loop3A_816 = arith.constant 40 : i32
          %parallel_loop3A_817 = arith.addi %parallel_loop3A_816, %parallel_loop3A_429 : i32
          %parallel_loop3A_818 = arith.index_cast %parallel_loop3A_817 : i32 to index
          %parallel_loop3A_819 = arith.constant 96 : index
          %parallel_loop3A_820 = tpu.vector_load %arg12[%parallel_loop3A_818, %parallel_loop3A_819] {strides = array<i32>} : memref<160x128xf32, #tpu.memory_space<vmem>>, vector<1x16xf32>,
          %parallel_loop3A_821 = vector.shape_cast %parallel_loop3A_820 : vector<1x16xf32> to vector<16xf32>
          %parallel_loop3A_822 = vector.shape_cast %parallel_loop3A_815 : vector<16xf32> to vector<1x16xf32>
          tpu.vector_store %arg12[%parallel_loop3A_818, %parallel_loop3A_819], %parallel_loop3A_822 {strides = array<i32>} : memref<160x128xf32, #tpu.memory_space<vmem>>, vector<1x16xf32>,
          %parallel_loop3A_823 = arith.index_cast %parallel_loop3A_653 : i32 to index
          %parallel_loop3A_824 = arith.constant 112 : index
          %parallel_loop3A_825 = tpu.vector_load %arg7[%parallel_loop3A_823, %parallel_loop3A_824] {strides = array<i32>} : memref<10x128xf32, #tpu.memory_space<vmem>>, vector<1x16xf32>,
          %parallel_loop3A_826 = vector.shape_cast %parallel_loop3A_825 : vector<1x16xf32> to vector<16xf32>
          %parallel_loop3A_827 = vector.broadcast %parallel_loop3A_655 : f32 to vector<16xf32>
          %parallel_loop3A_828 = arith.mulf %parallel_loop3A_827, %get3A_41 : vector<16xf32>
          %parallel_loop3A_829 = arith.addf %parallel_loop3A_826, %parallel_loop3A_828 : vector<16xf32>
          %parallel_loop3A_830 = vector.broadcast %parallel_loop3A_657 : f32 to vector<16xf32>
          %parallel_loop3A_831 = arith.mulf %parallel_loop3A_830, %get3A_81 : vector<16xf32>
          %parallel_loop3A_832 = arith.addf %parallel_loop3A_829, %parallel_loop3A_831 : vector<16xf32>
          %parallel_loop3A_833 = vector.broadcast %parallel_loop3A_659 : f32 to vector<16xf32>
          %parallel_loop3A_834 = arith.mulf %parallel_loop3A_833, %get3A_121 : vector<16xf32>
          %parallel_loop3A_835 = arith.addf %parallel_loop3A_832, %parallel_loop3A_834 : vector<16xf32>
          %parallel_loop3A_836 = vector.broadcast %parallel_loop3A_661 : f32 to vector<16xf32>
          %parallel_loop3A_837 = arith.mulf %parallel_loop3A_836, %get3A_161 : vector<16xf32>
          %parallel_loop3A_838 = arith.addf %parallel_loop3A_835, %parallel_loop3A_837 : vector<16xf32>
          %parallel_loop3A_839 = arith.constant 40 : i32
          %parallel_loop3A_840 = arith.addi %parallel_loop3A_839, %parallel_loop3A_429 : i32
          %parallel_loop3A_841 = arith.index_cast %parallel_loop3A_840 : i32 to index
          %parallel_loop3A_842 = arith.constant 112 : index
          %parallel_loop3A_843 = tpu.vector_load %arg12[%parallel_loop3A_841, %parallel_loop3A_842] {strides = array<i32>} : memref<160x128xf32, #tpu.memory_space<vmem>>, vector<1x16xf32>,
          %parallel_loop3A_844 = vector.shape_cast %parallel_loop3A_843 : vector<1x16xf32> to vector<16xf32>
          %parallel_loop3A_845 = vector.shape_cast %parallel_loop3A_838 : vector<16xf32> to vector<1x16xf32>
          tpu.vector_store %arg12[%parallel_loop3A_841, %parallel_loop3A_842], %parallel_loop3A_845 {strides = array<i32>} : memref<160x128xf32, #tpu.memory_space<vmem>>, vector<1x16xf32>,
          %parallel_loop3A_846 = vector.extract_strided_slice %parallel_loop3A_433 {offsets = [2], sizes = [1], strides = [1]} : vector<16xi32> to vector<1xi32>
          %parallel_loop3A_847 = vector.extract %parallel_loop3A_846[0] : i32 from vector<1xi32>
          %parallel_loop3A_848 = vector.extract_strided_slice %parallel_loop3A_439 {offsets = [2], sizes = [1], strides = [1]} : vector<16xf32> to vector<1xf32>
          %parallel_loop3A_849 = vector.extract %parallel_loop3A_848[0] : f32 from vector<1xf32>
          %parallel_loop3A_850 = vector.extract_strided_slice %parallel_loop3A_445 {offsets = [2], sizes = [1], strides = [1]} : vector<16xf32> to vector<1xf32>
          %parallel_loop3A_851 = vector.extract %parallel_loop3A_850[0] : f32 from vector<1xf32>
          %parallel_loop3A_852 = vector.extract_strided_slice %parallel_loop3A_451 {offsets = [2], sizes = [1], strides = [1]} : vector<16xf32> to vector<1xf32>
          %parallel_loop3A_853 = vector.extract %parallel_loop3A_852[0] : f32 from vector<1xf32>
          %parallel_loop3A_854 = vector.extract_strided_slice %parallel_loop3A_457 {offsets = [2], sizes = [1], strides = [1]} : vector<16xf32> to vector<1xf32>
          %parallel_loop3A_855 = vector.extract %parallel_loop3A_854[0] : f32 from vector<1xf32>
          %parallel_loop3A_856 = arith.index_cast %parallel_loop3A_847 : i32 to index
          %parallel_loop3A_857 = arith.constant 0 : index
          %parallel_loop3A_858 = tpu.vector_load %arg7[%parallel_loop3A_856, %parallel_loop3A_857] {strides = array<i32>} : memref<10x128xf32, #tpu.memory_space<vmem>>, vector<1x16xf32>,
          %parallel_loop3A_859 = vector.shape_cast %parallel_loop3A_858 : vector<1x16xf32> to vector<16xf32>
          %parallel_loop3A_860 = vector.broadcast %parallel_loop3A_849 : f32 to vector<16xf32>
          %parallel_loop3A_861 = arith.mulf %parallel_loop3A_860, %get3A_6 : vector<16xf32>
          %parallel_loop3A_862 = arith.addf %parallel_loop3A_859, %parallel_loop3A_861 : vector<16xf32>
          %parallel_loop3A_863 = vector.broadcast %parallel_loop3A_851 : f32 to vector<16xf32>
          %parallel_loop3A_864 = arith.mulf %parallel_loop3A_863, %get3A_46 : vector<16xf32>
          %parallel_loop3A_865 = arith.addf %parallel_loop3A_862, %parallel_loop3A_864 : vector<16xf32>
          %parallel_loop3A_866 = vector.broadcast %parallel_loop3A_853 : f32 to vector<16xf32>
          %parallel_loop3A_867 = arith.mulf %parallel_loop3A_866, %get3A_86 : vector<16xf32>
          %parallel_loop3A_868 = arith.addf %parallel_loop3A_865, %parallel_loop3A_867 : vector<16xf32>
          %parallel_loop3A_869 = vector.broadcast %parallel_loop3A_855 : f32 to vector<16xf32>
          %parallel_loop3A_870 = arith.mulf %parallel_loop3A_869, %get3A_126 : vector<16xf32>
          %parallel_loop3A_871 = arith.addf %parallel_loop3A_868, %parallel_loop3A_870 : vector<16xf32>
          %parallel_loop3A_872 = arith.constant 80 : i32
          %parallel_loop3A_873 = arith.addi %parallel_loop3A_872, %parallel_loop3A_429 : i32
          %parallel_loop3A_874 = arith.index_cast %parallel_loop3A_873 : i32 to index
          %parallel_loop3A_875 = arith.constant 0 : index
          %parallel_loop3A_876 = tpu.vector_load %arg12[%parallel_loop3A_874, %parallel_loop3A_875] {strides = array<i32>} : memref<160x128xf32, #tpu.memory_space<vmem>>, vector<1x16xf32>,
          %parallel_loop3A_877 = vector.shape_cast %parallel_loop3A_876 : vector<1x16xf32> to vector<16xf32>
          %parallel_loop3A_878 = vector.shape_cast %parallel_loop3A_871 : vector<16xf32> to vector<1x16xf32>
          tpu.vector_store %arg12[%parallel_loop3A_874, %parallel_loop3A_875], %parallel_loop3A_878 {strides = array<i32>} : memref<160x128xf32, #tpu.memory_space<vmem>>, vector<1x16xf32>,
          %parallel_loop3A_879 = arith.index_cast %parallel_loop3A_847 : i32 to index
          %parallel_loop3A_880 = arith.constant 16 : index
          %parallel_loop3A_881 = tpu.vector_load %arg7[%parallel_loop3A_879, %parallel_loop3A_880] {strides = array<i32>} : memref<10x128xf32, #tpu.memory_space<vmem>>, vector<1x16xf32>,
          %parallel_loop3A_882 = vector.shape_cast %parallel_loop3A_881 : vector<1x16xf32> to vector<16xf32>
          %parallel_loop3A_883 = vector.broadcast %parallel_loop3A_849 : f32 to vector<16xf32>
          %parallel_loop3A_884 = arith.mulf %parallel_loop3A_883, %get3A_11 : vector<16xf32>
          %parallel_loop3A_885 = arith.addf %parallel_loop3A_882, %parallel_loop3A_884 : vector<16xf32>
          %parallel_loop3A_886 = vector.broadcast %parallel_loop3A_851 : f32 to vector<16xf32>
          %parallel_loop3A_887 = arith.mulf %parallel_loop3A_886, %get3A_51 : vector<16xf32>
          %parallel_loop3A_888 = arith.addf %parallel_loop3A_885, %parallel_loop3A_887 : vector<16xf32>
          %parallel_loop3A_889 = vector.broadcast %parallel_loop3A_853 : f32 to vector<16xf32>
          %parallel_loop3A_890 = arith.mulf %parallel_loop3A_889, %get3A_91 : vector<16xf32>
          %parallel_loop3A_891 = arith.addf %parallel_loop3A_888, %parallel_loop3A_890 : vector<16xf32>
          %parallel_loop3A_892 = vector.broadcast %parallel_loop3A_855 : f32 to vector<16xf32>
          %parallel_loop3A_893 = arith.mulf %parallel_loop3A_892, %get3A_131 : vector<16xf32>
          %parallel_loop3A_894 = arith.addf %parallel_loop3A_891, %parallel_loop3A_893 : vector<16xf32>
          %parallel_loop3A_895 = arith.constant 80 : i32
          %parallel_loop3A_896 = arith.addi %parallel_loop3A_895, %parallel_loop3A_429 : i32
          %parallel_loop3A_897 = arith.index_cast %parallel_loop3A_896 : i32 to index
          %parallel_loop3A_898 = arith.constant 16 : index
          %parallel_loop3A_899 = tpu.vector_load %arg12[%parallel_loop3A_897, %parallel_loop3A_898] {strides = array<i32>} : memref<160x128xf32, #tpu.memory_space<vmem>>, vector<1x16xf32>,
          %parallel_loop3A_900 = vector.shape_cast %parallel_loop3A_899 : vector<1x16xf32> to vector<16xf32>
          %parallel_loop3A_901 = vector.shape_cast %parallel_loop3A_894 : vector<16xf32> to vector<1x16xf32>
          tpu.vector_store %arg12[%parallel_loop3A_897, %parallel_loop3A_898], %parallel_loop3A_901 {strides = array<i32>} : memref<160x128xf32, #tpu.memory_space<vmem>>, vector<1x16xf32>,
          %parallel_loop3A_902 = arith.index_cast %parallel_loop3A_847 : i32 to index
          %parallel_loop3A_903 = arith.constant 32 : index
          %parallel_loop3A_904 = tpu.vector_load %arg7[%parallel_loop3A_902, %parallel_loop3A_903] {strides = array<i32>} : memref<10x128xf32, #tpu.memory_space<vmem>>, vector<1x16xf32>,
          %parallel_loop3A_905 = vector.shape_cast %parallel_loop3A_904 : vector<1x16xf32> to vector<16xf32>
          %parallel_loop3A_906 = vector.broadcast %parallel_loop3A_849 : f32 to vector<16xf32>
          %parallel_loop3A_907 = arith.mulf %parallel_loop3A_906, %get3A_16 : vector<16xf32>
          %parallel_loop3A_908 = arith.addf %parallel_loop3A_905, %parallel_loop3A_907 : vector<16xf32>
          %parallel_loop3A_909 = vector.broadcast %parallel_loop3A_851 : f32 to vector<16xf32>
          %parallel_loop3A_910 = arith.mulf %parallel_loop3A_909, %get3A_56 : vector<16xf32>
          %parallel_loop3A_911 = arith.addf %parallel_loop3A_908, %parallel_loop3A_910 : vector<16xf32>
          %parallel_loop3A_912 = vector.broadcast %parallel_loop3A_853 : f32 to vector<16xf32>
          %parallel_loop3A_913 = arith.mulf %parallel_loop3A_912, %get3A_96 : vector<16xf32>
          %parallel_loop3A_914 = arith.addf %parallel_loop3A_911, %parallel_loop3A_913 : vector<16xf32>
          %parallel_loop3A_915 = vector.broadcast %parallel_loop3A_855 : f32 to vector<16xf32>
          %parallel_loop3A_916 = arith.mulf %parallel_loop3A_915, %get3A_136 : vector<16xf32>
          %parallel_loop3A_917 = arith.addf %parallel_loop3A_914, %parallel_loop3A_916 : vector<16xf32>
          %parallel_loop3A_918 = arith.constant 80 : i32
          %parallel_loop3A_919 = arith.addi %parallel_loop3A_918, %parallel_loop3A_429 : i32
          %parallel_loop3A_920 = arith.index_cast %parallel_loop3A_919 : i32 to index
          %parallel_loop3A_921 = arith.constant 32 : index
          %parallel_loop3A_922 = tpu.vector_load %arg12[%parallel_loop3A_920, %parallel_loop3A_921] {strides = array<i32>} : memref<160x128xf32, #tpu.memory_space<vmem>>, vector<1x16xf32>,
          %parallel_loop3A_923 = vector.shape_cast %parallel_loop3A_922 : vector<1x16xf32> to vector<16xf32>
          %parallel_loop3A_924 = vector.shape_cast %parallel_loop3A_917 : vector<16xf32> to vector<1x16xf32>
          tpu.vector_store %arg12[%parallel_loop3A_920, %parallel_loop3A_921], %parallel_loop3A_924 {strides = array<i32>} : memref<160x128xf32, #tpu.memory_space<vmem>>, vector<1x16xf32>,
          %parallel_loop3A_925 = arith.index_cast %parallel_loop3A_847 : i32 to index
          %parallel_loop3A_926 = arith.constant 48 : index
          %parallel_loop3A_927 = tpu.vector_load %arg7[%parallel_loop3A_925, %parallel_loop3A_926] {strides = array<i32>} : memref<10x128xf32, #tpu.memory_space<vmem>>, vector<1x16xf32>,
          %parallel_loop3A_928 = vector.shape_cast %parallel_loop3A_927 : vector<1x16xf32> to vector<16xf32>
          %parallel_loop3A_929 = vector.broadcast %parallel_loop3A_849 : f32 to vector<16xf32>
          %parallel_loop3A_930 = arith.mulf %parallel_loop3A_929, %get3A_21 : vector<16xf32>
          %parallel_loop3A_931 = arith.addf %parallel_loop3A_928, %parallel_loop3A_930 : vector<16xf32>
          %parallel_loop3A_932 = vector.broadcast %parallel_loop3A_851 : f32 to vector<16xf32>
          %parallel_loop3A_933 = arith.mulf %parallel_loop3A_932, %get3A_61 : vector<16xf32>
          %parallel_loop3A_934 = arith.addf %parallel_loop3A_931, %parallel_loop3A_933 : vector<16xf32>
          %parallel_loop3A_935 = vector.broadcast %parallel_loop3A_853 : f32 to vector<16xf32>
          %parallel_loop3A_936 = arith.mulf %parallel_loop3A_935, %get3A_101 : vector<16xf32>
          %parallel_loop3A_937 = arith.addf %parallel_loop3A_934, %parallel_loop3A_936 : vector<16xf32>
          %parallel_loop3A_938 = vector.broadcast %parallel_loop3A_855 : f32 to vector<16xf32>
          %parallel_loop3A_939 = arith.mulf %parallel_loop3A_938, %get3A_141 : vector<16xf32>
          %parallel_loop3A_940 = arith.addf %parallel_loop3A_937, %parallel_loop3A_939 : vector<16xf32>
          %parallel_loop3A_941 = arith.constant 80 : i32
          %parallel_loop3A_942 = arith.addi %parallel_loop3A_941, %parallel_loop3A_429 : i32
          %parallel_loop3A_943 = arith.index_cast %parallel_loop3A_942 : i32 to index
          %parallel_loop3A_944 = arith.constant 48 : index
          %parallel_loop3A_945 = tpu.vector_load %arg12[%parallel_loop3A_943, %parallel_loop3A_944] {strides = array<i32>} : memref<160x128xf32, #tpu.memory_space<vmem>>, vector<1x16xf32>,
          %parallel_loop3A_946 = vector.shape_cast %parallel_loop3A_945 : vector<1x16xf32> to vector<16xf32>
          %parallel_loop3A_947 = vector.shape_cast %parallel_loop3A_940 : vector<16xf32> to vector<1x16xf32>
          tpu.vector_store %arg12[%parallel_loop3A_943, %parallel_loop3A_944], %parallel_loop3A_947 {strides = array<i32>} : memref<160x128xf32, #tpu.memory_space<vmem>>, vector<1x16xf32>,
          %parallel_loop3A_948 = arith.index_cast %parallel_loop3A_847 : i32 to index
          %parallel_loop3A_949 = arith.constant 64 : index
          %parallel_loop3A_950 = tpu.vector_load %arg7[%parallel_loop3A_948, %parallel_loop3A_949] {strides = array<i32>} : memref<10x128xf32, #tpu.memory_space<vmem>>, vector<1x16xf32>,
          %parallel_loop3A_951 = vector.shape_cast %parallel_loop3A_950 : vector<1x16xf32> to vector<16xf32>
          %parallel_loop3A_952 = vector.broadcast %parallel_loop3A_849 : f32 to vector<16xf32>
          %parallel_loop3A_953 = arith.mulf %parallel_loop3A_952, %get3A_26 : vector<16xf32>
          %parallel_loop3A_954 = arith.addf %parallel_loop3A_951, %parallel_loop3A_953 : vector<16xf32>
          %parallel_loop3A_955 = vector.broadcast %parallel_loop3A_851 : f32 to vector<16xf32>
          %parallel_loop3A_956 = arith.mulf %parallel_loop3A_955, %get3A_66 : vector<16xf32>
          %parallel_loop3A_957 = arith.addf %parallel_loop3A_954, %parallel_loop3A_956 : vector<16xf32>
          %parallel_loop3A_958 = vector.broadcast %parallel_loop3A_853 : f32 to vector<16xf32>
          %parallel_loop3A_959 = arith.mulf %parallel_loop3A_958, %get3A_106 : vector<16xf32>
          %parallel_loop3A_960 = arith.addf %parallel_loop3A_957, %parallel_loop3A_959 : vector<16xf32>
          %parallel_loop3A_961 = vector.broadcast %parallel_loop3A_855 : f32 to vector<16xf32>
          %parallel_loop3A_962 = arith.mulf %parallel_loop3A_961, %get3A_146 : vector<16xf32>
          %parallel_loop3A_963 = arith.addf %parallel_loop3A_960, %parallel_loop3A_962 : vector<16xf32>
          %parallel_loop3A_964 = arith.constant 80 : i32
          %parallel_loop3A_965 = arith.addi %parallel_loop3A_964, %parallel_loop3A_429 : i32
          %parallel_loop3A_966 = arith.index_cast %parallel_loop3A_965 : i32 to index
          %parallel_loop3A_967 = arith.constant 64 : index
          %parallel_loop3A_968 = tpu.vector_load %arg12[%parallel_loop3A_966, %parallel_loop3A_967] {strides = array<i32>} : memref<160x128xf32, #tpu.memory_space<vmem>>, vector<1x16xf32>,
          %parallel_loop3A_969 = vector.shape_cast %parallel_loop3A_968 : vector<1x16xf32> to vector<16xf32>
          %parallel_loop3A_970 = vector.shape_cast %parallel_loop3A_963 : vector<16xf32> to vector<1x16xf32>
          tpu.vector_store %arg12[%parallel_loop3A_966, %parallel_loop3A_967], %parallel_loop3A_970 {strides = array<i32>} : memref<160x128xf32, #tpu.memory_space<vmem>>, vector<1x16xf32>,
          %parallel_loop3A_971 = arith.index_cast %parallel_loop3A_847 : i32 to index
          %parallel_loop3A_972 = arith.constant 80 : index
          %parallel_loop3A_973 = tpu.vector_load %arg7[%parallel_loop3A_971, %parallel_loop3A_972] {strides = array<i32>} : memref<10x128xf32, #tpu.memory_space<vmem>>, vector<1x16xf32>,
          %parallel_loop3A_974 = vector.shape_cast %parallel_loop3A_973 : vector<1x16xf32> to vector<16xf32>
          %parallel_loop3A_975 = vector.broadcast %parallel_loop3A_849 : f32 to vector<16xf32>
          %parallel_loop3A_976 = arith.mulf %parallel_loop3A_975, %get3A_31 : vector<16xf32>
          %parallel_loop3A_977 = arith.addf %parallel_loop3A_974, %parallel_loop3A_976 : vector<16xf32>
          %parallel_loop3A_978 = vector.broadcast %parallel_loop3A_851 : f32 to vector<16xf32>
          %parallel_loop3A_979 = arith.mulf %parallel_loop3A_978, %get3A_71 : vector<16xf32>
          %parallel_loop3A_980 = arith.addf %parallel_loop3A_977, %parallel_loop3A_979 : vector<16xf32>
          %parallel_loop3A_981 = vector.broadcast %parallel_loop3A_853 : f32 to vector<16xf32>
          %parallel_loop3A_982 = arith.mulf %parallel_loop3A_981, %get3A_111 : vector<16xf32>
          %parallel_loop3A_983 = arith.addf %parallel_loop3A_980, %parallel_loop3A_982 : vector<16xf32>
          %parallel_loop3A_984 = vector.broadcast %parallel_loop3A_855 : f32 to vector<16xf32>
          %parallel_loop3A_985 = arith.mulf %parallel_loop3A_984, %get3A_151 : vector<16xf32>
          %parallel_loop3A_986 = arith.addf %parallel_loop3A_983, %parallel_loop3A_985 : vector<16xf32>
          %parallel_loop3A_987 = arith.constant 80 : i32
          %parallel_loop3A_988 = arith.addi %parallel_loop3A_987, %parallel_loop3A_429 : i32
          %parallel_loop3A_989 = arith.index_cast %parallel_loop3A_988 : i32 to index
          %parallel_loop3A_990 = arith.constant 80 : index
          %parallel_loop3A_991 = tpu.vector_load %arg12[%parallel_loop3A_989, %parallel_loop3A_990] {strides = array<i32>} : memref<160x128xf32, #tpu.memory_space<vmem>>, vector<1x16xf32>,
          %parallel_loop3A_992 = vector.shape_cast %parallel_loop3A_991 : vector<1x16xf32> to vector<16xf32>
          %parallel_loop3A_993 = vector.shape_cast %parallel_loop3A_986 : vector<16xf32> to vector<1x16xf32>
          tpu.vector_store %arg12[%parallel_loop3A_989, %parallel_loop3A_990], %parallel_loop3A_993 {strides = array<i32>} : memref<160x128xf32, #tpu.memory_space<vmem>>, vector<1x16xf32>,
          %parallel_loop3A_994 = arith.index_cast %parallel_loop3A_847 : i32 to index
          %parallel_loop3A_995 = arith.constant 96 : index
          %parallel_loop3A_996 = tpu.vector_load %arg7[%parallel_loop3A_994, %parallel_loop3A_995] {strides = array<i32>} : memref<10x128xf32, #tpu.memory_space<vmem>>, vector<1x16xf32>,
          %parallel_loop3A_997 = vector.shape_cast %parallel_loop3A_996 : vector<1x16xf32> to vector<16xf32>
          %parallel_loop3A_998 = vector.broadcast %parallel_loop3A_849 : f32 to vector<16xf32>
          %parallel_loop3A_999 = arith.mulf %parallel_loop3A_998, %get3A_36 : vector<16xf32>
          %parallel_loop3A_1000 = arith.addf %parallel_loop3A_997, %parallel_loop3A_999 : vector<16xf32>
          %parallel_loop3A_1001 = vector.broadcast %parallel_loop3A_851 : f32 to vector<16xf32>
          %parallel_loop3A_1002 = arith.mulf %parallel_loop3A_1001, %get3A_76 : vector<16xf32>
          %parallel_loop3A_1003 = arith.addf %parallel_loop3A_1000, %parallel_loop3A_1002 : vector<16xf32>
          %parallel_loop3A_1004 = vector.broadcast %parallel_loop3A_853 : f32 to vector<16xf32>
          %parallel_loop3A_1005 = arith.mulf %parallel_loop3A_1004, %get3A_116 : vector<16xf32>
          %parallel_loop3A_1006 = arith.addf %parallel_loop3A_1003, %parallel_loop3A_1005 : vector<16xf32>
          %parallel_loop3A_1007 = vector.broadcast %parallel_loop3A_855 : f32 to vector<16xf32>
          %parallel_loop3A_1008 = arith.mulf %parallel_loop3A_1007, %get3A_156 : vector<16xf32>
          %parallel_loop3A_1009 = arith.addf %parallel_loop3A_1006, %parallel_loop3A_1008 : vector<16xf32>
          %parallel_loop3A_1010 = arith.constant 80 : i32
          %parallel_loop3A_1011 = arith.addi %parallel_loop3A_1010, %parallel_loop3A_429 : i32
          %parallel_loop3A_1012 = arith.index_cast %parallel_loop3A_1011 : i32 to index
          %parallel_loop3A_1013 = arith.constant 96 : index
          %parallel_loop3A_1014 = tpu.vector_load %arg12[%parallel_loop3A_1012, %parallel_loop3A_1013] {strides = array<i32>} : memref<160x128xf32, #tpu.memory_space<vmem>>, vector<1x16xf32>,
          %parallel_loop3A_1015 = vector.shape_cast %parallel_loop3A_1014 : vector<1x16xf32> to vector<16xf32>
          %parallel_loop3A_1016 = vector.shape_cast %parallel_loop3A_1009 : vector<16xf32> to vector<1x16xf32>
          tpu.vector_store %arg12[%parallel_loop3A_1012, %parallel_loop3A_1013], %parallel_loop3A_1016 {strides = array<i32>} : memref<160x128xf32, #tpu.memory_space<vmem>>, vector<1x16xf32>,
          %parallel_loop3A_1017 = arith.index_cast %parallel_loop3A_847 : i32 to index
          %parallel_loop3A_1018 = arith.constant 112 : index
          %parallel_loop3A_1019 = tpu.vector_load %arg7[%parallel_loop3A_1017, %parallel_loop3A_1018] {strides = array<i32>} : memref<10x128xf32, #tpu.memory_space<vmem>>, vector<1x16xf32>,
          %parallel_loop3A_1020 = vector.shape_cast %parallel_loop3A_1019 : vector<1x16xf32> to vector<16xf32>
          %parallel_loop3A_1021 = vector.broadcast %parallel_loop3A_849 : f32 to vector<16xf32>
          %parallel_loop3A_1022 = arith.mulf %parallel_loop3A_1021, %get3A_41 : vector<16xf32>
          %parallel_loop3A_1023 = arith.addf %parallel_loop3A_1020, %parallel_loop3A_1022 : vector<16xf32>
          %parallel_loop3A_1024 = vector.broadcast %parallel_loop3A_851 : f32 to vector<16xf32>
          %parallel_loop3A_1025 = arith.mulf %parallel_loop3A_1024, %get3A_81 : vector<16xf32>
          %parallel_loop3A_1026 = arith.addf %parallel_loop3A_1023, %parallel_loop3A_1025 : vector<16xf32>
          %parallel_loop3A_1027 = vector.broadcast %parallel_loop3A_853 : f32 to vector<16xf32>
          %parallel_loop3A_1028 = arith.mulf %parallel_loop3A_1027, %get3A_121 : vector<16xf32>
          %parallel_loop3A_1029 = arith.addf %parallel_loop3A_1026, %parallel_loop3A_1028 : vector<16xf32>
          %parallel_loop3A_1030 = vector.broadcast %parallel_loop3A_855 : f32 to vector<16xf32>
          %parallel_loop3A_1031 = arith.mulf %parallel_loop3A_1030, %get3A_161 : vector<16xf32>
          %parallel_loop3A_1032 = arith.addf %parallel_loop3A_1029, %parallel_loop3A_1031 : vector<16xf32>
          %parallel_loop3A_1033 = arith.constant 80 : i32
          %parallel_loop3A_1034 = arith.addi %parallel_loop3A_1033, %parallel_loop3A_429 : i32
          %parallel_loop3A_1035 = arith.index_cast %parallel_loop3A_1034 : i32 to index
          %parallel_loop3A_1036 = arith.constant 112 : index
          %parallel_loop3A_1037 = tpu.vector_load %arg12[%parallel_loop3A_1035, %parallel_loop3A_1036] {strides = array<i32>} : memref<160x128xf32, #tpu.memory_space<vmem>>, vector<1x16xf32>,
          %parallel_loop3A_1038 = vector.shape_cast %parallel_loop3A_1037 : vector<1x16xf32> to vector<16xf32>
          %parallel_loop3A_1039 = vector.shape_cast %parallel_loop3A_1032 : vector<16xf32> to vector<1x16xf32>
          tpu.vector_store %arg12[%parallel_loop3A_1035, %parallel_loop3A_1036], %parallel_loop3A_1039 {strides = array<i32>} : memref<160x128xf32, #tpu.memory_space<vmem>>, vector<1x16xf32>,
          %parallel_loop3A_1040 = vector.extract_strided_slice %parallel_loop3A_433 {offsets = [3], sizes = [1], strides = [1]} : vector<16xi32> to vector<1xi32>
          %parallel_loop3A_1041 = vector.extract %parallel_loop3A_1040[0] : i32 from vector<1xi32>
          %parallel_loop3A_1042 = vector.extract_strided_slice %parallel_loop3A_439 {offsets = [3], sizes = [1], strides = [1]} : vector<16xf32> to vector<1xf32>
          %parallel_loop3A_1043 = vector.extract %parallel_loop3A_1042[0] : f32 from vector<1xf32>
          %parallel_loop3A_1044 = vector.extract_strided_slice %parallel_loop3A_445 {offsets = [3], sizes = [1], strides = [1]} : vector<16xf32> to vector<1xf32>
          %parallel_loop3A_1045 = vector.extract %parallel_loop3A_1044[0] : f32 from vector<1xf32>
          %parallel_loop3A_1046 = vector.extract_strided_slice %parallel_loop3A_451 {offsets = [3], sizes = [1], strides = [1]} : vector<16xf32> to vector<1xf32>
          %parallel_loop3A_1047 = vector.extract %parallel_loop3A_1046[0] : f32 from vector<1xf32>
          %parallel_loop3A_1048 = vector.extract_strided_slice %parallel_loop3A_457 {offsets = [3], sizes = [1], strides = [1]} : vector<16xf32> to vector<1xf32>
          %parallel_loop3A_1049 = vector.extract %parallel_loop3A_1048[0] : f32 from vector<1xf32>
          %parallel_loop3A_1050 = arith.index_cast %parallel_loop3A_1041 : i32 to index
          %parallel_loop3A_1051 = arith.constant 0 : index
          %parallel_loop3A_1052 = tpu.vector_load %arg7[%parallel_loop3A_1050, %parallel_loop3A_1051] {strides = array<i32>} : memref<10x128xf32, #tpu.memory_space<vmem>>, vector<1x16xf32>,
          %parallel_loop3A_1053 = vector.shape_cast %parallel_loop3A_1052 : vector<1x16xf32> to vector<16xf32>
          %parallel_loop3A_1054 = vector.broadcast %parallel_loop3A_1043 : f32 to vector<16xf32>
          %parallel_loop3A_1055 = arith.mulf %parallel_loop3A_1054, %get3A_6 : vector<16xf32>
          %parallel_loop3A_1056 = arith.addf %parallel_loop3A_1053, %parallel_loop3A_1055 : vector<16xf32>
          %parallel_loop3A_1057 = vector.broadcast %parallel_loop3A_1045 : f32 to vector<16xf32>
          %parallel_loop3A_1058 = arith.mulf %parallel_loop3A_1057, %get3A_46 : vector<16xf32>
          %parallel_loop3A_1059 = arith.addf %parallel_loop3A_1056, %parallel_loop3A_1058 : vector<16xf32>
          %parallel_loop3A_1060 = vector.broadcast %parallel_loop3A_1047 : f32 to vector<16xf32>
          %parallel_loop3A_1061 = arith.mulf %parallel_loop3A_1060, %get3A_86 : vector<16xf32>
          %parallel_loop3A_1062 = arith.addf %parallel_loop3A_1059, %parallel_loop3A_1061 : vector<16xf32>
          %parallel_loop3A_1063 = vector.broadcast %parallel_loop3A_1049 : f32 to vector<16xf32>
          %parallel_loop3A_1064 = arith.mulf %parallel_loop3A_1063, %get3A_126 : vector<16xf32>
          %parallel_loop3A_1065 = arith.addf %parallel_loop3A_1062, %parallel_loop3A_1064 : vector<16xf32>
          %parallel_loop3A_1066 = arith.constant 120 : i32
          %parallel_loop3A_1067 = arith.addi %parallel_loop3A_1066, %parallel_loop3A_429 : i32
          %parallel_loop3A_1068 = arith.index_cast %parallel_loop3A_1067 : i32 to index
          %parallel_loop3A_1069 = arith.constant 0 : index
          %parallel_loop3A_1070 = tpu.vector_load %arg12[%parallel_loop3A_1068, %parallel_loop3A_1069] {strides = array<i32>} : memref<160x128xf32, #tpu.memory_space<vmem>>, vector<1x16xf32>,
          %parallel_loop3A_1071 = vector.shape_cast %parallel_loop3A_1070 : vector<1x16xf32> to vector<16xf32>
          %parallel_loop3A_1072 = vector.shape_cast %parallel_loop3A_1065 : vector<16xf32> to vector<1x16xf32>
          tpu.vector_store %arg12[%parallel_loop3A_1068, %parallel_loop3A_1069], %parallel_loop3A_1072 {strides = array<i32>} : memref<160x128xf32, #tpu.memory_space<vmem>>, vector<1x16xf32>,
          %parallel_loop3A_1073 = arith.index_cast %parallel_loop3A_1041 : i32 to index
          %parallel_loop3A_1074 = arith.constant 16 : index
          %parallel_loop3A_1075 = tpu.vector_load %arg7[%parallel_loop3A_1073, %parallel_loop3A_1074] {strides = array<i32>} : memref<10x128xf32, #tpu.memory_space<vmem>>, vector<1x16xf32>,
          %parallel_loop3A_1076 = vector.shape_cast %parallel_loop3A_1075 : vector<1x16xf32> to vector<16xf32>
          %parallel_loop3A_1077 = vector.broadcast %parallel_loop3A_1043 : f32 to vector<16xf32>
          %parallel_loop3A_1078 = arith.mulf %parallel_loop3A_1077, %get3A_11 : vector<16xf32>
          %parallel_loop3A_1079 = arith.addf %parallel_loop3A_1076, %parallel_loop3A_1078 : vector<16xf32>
          %parallel_loop3A_1080 = vector.broadcast %parallel_loop3A_1045 : f32 to vector<16xf32>
          %parallel_loop3A_1081 = arith.mulf %parallel_loop3A_1080, %get3A_51 : vector<16xf32>
          %parallel_loop3A_1082 = arith.addf %parallel_loop3A_1079, %parallel_loop3A_1081 : vector<16xf32>
          %parallel_loop3A_1083 = vector.broadcast %parallel_loop3A_1047 : f32 to vector<16xf32>
          %parallel_loop3A_1084 = arith.mulf %parallel_loop3A_1083, %get3A_91 : vector<16xf32>
          %parallel_loop3A_1085 = arith.addf %parallel_loop3A_1082, %parallel_loop3A_1084 : vector<16xf32>
          %parallel_loop3A_1086 = vector.broadcast %parallel_loop3A_1049 : f32 to vector<16xf32>
          %parallel_loop3A_1087 = arith.mulf %parallel_loop3A_1086, %get3A_131 : vector<16xf32>
          %parallel_loop3A_1088 = arith.addf %parallel_loop3A_1085, %parallel_loop3A_1087 : vector<16xf32>
          %parallel_loop3A_1089 = arith.constant 120 : i32
          %parallel_loop3A_1090 = arith.addi %parallel_loop3A_1089, %parallel_loop3A_429 : i32
          %parallel_loop3A_1091 = arith.index_cast %parallel_loop3A_1090 : i32 to index
          %parallel_loop3A_1092 = arith.constant 16 : index
          %parallel_loop3A_1093 = tpu.vector_load %arg12[%parallel_loop3A_1091, %parallel_loop3A_1092] {strides = array<i32>} : memref<160x128xf32, #tpu.memory_space<vmem>>, vector<1x16xf32>,
          %parallel_loop3A_1094 = vector.shape_cast %parallel_loop3A_1093 : vector<1x16xf32> to vector<16xf32>
          %parallel_loop3A_1095 = vector.shape_cast %parallel_loop3A_1088 : vector<16xf32> to vector<1x16xf32>
          tpu.vector_store %arg12[%parallel_loop3A_1091, %parallel_loop3A_1092], %parallel_loop3A_1095 {strides = array<i32>} : memref<160x128xf32, #tpu.memory_space<vmem>>, vector<1x16xf32>,
          %parallel_loop3A_1096 = arith.index_cast %parallel_loop3A_1041 : i32 to index
          %parallel_loop3A_1097 = arith.constant 32 : index
          %parallel_loop3A_1098 = tpu.vector_load %arg7[%parallel_loop3A_1096, %parallel_loop3A_1097] {strides = array<i32>} : memref<10x128xf32, #tpu.memory_space<vmem>>, vector<1x16xf32>,
          %parallel_loop3A_1099 = vector.shape_cast %parallel_loop3A_1098 : vector<1x16xf32> to vector<16xf32>
          %parallel_loop3A_1100 = vector.broadcast %parallel_loop3A_1043 : f32 to vector<16xf32>
          %parallel_loop3A_1101 = arith.mulf %parallel_loop3A_1100, %get3A_16 : vector<16xf32>
          %parallel_loop3A_1102 = arith.addf %parallel_loop3A_1099, %parallel_loop3A_1101 : vector<16xf32>
          %parallel_loop3A_1103 = vector.broadcast %parallel_loop3A_1045 : f32 to vector<16xf32>
          %parallel_loop3A_1104 = arith.mulf %parallel_loop3A_1103, %get3A_56 : vector<16xf32>
          %parallel_loop3A_1105 = arith.addf %parallel_loop3A_1102, %parallel_loop3A_1104 : vector<16xf32>
          %parallel_loop3A_1106 = vector.broadcast %parallel_loop3A_1047 : f32 to vector<16xf32>
          %parallel_loop3A_1107 = arith.mulf %parallel_loop3A_1106, %get3A_96 : vector<16xf32>
          %parallel_loop3A_1108 = arith.addf %parallel_loop3A_1105, %parallel_loop3A_1107 : vector<16xf32>
          %parallel_loop3A_1109 = vector.broadcast %parallel_loop3A_1049 : f32 to vector<16xf32>
          %parallel_loop3A_1110 = arith.mulf %parallel_loop3A_1109, %get3A_136 : vector<16xf32>
          %parallel_loop3A_1111 = arith.addf %parallel_loop3A_1108, %parallel_loop3A_1110 : vector<16xf32>
          %parallel_loop3A_1112 = arith.constant 120 : i32
          %parallel_loop3A_1113 = arith.addi %parallel_loop3A_1112, %parallel_loop3A_429 : i32
          %parallel_loop3A_1114 = arith.index_cast %parallel_loop3A_1113 : i32 to index
          %parallel_loop3A_1115 = arith.constant 32 : index
          %parallel_loop3A_1116 = tpu.vector_load %arg12[%parallel_loop3A_1114, %parallel_loop3A_1115] {strides = array<i32>} : memref<160x128xf32, #tpu.memory_space<vmem>>, vector<1x16xf32>,
          %parallel_loop3A_1117 = vector.shape_cast %parallel_loop3A_1116 : vector<1x16xf32> to vector<16xf32>
          %parallel_loop3A_1118 = vector.shape_cast %parallel_loop3A_1111 : vector<16xf32> to vector<1x16xf32>
          tpu.vector_store %arg12[%parallel_loop3A_1114, %parallel_loop3A_1115], %parallel_loop3A_1118 {strides = array<i32>} : memref<160x128xf32, #tpu.memory_space<vmem>>, vector<1x16xf32>,
          %parallel_loop3A_1119 = arith.index_cast %parallel_loop3A_1041 : i32 to index
          %parallel_loop3A_1120 = arith.constant 48 : index
          %parallel_loop3A_1121 = tpu.vector_load %arg7[%parallel_loop3A_1119, %parallel_loop3A_1120] {strides = array<i32>} : memref<10x128xf32, #tpu.memory_space<vmem>>, vector<1x16xf32>,
          %parallel_loop3A_1122 = vector.shape_cast %parallel_loop3A_1121 : vector<1x16xf32> to vector<16xf32>
          %parallel_loop3A_1123 = vector.broadcast %parallel_loop3A_1043 : f32 to vector<16xf32>
          %parallel_loop3A_1124 = arith.mulf %parallel_loop3A_1123, %get3A_21 : vector<16xf32>
          %parallel_loop3A_1125 = arith.addf %parallel_loop3A_1122, %parallel_loop3A_1124 : vector<16xf32>
          %parallel_loop3A_1126 = vector.broadcast %parallel_loop3A_1045 : f32 to vector<16xf32>
          %parallel_loop3A_1127 = arith.mulf %parallel_loop3A_1126, %get3A_61 : vector<16xf32>
          %parallel_loop3A_1128 = arith.addf %parallel_loop3A_1125, %parallel_loop3A_1127 : vector<16xf32>
          %parallel_loop3A_1129 = vector.broadcast %parallel_loop3A_1047 : f32 to vector<16xf32>
          %parallel_loop3A_1130 = arith.mulf %parallel_loop3A_1129, %get3A_101 : vector<16xf32>
          %parallel_loop3A_1131 = arith.addf %parallel_loop3A_1128, %parallel_loop3A_1130 : vector<16xf32>
          %parallel_loop3A_1132 = vector.broadcast %parallel_loop3A_1049 : f32 to vector<16xf32>
          %parallel_loop3A_1133 = arith.mulf %parallel_loop3A_1132, %get3A_141 : vector<16xf32>
          %parallel_loop3A_1134 = arith.addf %parallel_loop3A_1131, %parallel_loop3A_1133 : vector<16xf32>
          %parallel_loop3A_1135 = arith.constant 120 : i32
          %parallel_loop3A_1136 = arith.addi %parallel_loop3A_1135, %parallel_loop3A_429 : i32
          %parallel_loop3A_1137 = arith.index_cast %parallel_loop3A_1136 : i32 to index
          %parallel_loop3A_1138 = arith.constant 48 : index
          %parallel_loop3A_1139 = tpu.vector_load %arg12[%parallel_loop3A_1137, %parallel_loop3A_1138] {strides = array<i32>} : memref<160x128xf32, #tpu.memory_space<vmem>>, vector<1x16xf32>,
          %parallel_loop3A_1140 = vector.shape_cast %parallel_loop3A_1139 : vector<1x16xf32> to vector<16xf32>
          %parallel_loop3A_1141 = vector.shape_cast %parallel_loop3A_1134 : vector<16xf32> to vector<1x16xf32>
          tpu.vector_store %arg12[%parallel_loop3A_1137, %parallel_loop3A_1138], %parallel_loop3A_1141 {strides = array<i32>} : memref<160x128xf32, #tpu.memory_space<vmem>>, vector<1x16xf32>,
          %parallel_loop3A_1142 = arith.index_cast %parallel_loop3A_1041 : i32 to index
          %parallel_loop3A_1143 = arith.constant 64 : index
          %parallel_loop3A_1144 = tpu.vector_load %arg7[%parallel_loop3A_1142, %parallel_loop3A_1143] {strides = array<i32>} : memref<10x128xf32, #tpu.memory_space<vmem>>, vector<1x16xf32>,
          %parallel_loop3A_1145 = vector.shape_cast %parallel_loop3A_1144 : vector<1x16xf32> to vector<16xf32>
          %parallel_loop3A_1146 = vector.broadcast %parallel_loop3A_1043 : f32 to vector<16xf32>
          %parallel_loop3A_1147 = arith.mulf %parallel_loop3A_1146, %get3A_26 : vector<16xf32>
          %parallel_loop3A_1148 = arith.addf %parallel_loop3A_1145, %parallel_loop3A_1147 : vector<16xf32>
          %parallel_loop3A_1149 = vector.broadcast %parallel_loop3A_1045 : f32 to vector<16xf32>
          %parallel_loop3A_1150 = arith.mulf %parallel_loop3A_1149, %get3A_66 : vector<16xf32>
          %parallel_loop3A_1151 = arith.addf %parallel_loop3A_1148, %parallel_loop3A_1150 : vector<16xf32>
          %parallel_loop3A_1152 = vector.broadcast %parallel_loop3A_1047 : f32 to vector<16xf32>
          %parallel_loop3A_1153 = arith.mulf %parallel_loop3A_1152, %get3A_106 : vector<16xf32>
          %parallel_loop3A_1154 = arith.addf %parallel_loop3A_1151, %parallel_loop3A_1153 : vector<16xf32>
          %parallel_loop3A_1155 = vector.broadcast %parallel_loop3A_1049 : f32 to vector<16xf32>
          %parallel_loop3A_1156 = arith.mulf %parallel_loop3A_1155, %get3A_146 : vector<16xf32>
          %parallel_loop3A_1157 = arith.addf %parallel_loop3A_1154, %parallel_loop3A_1156 : vector<16xf32>
          %parallel_loop3A_1158 = arith.constant 120 : i32
          %parallel_loop3A_1159 = arith.addi %parallel_loop3A_1158, %parallel_loop3A_429 : i32
          %parallel_loop3A_1160 = arith.index_cast %parallel_loop3A_1159 : i32 to index
          %parallel_loop3A_1161 = arith.constant 64 : index
          %parallel_loop3A_1162 = tpu.vector_load %arg12[%parallel_loop3A_1160, %parallel_loop3A_1161] {strides = array<i32>} : memref<160x128xf32, #tpu.memory_space<vmem>>, vector<1x16xf32>,
          %parallel_loop3A_1163 = vector.shape_cast %parallel_loop3A_1162 : vector<1x16xf32> to vector<16xf32>
          %parallel_loop3A_1164 = vector.shape_cast %parallel_loop3A_1157 : vector<16xf32> to vector<1x16xf32>
          tpu.vector_store %arg12[%parallel_loop3A_1160, %parallel_loop3A_1161], %parallel_loop3A_1164 {strides = array<i32>} : memref<160x128xf32, #tpu.memory_space<vmem>>, vector<1x16xf32>,
          %parallel_loop3A_1165 = arith.index_cast %parallel_loop3A_1041 : i32 to index
          %parallel_loop3A_1166 = arith.constant 80 : index
          %parallel_loop3A_1167 = tpu.vector_load %arg7[%parallel_loop3A_1165, %parallel_loop3A_1166] {strides = array<i32>} : memref<10x128xf32, #tpu.memory_space<vmem>>, vector<1x16xf32>,
          %parallel_loop3A_1168 = vector.shape_cast %parallel_loop3A_1167 : vector<1x16xf32> to vector<16xf32>
          %parallel_loop3A_1169 = vector.broadcast %parallel_loop3A_1043 : f32 to vector<16xf32>
          %parallel_loop3A_1170 = arith.mulf %parallel_loop3A_1169, %get3A_31 : vector<16xf32>
          %parallel_loop3A_1171 = arith.addf %parallel_loop3A_1168, %parallel_loop3A_1170 : vector<16xf32>
          %parallel_loop3A_1172 = vector.broadcast %parallel_loop3A_1045 : f32 to vector<16xf32>
          %parallel_loop3A_1173 = arith.mulf %parallel_loop3A_1172, %get3A_71 : vector<16xf32>
          %parallel_loop3A_1174 = arith.addf %parallel_loop3A_1171, %parallel_loop3A_1173 : vector<16xf32>
          %parallel_loop3A_1175 = vector.broadcast %parallel_loop3A_1047 : f32 to vector<16xf32>
          %parallel_loop3A_1176 = arith.mulf %parallel_loop3A_1175, %get3A_111 : vector<16xf32>
          %parallel_loop3A_1177 = arith.addf %parallel_loop3A_1174, %parallel_loop3A_1176 : vector<16xf32>
          %parallel_loop3A_1178 = vector.broadcast %parallel_loop3A_1049 : f32 to vector<16xf32>
          %parallel_loop3A_1179 = arith.mulf %parallel_loop3A_1178, %get3A_151 : vector<16xf32>
          %parallel_loop3A_1180 = arith.addf %parallel_loop3A_1177, %parallel_loop3A_1179 : vector<16xf32>
          %parallel_loop3A_1181 = arith.constant 120 : i32
          %parallel_loop3A_1182 = arith.addi %parallel_loop3A_1181, %parallel_loop3A_429 : i32
          %parallel_loop3A_1183 = arith.index_cast %parallel_loop3A_1182 : i32 to index
          %parallel_loop3A_1184 = arith.constant 80 : index
          %parallel_loop3A_1185 = tpu.vector_load %arg12[%parallel_loop3A_1183, %parallel_loop3A_1184] {strides = array<i32>} : memref<160x128xf32, #tpu.memory_space<vmem>>, vector<1x16xf32>,
          %parallel_loop3A_1186 = vector.shape_cast %parallel_loop3A_1185 : vector<1x16xf32> to vector<16xf32>
          %parallel_loop3A_1187 = vector.shape_cast %parallel_loop3A_1180 : vector<16xf32> to vector<1x16xf32>
          tpu.vector_store %arg12[%parallel_loop3A_1183, %parallel_loop3A_1184], %parallel_loop3A_1187 {strides = array<i32>} : memref<160x128xf32, #tpu.memory_space<vmem>>, vector<1x16xf32>,
          %parallel_loop3A_1188 = arith.index_cast %parallel_loop3A_1041 : i32 to index
          %parallel_loop3A_1189 = arith.constant 96 : index
          %parallel_loop3A_1190 = tpu.vector_load %arg7[%parallel_loop3A_1188, %parallel_loop3A_1189] {strides = array<i32>} : memref<10x128xf32, #tpu.memory_space<vmem>>, vector<1x16xf32>,
          %parallel_loop3A_1191 = vector.shape_cast %parallel_loop3A_1190 : vector<1x16xf32> to vector<16xf32>
          %parallel_loop3A_1192 = vector.broadcast %parallel_loop3A_1043 : f32 to vector<16xf32>
          %parallel_loop3A_1193 = arith.mulf %parallel_loop3A_1192, %get3A_36 : vector<16xf32>
          %parallel_loop3A_1194 = arith.addf %parallel_loop3A_1191, %parallel_loop3A_1193 : vector<16xf32>
          %parallel_loop3A_1195 = vector.broadcast %parallel_loop3A_1045 : f32 to vector<16xf32>
          %parallel_loop3A_1196 = arith.mulf %parallel_loop3A_1195, %get3A_76 : vector<16xf32>
          %parallel_loop3A_1197 = arith.addf %parallel_loop3A_1194, %parallel_loop3A_1196 : vector<16xf32>
          %parallel_loop3A_1198 = vector.broadcast %parallel_loop3A_1047 : f32 to vector<16xf32>
          %parallel_loop3A_1199 = arith.mulf %parallel_loop3A_1198, %get3A_116 : vector<16xf32>
          %parallel_loop3A_1200 = arith.addf %parallel_loop3A_1197, %parallel_loop3A_1199 : vector<16xf32>
          %parallel_loop3A_1201 = vector.broadcast %parallel_loop3A_1049 : f32 to vector<16xf32>
          %parallel_loop3A_1202 = arith.mulf %parallel_loop3A_1201, %get3A_156 : vector<16xf32>
          %parallel_loop3A_1203 = arith.addf %parallel_loop3A_1200, %parallel_loop3A_1202 : vector<16xf32>
          %parallel_loop3A_1204 = arith.constant 120 : i32
          %parallel_loop3A_1205 = arith.addi %parallel_loop3A_1204, %parallel_loop3A_429 : i32
          %parallel_loop3A_1206 = arith.index_cast %parallel_loop3A_1205 : i32 to index
          %parallel_loop3A_1207 = arith.constant 96 : index
          %parallel_loop3A_1208 = tpu.vector_load %arg12[%parallel_loop3A_1206, %parallel_loop3A_1207] {strides = array<i32>} : memref<160x128xf32, #tpu.memory_space<vmem>>, vector<1x16xf32>,
          %parallel_loop3A_1209 = vector.shape_cast %parallel_loop3A_1208 : vector<1x16xf32> to vector<16xf32>
          %parallel_loop3A_1210 = vector.shape_cast %parallel_loop3A_1203 : vector<16xf32> to vector<1x16xf32>
          tpu.vector_store %arg12[%parallel_loop3A_1206, %parallel_loop3A_1207], %parallel_loop3A_1210 {strides = array<i32>} : memref<160x128xf32, #tpu.memory_space<vmem>>, vector<1x16xf32>,
          %parallel_loop3A_1211 = arith.index_cast %parallel_loop3A_1041 : i32 to index
          %parallel_loop3A_1212 = arith.constant 112 : index
          %parallel_loop3A_1213 = tpu.vector_load %arg7[%parallel_loop3A_1211, %parallel_loop3A_1212] {strides = array<i32>} : memref<10x128xf32, #tpu.memory_space<vmem>>, vector<1x16xf32>,
          %parallel_loop3A_1214 = vector.shape_cast %parallel_loop3A_1213 : vector<1x16xf32> to vector<16xf32>
          %parallel_loop3A_1215 = vector.broadcast %parallel_loop3A_1043 : f32 to vector<16xf32>
          %parallel_loop3A_1216 = arith.mulf %parallel_loop3A_1215, %get3A_41 : vector<16xf32>
          %parallel_loop3A_1217 = arith.addf %parallel_loop3A_1214, %parallel_loop3A_1216 : vector<16xf32>
          %parallel_loop3A_1218 = vector.broadcast %parallel_loop3A_1045 : f32 to vector<16xf32>
          %parallel_loop3A_1219 = arith.mulf %parallel_loop3A_1218, %get3A_81 : vector<16xf32>
          %parallel_loop3A_1220 = arith.addf %parallel_loop3A_1217, %parallel_loop3A_1219 : vector<16xf32>
          %parallel_loop3A_1221 = vector.broadcast %parallel_loop3A_1047 : f32 to vector<16xf32>
          %parallel_loop3A_1222 = arith.mulf %parallel_loop3A_1221, %get3A_121 : vector<16xf32>
          %parallel_loop3A_1223 = arith.addf %parallel_loop3A_1220, %parallel_loop3A_1222 : vector<16xf32>
          %parallel_loop3A_1224 = vector.broadcast %parallel_loop3A_1049 : f32 to vector<16xf32>
          %parallel_loop3A_1225 = arith.mulf %parallel_loop3A_1224, %get3A_161 : vector<16xf32>
          %parallel_loop3A_1226 = arith.addf %parallel_loop3A_1223, %parallel_loop3A_1225 : vector<16xf32>
          %parallel_loop3A_1227 = arith.constant 120 : i32
          %parallel_loop3A_1228 = arith.addi %parallel_loop3A_1227, %parallel_loop3A_429 : i32
          %parallel_loop3A_1229 = arith.index_cast %parallel_loop3A_1228 : i32 to index
          %parallel_loop3A_1230 = arith.constant 112 : index
          %parallel_loop3A_1231 = tpu.vector_load %arg12[%parallel_loop3A_1229, %parallel_loop3A_1230] {strides = array<i32>} : memref<160x128xf32, #tpu.memory_space<vmem>>, vector<1x16xf32>,
          %parallel_loop3A_1232 = vector.shape_cast %parallel_loop3A_1231 : vector<1x16xf32> to vector<16xf32>
          %parallel_loop3A_1233 = vector.shape_cast %parallel_loop3A_1226 : vector<16xf32> to vector<1x16xf32>
          tpu.vector_store %arg12[%parallel_loop3A_1229, %parallel_loop3A_1230], %parallel_loop3A_1233 {strides = array<i32>} : memref<160x128xf32, #tpu.memory_space<vmem>>, vector<1x16xf32>,
        } {sc.loop_unroll_factor = 1 : i64, sc.parallel_access}
        %add3A_365 = arith.addi %mul3A_2, %mul3A_353 : i32
        %add3A_366 = arith.constant 0 : i32
        %add3A_367 = arith.addi %add3A_365, %add3A_366 : i32
        %mul3A_368 = arith.constant 200 : i32
        %mul3A_369 = arith.muli %add3A_367, %mul3A_368 : i32
        %add3A_370 = arith.addi %mul3A_369, %mul3A_264 : i32
        %dma_start3A_371 = arith.constant 0 : i32
        %dma_start3A_372 = arith.constant 0 : i32
        %dma_start3A_373 = tpu.memref_slice %arg12[%dma_start3A_371, %dma_start3A_372] : memref<160x128xf32, #tpu.memory_space<vmem>> -> memref<40x128xf32, #tpu.memory_space<vmem>>
        %dma_start3A_374 = arith.constant 0 : i32
        %dma_start3A_375 = tpu.memref_slice %arg6[%add3A_370, %dma_start3A_374] : memref<819200x128xf32, #tpu.memory_space<hbm>> -> memref<40x128xf32, #tpu.memory_space<hbm>>
        %dma_start3A_376 = arith.constant 0 : i32
        %dma_start3A_377 = tpu.memref_slice %arg6[%add3A_370, %dma_start3A_376] : memref<819200x128xf32, #tpu.memory_space<hbm>> -> memref<40x128xf32, #tpu.memory_space<hbm>>
        %dma_start3A_378 = arith.constant 0 : i32
        %dma_start3A_379 = arith.constant 0 : i32
        %dma_start3A_380 = tpu.memref_slice %arg12[%dma_start3A_378, %dma_start3A_379] : memref<160x128xf32, #tpu.memory_space<vmem>> -> memref<40x128xf32, #tpu.memory_space<vmem>>
        tpu.enqueue_dma source(%dma_start3A_380 : memref<40x128xf32, #tpu.memory_space<vmem>>) target(%dma_start3A_377 : memref<40x128xf32, #tpu.memory_space<hbm>>) target_semaphore(%arg14 : memref<!tpu.dma_semaphore, #tpu.memory_space<semaphore_mem>>)
        %add3A_381 = arith.addi %mul3A_2, %mul3A_353 : i32
        %add3A_382 = arith.constant 1 : i32
        %add3A_383 = arith.addi %add3A_381, %add3A_382 : i32
        %mul3A_384 = arith.constant 200 : i32
        %mul3A_385 = arith.muli %add3A_383, %mul3A_384 : i32
        %add3A_386 = arith.addi %mul3A_385, %mul3A_264 : i32
        %dma_start3A_387 = arith.constant 40 : i32
        %dma_start3A_388 = arith.constant 0 : i32
        %dma_start3A_389 = tpu.memref_slice %arg12[%dma_start3A_387, %dma_start3A_388] : memref<160x128xf32, #tpu.memory_space<vmem>> -> memref<40x128xf32, #tpu.memory_space<vmem>>
        %dma_start3A_390 = arith.constant 0 : i32
        %dma_start3A_391 = tpu.memref_slice %arg6[%add3A_386, %dma_start3A_390] : memref<819200x128xf32, #tpu.memory_space<hbm>> -> memref<40x128xf32, #tpu.memory_space<hbm>>
        %dma_start3A_392 = arith.constant 0 : i32
        %dma_start3A_393 = tpu.memref_slice %arg6[%add3A_386, %dma_start3A_392] : memref<819200x128xf32, #tpu.memory_space<hbm>> -> memref<40x128xf32, #tpu.memory_space<hbm>>
        %dma_start3A_394 = arith.constant 40 : i32
        %dma_start3A_395 = arith.constant 0 : i32
        %dma_start3A_396 = tpu.memref_slice %arg12[%dma_start3A_394, %dma_start3A_395] : memref<160x128xf32, #tpu.memory_space<vmem>> -> memref<40x128xf32, #tpu.memory_space<vmem>>
        tpu.enqueue_dma source(%dma_start3A_396 : memref<40x128xf32, #tpu.memory_space<vmem>>) target(%dma_start3A_393 : memref<40x128xf32, #tpu.memory_space<hbm>>) target_semaphore(%arg14 : memref<!tpu.dma_semaphore, #tpu.memory_space<semaphore_mem>>)
        %add3A_397 = arith.addi %mul3A_2, %mul3A_353 : i32
        %add3A_398 = arith.constant 2 : i32
        %add3A_399 = arith.addi %add3A_397, %add3A_398 : i32
        %mul3A_400 = arith.constant 200 : i32
        %mul3A_401 = arith.muli %add3A_399, %mul3A_400 : i32
        %add3A_402 = arith.addi %mul3A_401, %mul3A_264 : i32
        %dma_start3A_403 = arith.constant 80 : i32
        %dma_start3A_404 = arith.constant 0 : i32
        %dma_start3A_405 = tpu.memref_slice %arg12[%dma_start3A_403, %dma_start3A_404] : memref<160x128xf32, #tpu.memory_space<vmem>> -> memref<40x128xf32, #tpu.memory_space<vmem>>
        %dma_start3A_406 = arith.constant 0 : i32
        %dma_start3A_407 = tpu.memref_slice %arg6[%add3A_402, %dma_start3A_406] : memref<819200x128xf32, #tpu.memory_space<hbm>> -> memref<40x128xf32, #tpu.memory_space<hbm>>
        %dma_start3A_408 = arith.constant 0 : i32
        %dma_start3A_409 = tpu.memref_slice %arg6[%add3A_402, %dma_start3A_408] : memref<819200x128xf32, #tpu.memory_space<hbm>> -> memref<40x128xf32, #tpu.memory_space<hbm>>
        %dma_start3A_410 = arith.constant 80 : i32
        %dma_start3A_411 = arith.constant 0 : i32
        %dma_start3A_412 = tpu.memref_slice %arg12[%dma_start3A_410, %dma_start3A_411] : memref<160x128xf32, #tpu.memory_space<vmem>> -> memref<40x128xf32, #tpu.memory_space<vmem>>
        tpu.enqueue_dma source(%dma_start3A_412 : memref<40x128xf32, #tpu.memory_space<vmem>>) target(%dma_start3A_409 : memref<40x128xf32, #tpu.memory_space<hbm>>) target_semaphore(%arg14 : memref<!tpu.dma_semaphore, #tpu.memory_space<semaphore_mem>>)
        %add3A_413 = arith.addi %mul3A_2, %mul3A_353 : i32
        %add3A_414 = arith.constant 3 : i32
        %add3A_415 = arith.addi %add3A_413, %add3A_414 : i32
        %mul3A_416 = arith.constant 200 : i32
        %mul3A_417 = arith.muli %add3A_415, %mul3A_416 : i32
        %add3A_418 = arith.addi %mul3A_417, %mul3A_264 : i32
        %dma_start3A_419 = arith.constant 120 : i32
        %dma_start3A_420 = arith.constant 0 : i32
        %dma_start3A_421 = tpu.memref_slice %arg12[%dma_start3A_419, %dma_start3A_420] : memref<160x128xf32, #tpu.memory_space<vmem>> -> memref<40x128xf32, #tpu.memory_space<vmem>>
        %dma_start3A_422 = arith.constant 0 : i32
        %dma_start3A_423 = tpu.memref_slice %arg6[%add3A_418, %dma_start3A_422] : memref<819200x128xf32, #tpu.memory_space<hbm>> -> memref<40x128xf32, #tpu.memory_space<hbm>>
        %dma_start3A_424 = arith.constant 0 : i32
        %dma_start3A_425 = tpu.memref_slice %arg6[%add3A_418, %dma_start3A_424] : memref<819200x128xf32, #tpu.memory_space<hbm>> -> memref<40x128xf32, #tpu.memory_space<hbm>>
        %dma_start3A_426 = arith.constant 120 : i32
        %dma_start3A_427 = arith.constant 0 : i32
        %dma_start3A_428 = tpu.memref_slice %arg12[%dma_start3A_426, %dma_start3A_427] : memref<160x128xf32, #tpu.memory_space<vmem>> -> memref<40x128xf32, #tpu.memory_space<vmem>>
        tpu.enqueue_dma source(%dma_start3A_428 : memref<40x128xf32, #tpu.memory_space<vmem>>) target(%dma_start3A_425 : memref<40x128xf32, #tpu.memory_space<hbm>>) target_semaphore(%arg14 : memref<!tpu.dma_semaphore, #tpu.memory_space<semaphore_mem>>)
      }
      %scan3A_270 = arith.constant 16 : i32
    }
    %scan3A_166 = arith.constant 2 : i32
    %dma_wait3A = arith.constant 0 : i32
    %dma_wait3A_167 = arith.constant 0 : i32
    %dma_wait3A_168 = tpu.memref_slice %arg11[%dma_wait3A, %dma_wait3A_167] : memref<160x128xf32, #tpu.memory_space<vmem>> -> memref<40x128xf32, #tpu.memory_space<vmem>>
    %dma_wait3A_169 = arith.constant 0 : i32
    %dma_wait3A_170 = arith.constant 0 : i32
    %dma_wait3A_171 = tpu.memref_slice %arg6[%dma_wait3A_169, %dma_wait3A_170] : memref<819200x128xf32, #tpu.memory_space<hbm>> -> memref<40x128xf32, #tpu.memory_space<hbm>>
    %dma_wait3A_172 = arith.constant 0 : i32
    %dma_wait3A_173 = arith.constant 0 : i32
    %dma_wait3A_174 = tpu.memref_slice %arg6[%dma_wait3A_172, %dma_wait3A_173] : memref<819200x128xf32, #tpu.memory_space<hbm>> -> memref<40x128xf32, #tpu.memory_space<hbm>>
    %dma_wait3A_175 = arith.constant 0 : i32
    %dma_wait3A_176 = arith.constant 0 : i32
    %dma_wait3A_177 = tpu.memref_slice %arg11[%dma_wait3A_175, %dma_wait3A_176] : memref<160x128xf32, #tpu.memory_space<vmem>> -> memref<40x128xf32, #tpu.memory_space<vmem>>
    tpu.wait_dma2 semaphore(%arg13 : memref<!tpu.dma_semaphore, #tpu.memory_space<semaphore_mem>>) src(%dma_wait3A_177 : memref<40x128xf32, #tpu.memory_space<vmem>>) dst(%dma_wait3A_174 : memref<40x128xf32, #tpu.memory_space<hbm>>)
    %dma_wait3A_178 = arith.constant 40 : i32
    %dma_wait3A_179 = arith.constant 0 : i32
    %dma_wait3A_180 = tpu.memref_slice %arg11[%dma_wait3A_178, %dma_wait3A_179] : memref<160x128xf32, #tpu.memory_space<vmem>> -> memref<40x128xf32, #tpu.memory_space<vmem>>
    %dma_wait3A_181 = arith.constant 0 : i32
    %dma_wait3A_182 = arith.constant 0 : i32
    %dma_wait3A_183 = tpu.memref_slice %arg6[%dma_wait3A_181, %dma_wait3A_182] : memref<819200x128xf32, #tpu.memory_space<hbm>> -> memref<40x128xf32, #tpu.memory_space<hbm>>
    %dma_wait3A_184 = arith.constant 0 : i32
    %dma_wait3A_185 = arith.constant 0 : i32
    %dma_wait3A_186 = tpu.memref_slice %arg6[%dma_wait3A_184, %dma_wait3A_185] : memref<819200x128xf32, #tpu.memory_space<hbm>> -> memref<40x128xf32, #tpu.memory_space<hbm>>
    %dma_wait3A_187 = arith.constant 40 : i32
    %dma_wait3A_188 = arith.constant 0 : i32
    %dma_wait3A_189 = tpu.memref_slice %arg11[%dma_wait3A_187, %dma_wait3A_188] : memref<160x128xf32, #tpu.memory_space<vmem>> -> memref<40x128xf32, #tpu.memory_space<vmem>>
    tpu.wait_dma2 semaphore(%arg13 : memref<!tpu.dma_semaphore, #tpu.memory_space<semaphore_mem>>) src(%dma_wait3A_189 : memref<40x128xf32, #tpu.memory_space<vmem>>) dst(%dma_wait3A_186 : memref<40x128xf32, #tpu.memory_space<hbm>>)
    %dma_wait3A_190 = arith.constant 80 : i32
    %dma_wait3A_191 = arith.constant 0 : i32
    %dma_wait3A_192 = tpu.memref_slice %arg11[%dma_wait3A_190, %dma_wait3A_191] : memref<160x128xf32, #tpu.memory_space<vmem>> -> memref<40x128xf32, #tpu.memory_space<vmem>>
    %dma_wait3A_193 = arith.constant 0 : i32
    %dma_wait3A_194 = arith.constant 0 : i32
    %dma_wait3A_195 = tpu.memref_slice %arg6[%dma_wait3A_193, %dma_wait3A_194] : memref<819200x128xf32, #tpu.memory_space<hbm>> -> memref<40x128xf32, #tpu.memory_space<hbm>>
    %dma_wait3A_196 = arith.constant 0 : i32
    %dma_wait3A_197 = arith.constant 0 : i32
    %dma_wait3A_198 = tpu.memref_slice %arg6[%dma_wait3A_196, %dma_wait3A_197] : memref<819200x128xf32, #tpu.memory_space<hbm>> -> memref<40x128xf32, #tpu.memory_space<hbm>>
    %dma_wait3A_199 = arith.constant 80 : i32
    %dma_wait3A_200 = arith.constant 0 : i32
    %dma_wait3A_201 = tpu.memref_slice %arg11[%dma_wait3A_199, %dma_wait3A_200] : memref<160x128xf32, #tpu.memory_space<vmem>> -> memref<40x128xf32, #tpu.memory_space<vmem>>
    tpu.wait_dma2 semaphore(%arg13 : memref<!tpu.dma_semaphore, #tpu.memory_space<semaphore_mem>>) src(%dma_wait3A_201 : memref<40x128xf32, #tpu.memory_space<vmem>>) dst(%dma_wait3A_198 : memref<40x128xf32, #tpu.memory_space<hbm>>)
    %dma_wait3A_202 = arith.constant 120 : i32
    %dma_wait3A_203 = arith.constant 0 : i32
    %dma_wait3A_204 = tpu.memref_slice %arg11[%dma_wait3A_202, %dma_wait3A_203] : memref<160x128xf32, #tpu.memory_space<vmem>> -> memref<40x128xf32, #tpu.memory_space<vmem>>
    %dma_wait3A_205 = arith.constant 0 : i32
    %dma_wait3A_206 = arith.constant 0 : i32
    %dma_wait3A_207 = tpu.memref_slice %arg6[%dma_wait3A_205, %dma_wait3A_206] : memref<819200x128xf32, #tpu.memory_space<hbm>> -> memref<40x128xf32, #tpu.memory_space<hbm>>
    %dma_wait3A_208 = arith.constant 0 : i32
    %dma_wait3A_209 = arith.constant 0 : i32
    %dma_wait3A_210 = tpu.memref_slice %arg6[%dma_wait3A_208, %dma_wait3A_209] : memref<819200x128xf32, #tpu.memory_space<hbm>> -> memref<40x128xf32, #tpu.memory_space<hbm>>
    %dma_wait3A_211 = arith.constant 120 : i32
    %dma_wait3A_212 = arith.constant 0 : i32
    %dma_wait3A_213 = tpu.memref_slice %arg11[%dma_wait3A_211, %dma_wait3A_212] : memref<160x128xf32, #tpu.memory_space<vmem>> -> memref<40x128xf32, #tpu.memory_space<vmem>>
    tpu.wait_dma2 semaphore(%arg13 : memref<!tpu.dma_semaphore, #tpu.memory_space<semaphore_mem>>) src(%dma_wait3A_213 : memref<40x128xf32, #tpu.memory_space<vmem>>) dst(%dma_wait3A_210 : memref<40x128xf32, #tpu.memory_space<hbm>>)
    %dma_wait3A_214 = arith.constant 0 : i32
    %dma_wait3A_215 = arith.constant 0 : i32
    %dma_wait3A_216 = tpu.memref_slice %arg12[%dma_wait3A_214, %dma_wait3A_215] : memref<160x128xf32, #tpu.memory_space<vmem>> -> memref<40x128xf32, #tpu.memory_space<vmem>>
    %dma_wait3A_217 = arith.constant 0 : i32
    %dma_wait3A_218 = arith.constant 0 : i32
    %dma_wait3A_219 = tpu.memref_slice %arg6[%dma_wait3A_217, %dma_wait3A_218] : memref<819200x128xf32, #tpu.memory_space<hbm>> -> memref<40x128xf32, #tpu.memory_space<hbm>>
    %dma_wait3A_220 = arith.constant 0 : i32
    %dma_wait3A_221 = arith.constant 0 : i32
    %dma_wait3A_222 = tpu.memref_slice %arg6[%dma_wait3A_220, %dma_wait3A_221] : memref<819200x128xf32, #tpu.memory_space<hbm>> -> memref<40x128xf32, #tpu.memory_space<hbm>>
    %dma_wait3A_223 = arith.constant 0 : i32
    %dma_wait3A_224 = arith.constant 0 : i32
    %dma_wait3A_225 = tpu.memref_slice %arg12[%dma_wait3A_223, %dma_wait3A_224] : memref<160x128xf32, #tpu.memory_space<vmem>> -> memref<40x128xf32, #tpu.memory_space<vmem>>
    tpu.wait_dma2 semaphore(%arg14 : memref<!tpu.dma_semaphore, #tpu.memory_space<semaphore_mem>>) src(%dma_wait3A_225 : memref<40x128xf32, #tpu.memory_space<vmem>>) dst(%dma_wait3A_222 : memref<40x128xf32, #tpu.memory_space<hbm>>)
    %dma_wait3A_226 = arith.constant 40 : i32
    %dma_wait3A_227 = arith.constant 0 : i32
    %dma_wait3A_228 = tpu.memref_slice %arg12[%dma_wait3A_226, %dma_wait3A_227] : memref<160x128xf32, #tpu.memory_space<vmem>> -> memref<40x128xf32, #tpu.memory_space<vmem>>
    %dma_wait3A_229 = arith.constant 0 : i32
    %dma_wait3A_230 = arith.constant 0 : i32
    %dma_wait3A_231 = tpu.memref_slice %arg6[%dma_wait3A_229, %dma_wait3A_230] : memref<819200x128xf32, #tpu.memory_space<hbm>> -> memref<40x128xf32, #tpu.memory_space<hbm>>
    %dma_wait3A_232 = arith.constant 0 : i32
    %dma_wait3A_233 = arith.constant 0 : i32
    %dma_wait3A_234 = tpu.memref_slice %arg6[%dma_wait3A_232, %dma_wait3A_233] : memref<819200x128xf32, #tpu.memory_space<hbm>> -> memref<40x128xf32, #tpu.memory_space<hbm>>
    %dma_wait3A_235 = arith.constant 40 : i32
    %dma_wait3A_236 = arith.constant 0 : i32
    %dma_wait3A_237 = tpu.memref_slice %arg12[%dma_wait3A_235, %dma_wait3A_236] : memref<160x128xf32, #tpu.memory_space<vmem>> -> memref<40x128xf32, #tpu.memory_space<vmem>>
    tpu.wait_dma2 semaphore(%arg14 : memref<!tpu.dma_semaphore, #tpu.memory_space<semaphore_mem>>) src(%dma_wait3A_237 : memref<40x128xf32, #tpu.memory_space<vmem>>) dst(%dma_wait3A_234 : memref<40x128xf32, #tpu.memory_space<hbm>>)
    %dma_wait3A_238 = arith.constant 80 : i32
    %dma_wait3A_239 = arith.constant 0 : i32
    %dma_wait3A_240 = tpu.memref_slice %arg12[%dma_wait3A_238, %dma_wait3A_239] : memref<160x128xf32, #tpu.memory_space<vmem>> -> memref<40x128xf32, #tpu.memory_space<vmem>>
    %dma_wait3A_241 = arith.constant 0 : i32
    %dma_wait3A_242 = arith.constant 0 : i32
    %dma_wait3A_243 = tpu.memref_slice %arg6[%dma_wait3A_241, %dma_wait3A_242] : memref<819200x128xf32, #tpu.memory_space<hbm>> -> memref<40x128xf32, #tpu.memory_space<hbm>>
    %dma_wait3A_244 = arith.constant 0 : i32
    %dma_wait3A_245 = arith.constant 0 : i32
    %dma_wait3A_246 = tpu.memref_slice %arg6[%dma_wait3A_244, %dma_wait3A_245] : memref<819200x128xf32, #tpu.memory_space<hbm>> -> memref<40x128xf32, #tpu.memory_space<hbm>>
    %dma_wait3A_247 = arith.constant 80 : i32
    %dma_wait3A_248 = arith.constant 0 : i32
    %dma_wait3A_249 = tpu.memref_slice %arg12[%dma_wait3A_247, %dma_wait3A_248] : memref<160x128xf32, #tpu.memory_space<vmem>> -> memref<40x128xf32, #tpu.memory_space<vmem>>
    tpu.wait_dma2 semaphore(%arg14 : memref<!tpu.dma_semaphore, #tpu.memory_space<semaphore_mem>>) src(%dma_wait3A_249 : memref<40x128xf32, #tpu.memory_space<vmem>>) dst(%dma_wait3A_246 : memref<40x128xf32, #tpu.memory_space<hbm>>)
    %dma_wait3A_250 = arith.constant 120 : i32
    %dma_wait3A_251 = arith.constant 0 : i32
    %dma_wait3A_252 = tpu.memref_slice %arg12[%dma_wait3A_250, %dma_wait3A_251] : memref<160x128xf32, #tpu.memory_space<vmem>> -> memref<40x128xf32, #tpu.memory_space<vmem>>
    %dma_wait3A_253 = arith.constant 0 : i32
    %dma_wait3A_254 = arith.constant 0 : i32
    %dma_wait3A_255 = tpu.memref_slice %arg6[%dma_wait3A_253, %dma_wait3A_254] : memref<819200x128xf32, #tpu.memory_space<hbm>> -> memref<40x128xf32, #tpu.memory_space<hbm>>
    %dma_wait3A_256 = arith.constant 0 : i32
    %dma_wait3A_257 = arith.constant 0 : i32
    %dma_wait3A_258 = tpu.memref_slice %arg6[%dma_wait3A_256, %dma_wait3A_257] : memref<819200x128xf32, #tpu.memory_space<hbm>> -> memref<40x128xf32, #tpu.memory_space<hbm>>
    %dma_wait3A_259 = arith.constant 120 : i32
    %dma_wait3A_260 = arith.constant 0 : i32
    %dma_wait3A_261 = tpu.memref_slice %arg12[%dma_wait3A_259, %dma_wait3A_260] : memref<160x128xf32, #tpu.memory_space<vmem>> -> memref<40x128xf32, #tpu.memory_space<vmem>>
    tpu.wait_dma2 semaphore(%arg14 : memref<!tpu.dma_semaphore, #tpu.memory_space<semaphore_mem>>) src(%dma_wait3A_261 : memref<40x128xf32, #tpu.memory_space<vmem>>) dst(%dma_wait3A_258 : memref<40x128xf32, #tpu.memory_space<hbm>>)
    return
  }
}

module attributes {stable_mosaic.version = 14 : i64} {
  func.func @_tc_kernel(%arg0: i32, %arg1: i32, %arg2: memref<40x128xi32, #tpu.memory_space<vmem>>, %arg3: memref<40x4x128xf32, #tpu.memory_space<vmem>>, %arg4: memref<128x128xf32, #tpu.memory_space<vmem>>, %arg5: memref<4x128xf32, #tpu.memory_space<vmem>>, %arg6: memref<4096x200x128xf32, #tpu.memory_space<any>>, %arg7: memref<128x40x128xf32, #tpu.memory_space<vmem>>) attributes {dimension_semantics = [#tpu.dimension_semantics<arbitrary>, #tpu.dimension_semantics<arbitrary>], iteration_bounds = array<i64: 32, 3>, scalar_prefetch = 0 : i64, scratch_operands = 0 : i64, tpu.core_type = #tpu.core_type<tc>, window_params = [{transform_indices = @transform_0, window_bounds = array<i64: 40, 128>}, {transform_indices = @transform_1, window_bounds = array<i64: 40, 4, 128>}, {pipeline_mode = #tpu.pipeline_mode<synchronous>, transform_indices = @transform_2, window_bounds = array<i64: 128, 128>}, {pipeline_mode = #tpu.pipeline_mode<synchronous>, transform_indices = @transform_3, window_bounds = array<i64: 4, 128>}, {}, {transform_indices = @transform_5, window_bounds = array<i64: 128, 40, 128>}]} {
    %get3A = arith.constant 0 : index
    %get3A_0 = arith.constant 0 : index
    %get3A_1 = vector.load %arg2[%get3A, %get3A_0] : memref<40x128xi32, #tpu.memory_space<vmem>>, vector<40x128xi32>
    %convert_element_type3A = arith.sitofp %get3A_1 : vector<40x128xi32> to vector<40x128xf32>
    %transpose3A = tpu.transpose %convert_element_type3A, [1, 0] : vector<40x128xf32> -> vector<128x40xf32>
    %iota3A = tpu.iota {dimensions = array<i32: 2>} : vector<128x40x128xi32>
    %convert_element_type3A_2 = arith.sitofp %iota3A : vector<128x40x128xi32> to vector<128x40x128xf32>
    %broadcast_in_dim3A = vector.shape_cast %transpose3A : vector<128x40xf32> to vector<128x40x1xf32>
    %eq3A = vector.broadcast %broadcast_in_dim3A : vector<128x40x1xf32> to vector<128x40x128xf32>
    %eq3A_3 = arith.cmpf oeq, %eq3A, %convert_element_type3A_2 : vector<128x40x128xf32>
    %convert_element_type3A_4 = arith.extui %eq3A_3 : vector<128x40x128xi1> to vector<128x40x128xi32>
    %convert_element_type3A_5 = arith.sitofp %convert_element_type3A_4 : vector<128x40x128xi32> to vector<128x40x128xf32>
    %reshape3A = vector.shape_cast %convert_element_type3A_5 : vector<128x40x128xf32> to vector<5120x128xf32>
    %get3A_6 = arith.constant 0 : index
    %get3A_7 = arith.constant 0 : index
    %get3A_8 = vector.load %arg4[%get3A_6, %get3A_7] : memref<128x128xf32, #tpu.memory_space<vmem>>, vector<128x128xf32>
    %dot_general3A = arith.constant dense<0.000000e+00> : vector<5120x128xf32>
    %dot_general3A_9 = tpu.matmul %reshape3A, %get3A_8, %dot_general3A {dimension_numbers = #tpu.dot_dimension_numbers<[1], [0], [0], [1], [0, 0, 1, 1], [], []>, transpose_lhs_hint = false} : vector<5120x128xf32>, vector<128x128xf32>, vector<5120x128xf32> -> vector<5120x128xf32>
    %reshape3A_10 = vector.shape_cast %dot_general3A_9 : vector<5120x128xf32> to vector<128x40x128xf32>
    %get3A_11 = arith.constant 0 : index
    %get3A_12 = arith.constant 0 : index
    %get3A_13 = arith.constant 0 : index
    %get3A_14 = vector.load %arg3[%get3A_11, %get3A_12, %get3A_13] : memref<40x4x128xf32, #tpu.memory_space<vmem>>, vector<40x1x128xf32>
    %get3A_15 = vector.shape_cast %get3A_14 : vector<40x1x128xf32> to vector<40x128xf32>
    %transpose3A_16 = tpu.transpose %get3A_15, [1, 0] : vector<40x128xf32> -> vector<128x40xf32>
    %broadcast_in_dim3A_17 = vector.shape_cast %transpose3A_16 : vector<128x40xf32> to vector<128x40x1xf32>
    %get3A_18 = arith.constant 0 : index
    %get3A_19 = arith.constant 0 : index
    %get3A_20 = vector.load %arg5[%get3A_18, %get3A_19] : memref<4x128xf32, #tpu.memory_space<vmem>>, vector<1x128xf32>
    %get3A_21 = vector.shape_cast %get3A_20 : vector<1x128xf32> to vector<128xf32>
    %broadcast_in_dim3A_22 = vector.shape_cast %get3A_21 : vector<128xf32> to vector<1x1x128xf32>
    %mul3A = vector.broadcast %broadcast_in_dim3A_17 : vector<128x40x1xf32> to vector<128x40x128xf32>
    %mul3A_23 = vector.broadcast %broadcast_in_dim3A_22 : vector<1x1x128xf32> to vector<128x40x128xf32>
    %mul3A_24 = arith.mulf %mul3A, %mul3A_23 : vector<128x40x128xf32>
    %add3A = arith.addf %reshape3A_10, %mul3A_24 : vector<128x40x128xf32>
    %get3A_25 = arith.constant 0 : index
    %get3A_26 = arith.constant 1 : index
    %get3A_27 = arith.constant 0 : index
    %get3A_28 = vector.load %arg3[%get3A_25, %get3A_26, %get3A_27] : memref<40x4x128xf32, #tpu.memory_space<vmem>>, vector<40x1x128xf32>
    %get3A_29 = vector.shape_cast %get3A_28 : vector<40x1x128xf32> to vector<40x128xf32>
    %transpose3A_30 = tpu.transpose %get3A_29, [1, 0] : vector<40x128xf32> -> vector<128x40xf32>
    %broadcast_in_dim3A_31 = vector.shape_cast %transpose3A_30 : vector<128x40xf32> to vector<128x40x1xf32>
    %get3A_32 = arith.constant 1 : index
    %get3A_33 = arith.constant 0 : index
    %get3A_34 = vector.load %arg5[%get3A_32, %get3A_33] : memref<4x128xf32, #tpu.memory_space<vmem>>, vector<1x128xf32>
    %get3A_35 = vector.shape_cast %get3A_34 : vector<1x128xf32> to vector<128xf32>
    %broadcast_in_dim3A_36 = vector.shape_cast %get3A_35 : vector<128xf32> to vector<1x1x128xf32>
    %mul3A_37 = vector.broadcast %broadcast_in_dim3A_31 : vector<128x40x1xf32> to vector<128x40x128xf32>
    %mul3A_38 = vector.broadcast %broadcast_in_dim3A_36 : vector<1x1x128xf32> to vector<128x40x128xf32>
    %mul3A_39 = arith.mulf %mul3A_37, %mul3A_38 : vector<128x40x128xf32>
    %add3A_40 = arith.addf %add3A, %mul3A_39 : vector<128x40x128xf32>
    %get3A_41 = arith.constant 0 : index
    %get3A_42 = arith.constant 2 : index
    %get3A_43 = arith.constant 0 : index
    %get3A_44 = vector.load %arg3[%get3A_41, %get3A_42, %get3A_43] : memref<40x4x128xf32, #tpu.memory_space<vmem>>, vector<40x1x128xf32>
    %get3A_45 = vector.shape_cast %get3A_44 : vector<40x1x128xf32> to vector<40x128xf32>
    %transpose3A_46 = tpu.transpose %get3A_45, [1, 0] : vector<40x128xf32> -> vector<128x40xf32>
    %broadcast_in_dim3A_47 = vector.shape_cast %transpose3A_46 : vector<128x40xf32> to vector<128x40x1xf32>
    %get3A_48 = arith.constant 2 : index
    %get3A_49 = arith.constant 0 : index
    %get3A_50 = vector.load %arg5[%get3A_48, %get3A_49] : memref<4x128xf32, #tpu.memory_space<vmem>>, vector<1x128xf32>
    %get3A_51 = vector.shape_cast %get3A_50 : vector<1x128xf32> to vector<128xf32>
    %broadcast_in_dim3A_52 = vector.shape_cast %get3A_51 : vector<128xf32> to vector<1x1x128xf32>
    %mul3A_53 = vector.broadcast %broadcast_in_dim3A_47 : vector<128x40x1xf32> to vector<128x40x128xf32>
    %mul3A_54 = vector.broadcast %broadcast_in_dim3A_52 : vector<1x1x128xf32> to vector<128x40x128xf32>
    %mul3A_55 = arith.mulf %mul3A_53, %mul3A_54 : vector<128x40x128xf32>
    %add3A_56 = arith.addf %add3A_40, %mul3A_55 : vector<128x40x128xf32>
    %get3A_57 = arith.constant 0 : index
    %get3A_58 = arith.constant 3 : index
    %get3A_59 = arith.constant 0 : index
    %get3A_60 = vector.load %arg3[%get3A_57, %get3A_58, %get3A_59] : memref<40x4x128xf32, #tpu.memory_space<vmem>>, vector<40x1x128xf32>
    %get3A_61 = vector.shape_cast %get3A_60 : vector<40x1x128xf32> to vector<40x128xf32>
    %transpose3A_62 = tpu.transpose %get3A_61, [1, 0] : vector<40x128xf32> -> vector<128x40xf32>
    %broadcast_in_dim3A_63 = vector.shape_cast %transpose3A_62 : vector<128x40xf32> to vector<128x40x1xf32>
    %get3A_64 = arith.constant 3 : index
    %get3A_65 = arith.constant 0 : index
    %get3A_66 = vector.load %arg5[%get3A_64, %get3A_65] : memref<4x128xf32, #tpu.memory_space<vmem>>, vector<1x128xf32>
    %get3A_67 = vector.shape_cast %get3A_66 : vector<1x128xf32> to vector<128xf32>
    %broadcast_in_dim3A_68 = vector.shape_cast %get3A_67 : vector<128xf32> to vector<1x1x128xf32>
    %mul3A_69 = vector.broadcast %broadcast_in_dim3A_63 : vector<128x40x1xf32> to vector<128x40x128xf32>
    %mul3A_70 = vector.broadcast %broadcast_in_dim3A_68 : vector<1x1x128xf32> to vector<128x40x128xf32>
    %mul3A_71 = arith.mulf %mul3A_69, %mul3A_70 : vector<128x40x128xf32>
    %add3A_72 = arith.addf %add3A_56, %mul3A_71 : vector<128x40x128xf32>
    %swap3A = arith.constant 0 : index
    %swap3A_73 = arith.constant 0 : index
    %swap3A_74 = arith.constant 0 : index
    %swap3A_75 = vector.load %arg7[%swap3A, %swap3A_73, %swap3A_74] : memref<128x40x128xf32, #tpu.memory_space<vmem>>, vector<128x40x128xf32>
    tpu.vector_store %arg7[%swap3A, %swap3A_73, %swap3A_74], %add3A_72 {strides = array<i32>} : memref<128x40x128xf32, #tpu.memory_space<vmem>>, vector<128x40x128xf32>,
    return
  }
  func.func @transform_0(%arg0: i32, %arg1: i32) -> (i32, i32) {
    %add3A = arith.constant 2 : i32
    %add3A_0 = arith.addi %arg1, %add3A : i32
    %c0_i32 = arith.constant 0 : i32
    return %add3A_0, %arg0 : i32, i32
  }
  func.func @transform_1(%arg0: i32, %arg1: i32) -> (i32, i32, i32) {
    %add3A = arith.constant 2 : i32
    %add3A_0 = arith.addi %arg1, %add3A : i32
    %c0_i32 = arith.constant 0 : i32
    %c0_i32_1 = arith.constant 0 : i32
    return %add3A_0, %c0_i32, %arg0 : i32, i32, i32
  }
  func.func @transform_2(%arg0: i32, %arg1: i32) -> (i32, i32) {
    %c0_i32 = arith.constant 0 : i32
    %c0_i32_0 = arith.constant 0 : i32
    %c0_i32_1 = arith.constant 0 : i32
    return %c0_i32, %c0_i32_0 : i32, i32
  }
  func.func @transform_3(%arg0: i32, %arg1: i32) -> (i32, i32) {
    %c0_i32 = arith.constant 0 : i32
    %c0_i32_0 = arith.constant 0 : i32
    %c0_i32_1 = arith.constant 0 : i32
    return %c0_i32, %c0_i32_0 : i32, i32
  }
  func.func @transform_5(%arg0: i32, %arg1: i32) -> (i32, i32, i32) {
    %add3A = arith.constant 2 : i32
    %add3A_0 = arith.addi %arg1, %add3A : i32
    %c0_i32 = arith.constant 0 : i32
    %c0_i32_1 = arith.constant 0 : i32
    return %arg0, %add3A_0, %c0_i32 : i32, i32, i32
  }
}

</mosaic_0001>

<sc_bundles>
// kernel: _run_all.4.cloned.1.call-start
scs
__scs_entry_jumppad:
0x0: {  	(pc) =	sbr.rel $0x88, $3  }
0x1: {  	(tag) =	ssettag $0x0;
	lr =	simm.s32 $0x1  }
0x2: {  	[smem:$0x3F9D] =	sst lr;
	_ =	strace $0xD0000000  }
0x3: {  	_ = 	snop  }
0x4: {  	_ = 	snop  }
0x5: {  	_ = 	snop  }
0x6: {  	_ = 	snop  }
0x7: {  	_ = 	snop  }
__scs_overlays_trampoline_lowered:
0x8: {  	[smem:$0x3FAC] =	sst s0  }
0x9: {  	[smem:$0x3FAD] =	sst s1  }
0xa: {  	[smem:$0x3FAE] =	sst s2  }
0xb: {  	[smem:$0x3FAF] =	sst s3  }
0xc: {  	[smem:$0x3FB0] =	sst s4  }
0xd: {  	[smem:$0x3FB1] =	sst s5  }
0xe: {  	[smem:$0x3FB2] =	sst s6  }
0xf: {  	[smem:$0x3FB3] =	sst s7  }
0x10: {  	[smem:$0x3FB4] =	sst s8  }
0x11: {  	[smem:$0x3FB5] =	sst s9;
	s0 =	simm.s32 @!p0 $0x0  }
0x12: {  	s1 =	sld [smem:$0x3F9B];
	s0 =	simm.s32 @p0 $0x1  }
0x13: {  	[smem:$0x3FB6] =	sst s0;
	s0 =	simm.s32 @!p1 $0x0  }
0x14: {  	s2 =	sld [smem:$0x3F9A];
	s0 =	simm.s32 @p1 $0x1  }
0x15: {  	[smem:$0x3FB7] =	sst s0;
	s0 =	simm.s32 @!p2 $0x0  }
0x16: {  	s3 =	sld [smem:$0x3FDB];
	s0 =	simm.s32 @p2 $0x1  }
0x17: {  	s4 =	simm.s32 $0x1BF5;
	[smem:$0x3FB9] =	sst s0  }
0x18: {  	s0 =	sld [smem:$0x3F9C];
	_ =	swait.ge [sflag:s4], $0x0  }
0x19: {  	s7 =	sld [smem:$0x3F9D]  }
0x1a: {  	s8 =	sadd.s32 $0xFFFFE003, lr  }
0x1b: {  	s9 =	sadd.s32 $0xFFFFFEF7, lr;
	s5 =	simm.s32 $0xFFFFFFFF;
	p2 =	slt.u32 s8, $0xFFFFF086  }
0x1c: {  	p1 =	slt.u32 s9, $0xF7A;
	s5 =	simm.s32 @!p2 $0x0  }
0x1d: {  	s5 =	simm.s32 @p1 $0x1;
	p0 =	seq.s32 s7, s2  }
0x1e: {  	s7 =	smul.u32 @!p0 $0xF7A, s2;
	p2 =	seq.s32 @!p0 s5, $0x0  }
0x1f: {  	s9 =	smul.u32 $0xF7A, s1;
	s8 =	simm.s32 @!p0 $0x1BF5;
	p2 =	por !p2, p0  }
0x20: {  	[sflag:s8] =	ssyncset.s32 @!p0 $0xFFFFF086;
	s6 =	sadd.s32 @!p0 s3, s7;
	s7 =	simm.s32 @!p0 $0x108  }
0x21: {  	s3 =	sadd.s32 s3, s9;
	s6 =	sadd.s32 @!p0 $0x88, s6;
	s7 =	simm.s32 @p2 $0x1082  }
0x22: {  	[simem:s7], [sflag:s8] =	dma.local @!p0 [hbm:s6], $0xF7A  }
0x23: {  	s9 =	sor.u32 $0xD0000000, s2;
	s6 =	simm.s32 $0x108;
	_ =	swait.ge @!p0 [sflag:s8], $0x0  }
0x24: {  	s3 =	sadd.s32 $0x88, s3;
	s6 =	simm.s32 @!p1 $0x1082;
	[sflag:s4] =	ssyncset.s32 $0xFFFFF086  }
0x25: {  	[simem:s6], [sflag:s4] =	dma.local [hbm:s3], $0xF7A  }
0x26: {  	[smem:$0x3F9D] =	sst s1;
	(tag) =	ssettag s2;
	_ =	strace s9  }
0x27: {  	s1 =	sld [smem:$0x3FAD]  }
0x28: {  	s2 =	sld [smem:$0x3FAE]  }
0x29: {  	s4 =	sld [smem:$0x3FB0]  }
0x2a: {  	p0 =	seq.s32 s5, $0x0;
	s5 =	sld [smem:$0x3FB1]  }
0x2b: {  	s6 =	sld [smem:$0x3FB2]  }
0x2c: {  	s7 =	sld [smem:$0x3FB3]  }
0x2d: {  	s3 =	simm.s32 $0x108;
	s8 =	sld [smem:$0x3FB4]  }
0x2e: {  	s3 =	simm.s32 @!p0 $0x1082;
	s9 =	sld [smem:$0x3FB5]  }
0x2f: {  	lr =	sadd.s32 s0, s3;
	s0 =	sld [smem:$0x3FAC]  }
0x30: {  	s3 =	sld [smem:$0x3FAF]  }
0x31: {  	[smem:$0x3FB8] =	sst s10  }
0x32: {  	s10 =	sld [smem:$0x3FB6];
	_ =	sdelay $0x3  }
0x33: {  	p0 =	seq.s32 s10, $0x1;
	s10 =	sld [smem:$0x3FB8];
	_ =	sdelay $0x3  }
0x34: {  	[smem:$0x3FB8] =	sst s10  }
0x35: {  	s10 =	sld [smem:$0x3FB7];
	_ =	sdelay $0x3  }
0x36: {  	p1 =	seq.s32 s10, $0x1;
	s10 =	sld [smem:$0x3FB8];
	_ =	sdelay $0x3  }
0x37: {  	[smem:$0x3FB8] =	sst s10  }
0x38: {  	s10 =	sld [smem:$0x3FB9]  }
0x39: {  	_ = 	snop;
	(pc) =	sbr.ind lr, $3  }
0x3a: {  	_ = 	snop  }
0x3b: {  	_ = 	snop  }
0x3c: {  	p2 =	seq.s32 s10, $0x1;
	s10 =	sld [smem:$0x3FB8]  }
0x3d: {  	_ =	shalt  }
0x3e: {  	_ =	shalt  }
0x3f: {  	_ =	shalt  }
0x40: {  	_ =	shalt  }
0x41: {  	_ =	shalt  }
0x42: {  	_ =	shalt  }
0x43: {  	_ =	shalt  }
0x44: {  	_ =	shalt  }
0x45: {  	_ =	shalt  }
0x46: {  	_ =	shalt  }
0x47: {  	_ =	shalt  }
0x48: {  	_ =	shalt  }
0x49: {  	_ =	shalt  }
0x4a: {  	_ =	shalt  }
0x4b: {  	_ =	shalt  }
0x4c: {  	_ =	shalt  }
0x4d: {  	_ =	shalt  }
0x4e: {  	_ =	shalt  }
0x4f: {  	_ =	shalt  }
0x50: {  	_ =	shalt  }
0x51: {  	_ =	shalt  }
0x52: {  	_ =	shalt  }
0x53: {  	_ =	shalt  }
0x54: {  	_ =	shalt  }
0x55: {  	_ =	shalt  }
0x56: {  	_ =	shalt  }
0x57: {  	_ =	shalt  }
0x58: {  	_ =	shalt  }
0x59: {  	_ =	shalt  }
0x5a: {  	_ =	shalt  }
0x5b: {  	_ =	shalt  }
0x5c: {  	_ =	shalt  }
0x5d: {  	_ =	shalt  }
0x5e: {  	_ =	shalt  }
0x5f: {  	_ =	shalt  }
0x60: {  	_ =	shalt  }
0x61: {  	_ =	shalt  }
0x62: {  	_ =	shalt  }
0x63: {  	_ =	shalt  }
0x64: {  	_ =	shalt  }
0x65: {  	_ =	shalt  }
0x66: {  	_ =	shalt  }
0x67: {  	_ =	shalt  }
0x68: {  	_ =	shalt  }
0x69: {  	_ =	shalt  }
0x6a: {  	_ =	shalt  }
0x6b: {  	_ =	shalt  }
0x6c: {  	_ =	shalt  }
0x6d: {  	_ =	shalt  }
0x6e: {  	_ =	shalt  }
0x6f: {  	_ =	shalt  }
0x70: {  	_ =	shalt  }
0x71: {  	_ =	shalt  }
0x72: {  	_ =	shalt  }
0x73: {  	_ =	shalt  }
0x74: {  	_ =	shalt  }
0x75: {  	_ =	shalt  }
0x76: {  	_ =	shalt  }
0x77: {  	_ =	shalt  }
0x78: {  	_ =	shalt  }
0x79: {  	_ =	shalt  }
0x7a: {  	_ =	shalt  }
0x7b: {  	_ =	shalt  }
0x7c: {  	_ =	shalt  }
0x7d: {  	_ =	shalt  }
0x7e: {  	_ =	shalt  }
0x7f: {  	_ =	shalt  }
0x80: {  	_ =	shalt  }
0x81: {  	_ =	shalt  }
0x82: {  	_ =	shalt  }
0x83: {  	_ =	shalt  }
0x84: {  	_ =	shalt  }
0x85: {  	_ =	shalt  }
0x86: {  	_ =	shalt  }
0x87: {  	_ =	shalt  }
.Lfunc_end0:
.L_simem_size_0:
called_computation_lowered:
.L_overlay_start_0:
0x88: {  	s2 =	sld [smem:$0x3FD9]  }
0x89: {  	s3 =	sld [smem:$0x3FFE];
	_ =	sdelay $0x1  }
0x8a: {  	s1 =	srdreg.scid  }
0x8b: {  	s0 =	sand.u32 $0x1, s1  }
0x8c: {  	s18 =	sshll.u32 s0, $0xA;
	s2 =	sadd.s32 s3, s2  }
0x8d: {  	s2 =	sadd.s32 s2, s18  }
0x8e: {  	[smem:$0x3FC4] =	sst s2  }
0x8f: {  	_ = 	snop  }
0x90: {  	s2 =	sld [smem:$0x3FC9]  }
0x91: {  	s19 =	sld [smem:$0x3FC8]  }
0x92: {  	s4 =	sld [smem:$0x3FC7]  }
0x93: {  	s5 =	sld [smem:$0x3FC6]  }
0x94: {  	s6 =	sld [smem:$0x3FD0];
	(tm) =	ssettm $0x1  }
0x95: {  	s7 =	sld [smem:$0x3FFB];
	_ =	sdelay $0x3  }
0x96: {  	_ =	strace s7  }
0x97: {  	s7 =	sld [smem:$0x3FFC];
	_ =	sdelay $0x3  }
0x98: {  	_ =	strace s7  }
0x99: {  	s7 =	sld [smem:$0x3FFD];
	_ =	sdelay $0x3  }
0x9a: {  	_ =	strace s7  }
0x9b: {  	_ =	strace $0x8FFFFFFF  }
0x9c: {  	s20 =	sld [smem:$0x3FDB];
	_ =	sdelay $0x1  }
0x9d: {  	s8 =	simm.s32 $_scs_section_size  }
0x9e: {  	s9 =	simm.s32 $_size__tile_overlayer_lowered;
	s10 =	simm.s32 $_tile_overlayer_lowered  }
0x9f: {  	s23 =	simm.s32 $0x1BFF;
	s22 =	sshll.u32 s10, $0x1;
	s7 =	sadd.s32 s8, s20  }
0xa0: {  	s11 =	simm.s32 $0x0;
	s21 =	sshll.u32 s9, $0x1;
	s9 =	sadd.s32 s22, s7  }
0xa1: {  	[timem:s11], [sflag:s23] =	dma.local [hbm:s9], s21  }
0xa2: {  	_ =	swait.ge [sflag:s23], s21  }
0xa3: {  	s8 =	ssub.s32 $0x0, s21;
	[sflag:s23] =	ssyncset.done $0x0  }
0xa4: {  	[sflag:s23] =	ssyncadd.s32 s8;
	_ =	sdelay $0x1  }
0xa5: {  	s24 =	simm.s32 $0x1B8B  }
0xa6: {  	_ =	swait.ge [sflag:s24], $0x1  }
0xa7: {  	[sflag:s24] =	ssyncset.done $0x0  }
0xa8: {  	s25 =	simm.s32 $0x1B8E;
	[sflag:s24] =	ssyncadd.s32 $0xFFFFFFFF  }
0xa9: {  	s26 =	simm.s32 $execute0_lowered;
	[smem:$0x3FD2] =	sst s25  }
0xaa: {  	s8 =	sshll.u32 s26, $0x1;
	_ =	strace $0x80000046;
	[dreg:$0x1] =	wrdreg $0xFFFFFFFF  }
0xab: {  	s28 =	simm.s32 $_size_execute0_lowered;
	s7 =	sadd.s32 s7, s8;
	[dreg:$0x0] =	wrdreg $0x0  }
0xac: {  	s8 =	sshll.u32 s28, $0x1;
	[dreg:$0x2] =	wrdreg s7  }
0xad: {  	[dreg:$0x3] =	wrdreg s8  }
0xae: {  	[dreg:$0x4] =	wrdreg $0xC0  }
0xaf: {  	_ =	task [dreg:s11], $0x5FFFF  }
0xb0: {  	[dreg:$0x1] =	wrdreg $0xFFFFFFFF  }
0xb1: {  	[dreg:$0x0] =	wrdreg $0x60  }
0xb2: {  	[dreg:$0x2] =	wrdreg s2  }
0xb3: {  	[dreg:$0x3] =	wrdreg s19  }
0xb4: {  	[dreg:$0x4] =	wrdreg s4  }
0xb5: {  	[dreg:$0x5] =	wrdreg s5  }
0xb6: {  	[dreg:$0x6] =	wrdreg s6  }
0xb7: {  	[dreg:$0x7] =	wrdreg $0x9  }
0xb8: {  	_ =	task.clear_ibuf [dreg:s11], $0x8FFFF;
	_ =	strace $0x90000046  }
0xb9: {  	s29 =	simm.s32 $0x9;
	_ =	strace $0x80000048  }
0xba: {  	_ =	swait.ge [sflag:s29], $0x1  }
0xbb: {  	[sflag:s29] =	ssyncadd.s32 $0xFFFFFFFF  }
0xbc: {  	_ =	strace $0x90000048  }
0xbd: {  	_ =	sfence  }
0xbe: {  	s30 =	sld [smem:$0x0];
	_ =	sdelay $0x2  }
0xbf: {  	s31 =	sshll.u32 s1, $0xD;
	s1 =	sshrl.u32 s1, $0x2  }
0xc0: {  	s3 =	sand.u32 $0x4000, s31;
	s1 =	sadd.s32 s1, s30  }
0xc1: {  	s0 =	sor.u32 s3, s0;
	s1 =	sshll.u32 s1, $0x11  }
0xc2: {  	s0 =	sor.u32 s1, s0  }
0xc3: {  	s0 =	sadd.s32 $0x8F2B, s0  }
0xc4: {  	[sflag:s0] =	ssyncadd.remote.s32 $0x1  }
0xc5: {  	_ =	sfence.sel $0xFFFF  }
0xc6: {  	[dreg:$0x0] =	wrdreg $0xFFFFFFFF;
	(pc) =	sbr.abs _section_cstart, $3  }
0xc7: {  	[dreg:$0x1] =	wrdreg $0xFFFFFFFF  }
0xc8: {  	_ =	task.clear_ibuf [dreg:s11], $0x2FFFF;
	_ =	strace $0x9FFFFFFF  }
0xc9: {  	(tm) =	ssettm $0x7FFFFFFF  }
tec
execute0_lowered:
.L_overlay_start_1:
0x0: {  	(tag) =	ssettag $0x1  }
0x1: {  	s0 =	rddreg [dreg:$0x0]  }
0x2: {  	s4 =	rddreg [dreg:$0x4];
	s1 =	srdreg.scid  }
0x3: {  	s6 =	simm.s32 $0x0;
	s5 =	stileid.u32;
	s1 =	sand.u32 $0x1, s1  }
0x4: {  	s5 =	sshll.u32 s5, $0x8;
	s2 =	ssub.s32 $0x2, s1;
	s1 =	sshll.u32 s1, $0x7  }
0x5: {  	s23 =	simm.s32 $0xD800;
	[smem:$0x7FF] =	sst s6;
	s7 =	sor.u32 s1, s5  }
0x6: {  	_ =	strace $0x80000047;
	s3 =	sshrl.u32 s2, $0x1;
	s0 =	sadd.s32 s0, s7  }
0x7: {  	s2 =	ssub.s32 s2, s3;
	s30 =	sshll.u32 s7, $0x2;
	[dreg:$0x6] =	wrdreg s0  }
0x8: {  	s24 =	simm.s32 $0xEC00;
	[dreg:$0x7] =	wrdreg s30;
	s31 =	smax.u32 s2, $0x1  }
0x9: {  	s25 =	simm.s32 $0x10000;
	s2 =	simm.s32 $0x0;
	[dreg:$0x8] =	wrdreg s31  }
.LBB2_1:
0xa: {  	[dreg:$0x9] =	wrdreg s2  }
0xb: {  	s0 =	rddreg [dreg:$0x2];
	s1 =	simm.s32 $0x3  }
0xc: {  	[tilespmem:s6], [sflag:$0x3] =	stream.linear.gather [hbm4b:s0+s6], $0x500, $0x38;
	[tilespmem:$0x11400] =	vst v63  }
0xd: {  	_ =	swait.ge [sflag:s1], $0x500  }
0xe: {  	[sflag:s1] =	ssyncset.done $0x0  }
0xf: {  	[sflag:s1] =	ssyncadd.s32 $0xFFFFFB00  }
0x10: {  	s31 =	simm.s32 $0x800;
	s29 =	rddreg [dreg:$0x3]  }
0x11: {  	[tilespmem:s31], [sflag:$0x3] =	stream.linear.gather [hbm4b:s29+s6], $0x200, $0x38;
	[tilespmem:$0x11400] =	vst v63  }
0x12: {  	_ =	swait.ge [sflag:s1], $0x200  }
0x13: {  	[sflag:s1] =	ssyncset.done $0x0  }
0x14: {  	[sflag:s1] =	ssyncadd.s32 $0xFFFFFE00  }
0x15: {  	v0 =	vld [tilespmem:$0x800]  }
0x16: {  	v50 =	vld [tilespmem:$0x810]  }
0x17: {  	v30 =	vld [tilespmem:$0x980]  }
0x18: {  	v23 =	vld [tilespmem:$0x910]  }
0x19: {  	v24 =	vld [tilespmem:$0x920]  }
0x1a: {  	v33 =	vld [tilespmem:$0x930];
	[tilespmem:$0x1FE00] =	vst v0  }
0x1b: {  	v26 =	vld [tilespmem:$0x940];
	[tilespmem:$0x1FE30] =	vst v50  }
0x1c: {  	v17 =	vld [tilespmem:$0x820];
	[tilespmem:$0x1FE40] =	vst v30  }
0x1d: {  	v27 =	vld [tilespmem:$0x950];
	[tilespmem:$0x1FE50] =	vst v23  }
0x1e: {  	v16 =	vld [tilespmem:$0x830];
	[tilespmem:$0x1FE60] =	vst v24  }
0x1f: {  	v9 =	vld [tilespmem:$0x8D0];
	[tilespmem:$0x1FE70] =	vst v33  }
0x20: {  	v11 =	vld [tilespmem:$0x9F0];
	[tilespmem:$0x1FE80] =	vst v26  }
0x21: {  	v39 =	vld [tilespmem:$0x990];
	[tilespmem:$0x1FE90] =	vst v17  }
0x22: {  	v40 =	vld [tilespmem:$0x9A0];
	[tilespmem:$0x1FEA0] =	vst v27  }
0x23: {  	v47 =	vld [tilespmem:$0x9B0];
	[tilespmem:$0x1FEB0] =	vst v16  }
0x24: {  	v48 =	vld [tilespmem:$0x9C0];
	[tilespmem:$0x1FEC0] =	vst v9  }
0x25: {  	v49 =	vld [tilespmem:$0x9D0];
	[tilespmem:$0x1FED0] =	vst v11  }
0x26: {  	v28 =	vld [tilespmem:$0x960];
	[tilespmem:$0x1FEE0] =	vst v39  }
0x27: {  	v51 =	vld [tilespmem:$0x9E0];
	[tilespmem:$0x1FEF0] =	vst v40  }
0x28: {  	v43 =	vld [tilespmem:$0x970];
	[tilespmem:$0x1FF00] =	vst v47  }
0x29: {  	v13 =	vld [tilespmem:$0x8B0];
	[tilespmem:$0x1FF10] =	vst v48  }
0x2a: {  	v0 =	vld [tilespmem:$0x850];
	[tilespmem:$0x1FF20] =	vst v49  }
0x2b: {  	v41 =	vld [tilespmem:$0x8E0];
	[tilespmem:$0x1FF30] =	vst v28  }
0x2c: {  	v12 =	vld [tilespmem:$0x8A0];
	[tilespmem:$0x1FF40] =	vst v51  }
0x2d: {  	v22 =	vld [tilespmem:$0x900];
	[tilespmem:$0x1FF50] =	vst v43  }
0x2e: {  	v14 =	vld [tilespmem:$0x8C0];
	[tilespmem:$0x1FF60] =	vst v13  }
0x2f: {  	[tilespmem:$0x1FE10] =	vst v0;
	v0 =	vld [tilespmem:$0x860]  }
0x30: {  	v1 =	vld [tilespmem:$0x8F0];
	[tilespmem:$0x1FF70] =	vst v41  }
0x31: {  	v25 =	vld [tilespmem:$0x840];
	[tilespmem:$0x1FF80] =	vst v12  }
0x32: {  	v8 =	vld [tilespmem:$0x880];
	[tilespmem:$0x1FF90] =	vst v22  }
0x33: {  	v10 =	vld [tilespmem:$0x890];
	[tilespmem:$0x1FFA0] =	vst v14  }
0x34: {  	[tilespmem:$0x1FE20] =	vst v0;
	v0 =	vld [tilespmem:$0x870]  }
0x35: {  	[tilespmem:$0x1FFB0] =	vst v1  }
0x36: {  	[tilespmem:$0x1FFC0] =	vst v25  }
0x37: {  	[tilespmem:$0x1FFE0] =	vst v8  }
0x38: {  	[tilespmem:$0x1FFF0] =	vst v10  }
0x39: {  	p1 =	por $0x1, $0x1;
	s30 =	simm.s32 $0x0;
	[tilespmem:$0x1FFD0] =	vst v0  }
.LBB2_2:
0x3a: {  	s0 =	smul.u32 $0x5000, s30  }
0x3b: {  	s1 =	rddreg [dreg:$0x6];
	s31 =	simm.s32 $0xA00;
	s2 =	simm.s32 $0x400  }
0x3c: {  	s3 =	simm.s32 $0x8000;
	s19 =	simm.s32 $0x3;
	s0 =	sadd.s32 s0, s1  }
0x3d: {  	[tilespmem:s31], [sflag:$0x3] =	stream.strided.gather [hbm4b:s0+s2], $0x1400, s3, s2, $0x38;
	[tilespmem:$0x11400] =	vst v63  }
0x3e: {  	s18 =	smul.u32 $0xA0000, s30;
	_ =	swait.ge [sflag:s19], $0x1400  }
0x3f: {  	s20 =	rddreg [dreg:$0x7];
	[sflag:s19] =	ssyncset.done $0x0  }
0x40: {  	s22 =	simm.s32 $0x200;
	s0 =	sor.u32 s20, s18;
	[sflag:s19] =	ssyncadd.s32 $0xFFFFEC00  }
0x41: {  	s26 =	simm.s32 $0x4000;
	s0 =	sshrl.u32 s0, $0x3;
	s21 =	rddreg [dreg:$0x1]  }
0x42: {  	s5 =	simm.s32 $0x2200;
	s10 =	simm.s32 $0x0;
	s0 =	sadd.s32 s21, s0  }
0x43: {  	[tilespmem:s5], [sflag:$0x3] =	stream.strided.gather [hbm4b:s0+s22], $0x5000, s26, s22, $0x38;
	[tilespmem:$0x11400] =	vst v63  }
0x44: {  	p0 =	por p1, p1;
	s28 =	simm.s32 $0xA04;
	s0 =	smul.u32 $0x28, s30  }
0x45: {  	s29 =	simm.s32 $0x2304;
	s5 =	sshll.u32 s30, $0x5;
	_ =	swait.ge [sflag:s19], $0x5000  }
0x46: {  	s26 =	simm.s32 $0x2300;
	[sflag:s19] =	ssyncset.done $0x0;
	s2 =	sadd.s32 $0xC8, s0  }
0x47: {  	s3 =	sadd.s32 $0x190, s0;
	s12 =	sadd.s32 $0x258, s0;
	[sflag:s19] =	ssyncadd.s32 $0xFFFFB000  }
.LBB2_3:
0x48: {  	s1 =	sor.u32 s30, s10  }
0x49: {  	p1 =	seq.s32 s1, $0x0  }
0x4a: {  	s1 =	simm.s32 @!p1 $0x1  }
0x4b: {  	_ =	swait.ge @!p1 [sflag:s1], $0x1400  }
0x4c: {  	[sflag:s1] =	ssyncset.done @!p1 $0x0  }
0x4d: {  	[sflag:s1] =	ssyncadd.s32 @!p1 $0xFFFFEC00  }
0x4e: {  	_ =	swait.ge @!p1 [sflag:s1], $0x1400  }
0x4f: {  	[sflag:s1] =	ssyncset.done @!p1 $0x0  }
0x50: {  	[sflag:s1] =	ssyncadd.s32 @!p1 $0xFFFFEC00  }
0x51: {  	_ =	swait.ge @!p1 [sflag:s1], $0x1400  }
0x52: {  	v6 =	vmov s31;
	[sflag:s1] =	ssyncset.done @!p1 $0x0  }
0x53: {  	[sflag:s1] =	ssyncadd.s32 @!p1 $0xFFFFEC00  }
0x54: {  	_ =	swait.ge @!p1 [sflag:s1], $0x1400  }
0x55: {  	[sflag:s1] =	ssyncset.done @!p1 $0x0  }
0x56: {  	[sflag:s1] =	ssyncadd.s32 @!p1 $0xFFFFEC00;
	s1 =	simm.s32 $0x0  }
0x57: {  	v56 =	vmov v0;
	v0 =	vld.idx.msk [tilespmem:v6+s1+$0x0 ss:$0x1], $0xffff;
	_ =	sdelay $0x4  }
0x58: {  	v0 =	vshll.u32 v0, $0x9  }
0x59: {  	v37 =	vshra.s32 v0, $0x2  }
0x5a: {  	(v2sf) =	vpush v37, $0x0;
	_ =	sdelay $0xb  }
0x5b: {  	v35 =	vld [tilespmem:s26+$0xFFFFFF00]  }
0x5c: {  	v21 =	vld [tilespmem:$0x1FE00]  }
0x5d: {  	v59 =	vld [tilespmem:s26+$0xFFFFFF80]  }
0x5e: {  	v32 =	vld [tilespmem:s26+$0x0];
	s8 =	spop (v2sf)  }
0x5f: {  	v58 =	vmov v1;
	v1 =	vld [tilespmem:s8+$0x0]  }
0x60: {  	v2 =	vbroadcast v35, $0x0  }
0x61: {  	v60 =	vld [tilespmem:s26+$0x80]  }
0x62: {  	v3 =	vbroadcast v59, $0x0;
	v4 =	vmul.f32 v2, v21;
	_ =	sdelay $0x1  }
0x63: {  	v5 =	vbroadcast v32, $0x0;
	v1 =	vadd.f32 v1, v4;
	v4 =	vmul.f32 v3, v8;
	_ =	sdelay $0x1  }
0x64: {  	v7 =	vbroadcast v60, $0x0;
	v1 =	vadd.f32 v1, v4;
	v4 =	vmul.f32 v5, v22;
	_ =	sdelay $0x1  }
0x65: {  	v1 =	vadd.f32 v1, v4;
	v4 =	vmul.f32 v7, v30;
	_ =	sdelay $0x1  }
0x66: {  	v1 =	vadd.f32 v1, v4;
	_ =	sdelay $0x1  }
0x67: {  	[tilespmem:s1+$0x7400] =	vst v1  }
0x68: {  	v1 =	vld [tilespmem:s8+$0x10];
	_ =	sdelay $0x2  }
0x69: {  	v4 =	vmul.f32 v2, v50;
	_ =	sdelay $0x1  }
0x6a: {  	v1 =	vadd.f32 v1, v4;
	v4 =	vmul.f32 v3, v10;
	_ =	sdelay $0x1  }
0x6b: {  	v1 =	vadd.f32 v1, v4;
	v4 =	vmul.f32 v5, v23;
	_ =	sdelay $0x1  }
0x6c: {  	v1 =	vadd.f32 v1, v4;
	v4 =	vmul.f32 v7, v39;
	_ =	sdelay $0x1  }
0x6d: {  	v1 =	vadd.f32 v1, v4;
	_ =	sdelay $0x1  }
0x6e: {  	[tilespmem:s1+$0x7410] =	vst v1  }
0x6f: {  	v1 =	vld [tilespmem:s8+$0x20];
	_ =	sdelay $0x2  }
0x70: {  	v4 =	vmul.f32 v2, v17;
	_ =	sdelay $0x1  }
0x71: {  	v1 =	vadd.f32 v1, v4;
	v4 =	vmul.f32 v3, v12;
	_ =	sdelay $0x1  }
0x72: {  	v1 =	vadd.f32 v1, v4;
	v4 =	vmul.f32 v5, v24;
	_ =	sdelay $0x1  }
0x73: {  	v1 =	vadd.f32 v1, v4;
	v4 =	vmul.f32 v7, v40;
	_ =	sdelay $0x1  }
0x74: {  	v1 =	vadd.f32 v1, v4;
	_ =	sdelay $0x1  }
0x75: {  	[tilespmem:s1+$0x7420] =	vst v1  }
0x76: {  	v1 =	vld [tilespmem:s8+$0x30];
	_ =	sdelay $0x2  }
0x77: {  	v4 =	vmul.f32 v2, v16;
	_ =	sdelay $0x1  }
0x78: {  	v1 =	vadd.f32 v1, v4;
	v4 =	vmul.f32 v3, v13;
	_ =	sdelay $0x1  }
0x79: {  	v1 =	vadd.f32 v1, v4;
	v4 =	vmul.f32 v5, v33;
	_ =	sdelay $0x1  }
0x7a: {  	v1 =	vadd.f32 v1, v4;
	v4 =	vmul.f32 v7, v47;
	_ =	sdelay $0x1  }
0x7b: {  	v1 =	vadd.f32 v1, v4;
	_ =	sdelay $0x1  }
0x7c: {  	[tilespmem:s1+$0x7430] =	vst v1  }
0x7d: {  	v1 =	vld [tilespmem:s8+$0x40];
	_ =	sdelay $0x2  }
0x7e: {  	v4 =	vmul.f32 v2, v25;
	_ =	sdelay $0x1  }
0x7f: {  	v1 =	vadd.f32 v1, v4;
	v4 =	vmul.f32 v3, v14;
	_ =	sdelay $0x1  }
0x80: {  	v1 =	vadd.f32 v1, v4;
	v4 =	vmul.f32 v5, v26;
	_ =	sdelay $0x1  }
0x81: {  	v1 =	vadd.f32 v1, v4;
	v4 =	vmul.f32 v7, v48;
	_ =	sdelay $0x1  }
0x82: {  	v1 =	vadd.f32 v1, v4;
	_ =	sdelay $0x1  }
0x83: {  	[tilespmem:s1+$0x7440] =	vst v1  }
0x84: {  	v18 =	vld [tilespmem:$0x1FE10];
	_ =	sdelay $0x1  }
0x85: {  	v1 =	vld [tilespmem:s8+$0x50];
	_ =	sdelay $0x1  }
0x86: {  	s13 =	simm.s32 $0x80  }
0x87: {  	v52 =	vmov v6;
	v4 =	vld.idx.msk [tilespmem:v6+s13+$0x0 ss:$0x1], $0xffff;
	[tilespmem:$0x1FDF0] =	vst v6;
	v6 =	vmul.f32 v2, v18;
	_ =	sdelay $0x1  }
0x88: {  	v1 =	vadd.f32 v1, v6;
	v6 =	vmul.f32 v3, v9;
	_ =	sdelay $0x1  }
0x89: {  	v1 =	vadd.f32 v1, v6;
	v6 =	vmul.f32 v5, v27  }
0x8a: {  	v4 =	vshll.u32 v4, $0x9  }
0x8b: {  	v55 =	vshra.s32 v4, $0x2;
	v4 =	vmul.f32 v7, v49;
	v1 =	vadd.f32 v1, v6;
	_ =	sdelay $0x1  }
0x8c: {  	v1 =	vadd.f32 v1, v4  }
0x8d: {  	(v2sf) =	vpush v55, $0x0;
	[tilespmem:$0x1FD50] =	vst v55  }
0x8e: {  	[tilespmem:s1+$0x7450] =	vst v1  }
0x8f: {  	v34 =	vld [tilespmem:$0x1FE20];
	_ =	sdelay $0x1  }
0x90: {  	v1 =	vld [tilespmem:s8+$0x60];
	_ =	sdelay $0x1  }
0x91: {  	s11 =	sadd.s32 $0x200, s26  }
0x92: {  	v19 =	vld [tilespmem:s11+$0xFFFFFF00];
	v4 =	vmul.f32 v2, v34;
	_ =	sdelay $0x1  }
0x93: {  	v1 =	vadd.f32 v1, v4;
	v4 =	vmul.f32 v3, v41;
	_ =	sdelay $0x1  }
0x94: {  	v1 =	vadd.f32 v1, v4;
	v4 =	vmul.f32 v5, v28  }
0x95: {  	[tilespmem:$0x1FCE0] =	vst v19  }
0x96: {  	v44 =	vmov v43;
	v43 =	vld [tilespmem:s11+$0xFFFFFF80];
	v1 =	vadd.f32 v1, v4;
	v4 =	vmul.f32 v7, v51;
	_ =	sdelay $0x1  }
0x97: {  	v31 =	vld [tilespmem:s11+$0x0];
	s9 =	spop (v2sf);
	v1 =	vadd.f32 v1, v4  }
0x98: {  	v36 =	vld [tilespmem:s9+$0x0];
	[tilespmem:$0x1FDA0] =	vst v37  }
0x99: {  	v46 =	vbroadcast v19, $0x0;
	(v2sf) =	vpush v37, $0x1;
	[tilespmem:s1+$0x7460] =	vst v1  }
0x9a: {  	v38 =	vld [tilespmem:s11+$0x80];
	[tilespmem:$0x1FD80] =	vst v43  }
0x9b: {  	v42 =	vmov v37;
	v45 =	vbroadcast v43, $0x0;
	v1 =	vmul.f32 v46, v21;
	v37 =	vld [tilespmem:s8+$0x70];
	_ =	sdelay $0x1  }
0x9c: {  	v6 =	vbroadcast v31, $0x0;
	v62 =	vmul.f32 v45, v8;
	v1 =	vadd.f32 v36, v1  }
0x9d: {  	v2 =	vmul.f32 v2, v56  }
0x9e: {  	v63 =	vmul.f32 v6, v22;
	v4 =	vbroadcast v38, $0x0;
	v1 =	vadd.f32 v1, v62  }
0x9f: {  	v3 =	vmul.f32 v3, v58;
	v2 =	vadd.f32 v37, v2  }
0xa0: {  	v53 =	vmul.f32 v4, v30;
	v1 =	vadd.f32 v1, v63  }
0xa1: {  	v2 =	vadd.f32 v2, v3;
	v3 =	vmul.f32 v5, v44  }
0xa2: {  	v1 =	vadd.f32 v1, v53  }
0xa3: {  	[tilespmem:$0x1FD90] =	vst v38;
	v2 =	vadd.f32 v2, v3;
	v3 =	vmul.f32 v7, v11  }
0xa4: {  	[tilespmem:s13+$0x7400] =	vst v1  }
0xa5: {  	v1 =	vld [tilespmem:s9+$0x10];
	v2 =	vadd.f32 v2, v3;
	_ =	sdelay $0x1  }
0xa6: {  	s17 =	spop (v2sf);
	[tilespmem:s1+$0x7470] =	vst v2  }
0xa7: {  	v2 =	vmul.f32 v46, v50;
	v3 =	vld [tilespmem:s17+$0x0]  }
0xa8: {  	v44 =	vbroadcast v35, $0x1  }
0xa9: {  	v5 =	vmul.f32 v45, v10;
	v1 =	vadd.f32 v1, v2  }
0xaa: {  	v7 =	vmul.f32 v44, v21;
	v2 =	vbroadcast v59, $0x1  }
0xab: {  	v54 =	vmul.f32 v6, v23;
	v5 =	vadd.f32 v1, v5  }
0xac: {  	v1 =	vbroadcast v32, $0x1;
	v3 =	vadd.f32 v3, v7;
	v7 =	vmul.f32 v2, v8  }
0xad: {  	v57 =	vmul.f32 v4, v39;
	v5 =	vadd.f32 v5, v54  }
0xae: {  	[tilespmem:$0x1FDC0] =	vst v35;
	v62 =	vmul.f32 v1, v22;
	v7 =	vadd.f32 v3, v7;
	v3 =	vbroadcast v60, $0x1  }
0xaf: {  	v61 =	vmov v32;
	[tilespmem:$0x1FDB0] =	vst v59  }
0xb0: {  	[tilespmem:$0x1FDD0] =	vst v32;
	v5 =	vadd.f32 v5, v57;
	v7 =	vadd.f32 v7, v62;
	v32 =	vmul.f32 v3, v30  }
0xb1: {  	[tilespmem:$0x1FDE0] =	vst v60  }
0xb2: {  	[tilespmem:s13+$0x7410] =	vst v5;
	v7 =	vadd.f32 v7, v32  }
0xb3: {  	v5 =	vld [tilespmem:s9+$0x20]  }
0xb4: {  	[tilespmem:s1+$0x8800] =	vst v7  }
0xb5: {  	v63 =	vmov v35;
	v35 =	vld [tilespmem:s17+$0x10]  }
0xb6: {  	v7 =	vmul.f32 v46, v17;
	_ =	sdelay $0x1  }
0xb7: {  	v53 =	vmul.f32 v44, v50;
	v5 =	vadd.f32 v5, v7;
	v7 =	vmul.f32 v45, v12  }
0xb8: {  	v54 =	vmul.f32 v2, v10  }
0xb9: {  	v5 =	vadd.f32 v5, v7;
	v7 =	vmul.f32 v6, v24;
	v36 =	vadd.f32 v35, v53  }
0xba: {  	v57 =	vmul.f32 v1, v23  }
0xbb: {  	v5 =	vadd.f32 v5, v7;
	v7 =	vmul.f32 v4, v40;
	v36 =	vadd.f32 v36, v54;
	_ =	sdelay $0x1  }
0xbc: {  	v62 =	vmul.f32 v3, v39;
	v5 =	vadd.f32 v5, v7;
	v7 =	vadd.f32 v36, v57;
	_ =	sdelay $0x1  }
0xbd: {  	[tilespmem:s13+$0x7420] =	vst v5;
	v7 =	vadd.f32 v7, v62  }
0xbe: {  	v5 =	vld [tilespmem:s9+$0x30]  }
0xbf: {  	[tilespmem:s1+$0x8810] =	vst v7  }
0xc0: {  	v29 =	vmov v9;
	v9 =	vmov v30;
	v30 =	vld [tilespmem:s17+$0x20]  }
0xc1: {  	v7 =	vmul.f32 v46, v16;
	_ =	sdelay $0x1  }
0xc2: {  	v32 =	vmul.f32 v44, v17;
	v5 =	vadd.f32 v5, v7;
	v7 =	vmul.f32 v45, v13  }
0xc3: {  	v35 =	vmul.f32 v2, v12  }
0xc4: {  	v5 =	vadd.f32 v5, v7;
	v7 =	vmul.f32 v6, v33;
	v36 =	vadd.f32 v30, v32  }
0xc5: {  	v53 =	vmul.f32 v1, v24  }
0xc6: {  	v5 =	vadd.f32 v5, v7;
	v7 =	vmul.f32 v4, v47;
	v36 =	vadd.f32 v36, v35;
	_ =	sdelay $0x1  }
0xc7: {  	v54 =	vmul.f32 v3, v40;
	v5 =	vadd.f32 v5, v7;
	v7 =	vadd.f32 v36, v53;
	_ =	sdelay $0x1  }
0xc8: {  	[tilespmem:s13+$0x7430] =	vst v5;
	v7 =	vadd.f32 v7, v54  }
0xc9: {  	v5 =	vld [tilespmem:s9+$0x40]  }
0xca: {  	[tilespmem:s1+$0x8820] =	vst v7  }
0xcb: {  	v57 =	vld [tilespmem:s17+$0x30]  }
0xcc: {  	v7 =	vmul.f32 v46, v25;
	_ =	sdelay $0x1  }
0xcd: {  	v62 =	vmul.f32 v44, v16;
	v5 =	vadd.f32 v5, v7;
	v7 =	vmul.f32 v45, v14  }
0xce: {  	v30 =	vmul.f32 v2, v13  }
0xcf: {  	v5 =	vadd.f32 v5, v7;
	v7 =	vmul.f32 v6, v26;
	v36 =	vadd.f32 v57, v62  }
0xd0: {  	v32 =	vmul.f32 v1, v33  }
0xd1: {  	v5 =	vadd.f32 v5, v7;
	v7 =	vmul.f32 v4, v48;
	v36 =	vadd.f32 v36, v30;
	_ =	sdelay $0x1  }
0xd2: {  	v35 =	vmul.f32 v3, v47;
	v5 =	vadd.f32 v5, v7;
	v7 =	vadd.f32 v36, v32;
	_ =	sdelay $0x1  }
0xd3: {  	[tilespmem:s13+$0x7440] =	vst v5;
	v7 =	vadd.f32 v7, v35  }
0xd4: {  	s14 =	simm.s32 $0x100;
	v5 =	vld [tilespmem:s9+$0x50]  }
0xd5: {  	v53 =	vld.idx.msk [tilespmem:v52+s14+$0x0 ss:$0x1], $0xffff;
	[tilespmem:s1+$0x8830] =	vst v7  }
0xd6: {  	v54 =	vld [tilespmem:s17+$0x40]  }
0xd7: {  	v7 =	vmul.f32 v46, v18;
	_ =	sdelay $0x1  }
0xd8: {  	v0 =	vmul.f32 v44, v25;
	v5 =	vadd.f32 v5, v7;
	v7 =	vmul.f32 v45, v29  }
0xd9: {  	v36 =	vshll.u32 v53, $0x9;
	v32 =	vmovc v39;
	v39 =	vmovc v31;
	v31 =	vmov v40;
	v40 =	vmul.f32 v2, v14  }
0xda: {  	v19 =	vmovc v26;
	v5 =	vadd.f32 v5, v7;
	v7 =	vmul.f32 v6, v27;
	v57 =	vadd.f32 v54, v0  }
0xdb: {  	v62 =	vshra.s32 v36, $0x2;
	v35 =	vmov v47;
	v47 =	vmul.f32 v1, v19  }
0xdc: {  	v5 =	vadd.f32 v5, v7;
	v7 =	vmul.f32 v4, v49;
	v36 =	vadd.f32 v57, v40  }
0xdd: {  	v30 =	vmov v11  }
0xde: {  	v11 =	vmovc v49;
	v49 =	vmul.f32 v3, v48;
	v5 =	vadd.f32 v5, v7;
	v7 =	vadd.f32 v36, v47;
	_ =	sdelay $0x1  }
0xdf: {  	v7 =	vadd.f32 v7, v49  }
0xe0: {  	(v2sf) =	vpush v62, $0x0  }
0xe1: {  	[tilespmem:s1+$0x8840] =	vst v7  }
0xe2: {  	v52 =	vld [tilespmem:s17+$0x50];
	_ =	sdelay $0x2  }
0xe3: {  	v0 =	vmul.f32 v44, v18;
	[tilespmem:s13+$0x7450] =	vst v5  }
0xe4: {  	s16 =	sadd.s32 $0x200, s11;
	v5 =	vld [tilespmem:s9+$0x60]  }
0xe5: {  	v36 =	vadd.f32 v52, v0;
	v0 =	vld [tilespmem:s16+$0x0];
	_ =	sdelay $0x1  }
0xe6: {  	v7 =	vmul.f32 v46, v34;
	_ =	sdelay $0x1  }
0xe7: {  	v19 =	vld [tilespmem:s16+$0xFFFFFF00];
	v5 =	vadd.f32 v5, v7;
	v7 =	vmul.f32 v45, v41  }
0xe8: {  	v49 =	vld [tilespmem:s16+$0xFFFFFF80];
	[tilespmem:$0x1FD10] =	vst v0  }
0xe9: {  	v5 =	vadd.f32 v5, v7;
	v7 =	vmul.f32 v6, v28;
	v40 =	vld [tilespmem:s16+$0x80]  }
0xea: {  	v53 =	vmul.f32 v2, v29  }
0xeb: {  	s18 =	spop (v2sf);
	v5 =	vadd.f32 v5, v7;
	v7 =	vmul.f32 v4, v51  }
0xec: {  	v26 =	vmov v48;
	v54 =	vmul.f32 v1, v27;
	v36 =	vadd.f32 v36, v53;
	v48 =	vld [tilespmem:s18+$0x0]  }
0xed: {  	v57 =	vbroadcast v19, $0x0;
	v5 =	vadd.f32 v5, v7  }
0xee: {  	v47 =	vmul.f32 v3, v11;
	v7 =	vadd.f32 v36, v54;
	[tilespmem:$0x1FD70] =	vst v40  }
0xef: {  	v37 =	vmul.f32 v57, v21;
	[tilespmem:s13+$0x7460] =	vst v5;
	v5 =	vbroadcast v49, $0x0  }
0xf0: {  	(v2sf) =	vpush v55, $0x1;
	v7 =	vadd.f32 v7, v47  }
0xf1: {  	v55 =	vbroadcast v0, $0x0;
	v47 =	vadd.f32 v48, v37;
	v53 =	vmul.f32 v5, v8  }
0xf2: {  	[tilespmem:s1+$0x8850] =	vst v7;
	v7 =	vmul.f32 v46, v56  }
0xf3: {  	v37 =	vmovc v56;
	v56 =	vbroadcast v40, $0x0;
	v40 =	vmul.f32 v55, v22;
	v52 =	vld [tilespmem:s9+$0x70];
	v47 =	vadd.f32 v47, v53;
	_ =	sdelay $0x1  }
0xf4: {  	v47 =	vadd.f32 v47, v40;
	v40 =	vld [tilespmem:$0x1FF50];
	_ =	sdelay $0x2  }
0xf5: {  	v45 =	vmul.f32 v45, v58;
	v46 =	vld [tilespmem:s17+$0x60];
	v7 =	vadd.f32 v52, v7;
	_ =	sdelay $0x1  }
0xf6: {  	v7 =	vadd.f32 v7, v45;
	v6 =	vmul.f32 v6, v40  }
0xf7: {  	v54 =	vmul.f32 v44, v34;
	v52 =	vmul.f32 v56, v9  }
0xf8: {  	v4 =	vmul.f32 v4, v30;
	v6 =	vadd.f32 v7, v6  }
0xf9: {  	v46 =	vadd.f32 v46, v54;
	v54 =	vmul.f32 v2, v41;
	v53 =	vadd.f32 v47, v52  }
0xfa: {  	v4 =	vadd.f32 v6, v4  }
0xfb: {  	v48 =	vmul.f32 v1, v28;
	[tilespmem:s14+$0x7400] =	vst v53;
	v7 =	vadd.f32 v46, v54  }
0xfc: {  	[tilespmem:s13+$0x7470] =	vst v4  }
0xfd: {  	v6 =	vadd.f32 v7, v48;
	v48 =	vld [tilespmem:$0x1FCE0]  }
0xfe: {  	v36 =	vmov v51;
	v46 =	vld [tilespmem:s18+$0x10]  }
0xff: {  	v7 =	vmul.f32 v3, v36  }
0x100: {  	s21 =	spop (v2sf)  }
0x101: {  	v4 =	vmul.f32 v57, v50;
	v6 =	vadd.f32 v6, v7;
	v45 =	vld [tilespmem:s21+$0x0]  }
0x102: {  	(v2sf) =	vpush v42, $0x2;
	v54 =	vbroadcast v48, $0x1  }
0x103: {  	v7 =	vmul.f32 v5, v10;
	v4 =	vadd.f32 v46, v4;
	[tilespmem:s1+$0x8860] =	vst v6  }
0x104: {  	v52 =	vbroadcast v43, $0x1;
	v46 =	vld [tilespmem:s17+$0x70];
	v6 =	vmul.f32 v54, v21  }
0x105: {  	v51 =	vmul.f32 v55, v23;
	v7 =	vadd.f32 v4, v7  }
0x106: {  	v53 =	vmul.f32 v52, v8;
	v4 =	vbroadcast v39, $0x1;
	v6 =	vadd.f32 v45, v6  }
0x107: {  	v44 =	vmul.f32 v44, v37;
	v43 =	vmul.f32 v56, v32;
	v7 =	vadd.f32 v7, v51  }
0x108: {  	v45 =	vmul.f32 v4, v22;
	v6 =	vadd.f32 v6, v53;
	v53 =	vbroadcast v38, $0x1  }
0x109: {  	v2 =	vmul.f32 v2, v58;
	v7 =	vadd.f32 v7, v43;
	v44 =	vadd.f32 v46, v44  }
0x10a: {  	v6 =	vadd.f32 v6, v45;
	v51 =	vmul.f32 v53, v9  }
0x10b: {  	v1 =	vmul.f32 v1, v40;
	[tilespmem:s14+$0x7410] =	vst v7;
	v2 =	vadd.f32 v44, v2  }
0x10c: {  	v7 =	vld [tilespmem:s18+$0x20];
	v6 =	vadd.f32 v6, v51  }
0x10d: {  	v1 =	vadd.f32 v2, v1;
	v2 =	vmul.f32 v3, v30  }
0x10e: {  	[tilespmem:s13+$0x8800] =	vst v6  }
0x10f: {  	v3 =	vmul.f32 v57, v17;
	v1 =	vadd.f32 v1, v2;
	v6 =	vld [tilespmem:s21+$0x10];
	_ =	sdelay $0x1  }
0x110: {  	s22 =	spop (v2sf);
	v2 =	vadd.f32 v7, v3;
	v3 =	vmul.f32 v5, v12;
	[tilespmem:s1+$0x8870] =	vst v1  }
0x111: {  	v42 =	vmov v58;
	v7 =	vmul.f32 v54, v50;
	v58 =	vld [tilespmem:s22+$0x0]  }
0x112: {  	v51 =	vbroadcast v63, $0x2;
	v2 =	vadd.f32 v2, v3;
	v3 =	vmul.f32 v55, v24  }
0x113: {  	v6 =	vadd.f32 v6, v7;
	v7 =	vmul.f32 v52, v10  }
0x114: {  	v38 =	vmul.f32 v56, v31;
	v63 =	vmul.f32 v51, v21;
	v3 =	vadd.f32 v2, v3  }
0x115: {  	v43 =	vmovc v40;
	v40 =	vbroadcast v59, $0x2;
	v6 =	vadd.f32 v6, v7;
	v7 =	vmul.f32 v4, v23  }
0x116: {  	v2 =	vbroadcast v61, $0x2;
	v3 =	vadd.f32 v3, v38;
	v44 =	vadd.f32 v58, v63  }
0x117: {  	v58 =	vmul.f32 v40, v8;
	v6 =	vadd.f32 v6, v7;
	v7 =	vmul.f32 v53, v32  }
0x118: {  	v59 =	vmul.f32 v2, v22;
	[tilespmem:s14+$0x7420] =	vst v3  }
0x119: {  	v44 =	vadd.f32 v44, v58;
	v3 =	vbroadcast v60, $0x2;
	v60 =	vld [tilespmem:s18+$0x30];
	v6 =	vadd.f32 v6, v7;
	_ =	sdelay $0x1  }
0x11a: {  	v61 =	vmul.f32 v3, v9;
	v7 =	vadd.f32 v44, v59;
	[tilespmem:s13+$0x8810] =	vst v6  }
0x11b: {  	v6 =	vmul.f32 v57, v16;
	v63 =	vld [tilespmem:s21+$0x20]  }
0x11c: {  	v7 =	vadd.f32 v7, v61  }
0x11d: {  	v38 =	vmul.f32 v5, v13;
	v6 =	vadd.f32 v60, v6  }
0x11e: {  	[tilespmem:s1+$0x9C00] =	vst v7;
	v7 =	vmul.f32 v54, v17  }
0x11f: {  	v59 =	vmul.f32 v55, v33;
	v58 =	vld [tilespmem:s22+$0x10];
	v6 =	vadd.f32 v6, v38  }
0x120: {  	v60 =	vmul.f32 v52, v12;
	v7 =	vadd.f32 v63, v7  }
0x121: {  	v6 =	vadd.f32 v6, v59;
	v63 =	vmul.f32 v56, v35  }
0x122: {  	v61 =	vmul.f32 v51, v50;
	v38 =	vmul.f32 v4, v24;
	v7 =	vadd.f32 v7, v60  }
0x123: {  	v59 =	vmul.f32 v40, v10;
	v6 =	vadd.f32 v6, v63  }
0x124: {  	v58 =	vadd.f32 v58, v61;
	v60 =	vmul.f32 v53, v31;
	v7 =	vadd.f32 v7, v38;
	_ =	sdelay $0x1  }
0x125: {  	v61 =	vmul.f32 v2, v23;
	[tilespmem:s14+$0x7430] =	vst v6;
	v6 =	vadd.f32 v58, v59;
	v7 =	vadd.f32 v7, v60;
	_ =	sdelay $0x1  }
0x126: {  	v58 =	vmul.f32 v3, v32;
	v6 =	vadd.f32 v6, v61;
	[tilespmem:s13+$0x8820] =	vst v7  }
0x127: {  	v38 =	vld [tilespmem:$0x1FFC0]  }
0x128: {  	v6 =	vadd.f32 v6, v58  }
0x129: {  	v63 =	vld [tilespmem:s18+$0x40]  }
0x12a: {  	[tilespmem:s1+$0x9C10] =	vst v6  }
0x12b: {  	v0 =	vld [tilespmem:$0x1FE80]  }
0x12c: {  	v7 =	vmul.f32 v57, v38  }
0x12d: {  	v59 =	vld [tilespmem:s21+$0x30]  }
0x12e: {  	v60 =	vmul.f32 v5, v14;
	v7 =	vadd.f32 v63, v7;
	_ =	sdelay $0x1  }
0x12f: {  	v6 =	vmul.f32 v54, v16;
	v61 =	vmul.f32 v55, v0;
	v7 =	vadd.f32 v7, v60;
	_ =	sdelay $0x1  }
0x130: {  	v6 =	vadd.f32 v59, v6;
	v59 =	vmul.f32 v56, v26;
	v7 =	vadd.f32 v7, v61;
	_ =	sdelay $0x1  }
0x131: {  	v7 =	vadd.f32 v7, v59;
	_ =	sdelay $0x1  }
0x132: {  	v46 =	vld [tilespmem:s22+$0x20];
	[tilespmem:s14+$0x7440] =	vst v7  }
0x133: {  	v1 =	vld [tilespmem:$0x1FDF0]  }
0x134: {  	v63 =	vmul.f32 v52, v13;
	_ =	sdelay $0x1  }
0x135: {  	v58 =	vmul.f32 v51, v17;
	v6 =	vadd.f32 v6, v63;
	v60 =	vmul.f32 v4, v33  }
0x136: {  	v63 =	vmul.f32 v40, v12  }
0x137: {  	v61 =	vadd.f32 v46, v58;
	v6 =	vadd.f32 v6, v60;
	v58 =	vmul.f32 v53, v35;
	_ =	sdelay $0x1  }
0x138: {  	s15 =	simm.s32 $0x180;
	v59 =	vmul.f32 v2, v24;
	v6 =	vadd.f32 v6, v58;
	v7 =	vadd.f32 v61, v63;
	v60 =	vld [tilespmem:s18+$0x50]  }
0x139: {  	v61 =	vld.idx.msk [tilespmem:v1+s15+$0x0 ss:$0x1], $0xffff  }
0x13a: {  	v63 =	vmul.f32 v3, v31;
	[tilespmem:s13+$0x8830] =	vst v6;
	v7 =	vadd.f32 v7, v59  }
0x13b: {  	v6 =	vmul.f32 v57, v18;
	v58 =	vld [tilespmem:s21+$0x40]  }
0x13c: {  	v7 =	vadd.f32 v7, v63  }
0x13d: {  	v59 =	vmul.f32 v5, v29;
	v6 =	vadd.f32 v60, v6  }
0x13e: {  	[tilespmem:s1+$0x9C20] =	vst v7;
	v60 =	vmul.f32 v54, v38;
	v7 =	vshll.u32 v61, $0x9  }
0x13f: {  	v6 =	vadd.f32 v6, v59;
	v61 =	vld [tilespmem:s22+$0x30];
	v1 =	vshra.s32 v7, $0x2;
	v7 =	vmul.f32 v55, v27  }
0x140: {  	v63 =	vadd.f32 v58, v60  }
0x141: {  	v58 =	vmul.f32 v52, v14;
	v6 =	vadd.f32 v6, v7;
	v7 =	vmul.f32 v56, v11  }
0x142: {  	v59 =	vmul.f32 v51, v16;
	(v2sf) =	vpush v1, $0x0  }
0x143: {  	v60 =	vmul.f32 v4, v0;
	v44 =	vadd.f32 v63, v58;
	v6 =	vadd.f32 v6, v7  }
0x144: {  	[tilespmem:$0x1FCF0] =	vst v1;
	v7 =	vadd.f32 v61, v59;
	v61 =	vmul.f32 v40, v13  }
0x145: {  	v63 =	vmul.f32 v53, v26;
	v44 =	vadd.f32 v44, v60;
	[tilespmem:s14+$0x7450] =	vst v6  }
0x146: {  	v6 =	vadd.f32 v7, v61;
	v7 =	vmul.f32 v2, v33;
	v58 =	vld [tilespmem:s18+$0x60]  }
0x147: {  	v44 =	vadd.f32 v44, v63  }
0x148: {  	v6 =	vadd.f32 v6, v7;
	v7 =	vmul.f32 v3, v35  }
0x149: {  	[tilespmem:s13+$0x8840] =	vst v44;
	v59 =	vmul.f32 v57, v34  }
0x14a: {  	s20 =	sadd.s32 $0x200, s16;
	v60 =	vld [tilespmem:s21+$0x50];
	v6 =	vadd.f32 v6, v7  }
0x14b: {  	v46 =	vmov v48;
	v48 =	vld [tilespmem:s20+$0xFFFFFF00];
	v61 =	vmul.f32 v5, v41;
	v7 =	vadd.f32 v58, v59  }
0x14c: {  	[tilespmem:s1+$0x9C30] =	vst v6  }
0x14d: {  	v63 =	vmul.f32 v55, v28;
	v6 =	vmul.f32 v54, v18;
	v47 =	vld [tilespmem:s22+$0x40];
	v7 =	vadd.f32 v7, v61  }
0x14e: {  	v38 =	vmul.f32 v51, v38;
	v58 =	vmul.f32 v52, v29  }
0x14f: {  	v1 =	vld [tilespmem:s20+$0xFFFFFF80];
	v59 =	vmul.f32 v56, v36;
	v6 =	vadd.f32 v60, v6;
	v7 =	vadd.f32 v7, v63  }
0x150: {  	v45 =	vld [tilespmem:s20+$0x0];
	[tilespmem:$0x1FD00] =	vst v48;
	v60 =	vbroadcast v48, $0x0;
	v48 =	vmul.f32 v40, v14  }
0x151: {  	s19 =	spop (v2sf);
	v6 =	vadd.f32 v6, v58;
	v58 =	vmul.f32 v4, v27;
	v7 =	vadd.f32 v7, v59  }
0x152: {  	v63 =	vld [tilespmem:s19+$0x0];
	[tilespmem:$0x1FD20] =	vst v62;
	v38 =	vadd.f32 v47, v38  }
0x153: {  	v47 =	vld [tilespmem:$0x1FD10];
	v6 =	vadd.f32 v6, v58;
	v58 =	vmul.f32 v53, v11;
	[tilespmem:s14+$0x7460] =	vst v7  }
0x154: {  	(v2sf) =	vpush v62, $0x1;
	v44 =	vld [tilespmem:s20+$0x80];
	v7 =	vadd.f32 v38, v48;
	v38 =	vmul.f32 v2, v0;
	[tilespmem:$0x1FD30] =	vst v1  }
0x155: {  	v62 =	vbroadcast v1, $0x0;
	v48 =	vmovc v0;
	v0 =	vmul.f32 v60, v21;
	v6 =	vadd.f32 v6, v58;
	v1 =	vld [tilespmem:s18+$0x70]  }
0x156: {  	v58 =	vmul.f32 v3, v26;
	v7 =	vadd.f32 v7, v38  }
0x157: {  	v61 =	vbroadcast v45, $0x0;
	v0 =	vadd.f32 v63, v0;
	v38 =	vmul.f32 v62, v8;
	[tilespmem:s13+$0x8850] =	vst v6  }
0x158: {  	v6 =	vmul.f32 v57, v37;
	v57 =	vld [tilespmem:s21+$0x60];
	v7 =	vadd.f32 v7, v58  }
0x159: {  	[tilespmem:$0x1FD40] =	vst v44;
	v63 =	vbroadcast v44, $0x0;
	v0 =	vadd.f32 v0, v38;
	v38 =	vmul.f32 v61, v22  }
0x15a: {  	v5 =	vmul.f32 v5, v42;
	[tilespmem:s1+$0x9C40] =	vst v7;
	v1 =	vadd.f32 v1, v6  }
0x15b: {  	v0 =	vadd.f32 v0, v38;
	v7 =	vmul.f32 v63, v9;
	v6 =	vmul.f32 v54, v34;
	v44 =	vld [tilespmem:s22+$0x50]  }
0x15c: {  	v1 =	vadd.f32 v1, v5;
	v5 =	vmul.f32 v55, v43  }
0x15d: {  	v0 =	vadd.f32 v0, v7;
	v7 =	vmul.f32 v52, v41;
	v6 =	vadd.f32 v57, v6  }
0x15e: {  	v59 =	vmul.f32 v51, v18;
	v1 =	vadd.f32 v1, v5;
	v5 =	vmul.f32 v56, v30  }
0x15f: {  	[tilespmem:s15+$0x7400] =	vst v0;
	v0 =	vadd.f32 v6, v7;
	v6 =	vmul.f32 v4, v28  }
0x160: {  	v29 =	vmul.f32 v40, v29;
	v1 =	vadd.f32 v1, v5;
	v5 =	vadd.f32 v44, v59  }
0x161: {  	v0 =	vadd.f32 v0, v6;
	v6 =	vmul.f32 v53, v36  }
0x162: {  	v7 =	vld [tilespmem:s19+$0x10];
	[tilespmem:s14+$0x7470] =	vst v1;
	v1 =	vadd.f32 v5, v29;
	v5 =	vmul.f32 v2, v27  }
0x163: {  	v0 =	vadd.f32 v0, v6;
	v6 =	vld [tilespmem:$0x1FD50]  }
0x164: {  	v1 =	vadd.f32 v1, v5;
	v5 =	vmul.f32 v3, v11  }
0x165: {  	s18 =	spop (v2sf)  }
0x166: {  	v38 =	vmul.f32 v60, v50;
	v44 =	vld [tilespmem:s18+$0x0];
	[tilespmem:s13+$0x8860] =	vst v0;
	v1 =	vadd.f32 v1, v5  }
0x167: {  	v59 =	vbroadcast v19, $0x1;
	[tilespmem:$0x1FD60] =	vst v49  }
0x168: {  	(v2sf) =	vpush v6, $0x2;
	v6 =	vadd.f32 v7, v38;
	v7 =	vmul.f32 v62, v10;
	[tilespmem:s1+$0x9C50] =	vst v1  }
0x169: {  	v57 =	vbroadcast v49, $0x1;
	v0 =	vmul.f32 v59, v21;
	v11 =	vld [tilespmem:$0x1FD70]  }
0x16a: {  	v49 =	vld [tilespmem:s21+$0x70];
	v5 =	vadd.f32 v6, v7;
	v6 =	vmul.f32 v61, v23  }
0x16b: {  	v0 =	vadd.f32 v44, v0;
	v7 =	vmul.f32 v57, v8  }
0x16c: {  	v58 =	vbroadcast v47, $0x1;
	v5 =	vadd.f32 v5, v6;
	v6 =	vmul.f32 v63, v32  }
0x16d: {  	v1 =	vmul.f32 v54, v37;
	v29 =	vld [tilespmem:s22+$0x60];
	v0 =	vadd.f32 v0, v7  }
0x16e: {  	v7 =	vmul.f32 v58, v22;
	v56 =	vbroadcast v11, $0x1;
	v5 =	vadd.f32 v5, v6  }
0x16f: {  	v1 =	vadd.f32 v49, v1;
	v6 =	vmul.f32 v52, v42  }
0x170: {  	v38 =	vmul.f32 v51, v34;
	v0 =	vadd.f32 v0, v7;
	v7 =	vmul.f32 v56, v9;
	[tilespmem:s15+$0x7410] =	vst v5  }
0x171: {  	v4 =	vmul.f32 v4, v43;
	v1 =	vadd.f32 v1, v6;
	v5 =	vld [tilespmem:s19+$0x20]  }
0x172: {  	v6 =	vadd.f32 v29, v38;
	v0 =	vadd.f32 v0, v7;
	v7 =	vmul.f32 v40, v41  }
0x173: {  	v1 =	vadd.f32 v1, v4;
	v4 =	vmul.f32 v53, v30  }
0x174: {  	[tilespmem:s14+$0x8800] =	vst v0;
	v0 =	vadd.f32 v6, v7;
	v6 =	vmul.f32 v2, v28;
	v7 =	vmul.f32 v60, v17  }
0x175: {  	v1 =	vadd.f32 v1, v4;
	v4 =	vmul.f32 v3, v36;
	v41 =	vld [tilespmem:s18+$0x10]  }
0x176: {  	v36 =	vld [tilespmem:$0x1FD80];
	v0 =	vadd.f32 v0, v6;
	v5 =	vadd.f32 v5, v7;
	v6 =	vmul.f32 v62, v12  }
0x177: {  	v38 =	vld [tilespmem:$0x1FD90];
	[tilespmem:s13+$0x8870] =	vst v1  }
0x178: {  	v0 =	vadd.f32 v0, v4;
	v4 =	vadd.f32 v5, v6;
	v6 =	vld [tilespmem:$0x1FDA0];
	_ =	sdelay $0x1  }
0x179: {  	v1 =	vmul.f32 v59, v50;
	s11 =	spop (v2sf);
	v5 =	vmul.f32 v61, v24  }
0x17a: {  	v7 =	vld [tilespmem:s11+$0x0]  }
0x17b: {  	v54 =	vbroadcast v46, $0x2;
	v1 =	vadd.f32 v41, v1;
	[tilespmem:s1+$0x9C60] =	vst v0;
	v0 =	vadd.f32 v4, v5  }
0x17c: {  	v4 =	vmul.f32 v63, v31;
	(v2sf) =	vpush v6, $0x3;
	v6 =	vmul.f32 v57, v10  }
0x17d: {  	v53 =	vbroadcast v36, $0x2;
	v5 =	vmul.f32 v54, v21;
	v11 =	vld [tilespmem:s22+$0x70]  }
0x17e: {  	v55 =	vbroadcast v39, $0x2;
	v1 =	vadd.f32 v1, v6;
	v6 =	vmul.f32 v58, v23  }
0x17f: {  	v0 =	vadd.f32 v0, v4;
	v4 =	vadd.f32 v7, v5;
	v5 =	vmul.f32 v53, v8  }
0x180: {  	v7 =	vmul.f32 v51, v37;
	v1 =	vadd.f32 v1, v6;
	v6 =	vmul.f32 v56, v32  }
0x181: {  	v41 =	vbroadcast v38, $0x2;
	[tilespmem:s15+$0x7420] =	vst v0;
	v0 =	vadd.f32 v4, v5;
	v4 =	vmul.f32 v55, v22  }
0x182: {  	v5 =	vadd.f32 v11, v7;
	v7 =	vmul.f32 v40, v42;
	v1 =	vadd.f32 v1, v6  }
0x183: {  	v0 =	vadd.f32 v0, v4;
	v4 =	vmul.f32 v41, v9;
	v6 =	vld [tilespmem:s19+$0x30]  }
0x184: {  	v2 =	vmul.f32 v2, v43;
	[tilespmem:s14+$0x8810] =	vst v1;
	v1 =	vadd.f32 v5, v7  }
0x185: {  	v0 =	vadd.f32 v0, v4  }
0x186: {  	v5 =	vmul.f32 v60, v16;
	v1 =	vadd.f32 v1, v2;
	v2 =	vmul.f32 v3, v30;
	_ =	sdelay $0x1  }
0x187: {  	[tilespmem:s13+$0x9C00] =	vst v0;
	v4 =	vld [tilespmem:s18+$0x20];
	v3 =	vadd.f32 v6, v5;
	v5 =	vmul.f32 v62, v13;
	v1 =	vadd.f32 v1, v2  }
0x188: {  	v6 =	vld [tilespmem:s11+$0x10]  }
0x189: {  	v2 =	vadd.f32 v3, v5;
	v5 =	vld [tilespmem:$0x1FDB0];
	[tilespmem:s1+$0x9C70] =	vst v1  }
0x18a: {  	v0 =	vmul.f32 v59, v17;
	v7 =	vld [tilespmem:$0x1FDC0]  }
0x18b: {  	v3 =	vmul.f32 v61, v33  }
0x18c: {  	v0 =	vadd.f32 v4, v0;
	v4 =	vmul.f32 v57, v12  }
0x18d: {  	v1 =	vmul.f32 v54, v50;
	s9 =	spop (v2sf);
	v2 =	vadd.f32 v2, v3;
	v3 =	vmul.f32 v63, v35  }
0x18e: {  	v0 =	vadd.f32 v0, v4;
	v4 =	vmul.f32 v58, v24;
	v43 =	vbroadcast v5, $0x3;
	v5 =	vld [tilespmem:s9+$0x0]  }
0x18f: {  	v1 =	vadd.f32 v6, v1;
	v2 =	vadd.f32 v2, v3;
	v34 =	vbroadcast v7, $0x3  }
0x190: {  	v3 =	vmul.f32 v53, v10;
	v0 =	vadd.f32 v0, v4;
	v4 =	vmul.f32 v56, v31  }
0x191: {  	[tilespmem:s15+$0x7430] =	vst v2;
	v6 =	vmul.f32 v34, v21  }
0x192: {  	v1 =	vadd.f32 v1, v3;
	v3 =	vld [tilespmem:$0x1FDD0];
	v0 =	vadd.f32 v0, v4  }
0x193: {  	v4 =	vadd.f32 v5, v6;
	v5 =	vmul.f32 v43, v8  }
0x194: {  	v6 =	vld [tilespmem:$0x1FDE0];
	[tilespmem:s14+$0x8820] =	vst v0  }
0x195: {  	v0 =	vadd.f32 v4, v5;
	v5 =	vld [tilespmem:$0x1FFC0];
	_ =	sdelay $0x1  }
0x196: {  	v2 =	vmul.f32 v55, v23;
	v11 =	vbroadcast v3, $0x3;
	v3 =	vld [tilespmem:s19+$0x40];
	_ =	sdelay $0x1  }
0x197: {  	v1 =	vadd.f32 v1, v2;
	v2 =	vmul.f32 v41, v32;
	v4 =	vmul.f32 v11, v22  }
0x198: {  	v42 =	vbroadcast v6, $0x3;
	v5 =	vmul.f32 v60, v5  }
0x199: {  	v1 =	vadd.f32 v1, v2;
	v0 =	vadd.f32 v0, v4  }
0x19a: {  	v6 =	vld [tilespmem:s18+$0x30];
	v4 =	vmul.f32 v62, v14;
	v2 =	vmul.f32 v42, v9;
	v3 =	vadd.f32 v3, v5;
	_ =	sdelay $0x1  }
0x19b: {  	v0 =	vadd.f32 v0, v2;
	v2 =	vadd.f32 v3, v4;
	v3 =	vmul.f32 v61, v48  }
0x19c: {  	[tilespmem:s13+$0x9C10] =	vst v1;
	v1 =	vmul.f32 v59, v16  }
0x19d: {  	v2 =	vadd.f32 v2, v3;
	v3 =	vmul.f32 v63, v26  }
0x19e: {  	v1 =	vadd.f32 v6, v1;
	v4 =	vmul.f32 v57, v13  }
0x19f: {  	v2 =	vadd.f32 v2, v3  }
0x1a0: {  	[tilespmem:s1+$0xB000] =	vst v0;
	v1 =	vadd.f32 v1, v4;
	v4 =	vmul.f32 v58, v33  }
0x1a1: {  	[tilespmem:s15+$0x7440] =	vst v2  }
0x1a2: {  	v4 =	vadd.f32 v1, v4;
	v1 =	vld [tilespmem:$0x1FDF0]  }
0x1a3: {  	v5 =	vld [tilespmem:s11+$0x20];
	_ =	sdelay $0x2  }
0x1a4: {  	v0 =	vmul.f32 v54, v17;
	v6 =	vld [tilespmem:s9+$0x10];
	_ =	sdelay $0x1  }
0x1a5: {  	v0 =	vadd.f32 v5, v0;
	v3 =	vmul.f32 v53, v12  }
0x1a6: {  	s17 =	simm.s32 $0x200;
	v7 =	vmul.f32 v56, v35;
	v44 =	vmul.f32 v34, v50  }
0x1a7: {  	v51 =	vmul.f32 v43, v10;
	v5 =	vld.idx.msk [tilespmem:v1+s17+$0x0 ss:$0x1], $0xffff;
	v1 =	vadd.f32 v0, v3  }
0x1a8: {  	s8 =	sshll.u32 s10, $0x3;
	s16 =	sshll.u32 s10, $0x1;
	s21 =	simm.s32 $0xA00;
	v2 =	vmul.f32 v55, v24;
	v3 =	vadd.f32 v4, v7;
	v4 =	vld [tilespmem:s19+$0x50];
	v0 =	vadd.f32 v6, v44  }
.LBB2_4:
0x1a9: {  	v35 =	vld [tilespmem:$0x1FEF0]  }
0x1aa: {  	v31 =	vld [tilespmem:$0x1FE50]  }
0x1ab: {  	v20 =	vld [tilespmem:$0x1FE20]  }
0x1ac: {  	v33 =	vld [tilespmem:$0x1FEE0]  }
0x1ad: {  	v18 =	vld [tilespmem:$0x1FE10]  }
0x1ae: {  	[tilespmem:$0x1FCE0] =	vst v46;
	v27 =	vld [tilespmem:$0x1FEC0];
	v1 =	vadd.f32 v1, v2  }
0x1af: {  	v46 =	vld [tilespmem:$0x1FF20];
	[tilespmem:s14+$0x8830] =	vst v3;
	v0 =	vadd.f32 v0, v51;
	v2 =	vmul.f32 v41, v35;
	v3 =	vmul.f32 v11, v31  }
0x1b0: {  	v24 =	vld [tilespmem:$0x1FE80]  }
0x1b1: {  	v8 =	vld [tilespmem:$0x1FD70];
	v1 =	vadd.f32 v1, v2;
	v0 =	vadd.f32 v0, v3;
	v2 =	vmul.f32 v42, v33  }
0x1b2: {  	v37 =	vld [tilespmem:$0x1FF10]  }
0x1b3: {  	v7 =	vld [tilespmem:s18+$0x40];
	v0 =	vadd.f32 v0, v2  }
0x1b4: {  	[tilespmem:s13+$0x9C20] =	vst v1;
	v1 =	vshll.u32 v5, $0x9;
	v5 =	vmul.f32 v59, v25;
	v25 =	vld [tilespmem:$0x1FEA0]  }
0x1b5: {  	v6 =	vmul.f32 v60, v18;
	v30 =	vld [tilespmem:s11+$0x30];
	[tilespmem:s1+$0xB010] =	vst v0;
	v0 =	vbroadcast v38, $0x3  }
0x1b6: {  	v9 =	vld [tilespmem:$0x1FD60]  }
0x1b7: {  	v4 =	vadd.f32 v4, v6;
	v6 =	vmul.f32 v62, v27;
	[tilespmem:$0x1FCD0] =	vst v0;
	v0 =	vld [tilespmem:$0x1FD40]  }
0x1b8: {  	v29 =	vld [tilespmem:$0x1FE60]  }
0x1b9: {  	v23 =	vld [tilespmem:$0x1FF70];
	v3 =	vshra.s32 v1, $0x2;
	v1 =	vadd.f32 v4, v6;
	v2 =	vmul.f32 v61, v25  }
0x1ba: {  	s20 =	sadd.s32 $0x200, s20;
	v6 =	vmul.f32 v54, v16;
	v4 =	vadd.f32 v7, v5;
	v7 =	vld [tilespmem:s9+$0x20]  }
0x1bb: {  	v16 =	vld [tilespmem:s20+$0x0];
	v1 =	vadd.f32 v1, v2;
	v2 =	vmul.f32 v63, v46  }
0x1bc: {  	v5 =	vmul.f32 v57, v14;
	v6 =	vadd.f32 v30, v6;
	v30 =	vld [tilespmem:$0x1FE70];
	v49 =	vmovc v0;
	v0 =	vbroadcast v36, $0x3  }
0x1bd: {  	v1 =	vadd.f32 v1, v2;
	v2 =	vld [tilespmem:s20+$0x80]  }
0x1be: {  	v4 =	vadd.f32 v4, v5;
	v5 =	vmul.f32 v58, v24;
	[tilespmem:$0x1FCA0] =	vst v0;
	v0 =	vld [tilespmem:$0x1FD30]  }
0x1bf: {  	v40 =	vmov v8;
	v8 =	vmul.f32 v34, v17;
	v36 =	vld [tilespmem:$0x1FF00];
	[tilespmem:s15+$0x7450] =	vst v1  }
0x1c0: {  	v32 =	vmul.f32 v53, v13;
	v10 =	vmovc v9;
	v13 =	vmul.f32 v60, v20;
	v4 =	vadd.f32 v4, v5;
	v9 =	vld [tilespmem:s19+$0x60]  }
0x1c1: {  	v5 =	vmul.f32 v56, v37;
	v7 =	vadd.f32 v7, v8;
	v8 =	vmul.f32 v43, v12  }
0x1c2: {  	[tilespmem:$0x1FC90] =	vst v39;
	(v2sf) =	vpush v3, $0x0;
	v6 =	vadd.f32 v6, v32;
	v44 =	vmul.f32 v55, v30  }
0x1c3: {  	v39 =	vld [tilespmem:$0x1FF30];
	v5 =	vadd.f32 v4, v5;
	v4 =	vbroadcast v10, $0x2;
	v8 =	vadd.f32 v7, v8;
	v15 =	vmovc v0;
	v0 =	vmovc v11  }
0x1c4: {  	[tilespmem:$0x1FD80] =	vst v10;
	v10 =	vadd.f32 v6, v44;
	v11 =	vmul.f32 v41, v36;
	v12 =	vmul.f32 v0, v29  }
0x1c5: {  	v50 =	vld [tilespmem:$0x1FF40];
	v9 =	vadd.f32 v9, v13;
	v13 =	vmul.f32 v62, v23  }
0x1c6: {  	v1 =	vld [tilespmem:s20+$0xFFFFFF80];
	v10 =	vadd.f32 v10, v11;
	v11 =	vmul.f32 v42, v35;
	v8 =	vadd.f32 v8, v12  }
0x1c7: {  	v51 =	vld [tilespmem:s20+$0xFFFFFF00];
	[tilespmem:s14+$0x8840] =	vst v5  }
0x1c8: {  	v14 =	vld [tilespmem:s18+$0x50];
	v9 =	vadd.f32 v9, v13;
	v13 =	vmul.f32 v61, v39;
	[tilespmem:s13+$0x9C30] =	vst v10;
	v8 =	vadd.f32 v8, v11  }
0x1c9: {  	[tilespmem:$0x1FCC0] =	vst v16;
	v10 =	vbroadcast v16, $0x0;
	v16 =	vld [tilespmem:s11+$0x40]  }
0x1ca: {  	[tilespmem:s1+$0xB020] =	vst v8;
	v8 =	vadd.f32 v9, v13;
	v13 =	vld [tilespmem:$0x1FFC0];
	_ =	sdelay $0x4  }
0x1cb: {  	v9 =	vmul.f32 v63, v50;
	v13 =	vmul.f32 v54, v13;
	_ =	sdelay $0x1  }
0x1cc: {  	v8 =	vadd.f32 v8, v9;
	v9 =	vadd.f32 v16, v13;
	v13 =	vld [tilespmem:$0x1FFA0]  }
0x1cd: {  	v21 =	vld [tilespmem:$0x1FE00]  }
0x1ce: {  	v5 =	vbroadcast v19, $0x2;
	s22 =	spop (v2sf)  }
0x1cf: {  	[tilespmem:$0x1FD60] =	vst v15;
	v7 =	vbroadcast v15, $0x1;
	v15 =	vmul.f32 v59, v18;
	v20 =	vld [tilespmem:s22+$0x0]  }
0x1d0: {  	[tilespmem:$0x1FC80] =	vst v19;
	v19 =	vld [tilespmem:$0x1FEB0];
	v6 =	vbroadcast v45, $0x1;
	v17 =	vbroadcast v51, $0x0  }
0x1d1: {  	[tilespmem:$0x1FCB0] =	vst v45;
	v45 =	vld [tilespmem:$0x1FFE0];
	v14 =	vadd.f32 v14, v15;
	v15 =	vmul.f32 v57, v27;
	v13 =	vmul.f32 v53, v13  }
0x1d2: {  	v18 =	vld [tilespmem:s9+$0x30];
	v16 =	vmul.f32 v17, v21  }
0x1d3: {  	v14 =	vadd.f32 v14, v15;
	v15 =	vmul.f32 v58, v25;
	[tilespmem:s15+$0x7460] =	vst v8;
	v8 =	vadd.f32 v9, v13;
	v13 =	vld [tilespmem:$0x1FF60]  }
0x1d4: {  	v16 =	vadd.f32 v20, v16;
	v20 =	vld [tilespmem:$0x1FFD0]  }
0x1d5: {  	v52 =	vld [tilespmem:$0x1FCF0];
	v14 =	vadd.f32 v14, v15;
	v15 =	vmul.f32 v56, v46  }
0x1d6: {  	v19 =	vmul.f32 v34, v19;
	v11 =	vbroadcast v1, $0x0;
	v48 =	vld [tilespmem:s19+$0x70]  }
0x1d7: {  	v26 =	vld [tilespmem:$0x1FFB0];
	v14 =	vadd.f32 v14, v15;
	v9 =	vmul.f32 v55, v24  }
0x1d8: {  	[tilespmem:$0x1FD30] =	vst v1;
	v1 =	vld [tilespmem:$0x1FF90];
	v15 =	vadd.f32 v18, v19;
	v19 =	vmul.f32 v11, v45;
	v13 =	vmul.f32 v43, v13  }
0x1d9: {  	[tilespmem:s14+$0x8850] =	vst v14;
	v21 =	vld [tilespmem:$0x1FF50];
	v14 =	vmul.f32 v60, v20;
	v8 =	vadd.f32 v8, v9;
	v9 =	vmul.f32 v41, v37  }
0x1da: {  	v18 =	vmul.f32 v0, v30;
	v16 =	vadd.f32 v16, v19;
	v13 =	vadd.f32 v15, v13  }
0x1db: {  	v32 =	vld [tilespmem:$0x1FE40];
	v14 =	vadd.f32 v48, v14;
	v8 =	vadd.f32 v8, v9  }
0x1dc: {  	v19 =	vld [tilespmem:$0x1FE20];
	v9 =	vmul.f32 v42, v36;
	v13 =	vadd.f32 v13, v18;
	v18 =	vmul.f32 v62, v26  }
0x1dd: {  	(v2sf) =	vpush v52, $0x1;
	v12 =	vbroadcast v2, $0x0;
	v60 =	vmovc v17;
	v17 =	vmul.f32 v10, v1;
	v15 =	vld [tilespmem:s18+$0x60];
	[tilespmem:s13+$0x9C40] =	vst v8  }
0x1de: {  	v28 =	vld [tilespmem:$0x1FED0];
	v62 =	vmovc v11;
	v9 =	vadd.f32 v13, v9;
	v11 =	vadd.f32 v14, v18;
	v13 =	vmul.f32 v61, v21  }
0x1df: {  	v8 =	vadd.f32 v16, v17;
	v17 =	vld [tilespmem:s11+$0x50]  }
0x1e0: {  	v16 =	vmul.f32 v12, v32;
	[tilespmem:s1+$0xB030] =	vst v9;
	v9 =	vadd.f32 v11, v13;
	v13 =	vld [tilespmem:$0x1FE10]  }
0x1e1: {  	v19 =	vmul.f32 v59, v19  }
0x1e2: {  	v8 =	vadd.f32 v8, v16  }
0x1e3: {  	v44 =	vld [tilespmem:$0x1FE30];
	v61 =	vmov v10;
	v10 =	vadd.f32 v15, v19;
	v15 =	vmul.f32 v57, v23  }
0x1e4: {  	s19 =	smov.u32 s22;
	v16 =	vld [tilespmem:s9+$0x40];
	[tilespmem:s17+$0x7400] =	vst v8  }
0x1e5: {  	v11 =	vmul.f32 v63, v28;
	v8 =	vadd.f32 v10, v15;
	v15 =	vld [tilespmem:s19+$0x10];
	v13 =	vmul.f32 v54, v13;
	_ =	sdelay $0x1  }
0x1e6: {  	v9 =	vadd.f32 v9, v11;
	v11 =	vadd.f32 v17, v13;
	v13 =	vmul.f32 v53, v27;
	v17 =	vld [tilespmem:$0x1FFC0]  }
0x1e7: {  	[tilespmem:$0x1FD40] =	vst v2;
	v2 =	vld [tilespmem:$0x1FD00];
	v18 =	vmul.f32 v60, v44  }
0x1e8: {  	v10 =	vmul.f32 v58, v39;
	[tilespmem:s15+$0x7470] =	vst v9;
	v9 =	vadd.f32 v11, v13;
	v13 =	vld [tilespmem:$0x1FFA0]  }
0x1e9: {  	v15 =	vadd.f32 v15, v18;
	v18 =	vld [tilespmem:$0x1FFF0]  }
0x1ea: {  	v8 =	vadd.f32 v8, v10;
	v10 =	vmul.f32 v56, v50;
	v11 =	vmul.f32 v55, v25  }
0x1eb: {  	v22 =	vld [tilespmem:$0x1FE00];
	v17 =	vmul.f32 v34, v17  }
0x1ec: {  	s22 =	spop (v2sf);
	v8 =	vadd.f32 v8, v10;
	v9 =	vadd.f32 v9, v11  }
0x1ed: {  	v19 =	vld [tilespmem:s22+$0x0];
	v11 =	vmul.f32 v41, v46;
	v13 =	vmul.f32 v43, v13;
	v10 =	vadd.f32 v16, v17  }
0x1ee: {  	v14 =	vbroadcast v2, $0x1;
	[tilespmem:s14+$0x8860] =	vst v8;
	v16 =	vmul.f32 v62, v18  }
0x1ef: {  	v63 =	vmovc v12;
	v12 =	vmul.f32 v0, v24;
	v9 =	vadd.f32 v9, v11;
	v8 =	vadd.f32 v10, v13;
	v13 =	vld [tilespmem:s18+$0x70]  }
0x1f0: {  	v10 =	vmul.f32 v14, v22;
	v15 =	vadd.f32 v15, v16;
	v16 =	vmul.f32 v61, v31  }
0x1f1: {  	v48 =	vld [tilespmem:$0x1FD20];
	v11 =	vmul.f32 v42, v37;
	v17 =	vmul.f32 v59, v20;
	v8 =	vadd.f32 v8, v12  }
0x1f2: {  	[tilespmem:s13+$0x9C50] =	vst v9;
	v10 =	vadd.f32 v19, v10;
	v19 =	vld [tilespmem:$0x1FE20];
	v9 =	vadd.f32 v15, v16;
	v15 =	vmul.f32 v63, v33  }
0x1f3: {  	v12 =	vmul.f32 v7, v45;
	v8 =	vadd.f32 v8, v11  }
0x1f4: {  	v59 =	vmovc v14;
	v14 =	vmul.f32 v57, v26;
	v9 =	vadd.f32 v9, v15;
	v13 =	vadd.f32 v13, v17  }
0x1f5: {  	v16 =	vld [tilespmem:s11+$0x60];
	v10 =	vadd.f32 v10, v12;
	v11 =	vmul.f32 v6, v1;
	v12 =	vbroadcast v49, $0x1;
	[tilespmem:s1+$0xB040] =	vst v8  }
0x1f6: {  	(v2sf) =	vpush v48, $0x2;
	v57 =	vmovc v7;
	v15 =	vld [tilespmem:s9+$0x50];
	[tilespmem:s17+$0x7410] =	vst v9;
	v7 =	vadd.f32 v13, v14;
	v9 =	vmul.f32 v58, v21  }
0x1f7: {  	v38 =	vld [tilespmem:$0x1FE10];
	v8 =	vadd.f32 v10, v11;
	v10 =	vmul.f32 v12, v32;
	v11 =	vmul.f32 v54, v19  }
0x1f8: {  	v58 =	vmovc v6;
	v6 =	vadd.f32 v7, v9;
	v7 =	vmul.f32 v56, v28;
	v56 =	vmov v12;
	v12 =	vld [tilespmem:$0x1FE90];
	_ =	sdelay $0x1  }
0x1f9: {  	v14 =	vld [tilespmem:s19+$0x20];
	v8 =	vadd.f32 v8, v10;
	v10 =	vadd.f32 v16, v11;
	v11 =	vmul.f32 v53, v23;
	_ =	sdelay $0x1  }
0x1fa: {  	v9 =	vmul.f32 v34, v38;
	[tilespmem:s15+$0x8800] =	vst v8;
	v8 =	vadd.f32 v10, v11;
	v10 =	vmul.f32 v55, v39  }
0x1fb: {  	v6 =	vadd.f32 v6, v7;
	v12 =	vmul.f32 v60, v12  }
0x1fc: {  	v7 =	vadd.f32 v15, v9;
	v9 =	vmul.f32 v41, v50;
	v8 =	vadd.f32 v8, v10  }
0x1fd: {  	v12 =	vadd.f32 v14, v12;
	v14 =	vld [tilespmem:$0x1FF80]  }
0x1fe: {  	v8 =	vadd.f32 v8, v9;
	v9 =	vld [tilespmem:$0x1FD50]  }
0x1ff: {  	s18 =	smov.u32 s22  }
0x200: {  	v16 =	vld [tilespmem:s18+$0x10]  }
0x201: {  	v11 =	vmul.f32 v43, v27  }
0x202: {  	v27 =	vmul.f32 v0, v25;
	v14 =	vmul.f32 v62, v14  }
0x203: {  	s22 =	spop (v2sf);
	[tilespmem:s14+$0x8870] =	vst v6;
	v6 =	vadd.f32 v7, v11;
	v7 =	vmul.f32 v59, v44;
	(v2sf) =	vpush v9, $0x3;
	v9 =	vmovc v52  }
0x204: {  	v11 =	vld [tilespmem:s22+$0x0];
	[tilespmem:$0x1FD20] =	vst v9;
	v9 =	vadd.f32 v12, v14;
	v12 =	vmul.f32 v61, v29  }
0x205: {  	v13 =	vmul.f32 v42, v46;
	v10 =	vmovc v3;
	v6 =	vadd.f32 v6, v27;
	v3 =	vadd.f32 v16, v7  }
0x206: {  	v7 =	vmul.f32 v57, v18;
	[tilespmem:s13+$0x9C60] =	vst v8;
	v8 =	vadd.f32 v9, v12;
	v9 =	vmul.f32 v63, v35  }
0x207: {  	[tilespmem:$0x1FCF0] =	vst v10;
	v10 =	vmul.f32 v5, v22;
	v6 =	vadd.f32 v6, v13;
	v12 =	vld [tilespmem:s11+$0x70]  }
0x208: {  	v3 =	vadd.f32 v3, v7;
	v7 =	vmul.f32 v58, v31;
	v8 =	vadd.f32 v8, v9  }
0x209: {  	v16 =	vld [tilespmem:$0x1FEB0];
	v13 =	vbroadcast v47, $0x2;
	[tilespmem:s1+$0xB050] =	vst v6;
	v9 =	vadd.f32 v11, v10;
	v10 =	vmul.f32 v4, v45  }
0x20a: {  	v3 =	vadd.f32 v3, v7;
	v7 =	vmul.f32 v54, v20;
	v6 =	vmul.f32 v56, v33;
	v11 =	vld [tilespmem:s9+$0x60];
	[tilespmem:s17+$0x7420] =	vst v8  }
0x20b: {  	v54 =	vmovc v5;
	v5 =	vadd.f32 v9, v10;
	v8 =	vmul.f32 v13, v1;
	v9 =	vbroadcast v40, $0x2;
	v10 =	vld [tilespmem:s19+$0x30]  }
0x20c: {  	v3 =	vadd.f32 v3, v6;
	v6 =	vadd.f32 v12, v7;
	v7 =	vmul.f32 v53, v26  }
0x20d: {  	v53 =	vmovc v4;
	v4 =	vadd.f32 v5, v8;
	v5 =	vmul.f32 v9, v32;
	v8 =	vmul.f32 v34, v19  }
0x20e: {  	[tilespmem:s15+$0x8810] =	vst v3;
	v12 =	vmul.f32 v60, v16;
	v3 =	vadd.f32 v6, v7;
	v6 =	vmul.f32 v55, v21  }
0x20f: {  	v15 =	vld [tilespmem:$0x1FE90];
	v7 =	vmul.f32 v43, v23;
	v4 =	vadd.f32 v4, v5;
	v5 =	vadd.f32 v11, v8  }
0x210: {  	v3 =	vadd.f32 v3, v6;
	v6 =	vmul.f32 v41, v28;
	v41 =	vmovc v9;
	v9 =	vadd.f32 v10, v12;
	v10 =	vld [tilespmem:$0x1FF60]  }
0x211: {  	v14 =	vld [tilespmem:s18+$0x20];
	v8 =	vmul.f32 v0, v39;
	[tilespmem:s14+$0x9C00] =	vst v4;
	v4 =	vadd.f32 v5, v7;
	_ =	sdelay $0x1  }
0x212: {  	v4 =	vadd.f32 v4, v8;
	v8 =	vld [tilespmem:$0x1FF80];
	_ =	sdelay $0x1  }
0x213: {  	s11 =	smov.u32 s22;
	v10 =	vmul.f32 v62, v10  }
0x214: {  	v19 =	vmov v2;
	v5 =	vmul.f32 v59, v15;
	v7 =	vld [tilespmem:s11+$0x10];
	v3 =	vadd.f32 v3, v6  }
0x215: {  	v2 =	vmovc v51;
	v6 =	vmul.f32 v42, v50;
	v9 =	vadd.f32 v9, v10;
	v10 =	vmul.f32 v61, v30  }
0x216: {  	[tilespmem:$0x1FD00] =	vst v2;
	v2 =	vld [tilespmem:$0x1FC90];
	v11 =	vmul.f32 v54, v44;
	v5 =	vadd.f32 v14, v5;
	v8 =	vmul.f32 v57, v8  }
0x217: {  	[tilespmem:s13+$0x9C70] =	vst v3;
	v4 =	vadd.f32 v4, v6;
	v3 =	vadd.f32 v9, v10;
	v9 =	vmul.f32 v63, v36  }
0x218: {  	s22 =	spop (v2sf);
	v5 =	vadd.f32 v5, v8;
	v8 =	vld [tilespmem:$0x1FCE0]  }
0x219: {  	v7 =	vadd.f32 v7, v11;
	v10 =	vld [tilespmem:s22+$0x0];
	[tilespmem:s1+$0xB060] =	vst v4;
	v3 =	vadd.f32 v3, v9;
	v9 =	vmul.f32 v53, v18  }
0x21a: {  	v11 =	vld [tilespmem:s9+$0x70]  }
0x21b: {  	[tilespmem:s17+$0x7430] =	vst v3;
	v3 =	vadd.f32 v7, v9;
	v9 =	vbroadcast v2, $0x3;
	v2 =	vld [tilespmem:$0x1FCB0]  }
0x21c: {  	v6 =	vmul.f32 v58, v29  }
0x21d: {  	v55 =	vmov v13;
	v8 =	vbroadcast v8, $0x3  }
0x21e: {  	v52 =	vld [tilespmem:$0x1FCA0];
	v4 =	vadd.f32 v5, v6;
	v5 =	vmul.f32 v56, v35;
	v7 =	vmul.f32 v55, v31  }
0x21f: {  	v12 =	vld [tilespmem:$0x1FC80];
	v6 =	vmul.f32 v8, v22  }
0x220: {  	v39 =	vmovc v47;
	v4 =	vadd.f32 v4, v5;
	v3 =	vadd.f32 v3, v7;
	v47 =	vmov v2;
	v2 =	vld [tilespmem:$0x1FCC0]  }
0x221: {  	v17 =	vld [tilespmem:$0x1FFC0];
	v7 =	vmul.f32 v41, v33;
	v5 =	vadd.f32 v10, v6;
	v10 =	vmul.f32 v34, v20  }
0x222: {  	v14 =	vld [tilespmem:$0x1FFA0]  }
0x223: {  	v3 =	vadd.f32 v3, v7;
	v6 =	vmul.f32 v52, v45;
	v7 =	vadd.f32 v11, v10;
	v10 =	vld [tilespmem:$0x1FCD0]  }
0x224: {  	v46 =	vmov v12;
	v12 =	vld [tilespmem:s19+$0x40]  }
0x225: {  	[tilespmem:s15+$0x8820] =	vst v4;
	v4 =	vmul.f32 v9, v1;
	v45 =	vmov v2;
	v2 =	vadd.f32 v5, v6  }
0x226: {  	v5 =	vmul.f32 v43, v26  }
0x227: {  	v13 =	vld [tilespmem:s18+$0x30];
	v6 =	vmul.f32 v60, v17;
	v1 =	vadd.f32 v2, v4  }
0x228: {  	[tilespmem:s14+$0x9C10] =	vst v3;
	v2 =	vmul.f32 v10, v32;
	v4 =	vmul.f32 v0, v21;
	v3 =	vadd.f32 v7, v5  }
0x229: {  	v34 =	vmovc v8;
	v8 =	vmul.f32 v62, v14;
	v6 =	vadd.f32 v12, v6;
	v5 =	vmul.f32 v59, v16  }
0x22a: {  	v1 =	vadd.f32 v1, v2;
	v2 =	vmul.f32 v42, v28;
	v3 =	vadd.f32 v3, v4  }
0x22b: {  	v7 =	vld [tilespmem:s11+$0x20];
	v0 =	vadd.f32 v6, v8;
	v6 =	vmul.f32 v61, v24  }
0x22c: {  	s9 =	smov.u32 s22;
	v4 =	vadd.f32 v13, v5;
	v13 =	vld [tilespmem:$0x1FF60];
	[tilespmem:s13+$0xB000] =	vst v1;
	v2 =	vadd.f32 v3, v2  }
0x22d: {  	v0 =	vadd.f32 v0, v6;
	v6 =	vld [tilespmem:s9+$0x10]  }
0x22e: {  	[tilespmem:s1+$0xB070] =	vst v2;
	v2 =	vld [tilespmem:$0x1FDF0]  }
0x22f: {  	v12 =	vld [tilespmem:$0x1FF80]  }
0x230: {  	v25 =	vmov v48  }
0x231: {  	v5 =	vmul.f32 v57, v13  }
0x232: {  	p1 =	sne.s32 s21, $0x4E00;
	[tilespmem:$0x1FD70] =	vst v49;
	v8 =	vmul.f32 v54, v15;
	v1 =	vmul.f32 v63, v37  }
.Ltmp0:
0x233: {  	v38 =	vmovc v40;
	[tilespmem:$0x1FD50] =	vst v25;
	v25 =	vmov v17;
	v3 =	vadd.f32 v4, v5;
	v4 =	vmul.f32 v58, v30;
	(pc) =	sbr.rel @p1 .LBB2_4-.Ltmp0, $4  }
0x234: {  	v11 =	vmovc v9;
	v0 =	vadd.f32 v0, v1;
	v1 =	vadd.f32 v7, v8;
	v7 =	vmul.f32 v53, v12;
	s1 =	smov.u32 s13;
	s13 =	smov.u32 s14  }
0x235: {  	v9 =	vmul.f32 v34, v44;
	v43 =	vmovc v52;
	s14 =	smov.u32 s15;
	v8 =	vmul.f32 v56, v36;
	v36 =	vld [tilespmem:$0x1FD80];
	s15 =	smov.u32 s17;
	s17 =	sshra.s32 s21, $0x2;
	v3 =	vadd.f32 v3, v4  }
0x236: {  	v17 =	vmov v15;
	v51 =	vmul.f32 v43, v18;
	v1 =	vadd.f32 v1, v7;
	v5 =	vld.idx.msk [tilespmem:v2+s17+$0x0 ss:$0x1], $0xffff;
	[tilespmem:s15+$0x7440] =	vst v0  }
0x237: {  	v42 =	vmovc v10;
	s21 =	sadd.s32 $0x200, s21;
	v3 =	vadd.f32 v3, v8;
	v2 =	vmul.f32 v55, v29;
	v0 =	vadd.f32 v6, v9;
	v4 =	vld [tilespmem:s19+$0x50]  }
0x238: {  	_ =	sdelay $0x2  }
0x239: {  	v5 =	vshll.u32 v5, $0x9  }
0x23a: {  	v24 =	vshra.s32 v5, $0x2  }
0x23b: {  	(v2sf) =	vpush v24, $0x0;
	_ =	sdelay $0x9  }
0x23c: {  	s21 =	sadd.s32 $0x200, s20;
	[tilespmem:$0x1FB80] =	vst v24  }
0x23d: {  	v18 =	vld [tilespmem:s21+$0xFFFFFF00];
	_ =	sdelay $0x1  }
0x23e: {  	v21 =	vld [tilespmem:$0x1FE00]  }
0x23f: {  	v20 =	vld [tilespmem:s21+$0xFFFFFF80]  }
0x240: {  	v22 =	vld [tilespmem:s21+$0x0];
	s22 =	spop (v2sf)  }
0x241: {  	v5 =	vld [tilespmem:s22+$0x0];
	[tilespmem:$0x1FB90] =	vst v18  }
0x242: {  	v48 =	vld [tilespmem:s21+$0x80]  }
0x243: {  	[tilespmem:$0x1FC80] =	vst v19;
	v19 =	vld [tilespmem:$0x1FFE0]  }
0x244: {  	v6 =	vbroadcast v18, $0x0  }
0x245: {  	v28 =	vld [tilespmem:$0x1FF90]  }
0x246: {  	v7 =	vbroadcast v20, $0x0;
	v8 =	vmul.f32 v6, v21  }
0x247: {  	v33 =	vld [tilespmem:$0x1FE40]  }
0x248: {  	v9 =	vbroadcast v22, $0x0;
	v5 =	vadd.f32 v5, v8;
	v29 =	vmul.f32 v7, v19;
	_ =	sdelay $0x1  }
0x249: {  	v30 =	vmul.f32 v9, v28;
	v10 =	vbroadcast v48, $0x0;
	v5 =	vadd.f32 v5, v29;
	_ =	sdelay $0x1  }
0x24a: {  	[tilespmem:$0x1FBA0] =	vst v20;
	v31 =	vmul.f32 v10, v33;
	v5 =	vadd.f32 v5, v30  }
0x24b: {  	[tilespmem:$0x1FBB0] =	vst v22  }
0x24c: {  	[tilespmem:$0x1FD90] =	vst v38;
	v5 =	vadd.f32 v5, v31  }
0x24d: {  	[tilespmem:$0x1FBC0] =	vst v48  }
0x24e: {  	[tilespmem:s17+$0x7400] =	vst v5  }
0x24f: {  	v5 =	vld [tilespmem:s22+$0x10]  }
0x250: {  	v49 =	vld [tilespmem:$0x1FFF0];
	_ =	sdelay $0x1  }
0x251: {  	v50 =	vmov v44;
	v29 =	vmov v45;
	v45 =	vld [tilespmem:$0x1FE50]  }
0x252: {  	v32 =	vmul.f32 v6, v50  }
0x253: {  	v30 =	vmov v44;
	v44 =	vld [tilespmem:$0x1FEE0]  }
0x254: {  	v5 =	vadd.f32 v5, v32;
	v35 =	vmul.f32 v7, v49;
	_ =	sdelay $0x1  }
0x255: {  	v37 =	vmul.f32 v9, v45;
	v5 =	vadd.f32 v5, v35;
	_ =	sdelay $0x1  }
0x256: {  	v38 =	vmul.f32 v10, v44;
	v5 =	vadd.f32 v5, v37;
	_ =	sdelay $0x1  }
0x257: {  	v5 =	vadd.f32 v5, v38;
	_ =	sdelay $0x1  }
0x258: {  	[tilespmem:s17+$0x7410] =	vst v5  }
0x259: {  	v5 =	vld [tilespmem:s22+$0x20];
	_ =	sdelay $0x2  }
0x25a: {  	v40 =	vmul.f32 v6, v17;
	v32 =	vld [tilespmem:$0x1FE60];
	_ =	sdelay $0x1  }
0x25b: {  	v5 =	vadd.f32 v5, v40;
	v40 =	vld [tilespmem:$0x1FEF0]  }
0x25c: {  	v50 =	vmul.f32 v7, v12;
	_ =	sdelay $0x1  }
0x25d: {  	v52 =	vmul.f32 v9, v32;
	v5 =	vadd.f32 v5, v50;
	_ =	sdelay $0x1  }
0x25e: {  	v5 =	vadd.f32 v5, v52;
	v31 =	vmul.f32 v10, v40;
	_ =	sdelay $0x1  }
0x25f: {  	v5 =	vadd.f32 v5, v31;
	_ =	sdelay $0x1  }
0x260: {  	[tilespmem:s17+$0x7420] =	vst v5  }
0x261: {  	v5 =	vld [tilespmem:s22+$0x30];
	_ =	sdelay $0x2  }
0x262: {  	v35 =	vmul.f32 v6, v16;
	_ =	sdelay $0x1  }
0x263: {  	v37 =	vmul.f32 v7, v13;
	v5 =	vadd.f32 v5, v35;
	_ =	sdelay $0x1  }
0x264: {  	v5 =	vadd.f32 v5, v37;
	v37 =	vld [tilespmem:$0x1FE70];
	_ =	sdelay $0x1  }
0x265: {  	v35 =	vld [tilespmem:$0x1FF00];
	_ =	sdelay $0x2  }
0x266: {  	v38 =	vmul.f32 v9, v37;
	_ =	sdelay $0x1  }
0x267: {  	v50 =	vmul.f32 v10, v35;
	v5 =	vadd.f32 v5, v38;
	_ =	sdelay $0x1  }
0x268: {  	v5 =	vadd.f32 v5, v50;
	_ =	sdelay $0x1  }
0x269: {  	[tilespmem:s17+$0x7430] =	vst v5  }
0x26a: {  	v5 =	vld [tilespmem:s22+$0x40];
	_ =	sdelay $0x2  }
0x26b: {  	v52 =	vmul.f32 v6, v25;
	_ =	sdelay $0x1  }
0x26c: {  	v5 =	vadd.f32 v5, v52;
	v52 =	vld [tilespmem:$0x1FE80];
	_ =	sdelay $0x1  }
0x26d: {  	v26 =	vld [tilespmem:$0x1FF10]  }
0x26e: {  	v31 =	vmul.f32 v7, v14;
	_ =	sdelay $0x1  }
0x26f: {  	v5 =	vadd.f32 v5, v31;
	v38 =	vmul.f32 v9, v52;
	_ =	sdelay $0x1  }
0x270: {  	v50 =	vmul.f32 v10, v26;
	v5 =	vadd.f32 v5, v38;
	_ =	sdelay $0x1  }
0x271: {  	v5 =	vadd.f32 v5, v50;
	_ =	sdelay $0x1  }
0x272: {  	[tilespmem:s17+$0x7440] =	vst v5  }
0x273: {  	v38 =	vld [tilespmem:$0x1FE10]  }
0x274: {  	v5 =	vld [tilespmem:s22+$0x50];
	[tilespmem:$0x1FB50] =	vst v42  }
0x275: {  	[tilespmem:$0x1FB70] =	vst v43;
	v43 =	vld [tilespmem:$0x1FEC0];
	_ =	sdelay $0x1  }
0x276: {  	v23 =	vld [tilespmem:$0x1FEA0]  }
0x277: {  	v31 =	vmul.f32 v60, v38  }
0x278: {  	v50 =	vmul.f32 v6, v38  }
0x279: {  	v4 =	vadd.f32 v4, v31;
	v31 =	vmul.f32 v62, v43  }
0x27a: {  	v5 =	vadd.f32 v5, v50  }
0x27b: {  	v50 =	vmul.f32 v61, v23;
	v4 =	vadd.f32 v4, v31;
	v31 =	vmul.f32 v9, v23;
	v23 =	vld [tilespmem:$0x1FF20];
	_ =	sdelay $0x1  }
0x27c: {  	v42 =	vmul.f32 v7, v43;
	_ =	sdelay $0x1  }
0x27d: {  	v5 =	vadd.f32 v5, v42  }
0x27e: {  	v4 =	vadd.f32 v4, v50;
	v42 =	vmul.f32 v63, v23  }
0x27f: {  	v5 =	vadd.f32 v5, v31;
	v50 =	vmul.f32 v10, v23  }
0x280: {  	v4 =	vadd.f32 v4, v42  }
0x281: {  	[tilespmem:$0x1FB40] =	vst v11;
	v5 =	vadd.f32 v5, v50  }
0x282: {  	[tilespmem:s15+$0x7450] =	vst v4  }
0x283: {  	[tilespmem:s17+$0x7450] =	vst v5  }
0x284: {  	v31 =	vld [tilespmem:$0x1FE20];
	_ =	sdelay $0x1  }
0x285: {  	v4 =	vld [tilespmem:s19+$0x60];
	_ =	sdelay $0x2  }
0x286: {  	v42 =	vmul.f32 v60, v31;
	_ =	sdelay $0x1  }
0x287: {  	v4 =	vadd.f32 v4, v42;
	v42 =	vld [tilespmem:$0x1FF70]  }
0x288: {  	v5 =	vld [tilespmem:s22+$0x60];
	_ =	sdelay $0x1  }
0x289: {  	v23 =	vld [tilespmem:$0x1FF30]  }
0x28a: {  	v11 =	vmul.f32 v6, v31  }
0x28b: {  	v50 =	vmul.f32 v62, v42  }
0x28c: {  	v5 =	vadd.f32 v5, v11;
	v31 =	vmul.f32 v7, v42  }
0x28d: {  	v27 =	vld [tilespmem:$0x1FF40];
	v4 =	vadd.f32 v4, v50  }
0x28e: {  	v50 =	vmul.f32 v61, v23;
	v5 =	vadd.f32 v5, v31;
	v31 =	vmul.f32 v9, v23;
	v23 =	vld [tilespmem:$0x1FCF0];
	_ =	sdelay $0x3  }
0x28f: {  	v4 =	vadd.f32 v4, v50;
	v50 =	vmul.f32 v63, v27  }
0x290: {  	(v2sf) =	vpush v23, $0x1;
	v23 =	vld [tilespmem:$0x1FD20]  }
0x291: {  	v4 =	vadd.f32 v4, v50;
	v50 =	vld [tilespmem:$0x1FD50]  }
0x292: {  	v5 =	vadd.f32 v5, v31;
	v31 =	vmul.f32 v10, v27;
	_ =	sdelay $0x1  }
0x293: {  	v5 =	vadd.f32 v5, v31  }
0x294: {  	[tilespmem:s15+$0x7460] =	vst v4;
	(v2sf) =	vpush v23, $0x2  }
0x295: {  	[tilespmem:s17+$0x7460] =	vst v5;
	v4 =	vld [tilespmem:s19+$0x70];
	(v2sf) =	vpush v50, $0x3  }
0x296: {  	(v2sf) =	vpush v24, $0x1;
	v24 =	vld [tilespmem:$0x1FFD0]  }
0x297: {  	v5 =	vld [tilespmem:s22+$0x70]  }
0x298: {  	[tilespmem:$0x1FB60] =	vst v34;
	v34 =	vld [tilespmem:$0x1FFB0];
	_ =	sdelay $0x2  }
0x299: {  	v31 =	vmul.f32 v60, v24;
	v60 =	vld [tilespmem:$0x1FF50];
	_ =	sdelay $0x1  }
0x29a: {  	v50 =	vmul.f32 v62, v34;
	v62 =	vld [tilespmem:$0x1FED0];
	v6 =	vmul.f32 v6, v24  }
0x29b: {  	v4 =	vadd.f32 v4, v31  }
0x29c: {  	v5 =	vadd.f32 v5, v6;
	v6 =	vmul.f32 v7, v34  }
0x29d: {  	v4 =	vadd.f32 v4, v50;
	v7 =	vmul.f32 v61, v60  }
0x29e: {  	v5 =	vadd.f32 v5, v6;
	v6 =	vmul.f32 v9, v60  }
0x29f: {  	v4 =	vadd.f32 v4, v7;
	v7 =	vmul.f32 v63, v62  }
0x2a0: {  	v5 =	vadd.f32 v5, v6;
	v6 =	vmul.f32 v10, v62  }
0x2a1: {  	v4 =	vadd.f32 v4, v7  }
0x2a2: {  	v5 =	vadd.f32 v5, v6  }
0x2a3: {  	[tilespmem:s15+$0x7470] =	vst v4  }
0x2a4: {  	[tilespmem:s17+$0x7470] =	vst v5  }
0x2a5: {  	v4 =	vld [tilespmem:$0x1FD00];
	_ =	sdelay $0x1  }
0x2a6: {  	v5 =	vld [tilespmem:$0x1FD30]  }
0x2a7: {  	s21 =	spop (v2sf)  }
0x2a8: {  	v6 =	vld [tilespmem:s21+$0x0]  }
0x2a9: {  	v62 =	vbroadcast v4, $0x1;
	_ =	sdelay $0x1  }
0x2aa: {  	s20 =	spop (v2sf);
	v61 =	vbroadcast v5, $0x1;
	v31 =	vmul.f32 v62, v21  }
0x2ab: {  	s19 =	spop (v2sf)  }
0x2ac: {  	s22 =	spop (v2sf);
	v63 =	vmul.f32 v61, v19;
	v6 =	vadd.f32 v6, v31  }
0x2ad: {  	v7 =	vld [tilespmem:s22+$0x0]  }
0x2ae: {  	v4 =	vbroadcast v18, $0x1;
	v6 =	vadd.f32 v6, v63;
	v63 =	vld [tilespmem:$0x1FD40];
	_ =	sdelay $0x1  }
0x2af: {  	v50 =	vbroadcast v20, $0x1;
	v60 =	vmul.f32 v4, v21  }
0x2b0: {  	v5 =	vbroadcast v29, $0x1  }
0x2b1: {  	v11 =	vbroadcast v22, $0x1;
	v9 =	vmul.f32 v50, v19;
	v7 =	vadd.f32 v7, v60  }
0x2b2: {  	v31 =	vmul.f32 v5, v28;
	v63 =	vbroadcast v63, $0x1  }
0x2b3: {  	v28 =	vmul.f32 v11, v28;
	v60 =	vbroadcast v48, $0x1;
	v7 =	vadd.f32 v7, v9  }
0x2b4: {  	v6 =	vadd.f32 v6, v31;
	v31 =	vmul.f32 v63, v33  }
0x2b5: {  	v48 =	vmul.f32 v60, v33;
	v7 =	vadd.f32 v7, v28  }
0x2b6: {  	v6 =	vadd.f32 v6, v31  }
0x2b7: {  	[tilespmem:$0x1FCB0] =	vst v29;
	v7 =	vadd.f32 v7, v48  }
0x2b8: {  	[tilespmem:s15+$0x8800] =	vst v6  }
0x2b9: {  	[tilespmem:s17+$0x8800] =	vst v7;
	v6 =	vld [tilespmem:s21+$0x10]  }
0x2ba: {  	v7 =	vld [tilespmem:s22+$0x10];
	_ =	sdelay $0x1  }
0x2bb: {  	v28 =	vmul.f32 v62, v30  }
0x2bc: {  	v31 =	vmul.f32 v4, v30  }
0x2bd: {  	v48 =	vmul.f32 v61, v49;
	v6 =	vadd.f32 v6, v28  }
0x2be: {  	v7 =	vadd.f32 v7, v31;
	v28 =	vmul.f32 v50, v49  }
0x2bf: {  	v31 =	vmul.f32 v5, v45;
	v6 =	vadd.f32 v6, v48  }
0x2c0: {  	v7 =	vadd.f32 v7, v28;
	v48 =	vmul.f32 v11, v45  }
0x2c1: {  	v49 =	vmul.f32 v63, v44;
	v6 =	vadd.f32 v6, v31  }
0x2c2: {  	v28 =	vmul.f32 v60, v44;
	v7 =	vadd.f32 v7, v48  }
0x2c3: {  	v6 =	vadd.f32 v6, v49  }
0x2c4: {  	v7 =	vadd.f32 v7, v28  }
0x2c5: {  	[tilespmem:s15+$0x8810] =	vst v6  }
0x2c6: {  	[tilespmem:s17+$0x8810] =	vst v7;
	v6 =	vld [tilespmem:s21+$0x20]  }
0x2c7: {  	v7 =	vld [tilespmem:s22+$0x20];
	_ =	sdelay $0x1  }
0x2c8: {  	v31 =	vmul.f32 v62, v17  }
0x2c9: {  	v48 =	vmul.f32 v4, v17  }
0x2ca: {  	v49 =	vmul.f32 v61, v12;
	v6 =	vadd.f32 v6, v31  }
0x2cb: {  	v28 =	vmul.f32 v50, v12;
	v7 =	vadd.f32 v7, v48  }
0x2cc: {  	v31 =	vmul.f32 v5, v32;
	v6 =	vadd.f32 v6, v49  }
0x2cd: {  	v48 =	vmul.f32 v11, v32;
	v7 =	vadd.f32 v7, v28  }
0x2ce: {  	v49 =	vmul.f32 v63, v40;
	v6 =	vadd.f32 v6, v31  }
0x2cf: {  	v28 =	vmul.f32 v60, v40;
	v7 =	vadd.f32 v7, v48  }
0x2d0: {  	v6 =	vadd.f32 v6, v49  }
0x2d1: {  	[tilespmem:s14+$0x8830] =	vst v3;
	v3 =	vadd.f32 v7, v28  }
0x2d2: {  	v7 =	vld [tilespmem:s18+$0x40];
	[tilespmem:s15+$0x8820] =	vst v6  }
0x2d3: {  	[tilespmem:s17+$0x8820] =	vst v3;
	v6 =	vld [tilespmem:s21+$0x30]  }
0x2d4: {  	v3 =	vld [tilespmem:s22+$0x30];
	_ =	sdelay $0x1  }
0x2d5: {  	v31 =	vmul.f32 v62, v16  }
0x2d6: {  	v32 =	vmul.f32 v59, v25;
	v48 =	vmul.f32 v4, v16  }
0x2d7: {  	v49 =	vmul.f32 v61, v13;
	v6 =	vadd.f32 v6, v31  }
0x2d8: {  	v28 =	vmul.f32 v50, v13;
	v7 =	vadd.f32 v7, v32;
	v3 =	vadd.f32 v3, v48  }
0x2d9: {  	v32 =	vmul.f32 v5, v37;
	v31 =	vmul.f32 v57, v14;
	v6 =	vadd.f32 v6, v49  }
0x2da: {  	v48 =	vmul.f32 v11, v37;
	v3 =	vadd.f32 v3, v28  }
0x2db: {  	v7 =	vadd.f32 v7, v31;
	v49 =	vmul.f32 v63, v35;
	v6 =	vadd.f32 v6, v32  }
0x2dc: {  	v28 =	vmul.f32 v58, v52;
	v3 =	vadd.f32 v3, v48;
	v48 =	vmul.f32 v60, v35  }
0x2dd: {  	v6 =	vadd.f32 v6, v49  }
0x2de: {  	v7 =	vadd.f32 v7, v28;
	v49 =	vmul.f32 v56, v26;
	v3 =	vadd.f32 v3, v48  }
0x2df: {  	[tilespmem:s15+$0x8830] =	vst v6  }
0x2e0: {  	v6 =	vadd.f32 v7, v49;
	[tilespmem:s17+$0x8830] =	vst v3;
	v7 =	vld [tilespmem:s21+$0x40]  }
0x2e1: {  	v3 =	vld [tilespmem:s22+$0x40];
	_ =	sdelay $0x1  }
0x2e2: {  	v28 =	vmul.f32 v62, v25  }
0x2e3: {  	v31 =	vmul.f32 v4, v25  }
0x2e4: {  	v32 =	vmov v35;
	v35 =	vmul.f32 v61, v14;
	v7 =	vadd.f32 v7, v28  }
0x2e5: {  	v49 =	vmul.f32 v50, v14;
	[tilespmem:s14+$0x8840] =	vst v6;
	v3 =	vadd.f32 v3, v31  }
0x2e6: {  	v6 =	vld [tilespmem:s18+$0x50];
	v31 =	vmul.f32 v5, v52;
	v7 =	vadd.f32 v7, v35  }
0x2e7: {  	v28 =	vmov v52;
	v3 =	vadd.f32 v3, v49;
	v35 =	vmul.f32 v11, v52  }
0x2e8: {  	v52 =	vmovc v26;
	v49 =	vmul.f32 v63, v26;
	v7 =	vadd.f32 v7, v31;
	v31 =	vmul.f32 v60, v26;
	v26 =	vld [tilespmem:$0x1FEA0]  }
0x2e9: {  	v48 =	vmul.f32 v59, v38  }
0x2ea: {  	v20 =	vld [tilespmem:$0x1FF20]  }
0x2eb: {  	v6 =	vadd.f32 v6, v48;
	v48 =	vmul.f32 v57, v43;
	_ =	sdelay $0x1  }
0x2ec: {  	v3 =	vadd.f32 v3, v35;
	v6 =	vadd.f32 v6, v48;
	v35 =	vmul.f32 v58, v26;
	_ =	sdelay $0x1  }
0x2ed: {  	v48 =	vmul.f32 v56, v20;
	v3 =	vadd.f32 v3, v31;
	v6 =	vadd.f32 v6, v35  }
0x2ee: {  	v7 =	vadd.f32 v7, v49  }
0x2ef: {  	[tilespmem:s17+$0x8840] =	vst v3;
	v3 =	vadd.f32 v6, v48  }
0x2f0: {  	[tilespmem:s15+$0x8840] =	vst v7  }
0x2f1: {  	v7 =	vld [tilespmem:s21+$0x50];
	[tilespmem:s14+$0x8850] =	vst v3  }
0x2f2: {  	v22 =	vld [tilespmem:$0x1FE20];
	_ =	sdelay $0x1  }
0x2f3: {  	v3 =	vmul.f32 v62, v38;
	v8 =	vld [tilespmem:s18+$0x60]  }
0x2f4: {  	v6 =	vld [tilespmem:s22+$0x50]  }
0x2f5: {  	v3 =	vadd.f32 v7, v3;
	v7 =	vmul.f32 v61, v43  }
0x2f6: {  	v35 =	vmul.f32 v59, v22  }
0x2f7: {  	v49 =	vmul.f32 v4, v38;
	v3 =	vadd.f32 v3, v7;
	v7 =	vmul.f32 v5, v26  }
0x2f8: {  	v31 =	vmul.f32 v50, v43;
	v8 =	vadd.f32 v8, v35;
	v35 =	vld [tilespmem:$0x1FF30]  }
0x2f9: {  	v6 =	vadd.f32 v6, v49;
	v3 =	vadd.f32 v3, v7;
	v7 =	vmul.f32 v63, v20  }
0x2fa: {  	v48 =	vmul.f32 v11, v26  }
0x2fb: {  	v49 =	vmul.f32 v57, v42;
	v6 =	vadd.f32 v6, v31;
	v3 =	vadd.f32 v3, v7;
	_ =	sdelay $0x1  }
0x2fc: {  	v6 =	vadd.f32 v6, v48;
	v7 =	vadd.f32 v8, v49;
	[tilespmem:s15+$0x8850] =	vst v3;
	v48 =	vmul.f32 v58, v35  }
0x2fd: {  	v49 =	vld [tilespmem:s21+$0x60]  }
0x2fe: {  	v3 =	vadd.f32 v7, v48;
	v7 =	vmul.f32 v56, v27  }
0x2ff: {  	v31 =	vmul.f32 v60, v20  }
0x300: {  	v3 =	vadd.f32 v3, v7;
	v7 =	vmul.f32 v62, v22  }
0x301: {  	v6 =	vadd.f32 v6, v31  }
0x302: {  	v31 =	vmul.f32 v61, v42;
	v7 =	vadd.f32 v49, v7  }
0x303: {  	[tilespmem:s17+$0x8850] =	vst v6  }
0x304: {  	v6 =	vld [tilespmem:s22+$0x60];
	v48 =	vmul.f32 v5, v35;
	v7 =	vadd.f32 v7, v31  }
0x305: {  	[tilespmem:s14+$0x8860] =	vst v3  }
0x306: {  	v7 =	vadd.f32 v7, v48;
	v48 =	vld [tilespmem:$0x1FCF0]  }
0x307: {  	v3 =	vmul.f32 v4, v22;
	_ =	sdelay $0x1  }
0x308: {  	v9 =	vld [tilespmem:s18+$0x70];
	v3 =	vadd.f32 v6, v3;
	v6 =	vmul.f32 v50, v42;
	_ =	sdelay $0x1  }
0x309: {  	v3 =	vadd.f32 v3, v6;
	v6 =	vmul.f32 v11, v35;
	(v2sf) =	vpush v48, $0x2;
	v48 =	vld [tilespmem:$0x1FF50]  }
0x30a: {  	v49 =	vmul.f32 v59, v24;
	v59 =	vmul.f32 v63, v27  }
0x30b: {  	v3 =	vadd.f32 v3, v6;
	v6 =	vmul.f32 v60, v27  }
0x30c: {  	v31 =	vmul.f32 v57, v34;
	v9 =	vadd.f32 v9, v49;
	v7 =	vadd.f32 v7, v59  }
0x30d: {  	v3 =	vadd.f32 v3, v6  }
0x30e: {  	v6 =	vadd.f32 v9, v31;
	[tilespmem:s15+$0x8860] =	vst v7;
	v49 =	vmul.f32 v58, v48  }
0x30f: {  	v7 =	vld [tilespmem:$0x1FB80];
	[tilespmem:s17+$0x8860] =	vst v3  }
0x310: {  	v3 =	vadd.f32 v6, v49;
	v49 =	vld [tilespmem:$0x1FED0];
	_ =	sdelay $0x3  }
0x311: {  	(v2sf) =	vpush v23, $0x3  }
0x312: {  	(v2sf) =	vpush v7, $0x2;
	v7 =	vld [tilespmem:s21+$0x70];
	v6 =	vmul.f32 v56, v49;
	_ =	sdelay $0x1  }
0x313: {  	v3 =	vadd.f32 v3, v6  }
0x314: {  	v6 =	vmul.f32 v62, v24  }
0x315: {  	[tilespmem:s14+$0x8870] =	vst v3  }
0x316: {  	v3 =	vadd.f32 v7, v6;
	v6 =	vmul.f32 v61, v34;
	v59 =	vld [tilespmem:$0x1FC80]  }
0x317: {  	v57 =	vld [tilespmem:s22+$0x70]  }
0x318: {  	v3 =	vadd.f32 v3, v6;
	v6 =	vld [tilespmem:$0x1FD60];
	_ =	sdelay $0x1  }
0x319: {  	v4 =	vmul.f32 v4, v24;
	v7 =	vld [tilespmem:s20+$0x0]  }
0x31a: {  	v9 =	vbroadcast v59, $0x2  }
0x31b: {  	v58 =	vmul.f32 v50, v34;
	v5 =	vmul.f32 v5, v48;
	v4 =	vadd.f32 v57, v4  }
0x31c: {  	v62 =	vbroadcast v6, $0x2;
	v61 =	vmul.f32 v9, v21  }
0x31d: {  	v4 =	vadd.f32 v4, v58;
	v3 =	vadd.f32 v3, v5;
	v5 =	vmul.f32 v63, v49  }
0x31e: {  	v6 =	vmul.f32 v11, v48;
	v63 =	vmul.f32 v62, v19;
	v7 =	vadd.f32 v7, v61  }
0x31f: {  	v31 =	vld [tilespmem:$0x1FF90];
	v3 =	vadd.f32 v3, v5  }
0x320: {  	v4 =	vadd.f32 v4, v6;
	v6 =	vmul.f32 v60, v49;
	v5 =	vadd.f32 v7, v63;
	v7 =	vld [tilespmem:$0x1FD70];
	_ =	sdelay $0x1  }
0x321: {  	v10 =	vbroadcast v47, $0x2;
	v4 =	vadd.f32 v4, v6  }
0x322: {  	[tilespmem:s15+$0x8870] =	vst v3  }
0x323: {  	v6 =	vmul.f32 v10, v31;
	[tilespmem:s17+$0x8870] =	vst v4  }
0x324: {  	v56 =	vbroadcast v7, $0x2;
	v7 =	vld [tilespmem:$0x1FB90]  }
0x325: {  	v4 =	vadd.f32 v5, v6;
	v6 =	vld [tilespmem:$0x1FD00]  }
0x326: {  	s21 =	spop (v2sf);
	v5 =	vmul.f32 v56, v33  }
0x327: {  	v3 =	vld [tilespmem:s21+$0x0]  }
0x328: {  	s18 =	spop (v2sf);
	v4 =	vadd.f32 v4, v5;
	v5 =	vld [tilespmem:$0x1FD30]  }
0x329: {  	s22 =	spop (v2sf);
	v63 =	vbroadcast v7, $0x2;
	v7 =	vld [tilespmem:$0x1FBA0]  }
0x32a: {  	v50 =	vbroadcast v6, $0x2;
	v6 =	vld [tilespmem:s22+$0x0];
	[tilespmem:s14+$0x9C00] =	vst v4  }
0x32b: {  	v59 =	vld [tilespmem:$0x1FBB0]  }
0x32c: {  	v18 =	vmov v19;
	v19 =	vbroadcast v29, $0x2;
	v61 =	vld [tilespmem:$0x1FD40]  }
0x32d: {  	v29 =	vld [tilespmem:$0x1FBC0];
	v60 =	vbroadcast v5, $0x2;
	v5 =	vmul.f32 v50, v21  }
0x32e: {  	v57 =	vbroadcast v7, $0x2;
	v7 =	vmul.f32 v63, v21  }
0x32f: {  	v3 =	vadd.f32 v3, v5;
	v4 =	vmul.f32 v60, v18  }
0x330: {  	v58 =	vbroadcast v59, $0x2;
	v6 =	vadd.f32 v6, v7;
	v7 =	vmul.f32 v57, v18  }
0x331: {  	v61 =	vbroadcast v61, $0x2;
	v3 =	vadd.f32 v3, v4;
	v4 =	vmul.f32 v19, v31  }
0x332: {  	v59 =	vbroadcast v29, $0x2;
	v6 =	vadd.f32 v6, v7;
	v7 =	vmul.f32 v58, v31  }
0x333: {  	v5 =	vld [tilespmem:s20+$0x10];
	v3 =	vadd.f32 v3, v4  }
0x334: {  	v4 =	vmul.f32 v61, v33;
	v6 =	vadd.f32 v6, v7;
	v7 =	vmul.f32 v59, v33;
	v33 =	vld [tilespmem:$0x1FFF0];
	_ =	sdelay $0x2  }
0x335: {  	v18 =	vmov v31;
	v31 =	vmul.f32 v9, v30;
	_ =	sdelay $0x1  }
0x336: {  	v5 =	vadd.f32 v5, v31;
	v3 =	vadd.f32 v3, v4;
	v4 =	vmul.f32 v62, v33  }
0x337: {  	v6 =	vadd.f32 v6, v7  }
0x338: {  	[tilespmem:s15+$0x9C00] =	vst v3;
	v4 =	vadd.f32 v5, v4;
	v5 =	vmul.f32 v10, v45  }
0x339: {  	v3 =	vld [tilespmem:s21+$0x10];
	[tilespmem:s17+$0x9C00] =	vst v6  }
0x33a: {  	v6 =	vld [tilespmem:s22+$0x10];
	v4 =	vadd.f32 v4, v5;
	v5 =	vmul.f32 v56, v44  }
0x33b: {  	v1 =	vadd.f32 v1, v2  }
0x33c: {  	v2 =	vmul.f32 v41, v40;
	v4 =	vadd.f32 v4, v5;
	v5 =	vmul.f32 v50, v30  }
0x33d: {  	v7 =	vmul.f32 v63, v30  }
0x33e: {  	v1 =	vadd.f32 v1, v2;
	[tilespmem:s14+$0x9C10] =	vst v4;
	v3 =	vadd.f32 v3, v5;
	v4 =	vmul.f32 v60, v33  }
0x33f: {  	v5 =	vadd.f32 v6, v7;
	v6 =	vmul.f32 v57, v33;
	v2 =	vld [tilespmem:s20+$0x20]  }
0x340: {  	[tilespmem:s13+$0x9C20] =	vst v1;
	v3 =	vadd.f32 v3, v4;
	v4 =	vmul.f32 v19, v45  }
0x341: {  	v33 =	vld [tilespmem:$0x1FE60];
	v1 =	vadd.f32 v5, v6;
	v5 =	vmul.f32 v58, v45  }
0x342: {  	v7 =	vmul.f32 v9, v17;
	v6 =	vld [tilespmem:s11+$0x30];
	v3 =	vadd.f32 v3, v4;
	v4 =	vmul.f32 v61, v44  }
0x343: {  	v1 =	vadd.f32 v1, v5;
	v5 =	vmul.f32 v59, v44  }
0x344: {  	v2 =	vadd.f32 v2, v7;
	v7 =	vmul.f32 v62, v12;
	v3 =	vadd.f32 v3, v4  }
0x345: {  	v4 =	vmul.f32 v54, v16;
	v1 =	vadd.f32 v1, v5  }
0x346: {  	v5 =	vmul.f32 v10, v33;
	v2 =	vadd.f32 v2, v7;
	[tilespmem:s15+$0x9C10] =	vst v3  }
0x347: {  	v3 =	vadd.f32 v6, v4;
	v4 =	vmul.f32 v53, v13;
	[tilespmem:s17+$0x9C10] =	vst v1;
	v6 =	vld [tilespmem:s21+$0x20]  }
0x348: {  	v1 =	vadd.f32 v2, v5;
	v2 =	vmul.f32 v56, v40;
	v5 =	vld [tilespmem:s22+$0x20]  }
0x349: {  	v3 =	vadd.f32 v3, v4;
	v4 =	vmul.f32 v55, v37  }
0x34a: {  	v1 =	vadd.f32 v1, v2;
	v2 =	vmul.f32 v50, v17  }
0x34b: {  	v7 =	vmul.f32 v63, v17;
	v3 =	vadd.f32 v3, v4;
	v4 =	vmul.f32 v41, v32  }
0x34c: {  	[tilespmem:s14+$0x9C20] =	vst v1;
	v1 =	vadd.f32 v6, v2;
	v2 =	vmul.f32 v60, v12  }
0x34d: {  	v3 =	vadd.f32 v3, v4;
	v6 =	vmul.f32 v57, v12;
	v4 =	vld [tilespmem:s20+$0x30];
	v5 =	vadd.f32 v5, v7  }
0x34e: {  	v1 =	vadd.f32 v1, v2;
	v2 =	vmul.f32 v19, v33  }
0x34f: {  	[tilespmem:s13+$0x9C30] =	vst v3;
	v3 =	vadd.f32 v5, v6;
	v5 =	vmul.f32 v58, v33  }
0x350: {  	v7 =	vmul.f32 v9, v16;
	v6 =	vld [tilespmem:s11+$0x40];
	v1 =	vadd.f32 v1, v2;
	v2 =	vmul.f32 v61, v40  }
0x351: {  	v3 =	vadd.f32 v3, v5;
	v5 =	vmul.f32 v59, v40  }
0x352: {  	v4 =	vadd.f32 v4, v7;
	v7 =	vmul.f32 v62, v13;
	v1 =	vadd.f32 v1, v2  }
0x353: {  	v2 =	vmul.f32 v54, v25;
	v3 =	vadd.f32 v3, v5  }
0x354: {  	v5 =	vmul.f32 v10, v37;
	v4 =	vadd.f32 v4, v7;
	[tilespmem:s15+$0x9C20] =	vst v1  }
0x355: {  	v1 =	vadd.f32 v6, v2;
	v2 =	vmul.f32 v53, v14;
	v6 =	vld [tilespmem:s21+$0x30];
	[tilespmem:s17+$0x9C20] =	vst v3  }
0x356: {  	v3 =	vadd.f32 v4, v5;
	v4 =	vmul.f32 v56, v32;
	v5 =	vld [tilespmem:s22+$0x30]  }
0x357: {  	v1 =	vadd.f32 v1, v2;
	v2 =	vmul.f32 v55, v28  }
0x358: {  	v3 =	vadd.f32 v3, v4;
	v4 =	vmul.f32 v50, v16  }
0x359: {  	v7 =	vmul.f32 v63, v16;
	v1 =	vadd.f32 v1, v2;
	v2 =	vmul.f32 v41, v52  }
0x35a: {  	[tilespmem:s14+$0x9C30] =	vst v3;
	v3 =	vadd.f32 v6, v4;
	v4 =	vmul.f32 v60, v13  }
0x35b: {  	v1 =	vadd.f32 v1, v2;
	v6 =	vmul.f32 v57, v13;
	v2 =	vld [tilespmem:s20+$0x40];
	v5 =	vadd.f32 v5, v7  }
0x35c: {  	v3 =	vadd.f32 v3, v4;
	v4 =	vmul.f32 v19, v37  }
0x35d: {  	[tilespmem:s13+$0x9C40] =	vst v1;
	v1 =	vadd.f32 v5, v6;
	v5 =	vmul.f32 v58, v37  }
0x35e: {  	v7 =	vmul.f32 v9, v25;
	v6 =	vld [tilespmem:s11+$0x50];
	v3 =	vadd.f32 v3, v4;
	v4 =	vmul.f32 v61, v32  }
0x35f: {  	v1 =	vadd.f32 v1, v5;
	v5 =	vmul.f32 v59, v32  }
0x360: {  	v2 =	vadd.f32 v2, v7;
	v7 =	vmul.f32 v62, v14;
	v3 =	vadd.f32 v3, v4  }
0x361: {  	v4 =	vmul.f32 v54, v38;
	v1 =	vadd.f32 v1, v5  }
0x362: {  	v5 =	vmul.f32 v10, v28;
	v2 =	vadd.f32 v2, v7;
	[tilespmem:s15+$0x9C30] =	vst v3  }
0x363: {  	v3 =	vadd.f32 v6, v4;
	v4 =	vmul.f32 v53, v43;
	v6 =	vld [tilespmem:s21+$0x40];
	[tilespmem:s17+$0x9C30] =	vst v1  }
0x364: {  	v1 =	vadd.f32 v2, v5;
	v2 =	vmul.f32 v56, v52;
	v5 =	vld [tilespmem:s22+$0x40]  }
0x365: {  	v3 =	vadd.f32 v3, v4;
	v4 =	vmul.f32 v55, v26  }
0x366: {  	v1 =	vadd.f32 v1, v2;
	v2 =	vmul.f32 v50, v25  }
0x367: {  	v7 =	vmul.f32 v63, v25;
	v3 =	vadd.f32 v3, v4;
	v4 =	vmul.f32 v41, v20  }
0x368: {  	[tilespmem:s14+$0x9C40] =	vst v1;
	v1 =	vadd.f32 v6, v2;
	v2 =	vmul.f32 v60, v14  }
0x369: {  	v3 =	vadd.f32 v3, v4;
	v6 =	vmul.f32 v57, v14;
	v4 =	vld [tilespmem:s20+$0x50];
	v5 =	vadd.f32 v5, v7  }
0x36a: {  	v1 =	vadd.f32 v1, v2;
	v2 =	vmul.f32 v19, v28  }
0x36b: {  	[tilespmem:s13+$0x9C50] =	vst v3;
	v3 =	vadd.f32 v5, v6;
	v5 =	vmul.f32 v58, v28  }
0x36c: {  	v7 =	vmul.f32 v9, v38;
	v6 =	vld [tilespmem:s11+$0x60];
	v1 =	vadd.f32 v1, v2;
	v2 =	vmul.f32 v61, v52  }
0x36d: {  	v3 =	vadd.f32 v3, v5;
	v5 =	vmul.f32 v59, v52  }
0x36e: {  	v4 =	vadd.f32 v4, v7;
	v7 =	vmul.f32 v62, v43;
	v1 =	vadd.f32 v1, v2  }
0x36f: {  	v2 =	vmul.f32 v54, v22;
	v3 =	vadd.f32 v3, v5  }
0x370: {  	v5 =	vmul.f32 v10, v26;
	v4 =	vadd.f32 v4, v7;
	[tilespmem:s15+$0x9C40] =	vst v1  }
0x371: {  	v1 =	vadd.f32 v6, v2;
	v2 =	vmul.f32 v53, v42;
	v6 =	vld [tilespmem:s21+$0x50];
	[tilespmem:s17+$0x9C40] =	vst v3  }
0x372: {  	v3 =	vadd.f32 v4, v5;
	v4 =	vmul.f32 v56, v20;
	v5 =	vld [tilespmem:s22+$0x50]  }
0x373: {  	v1 =	vadd.f32 v1, v2;
	v2 =	vmul.f32 v55, v35  }
0x374: {  	v3 =	vadd.f32 v3, v4;
	v4 =	vmul.f32 v50, v38  }
0x375: {  	v7 =	vmul.f32 v63, v38;
	v1 =	vadd.f32 v1, v2  }
0x376: {  	[tilespmem:s14+$0x9C50] =	vst v3;
	v2 =	vadd.f32 v6, v4;
	v3 =	vmul.f32 v60, v43;
	v4 =	vmul.f32 v41, v27  }
0x377: {  	v5 =	vadd.f32 v5, v7;
	v7 =	vmul.f32 v57, v43  }
0x378: {  	v2 =	vadd.f32 v2, v3;
	v3 =	vmul.f32 v19, v26;
	v1 =	vadd.f32 v1, v4  }
0x379: {  	v6 =	vld [tilespmem:s20+$0x60];
	v4 =	vadd.f32 v5, v7;
	v5 =	vmul.f32 v58, v26  }
0x37a: {  	v2 =	vadd.f32 v2, v3;
	v3 =	vmul.f32 v61, v20;
	[tilespmem:s13+$0x9C60] =	vst v1  }
0x37b: {  	v1 =	vadd.f32 v4, v5;
	v4 =	vmul.f32 v59, v20;
	v15 =	vld [tilespmem:$0x1FB40]  }
0x37c: {  	v7 =	vmul.f32 v9, v22;
	v2 =	vadd.f32 v2, v3  }
0x37d: {  	v1 =	vadd.f32 v1, v4  }
0x37e: {  	v5 =	vadd.f32 v6, v7;
	v6 =	vld [tilespmem:s11+$0x70];
	v3 =	vmul.f32 v62, v42;
	[tilespmem:s15+$0x9C50] =	vst v2  }
0x37f: {  	v23 =	vmov v21;
	[tilespmem:s17+$0x9C50] =	vst v1  }
0x380: {  	v21 =	vmovc v45;
	v3 =	vadd.f32 v5, v3;
	v2 =	vmul.f32 v10, v35;
	v4 =	vmul.f32 v15, v45;
	v45 =	vld [tilespmem:$0x1FB50]  }
0x381: {  	v5 =	vmul.f32 v54, v24  }
0x382: {  	v2 =	vadd.f32 v3, v2;
	v3 =	vmul.f32 v56, v27  }
0x383: {  	v0 =	vadd.f32 v0, v51;
	v7 =	vmul.f32 v53, v34;
	v5 =	vadd.f32 v6, v5  }
0x384: {  	v29 =	vmul.f32 v55, v48;
	v2 =	vadd.f32 v2, v3  }
0x385: {  	v0 =	vadd.f32 v0, v4;
	v5 =	vadd.f32 v5, v7;
	v6 =	vmul.f32 v45, v44  }
0x386: {  	v1 =	vld [tilespmem:s21+$0x60];
	[tilespmem:s14+$0x9C60] =	vst v2  }
0x387: {  	v30 =	vmul.f32 v41, v49;
	v5 =	vadd.f32 v5, v29;
	v6 =	vadd.f32 v0, v6;
	v0 =	vld [tilespmem:$0x1FD90];
	_ =	sdelay $0x1  }
0x388: {  	v5 =	vadd.f32 v5, v30  }
0x389: {  	v4 =	vld [tilespmem:s22+$0x60];
	v3 =	vmul.f32 v50, v22;
	[tilespmem:s1+$0xB010] =	vst v6  }
0x38a: {  	v26 =	vld [tilespmem:$0x1FB60];
	[tilespmem:s13+$0x9C70] =	vst v5  }
0x38b: {  	v1 =	vadd.f32 v1, v3;
	v2 =	vmul.f32 v60, v42;
	v20 =	vbroadcast v0, $0x3;
	v0 =	vld [tilespmem:$0x1FCF0]  }
0x38c: {  	v7 =	vmul.f32 v63, v22;
	v3 =	vld [tilespmem:s20+$0x70]  }
0x38d: {  	v1 =	vadd.f32 v1, v2;
	v2 =	vmul.f32 v19, v35  }
0x38e: {  	v4 =	vadd.f32 v4, v7;
	v7 =	vmul.f32 v57, v42  }
0x38f: {  	v9 =	vmul.f32 v9, v24;
	v1 =	vadd.f32 v1, v2;
	v2 =	vmul.f32 v61, v27;
	v6 =	vld [tilespmem:s9+$0x20]  }
0x390: {  	v4 =	vadd.f32 v4, v7;
	v7 =	vmul.f32 v58, v35;
	(v2sf) =	vpush v0, $0x3;
	v0 =	vld [tilespmem:$0x1FB70]  }
0x391: {  	v3 =	vadd.f32 v3, v9;
	v1 =	vadd.f32 v1, v2  }
0x392: {  	v5 =	vmul.f32 v62, v34;
	v4 =	vadd.f32 v4, v7;
	v7 =	vmul.f32 v59, v27  }
0x393: {  	v31 =	vmul.f32 v26, v17;
	[tilespmem:s15+$0x9C60] =	vst v1  }
0x394: {  	v3 =	vadd.f32 v3, v5;
	v4 =	vadd.f32 v4, v7;
	v1 =	vld [tilespmem:$0x1FB80]  }
0x395: {  	v55 =	vmovc v35;
	v5 =	vmul.f32 v10, v48;
	v6 =	vadd.f32 v6, v31;
	v35 =	vld [tilespmem:s21+$0x70];
	v7 =	vmul.f32 v0, v12  }
0x396: {  	v37 =	vmul.f32 v50, v24;
	[tilespmem:s17+$0x9C60] =	vst v4  }
0x397: {  	v3 =	vadd.f32 v3, v5;
	v5 =	vmul.f32 v56, v49;
	v4 =	vadd.f32 v6, v7;
	v7 =	vld [tilespmem:s22+$0x70]  }
0x398: {  	v41 =	vmul.f32 v60, v34;
	v50 =	vmul.f32 v61, v49  }
0x399: {  	v2 =	vbroadcast v46, $0x3;
	v32 =	vld [tilespmem:s19+$0x0];
	v3 =	vadd.f32 v3, v5;
	v5 =	vmul.f32 v63, v24  }
0x39a: {  	v52 =	vmovc v22;
	v22 =	vld [tilespmem:$0x1FFE0];
	(v2sf) =	vpush v1, $0x3;
	v1 =	vbroadcast v36, $0x3;
	v9 =	vadd.f32 v35, v37  }
0x39b: {  	v36 =	vmul.f32 v2, v23;
	v6 =	vmul.f32 v15, v33  }
0x39c: {  	[tilespmem:s14+$0x9C70] =	vst v3;
	v9 =	vadd.f32 v9, v41;
	v3 =	vadd.f32 v7, v5;
	v5 =	vmul.f32 v57, v34  }
0x39d: {  	v62 =	vmovc v45;
	v4 =	vadd.f32 v4, v6;
	v6 =	vmul.f32 v45, v40;
	v45 =	vmul.f32 v19, v48  }
0x39e: {  	v8 =	vadd.f32 v32, v36;
	v41 =	vld [tilespmem:$0x1FE40];
	v3 =	vadd.f32 v3, v5;
	v5 =	vmul.f32 v58, v48  }
0x39f: {  	v29 =	vmovc v40;
	v32 =	vbroadcast v39, $0x3;
	v40 =	vmul.f32 v1, v22;
	v9 =	vadd.f32 v9, v45  }
0x3a0: {  	v3 =	vadd.f32 v3, v5;
	v5 =	vmul.f32 v59, v49  }
0x3a1: {  	v54 =	vmovc v44;
	v44 =	vld [tilespmem:s18+$0x0];
	v12 =	vmul.f32 v32, v18;
	v7 =	vadd.f32 v8, v40;
	v9 =	vadd.f32 v9, v50  }
0x3a2: {  	v46 =	vld [tilespmem:$0x1FC80];
	v3 =	vadd.f32 v3, v5  }
0x3a3: {  	v48 =	vld [tilespmem:$0x1FD60];
	v7 =	vadd.f32 v7, v12;
	v58 =	vmul.f32 v20, v41;
	[tilespmem:s15+$0x9C70] =	vst v9  }
0x3a4: {  	v9 =	vld [tilespmem:$0x1FD70];
	[tilespmem:s17+$0x9C70] =	vst v3  }
0x3a5: {  	v3 =	vadd.f32 v7, v58;
	v12 =	vld [tilespmem:$0x1FB90]  }
0x3a6: {  	v50 =	vld [tilespmem:$0x1FE30]  }
0x3a7: {  	v4 =	vadd.f32 v4, v6;
	v60 =	vld [tilespmem:$0x1FD00];
	[tilespmem:s13+$0xB000] =	vst v3  }
0x3a8: {  	v3 =	vld [tilespmem:$0x1FD30]  }
0x3a9: {  	v30 =	vbroadcast v46, $0x3;
	v31 =	vld [tilespmem:$0x1FBA0];
	[tilespmem:s1+$0xB020] =	vst v4  }
0x3aa: {  	v40 =	vbroadcast v12, $0x3;
	v12 =	vld [tilespmem:$0x1FBB0]  }
0x3ab: {  	v27 =	vmov v33;
	v56 =	vmul.f32 v30, v23;
	v33 =	vbroadcast v48, $0x3  }
0x3ac: {  	v35 =	vbroadcast v47, $0x3;
	s21 =	spop (v2sf)  }
0x3ad: {  	v8 =	vadd.f32 v44, v56;
	v10 =	vld [tilespmem:s21+$0x0];
	v57 =	vmul.f32 v33, v22  }
0x3ae: {  	v59 =	vmul.f32 v35, v18;
	v4 =	vld [tilespmem:$0x1FCB0]  }
0x3af: {  	v36 =	vbroadcast v9, $0x3;
	v8 =	vadd.f32 v8, v57;
	v48 =	vbroadcast v12, $0x3;
	v12 =	vld [tilespmem:$0x1FD40]  }
0x3b0: {  	v37 =	vbroadcast v60, $0x3  }
0x3b1: {  	s22 =	spop (v2sf);
	v63 =	vmul.f32 v36, v41;
	v8 =	vadd.f32 v8, v59  }
0x3b2: {  	v61 =	vld [tilespmem:s22+$0x0];
	v45 =	vbroadcast v3, $0x3;
	v3 =	vmul.f32 v37, v23  }
0x3b3: {  	v8 =	vadd.f32 v8, v63;
	v44 =	vbroadcast v4, $0x3  }
0x3b4: {  	v3 =	vadd.f32 v10, v3;
	v4 =	vmul.f32 v45, v22;
	v19 =	vbroadcast v12, $0x3;
	v12 =	vld [tilespmem:$0x1FBC0]  }
0x3b5: {  	v6 =	vld [tilespmem:s19+$0x10];
	v46 =	vbroadcast v31, $0x3;
	v39 =	vmul.f32 v40, v23;
	[tilespmem:s14+$0xB000] =	vst v8  }
0x3b6: {  	v3 =	vadd.f32 v3, v4;
	v4 =	vmul.f32 v44, v18;
	v60 =	vmul.f32 v48, v18;
	v18 =	vld [tilespmem:$0x1FFF0]  }
0x3b7: {  	v9 =	vadd.f32 v61, v39;
	v51 =	vmul.f32 v46, v22  }
0x3b8: {  	v7 =	vmul.f32 v2, v50  }
0x3b9: {  	v9 =	vadd.f32 v9, v51;
	v39 =	vbroadcast v12, $0x3  }
0x3ba: {  	v6 =	vadd.f32 v6, v7;
	v3 =	vadd.f32 v3, v4;
	v4 =	vmul.f32 v19, v41  }
0x3bb: {  	v47 =	vld [tilespmem:s9+$0x30];
	v9 =	vadd.f32 v9, v60;
	v7 =	vmul.f32 v1, v18;
	v61 =	vmul.f32 v39, v41  }
0x3bc: {  	v58 =	vmov v22;
	v22 =	vld [tilespmem:$0x1FE70];
	v3 =	vadd.f32 v3, v4  }
0x3bd: {  	v4 =	vadd.f32 v6, v7;
	v7 =	vadd.f32 v9, v61  }
0x3be: {  	v5 =	vmul.f32 v26, v16;
	v8 =	vld [tilespmem:s18+$0x10];
	[tilespmem:s15+$0xB000] =	vst v3  }
0x3bf: {  	[tilespmem:s17+$0xB000] =	vst v7  }
0x3c0: {  	v5 =	vadd.f32 v47, v5;
	v12 =	vmul.f32 v0, v13;
	v6 =	vmul.f32 v32, v21;
	v47 =	vld [tilespmem:$0x1FF00]  }
0x3c1: {  	v31 =	vmul.f32 v30, v50;
	v63 =	vmul.f32 v15, v22  }
0x3c2: {  	v3 =	vadd.f32 v5, v12;
	v5 =	vmul.f32 v20, v54;
	v4 =	vadd.f32 v4, v6  }
0x3c3: {  	v41 =	vmul.f32 v33, v18;
	v7 =	vadd.f32 v8, v31  }
0x3c4: {  	v3 =	vadd.f32 v3, v63;
	v4 =	vadd.f32 v4, v5  }
0x3c5: {  	v5 =	vadd.f32 v7, v41;
	v7 =	vmul.f32 v35, v21;
	v57 =	vmul.f32 v62, v47  }
0x3c6: {  	v53 =	vmov v49;
	v49 =	vmov v54  }
0x3c7: {  	v63 =	vmul.f32 v36, v49;
	v6 =	vld [tilespmem:s21+$0x10];
	[tilespmem:s13+$0xB010] =	vst v4;
	v4 =	vadd.f32 v5, v7;
	v3 =	vadd.f32 v3, v57  }
0x3c8: {  	v51 =	vld [tilespmem:s22+$0x10]  }
0x3c9: {  	[tilespmem:s1+$0xB030] =	vst v3;
	v3 =	vadd.f32 v4, v63  }
0x3ca: {  	v60 =	vmul.f32 v37, v50  }
0x3cb: {  	v61 =	vmul.f32 v40, v50;
	v7 =	vld [tilespmem:s19+$0x20];
	[tilespmem:s14+$0xB010] =	vst v3  }
0x3cc: {  	v5 =	vadd.f32 v6, v60;
	v6 =	vmul.f32 v45, v18;
	v56 =	vld [tilespmem:$0x1FF80]  }
0x3cd: {  	v31 =	vmul.f32 v46, v18;
	v9 =	vadd.f32 v51, v61  }
0x3ce: {  	v5 =	vadd.f32 v5, v6;
	v6 =	vmul.f32 v44, v21;
	v51 =	vmul.f32 v2, v17  }
0x3cf: {  	v41 =	vmul.f32 v48, v21;
	v4 =	vadd.f32 v9, v31  }
0x3d0: {  	v5 =	vadd.f32 v5, v6;
	v6 =	vmul.f32 v19, v49;
	v7 =	vadd.f32 v7, v51  }
0x3d1: {  	v3 =	vadd.f32 v4, v41;
	v4 =	vmul.f32 v39, v49;
	v8 =	vmul.f32 v1, v56  }
0x3d2: {  	v54 =	vmov v50;
	v5 =	vadd.f32 v5, v6;
	v50 =	vld [tilespmem:s9+$0x40]  }
0x3d3: {  	v3 =	vadd.f32 v3, v4;
	v4 =	vadd.f32 v7, v8;
	v7 =	vmul.f32 v32, v27;
	_ =	sdelay $0x1  }
0x3d4: {  	v6 =	vmul.f32 v26, v25;
	v57 =	vld [tilespmem:s18+$0x20];
	[tilespmem:s15+$0xB010] =	vst v5;
	v4 =	vadd.f32 v4, v7;
	v7 =	vmul.f32 v20, v29  }
0x3d5: {  	v31 =	vld [tilespmem:s21+$0x20];
	[tilespmem:s17+$0xB010] =	vst v3  }
0x3d6: {  	v6 =	vadd.f32 v50, v6;
	v50 =	vld [tilespmem:$0x1FF80];
	v4 =	vadd.f32 v4, v7;
	_ =	sdelay $0x1  }
0x3d7: {  	v5 =	vmul.f32 v0, v14;
	v18 =	vld [tilespmem:$0x1FF10];
	[tilespmem:s13+$0xB020] =	vst v4  }
0x3d8: {  	v63 =	vmul.f32 v30, v17;
	v7 =	vmul.f32 v37, v17;
	v56 =	vld [tilespmem:$0x1FF80]  }
0x3d9: {  	v3 =	vmul.f32 v15, v28;
	v41 =	vld [tilespmem:s22+$0x20];
	v5 =	vadd.f32 v6, v5  }
0x3da: {  	v6 =	vadd.f32 v57, v63;
	v8 =	vmul.f32 v33, v50;
	v7 =	vadd.f32 v31, v7;
	v31 =	vld [tilespmem:$0x1FF80]  }
0x3db: {  	v3 =	vadd.f32 v5, v3  }
0x3dc: {  	v5 =	vadd.f32 v6, v8;
	v6 =	vmul.f32 v40, v17;
	v4 =	vmul.f32 v35, v27  }
0x3dd: {  	v8 =	vmul.f32 v45, v56  }
0x3de: {  	v51 =	vmul.f32 v62, v18;
	v6 =	vadd.f32 v41, v6;
	v4 =	vadd.f32 v5, v4  }
0x3df: {  	v57 =	vld [tilespmem:s19+$0x30];
	v10 =	vmul.f32 v46, v31;
	v5 =	vadd.f32 v7, v8;
	v7 =	vmul.f32 v44, v27  }
0x3e0: {  	v50 =	vmul.f32 v48, v27;
	v3 =	vadd.f32 v3, v51;
	v41 =	vmul.f32 v36, v29  }
0x3e1: {  	v6 =	vadd.f32 v6, v10;
	v5 =	vadd.f32 v5, v7;
	v7 =	vmul.f32 v19, v29  }
0x3e2: {  	v51 =	vmul.f32 v2, v16;
	v4 =	vadd.f32 v4, v41  }
0x3e3: {  	[tilespmem:s1+$0xB040] =	vst v3;
	v56 =	vmul.f32 v39, v29;
	v6 =	vadd.f32 v6, v50;
	v5 =	vadd.f32 v5, v7  }
0x3e4: {  	v3 =	vmul.f32 v1, v13;
	v9 =	vadd.f32 v57, v51;
	[tilespmem:s14+$0xB020] =	vst v4;
	v7 =	vld [tilespmem:s9+$0x50]  }
0x3e5: {  	v57 =	vld [tilespmem:s18+$0x30];
	v4 =	vadd.f32 v6, v56;
	[tilespmem:s15+$0xB020] =	vst v5  }
0x3e6: {  	v3 =	vadd.f32 v9, v3;
	v6 =	vmul.f32 v32, v22;
	v5 =	vld [tilespmem:s21+$0x30]  }
0x3e7: {  	[tilespmem:s17+$0xB020] =	vst v4;
	v4 =	vmul.f32 v26, v38  }
0x3e8: {  	v63 =	vmul.f32 v20, v47;
	v29 =	vmul.f32 v30, v16;
	v3 =	vadd.f32 v3, v6  }
0x3e9: {  	v4 =	vadd.f32 v7, v4;
	v7 =	vmul.f32 v37, v16  }
0x3ea: {  	v31 =	vmul.f32 v33, v13;
	v8 =	vadd.f32 v57, v29;
	v6 =	vld [tilespmem:s22+$0x30];
	v3 =	vadd.f32 v3, v63  }
0x3eb: {  	v12 =	vmul.f32 v45, v13;
	v5 =	vadd.f32 v5, v7  }
0x3ec: {  	v41 =	vmul.f32 v40, v16;
	v8 =	vadd.f32 v8, v31;
	[tilespmem:s13+$0xB030] =	vst v3;
	v3 =	vmul.f32 v35, v22  }
0x3ed: {  	v50 =	vmul.f32 v46, v13;
	v13 =	vmul.f32 v44, v22;
	v5 =	vadd.f32 v5, v12  }
0x3ee: {  	v51 =	vmov v47;
	v56 =	vmul.f32 v36, v47;
	v3 =	vadd.f32 v8, v3  }
0x3ef: {  	v7 =	vld [tilespmem:s19+$0x40];
	v6 =	vadd.f32 v6, v41;
	v12 =	vmul.f32 v19, v51;
	v5 =	vadd.f32 v5, v13  }
0x3f0: {  	v3 =	vadd.f32 v3, v56  }
0x3f1: {  	v57 =	vmul.f32 v48, v22;
	v6 =	vadd.f32 v6, v50;
	v50 =	vld [tilespmem:$0x1FEA0];
	v5 =	vadd.f32 v5, v12  }
0x3f2: {  	v63 =	vmul.f32 v2, v25;
	[tilespmem:s14+$0xB030] =	vst v3  }
0x3f3: {  	v10 =	vmul.f32 v0, v43;
	v29 =	vmul.f32 v39, v51;
	v6 =	vadd.f32 v6, v57;
	[tilespmem:s15+$0xB030] =	vst v5  }
0x3f4: {  	v47 =	vmov v22;
	v31 =	vmul.f32 v1, v14;
	v7 =	vadd.f32 v7, v63;
	v22 =	vld [tilespmem:$0x1FF20]  }
0x3f5: {  	v4 =	vadd.f32 v4, v10;
	v56 =	vld [tilespmem:s18+$0x40];
	v3 =	vadd.f32 v6, v29  }
0x3f6: {  	v6 =	vmul.f32 v32, v28;
	v41 =	vmul.f32 v15, v50;
	v7 =	vadd.f32 v7, v31  }
0x3f7: {  	v59 =	vmov v23;
	v23 =	vmov v62;
	v63 =	vmul.f32 v30, v25  }
0x3f8: {  	v57 =	vld [tilespmem:s21+$0x40];
	[tilespmem:s17+$0xB030] =	vst v3;
	v3 =	vadd.f32 v4, v41;
	v4 =	vmul.f32 v20, v18;
	v6 =	vadd.f32 v7, v6  }
0x3f9: {  	v7 =	vld [tilespmem:s22+$0x40];
	v5 =	vmul.f32 v23, v22  }
0x3fa: {  	v8 =	vadd.f32 v56, v63;
	v4 =	vadd.f32 v6, v4;
	v6 =	vmul.f32 v33, v14  }
0x3fb: {  	v3 =	vadd.f32 v3, v5;
	v5 =	vmul.f32 v37, v25  }
0x3fc: {  	v29 =	vmul.f32 v40, v25;
	[tilespmem:s13+$0xB040] =	vst v4;
	v4 =	vmul.f32 v35, v28;
	v6 =	vadd.f32 v8, v6  }
0x3fd: {  	v31 =	vmul.f32 v45, v14;
	v41 =	vmul.f32 v46, v14;
	v10 =	vld [tilespmem:s19+$0x50];
	v5 =	vadd.f32 v57, v5  }
0x3fe: {  	v56 =	vmul.f32 v36, v18;
	v7 =	vadd.f32 v7, v29;
	v4 =	vadd.f32 v6, v4  }
0x3ff: {  	v12 =	vmul.f32 v44, v28;
	v6 =	vmul.f32 v48, v28;
	v5 =	vadd.f32 v5, v31  }
0x400: {  	v7 =	vadd.f32 v7, v41;
	v4 =	vadd.f32 v4, v56;
	[tilespmem:s1+$0xB050] =	vst v3;
	v3 =	vmul.f32 v2, v38  }
0x401: {  	v41 =	vmul.f32 v39, v18;
	v57 =	vmul.f32 v19, v18;
	v63 =	vld [tilespmem:s9+$0x60];
	v5 =	vadd.f32 v5, v12  }
0x402: {  	v6 =	vadd.f32 v7, v6;
	v7 =	vmul.f32 v1, v43;
	v3 =	vadd.f32 v10, v3  }
0x403: {  	v56 =	vmul.f32 v32, v50;
	[tilespmem:s14+$0xB040] =	vst v4;
	v5 =	vadd.f32 v5, v57  }
0x404: {  	v4 =	vadd.f32 v6, v41;
	v6 =	vmul.f32 v26, v52;
	v3 =	vadd.f32 v3, v7;
	v7 =	vld [tilespmem:s18+$0x50]  }
0x405: {  	[tilespmem:s15+$0xB040] =	vst v5  }
0x406: {  	[tilespmem:s17+$0xB040] =	vst v4;
	v4 =	vadd.f32 v63, v6;
	v6 =	vmul.f32 v20, v22;
	v3 =	vadd.f32 v3, v56;
	v57 =	vld [tilespmem:s21+$0x50]  }
0x407: {  	v29 =	vmul.f32 v30, v38;
	v63 =	vld [tilespmem:s22+$0x50];
	v5 =	vmul.f32 v0, v42  }
0x408: {  	v3 =	vadd.f32 v3, v6;
	v6 =	vmul.f32 v33, v43  }
0x409: {  	v7 =	vadd.f32 v7, v29;
	v4 =	vadd.f32 v4, v5;
	v5 =	vmul.f32 v37, v38  }
0x40a: {  	v41 =	vmov v38;
	v12 =	vmul.f32 v45, v43;
	v38 =	vmul.f32 v40, v38  }
0x40b: {  	[tilespmem:s13+$0xB050] =	vst v3;
	v3 =	vmul.f32 v35, v50;
	v6 =	vadd.f32 v7, v6;
	v5 =	vadd.f32 v57, v5  }
0x40c: {  	v13 =	vmul.f32 v44, v50;
	v56 =	vld [tilespmem:s19+$0x60];
	v7 =	vmul.f32 v46, v43;
	v8 =	vadd.f32 v63, v38  }
0x40d: {  	v10 =	vmul.f32 v15, v55;
	v38 =	vld [tilespmem:$0x1FF40];
	v3 =	vadd.f32 v6, v3;
	v5 =	vadd.f32 v5, v12  }
0x40e: {  	v6 =	vmul.f32 v48, v50;
	v57 =	vmul.f32 v36, v22;
	v7 =	vadd.f32 v8, v7  }
0x40f: {  	v63 =	vmul.f32 v2, v52;
	v12 =	vmul.f32 v19, v22;
	v5 =	vadd.f32 v5, v13  }
0x410: {  	v29 =	vmul.f32 v39, v22;
	v3 =	vadd.f32 v3, v57;
	v6 =	vadd.f32 v7, v6  }
0x411: {  	v7 =	vmul.f32 v1, v42;
	v8 =	vadd.f32 v56, v63;
	v5 =	vadd.f32 v5, v12  }
0x412: {  	v4 =	vadd.f32 v4, v10;
	v56 =	vmul.f32 v23, v38;
	[tilespmem:s14+$0xB050] =	vst v3  }
0x413: {  	v3 =	vadd.f32 v6, v29;
	v6 =	vmul.f32 v32, v55;
	v7 =	vadd.f32 v8, v7;
	v57 =	vld [tilespmem:s18+$0x60];
	[tilespmem:s15+$0xB050] =	vst v5  }
0x414: {  	v5 =	vld [tilespmem:s21+$0x60]  }
0x415: {  	[tilespmem:s17+$0xB050] =	vst v3;
	v3 =	vadd.f32 v4, v56;
	v4 =	vmul.f32 v20, v38;
	v6 =	vadd.f32 v7, v6  }
0x416: {  	v63 =	vmul.f32 v30, v52;
	v7 =	vld [tilespmem:s22+$0x60]  }
0x417: {  	v4 =	vadd.f32 v6, v4;
	v6 =	vmul.f32 v37, v52  }
0x418: {  	v29 =	vmovc v42;
	v13 =	vmul.f32 v35, v55;
	v12 =	vmul.f32 v33, v42;
	v8 =	vadd.f32 v57, v63  }
0x419: {  	v14 =	vmul.f32 v45, v29;
	v57 =	vmul.f32 v40, v52;
	v5 =	vadd.f32 v5, v6  }
0x41a: {  	v42 =	vmov v52;
	[tilespmem:s1+$0xB060] =	vst v3;
	v63 =	vmul.f32 v46, v29;
	v6 =	vadd.f32 v8, v12  }
0x41b: {  	v56 =	vld [tilespmem:s9+$0x70];
	[tilespmem:s13+$0xB060] =	vst v4;
	v52 =	vmul.f32 v44, v55;
	v7 =	vadd.f32 v7, v57;
	v5 =	vadd.f32 v5, v14  }
0x41c: {  	v4 =	vmul.f32 v36, v38;
	v57 =	vmul.f32 v19, v38;
	v12 =	vld [tilespmem:s19+$0x70];
	v6 =	vadd.f32 v6, v13  }
0x41d: {  	v7 =	vadd.f32 v7, v63;
	v13 =	vmul.f32 v48, v55;
	v5 =	vadd.f32 v5, v52;
	v52 =	vld [tilespmem:$0x1FF50]  }
0x41e: {  	v9 =	vmul.f32 v26, v24;
	v2 =	vmul.f32 v2, v24;
	v4 =	vadd.f32 v6, v4  }
0x41f: {  	v14 =	vld [tilespmem:$0x1FFA0];
	v6 =	vmul.f32 v39, v38;
	v7 =	vadd.f32 v7, v13;
	v5 =	vadd.f32 v5, v57  }
0x420: {  	v3 =	vmul.f32 v0, v34;
	v56 =	vadd.f32 v56, v9;
	v13 =	vld [tilespmem:$0x1FF60];
	[tilespmem:s14+$0xB060] =	vst v4  }
0x421: {  	v1 =	vmul.f32 v1, v34;
	v2 =	vadd.f32 v12, v2;
	v4 =	vadd.f32 v7, v6;
	[tilespmem:s15+$0xB060] =	vst v5  }
0x422: {  	v3 =	vadd.f32 v56, v3;
	v63 =	vmul.f32 v15, v52;
	v7 =	vld [tilespmem:s21+$0x70]  }
0x423: {  	v6 =	vld [tilespmem:s18+$0x70];
	v1 =	vadd.f32 v2, v1;
	[tilespmem:s17+$0xB060] =	vst v4;
	v4 =	vmul.f32 v32, v52  }
0x424: {  	v5 =	vmul.f32 v23, v53;
	v3 =	vadd.f32 v3, v63  }
0x425: {  	v2 =	vld [tilespmem:s22+$0x70];
	v1 =	vadd.f32 v1, v4;
	v4 =	vmul.f32 v37, v24  }
0x426: {  	v45 =	vmul.f32 v45, v34;
	v3 =	vadd.f32 v3, v5;
	v5 =	vmul.f32 v30, v24  }
0x427: {  	v0 =	vmul.f32 v20, v53;
	v56 =	vmul.f32 v48, v52;
	v4 =	vadd.f32 v7, v4  }
0x428: {  	v37 =	vmul.f32 v33, v34;
	v5 =	vadd.f32 v6, v5;
	v6 =	vmul.f32 v40, v24  }
0x429: {  	v7 =	vmul.f32 v46, v34;
	v46 =	vmul.f32 v44, v52;
	v4 =	vadd.f32 v4, v45  }
0x42a: {  	v40 =	vmul.f32 v35, v52;
	v5 =	vadd.f32 v5, v37;
	v2 =	vadd.f32 v2, v6  }
0x42b: {  	v0 =	vadd.f32 v1, v0;
	v1 =	vmul.f32 v19, v53;
	v4 =	vadd.f32 v4, v46  }
0x42c: {  	v6 =	vmul.f32 v36, v53;
	v5 =	vadd.f32 v5, v40;
	v2 =	vadd.f32 v2, v7  }
0x42d: {  	s8 =	sor.u32 s7, s8;
	[tilespmem:s13+$0xB070] =	vst v0;
	v0 =	vadd.f32 v4, v1  }
0x42e: {  	s19 =	smul.u32 $0xC8, s8;
	[tilespmem:s1+$0xB070] =	vst v3;
	v3 =	vadd.f32 v5, v6;
	v5 =	vmul.f32 v39, v53;
	v2 =	vadd.f32 v2, v56;
	_ =	sdelay $0x1  }
0x42f: {  	s8 =	sor.u32 s0, s19;
	[tilespmem:s15+$0xB070] =	vst v0;
	v1 =	vadd.f32 v2, v5  }
0x430: {  	s8 =	sshll.u32 s8, $0x4;
	[tilespmem:s14+$0xB070] =	vst v3  }
0x431: {  	s20 =	simm.s32 $0x7400;
	s8 =	sadd.s32 s4, s8;
	s21 =	sadd.s32 s19, s2;
	[tilespmem:s17+$0xB070] =	vst v1  }
0x432: {  	[hbm4b:s8+s6] =	stream.linear.scatter [tilespmem:s20], [sflag:$0x1], $0x1400, $0x38;
	[tilespmem:$0x11400] =	vst v63  }
0x433: {  	s8 =	sshll.u32 s21, $0x4  }
0x434: {  	s9 =	sadd.s32 s19, s3;
	s22 =	simm.s32 $0x8800;
	s8 =	sadd.s32 s4, s8  }
0x435: {  	[hbm4b:s8+s6] =	stream.linear.scatter [tilespmem:s22], [sflag:$0x1], $0x1400, $0x38;
	[tilespmem:$0x11400] =	vst v63  }
0x436: {  	s8 =	sshll.u32 s9, $0x4  }
0x437: {  	s11 =	simm.s32 $0x9C00;
	s1 =	sadd.s32 s19, s12;
	s8 =	sadd.s32 s4, s8  }
0x438: {  	[hbm4b:s8+s6] =	stream.linear.scatter [tilespmem:s11], [sflag:$0x1], $0x1400, $0x38;
	[tilespmem:$0x11400] =	vst v63  }
0x439: {  	s1 =	sshll.u32 s1, $0x4;
	s8 =	sor.u32 $0x1, s16  }
0x43a: {  	s13 =	simm.s32 $0xB000;
	s1 =	sadd.s32 s4, s1;
	s14 =	sadd.s32 s5, s8  }
0x43b: {  	[hbm4b:s1+s6] =	stream.linear.scatter [tilespmem:s13], [sflag:$0x1], $0x1400, $0x38;
	[tilespmem:$0x11400] =	vst v63  }
0x43c: {  	p1 =	seq.s32 s14, $0x1  }
0x43d: {  	s1 =	simm.s32 @!p1 $0x2  }
0x43e: {  	_ =	swait.ge @!p1 [sflag:s1], $0x1400  }
0x43f: {  	[sflag:s1] =	ssyncset.done @!p1 $0x0  }
0x440: {  	[sflag:s1] =	ssyncadd.s32 @!p1 $0xFFFFEC00  }
0x441: {  	_ =	swait.ge @!p1 [sflag:s1], $0x1400  }
0x442: {  	[sflag:s1] =	ssyncset.done @!p1 $0x0  }
0x443: {  	[sflag:s1] =	ssyncadd.s32 @!p1 $0xFFFFEC00  }
0x444: {  	_ =	swait.ge @!p1 [sflag:s1], $0x1400  }
0x445: {  	v15 =	vmov s28;
	[sflag:s1] =	ssyncset.done @!p1 $0x0  }
0x446: {  	[sflag:s1] =	ssyncadd.s32 @!p1 $0xFFFFEC00  }
0x447: {  	_ =	swait.ge @!p1 [sflag:s1], $0x1400  }
0x448: {  	[sflag:s1] =	ssyncset.done @!p1 $0x0  }
0x449: {  	[sflag:s1] =	ssyncadd.s32 @!p1 $0xFFFFEC00;
	s1 =	simm.s32 $0x0  }
0x44a: {  	v0 =	vld.idx.msk [tilespmem:v15+s1+$0x0 ss:$0x1], $0xffff;
	_ =	sdelay $0x4  }
0x44b: {  	v0 =	vshll.u32 v0, $0x9  }
0x44c: {  	v61 =	vmovc v21;
	v21 =	vmov v28;
	v28 =	vmov v18;
	v18 =	vshra.s32 v0, $0x2  }
0x44d: {  	(v2sf) =	vpush v18, $0x0;
	_ =	sdelay $0xb  }
0x44e: {  	v57 =	vld [tilespmem:s29+$0xFFFFFF00];
	_ =	sdelay $0x1  }
0x44f: {  	v26 =	vld [tilespmem:s29+$0xFFFFFF80]  }
0x450: {  	v63 =	vld [tilespmem:s29+$0x0];
	s15 =	spop (v2sf)  }
0x451: {  	v1 =	vld [tilespmem:s15+$0x0]  }
0x452: {  	v20 =	vld [tilespmem:$0x1FF90];
	v2 =	vbroadcast v57, $0x0  }
0x453: {  	v35 =	vld [tilespmem:s29+$0x80]  }
0x454: {  	v3 =	vbroadcast v26, $0x0;
	v4 =	vmul.f32 v2, v59  }
0x455: {  	v0 =	vld [tilespmem:$0x1FE40]  }
0x456: {  	v5 =	vbroadcast v63, $0x0;
	v1 =	vadd.f32 v1, v4;
	v4 =	vmul.f32 v3, v58;
	_ =	sdelay $0x1  }
0x457: {  	v7 =	vbroadcast v35, $0x0;
	v1 =	vadd.f32 v1, v4;
	v4 =	vmul.f32 v5, v20;
	_ =	sdelay $0x1  }
0x458: {  	v1 =	vadd.f32 v1, v4;
	v4 =	vmul.f32 v7, v0;
	_ =	sdelay $0x1  }
0x459: {  	v1 =	vadd.f32 v1, v4;
	_ =	sdelay $0x1  }
0x45a: {  	[tilespmem:s1+$0xC400] =	vst v1  }
0x45b: {  	v1 =	vld [tilespmem:s15+$0x10]  }
0x45c: {  	v36 =	vld [tilespmem:$0x1FFF0];
	_ =	sdelay $0x2  }
0x45d: {  	v4 =	vmul.f32 v2, v54;
	_ =	sdelay $0x1  }
0x45e: {  	v1 =	vadd.f32 v1, v4;
	v4 =	vmul.f32 v3, v36;
	_ =	sdelay $0x1  }
0x45f: {  	v1 =	vadd.f32 v1, v4;
	v4 =	vmul.f32 v5, v61;
	_ =	sdelay $0x1  }
0x460: {  	v1 =	vadd.f32 v1, v4;
	v4 =	vmul.f32 v7, v49;
	_ =	sdelay $0x1  }
0x461: {  	v1 =	vadd.f32 v1, v4;
	_ =	sdelay $0x1  }
0x462: {  	[tilespmem:s1+$0xC410] =	vst v1  }
0x463: {  	v1 =	vld [tilespmem:s15+$0x20];
	_ =	sdelay $0x2  }
0x464: {  	v4 =	vmul.f32 v2, v17;
	_ =	sdelay $0x1  }
0x465: {  	v1 =	vadd.f32 v1, v4;
	v4 =	vld [tilespmem:$0x1FF80];
	_ =	sdelay $0x4  }
0x466: {  	v4 =	vmul.f32 v3, v4;
	_ =	sdelay $0x1  }
0x467: {  	v62 =	vmov v27;
	v1 =	vadd.f32 v1, v4;
	v4 =	vmul.f32 v5, v27;
	v27 =	vld [tilespmem:$0x1FEF0];
	_ =	sdelay $0x4  }
0x468: {  	v1 =	vadd.f32 v1, v4;
	v4 =	vmul.f32 v7, v27;
	_ =	sdelay $0x1  }
0x469: {  	v1 =	vadd.f32 v1, v4;
	_ =	sdelay $0x1  }
0x46a: {  	[tilespmem:s1+$0xC420] =	vst v1  }
0x46b: {  	v1 =	vld [tilespmem:s15+$0x30];
	_ =	sdelay $0x2  }
0x46c: {  	v4 =	vmul.f32 v2, v16;
	_ =	sdelay $0x1  }
0x46d: {  	v1 =	vadd.f32 v1, v4;
	v4 =	vmul.f32 v3, v13;
	_ =	sdelay $0x1  }
0x46e: {  	v1 =	vadd.f32 v1, v4;
	v4 =	vmul.f32 v5, v47;
	_ =	sdelay $0x1  }
0x46f: {  	v1 =	vadd.f32 v1, v4;
	v4 =	vmul.f32 v7, v51;
	_ =	sdelay $0x1  }
0x470: {  	v1 =	vadd.f32 v1, v4;
	_ =	sdelay $0x1  }
0x471: {  	[tilespmem:s1+$0xC430] =	vst v1  }
0x472: {  	v1 =	vld [tilespmem:s15+$0x40];
	_ =	sdelay $0x2  }
0x473: {  	v4 =	vmul.f32 v2, v25;
	_ =	sdelay $0x1  }
0x474: {  	v1 =	vadd.f32 v1, v4;
	v4 =	vmul.f32 v3, v14;
	_ =	sdelay $0x1  }
0x475: {  	v1 =	vadd.f32 v1, v4;
	v4 =	vmul.f32 v5, v21;
	_ =	sdelay $0x1  }
0x476: {  	v1 =	vadd.f32 v1, v4;
	v4 =	vmul.f32 v7, v28;
	_ =	sdelay $0x1  }
0x477: {  	v1 =	vadd.f32 v1, v4;
	_ =	sdelay $0x1  }
0x478: {  	[tilespmem:s1+$0xC440] =	vst v1  }
0x479: {  	s13 =	simm.s32 $0x80;
	v1 =	vld [tilespmem:s15+$0x50]  }
0x47a: {  	v4 =	vld.idx.msk [tilespmem:v15+s13+$0x0 ss:$0x1], $0xffff;
	_ =	sdelay $0x1  }
0x47b: {  	v6 =	vmul.f32 v2, v41;
	_ =	sdelay $0x1  }
0x47c: {  	v1 =	vadd.f32 v1, v6;
	v6 =	vmul.f32 v3, v43  }
0x47d: {  	v4 =	vshll.u32 v4, $0x9  }
0x47e: {  	v48 =	vshra.s32 v4, $0x2;
	v1 =	vadd.f32 v1, v6;
	v6 =	vmul.f32 v5, v50  }
0x47f: {  	(v2sf) =	vpush v48, $0x0  }
0x480: {  	v4 =	vmul.f32 v7, v22;
	v1 =	vadd.f32 v1, v6;
	_ =	sdelay $0x1  }
0x481: {  	v1 =	vadd.f32 v1, v4  }
0x482: {  	[tilespmem:$0x1FC00] =	vst v48  }
0x483: {  	[tilespmem:s1+$0xC450] =	vst v1  }
0x484: {  	v1 =	vld [tilespmem:s15+$0x60];
	_ =	sdelay $0x2  }
0x485: {  	v4 =	vmul.f32 v2, v42;
	_ =	sdelay $0x1  }
0x486: {  	s16 =	sadd.s32 $0x200, s29;
	v1 =	vadd.f32 v1, v4;
	v4 =	vmul.f32 v3, v29  }
0x487: {  	v23 =	vld [tilespmem:s16+$0xFFFFFF00]  }
0x488: {  	v1 =	vadd.f32 v1, v4;
	v4 =	vmul.f32 v5, v55  }
0x489: {  	v39 =	vld [tilespmem:s16+$0xFFFFFF80]  }
0x48a: {  	v33 =	vld [tilespmem:s16+$0x0];
	s17 =	spop (v2sf);
	v1 =	vadd.f32 v1, v4;
	v4 =	vmul.f32 v7, v38  }
0x48b: {  	v32 =	vld [tilespmem:s17+$0x0]  }
0x48c: {  	v46 =	vbroadcast v23, $0x0;
	[tilespmem:$0x1FC10] =	vst v18;
	v1 =	vadd.f32 v1, v4  }
0x48d: {  	(v2sf) =	vpush v18, $0x1;
	v12 =	vld [tilespmem:s16+$0x80]  }
0x48e: {  	v45 =	vbroadcast v39, $0x0;
	[tilespmem:s1+$0xC460] =	vst v1;
	v1 =	vmul.f32 v46, v59  }
0x48f: {  	v37 =	vld [tilespmem:s15+$0x70]  }
0x490: {  	v6 =	vbroadcast v33, $0x0;
	v40 =	vmul.f32 v45, v58;
	v1 =	vadd.f32 v32, v1  }
0x491: {  	v2 =	vmul.f32 v2, v24  }
0x492: {  	v44 =	vmul.f32 v6, v20;
	v4 =	vbroadcast v12, $0x0;
	v1 =	vadd.f32 v1, v40  }
0x493: {  	v3 =	vmul.f32 v3, v34  }
0x494: {  	v56 =	vmul.f32 v4, v0;
	v2 =	vadd.f32 v37, v2;
	v1 =	vadd.f32 v1, v44;
	_ =	sdelay $0x1  }
0x495: {  	v2 =	vadd.f32 v2, v3;
	v3 =	vmul.f32 v5, v52;
	v1 =	vadd.f32 v1, v56;
	_ =	sdelay $0x1  }
0x496: {  	v2 =	vadd.f32 v2, v3;
	v3 =	vmul.f32 v7, v53;
	[tilespmem:s13+$0xC400] =	vst v1  }
0x497: {  	v1 =	vld [tilespmem:s17+$0x10]  }
0x498: {  	v2 =	vadd.f32 v2, v3;
	_ =	sdelay $0x1  }
0x499: {  	s18 =	spop (v2sf);
	[tilespmem:s1+$0xC470] =	vst v2;
	v2 =	vmul.f32 v46, v54  }
0x49a: {  	v44 =	vbroadcast v57, $0x1;
	v3 =	vld [tilespmem:s18+$0x0]  }
0x49b: {  	v5 =	vmul.f32 v45, v36;
	v1 =	vadd.f32 v1, v2  }
0x49c: {  	v7 =	vmul.f32 v44, v59  }
0x49d: {  	v37 =	vmovc v57;
	[tilespmem:$0x1FC40] =	vst v57;
	v57 =	vmul.f32 v6, v61;
	v2 =	vbroadcast v26, $0x1;
	v5 =	vadd.f32 v1, v5  }
0x49e: {  	v40 =	vmov v63;
	[tilespmem:$0x1FC50] =	vst v63;
	v1 =	vbroadcast v63, $0x1;
	v63 =	vmul.f32 v4, v49  }
0x49f: {  	v3 =	vadd.f32 v3, v7;
	v7 =	vmul.f32 v2, v58;
	v5 =	vadd.f32 v5, v57  }
0x4a0: {  	v32 =	vmul.f32 v1, v20  }
0x4a1: {  	[tilespmem:$0x1FC30] =	vst v26;
	v7 =	vadd.f32 v3, v7;
	v3 =	vbroadcast v35, $0x1;
	v5 =	vadd.f32 v5, v63  }
0x4a2: {  	[tilespmem:$0x1FC60] =	vst v35  }
0x4a3: {  	v7 =	vadd.f32 v7, v32;
	v56 =	vmul.f32 v3, v0;
	[tilespmem:s13+$0xC410] =	vst v5  }
0x4a4: {  	v5 =	vld [tilespmem:s17+$0x20]  }
0x4a5: {  	v7 =	vadd.f32 v7, v56;
	_ =	sdelay $0x1  }
0x4a6: {  	[tilespmem:s1+$0xD800] =	vst v7;
	v7 =	vmul.f32 v46, v17;
	_ =	sdelay $0x1  }
0x4a7: {  	v5 =	vadd.f32 v5, v7;
	v7 =	vld [tilespmem:$0x1FF80];
	_ =	sdelay $0x1  }
0x4a8: {  	v57 =	vld [tilespmem:s18+$0x10];
	_ =	sdelay $0x2  }
0x4a9: {  	v63 =	vmul.f32 v44, v54;
	v7 =	vmul.f32 v45, v7  }
0x4aa: {  	v32 =	vmul.f32 v2, v36  }
0x4ab: {  	v8 =	vadd.f32 v57, v63;
	v5 =	vadd.f32 v5, v7;
	v7 =	vmul.f32 v6, v62  }
0x4ac: {  	v56 =	vmul.f32 v1, v61  }
0x4ad: {  	v8 =	vadd.f32 v8, v32;
	v5 =	vadd.f32 v5, v7;
	v7 =	vmul.f32 v4, v27;
	_ =	sdelay $0x1  }
0x4ae: {  	v57 =	vmul.f32 v3, v49;
	v5 =	vadd.f32 v5, v7;
	v7 =	vadd.f32 v8, v56;
	_ =	sdelay $0x1  }
0x4af: {  	[tilespmem:s13+$0xC420] =	vst v5;
	v7 =	vadd.f32 v7, v57  }
0x4b0: {  	v5 =	vld [tilespmem:s17+$0x30]  }
0x4b1: {  	[tilespmem:s1+$0xD810] =	vst v7  }
0x4b2: {  	v63 =	vld [tilespmem:s18+$0x20]  }
0x4b3: {  	v60 =	vmov v49;
	v7 =	vmul.f32 v46, v16;
	v49 =	vld [tilespmem:$0x1FF80];
	_ =	sdelay $0x1  }
0x4b4: {  	v5 =	vadd.f32 v5, v7;
	v7 =	vmul.f32 v45, v13  }
0x4b5: {  	v32 =	vmul.f32 v44, v17  }
0x4b6: {  	v5 =	vadd.f32 v5, v7;
	v7 =	vmul.f32 v6, v47  }
0x4b7: {  	v8 =	vadd.f32 v63, v32;
	v9 =	vmul.f32 v2, v49  }
0x4b8: {  	v5 =	vadd.f32 v5, v7;
	v7 =	vmul.f32 v4, v51  }
0x4b9: {  	v56 =	vmul.f32 v1, v62;
	v8 =	vadd.f32 v8, v9  }
0x4ba: {  	v5 =	vadd.f32 v5, v7  }
0x4bb: {  	v57 =	vmul.f32 v3, v27;
	v7 =	vadd.f32 v8, v56  }
0x4bc: {  	[tilespmem:s13+$0xC430] =	vst v5  }
0x4bd: {  	v7 =	vadd.f32 v7, v57;
	v5 =	vld [tilespmem:s17+$0x40];
	_ =	sdelay $0x1  }
0x4be: {  	[tilespmem:s1+$0xD820] =	vst v7  }
0x4bf: {  	v7 =	vmul.f32 v46, v25;
	v63 =	vld [tilespmem:s18+$0x30];
	_ =	sdelay $0x1  }
0x4c0: {  	v5 =	vadd.f32 v5, v7;
	v7 =	vmul.f32 v45, v14  }
0x4c1: {  	v32 =	vmul.f32 v44, v16  }
0x4c2: {  	v5 =	vadd.f32 v5, v7;
	v7 =	vmul.f32 v6, v21  }
0x4c3: {  	v49 =	vmul.f32 v2, v13;
	v8 =	vadd.f32 v63, v32  }
0x4c4: {  	v5 =	vadd.f32 v5, v7;
	v7 =	vmul.f32 v4, v28  }
0x4c5: {  	v56 =	vmul.f32 v1, v47;
	v8 =	vadd.f32 v8, v49  }
0x4c6: {  	v5 =	vadd.f32 v5, v7  }
0x4c7: {  	s14 =	simm.s32 $0x100;
	v57 =	vmul.f32 v3, v51;
	v7 =	vadd.f32 v8, v56  }
0x4c8: {  	v63 =	vld.idx.msk [tilespmem:v15+s14+$0x0 ss:$0x1], $0xffff;
	[tilespmem:s13+$0xC440] =	vst v5  }
0x4c9: {  	v7 =	vadd.f32 v7, v57;
	v5 =	vld [tilespmem:s17+$0x50]  }
0x4ca: {  	[tilespmem:$0x1FC70] =	vst v15  }
0x4cb: {  	[tilespmem:s1+$0xD830] =	vst v7  }
0x4cc: {  	v7 =	vmul.f32 v46, v41;
	v32 =	vld [tilespmem:s18+$0x40];
	_ =	sdelay $0x1  }
0x4cd: {  	v8 =	vshll.u32 v63, $0x9;
	v5 =	vadd.f32 v5, v7;
	v7 =	vmul.f32 v45, v43  }
0x4ce: {  	v31 =	vmovc v22;
	v22 =	vmov v15;
	v49 =	vmul.f32 v44, v25;
	v15 =	vshra.s32 v8, $0x2  }
0x4cf: {  	(v2sf) =	vpush v15, $0x0;
	v5 =	vadd.f32 v5, v7;
	v7 =	vmul.f32 v6, v50  }
0x4d0: {  	v57 =	vmul.f32 v2, v14;
	v56 =	vadd.f32 v32, v49  }
0x4d1: {  	v5 =	vadd.f32 v5, v7;
	v7 =	vmul.f32 v4, v31  }
0x4d2: {  	v63 =	vmul.f32 v1, v21;
	v8 =	vadd.f32 v56, v57  }
0x4d3: {  	v5 =	vadd.f32 v5, v7  }
0x4d4: {  	v32 =	vmul.f32 v3, v28;
	v7 =	vadd.f32 v8, v63  }
0x4d5: {  	[tilespmem:s13+$0xC450] =	vst v5  }
0x4d6: {  	v7 =	vadd.f32 v7, v32;
	v5 =	vld [tilespmem:s17+$0x60];
	_ =	sdelay $0x1  }
0x4d7: {  	[tilespmem:s1+$0xD840] =	vst v7  }
0x4d8: {  	v7 =	vmul.f32 v46, v42;
	v49 =	vld [tilespmem:s18+$0x50];
	_ =	sdelay $0x1  }
0x4d9: {  	s19 =	sadd.s32 $0x200, s16;
	v5 =	vadd.f32 v5, v7;
	v7 =	vmul.f32 v45, v29  }
0x4da: {  	v19 =	vld [tilespmem:s19+$0xFFFFFF00];
	v56 =	vmul.f32 v44, v41  }
0x4db: {  	v5 =	vadd.f32 v5, v7;
	v7 =	vmul.f32 v6, v55  }
0x4dc: {  	v57 =	vmul.f32 v2, v43;
	v32 =	vld [tilespmem:s19+$0xFFFFFF80];
	s20 =	spop (v2sf);
	v8 =	vadd.f32 v49, v56  }
0x4dd: {  	v41 =	vld [tilespmem:s20+$0x0];
	v5 =	vadd.f32 v5, v7;
	v7 =	vmul.f32 v4, v38  }
0x4de: {  	v63 =	vmul.f32 v1, v50;
	v49 =	vld [tilespmem:s19+$0x0];
	v8 =	vadd.f32 v8, v57  }
0x4df: {  	(v2sf) =	vpush v48, $0x1;
	v48 =	vld [tilespmem:s19+$0x80];
	v57 =	vbroadcast v19, $0x0;
	v5 =	vadd.f32 v5, v7  }
0x4e0: {  	v56 =	vmul.f32 v3, v31;
	v7 =	vadd.f32 v8, v63  }
0x4e1: {  	v63 =	vmul.f32 v57, v59;
	[tilespmem:s13+$0xC460] =	vst v5;
	v5 =	vbroadcast v32, $0x0  }
0x4e2: {  	v7 =	vadd.f32 v7, v56;
	v11 =	vld [tilespmem:s17+$0x70]  }
0x4e3: {  	v28 =	vmovc v55;
	v55 =	vbroadcast v49, $0x0;
	v31 =	vadd.f32 v41, v63;
	v50 =	vmul.f32 v5, v58  }
0x4e4: {  	v30 =	vmov v24;
	v56 =	vbroadcast v48, $0x0;
	[tilespmem:s1+$0xD850] =	vst v7  }
0x4e5: {  	v7 =	vmul.f32 v46, v30;
	[tilespmem:$0x1FC20] =	vst v12;
	v8 =	vadd.f32 v31, v50;
	v31 =	vmul.f32 v55, v20  }
0x4e6: {  	v45 =	vmul.f32 v45, v34;
	v63 =	vld [tilespmem:s18+$0x60]  }
0x4e7: {  	v46 =	vmul.f32 v56, v0;
	v7 =	vadd.f32 v11, v7;
	v8 =	vadd.f32 v8, v31  }
0x4e8: {  	v6 =	vmul.f32 v6, v52  }
0x4e9: {  	v41 =	vmovc v12;
	v12 =	vmul.f32 v44, v42;
	v7 =	vadd.f32 v7, v45;
	v8 =	vadd.f32 v8, v46  }
0x4ea: {  	v4 =	vmul.f32 v4, v53;
	v42 =	vmov v52  }
0x4eb: {  	v52 =	vmul.f32 v2, v29;
	v50 =	vadd.f32 v63, v12;
	v6 =	vadd.f32 v7, v6;
	[tilespmem:s14+$0xC400] =	vst v8  }
0x4ec: {  	v46 =	vmov v28;
	v63 =	vmul.f32 v1, v28;
	v28 =	vld [tilespmem:s20+$0x10]  }
0x4ed: {  	v7 =	vadd.f32 v50, v52;
	v4 =	vadd.f32 v6, v4;
	_ =	sdelay $0x1  }
0x4ee: {  	v6 =	vadd.f32 v7, v63;
	v7 =	vmul.f32 v3, v38;
	[tilespmem:s13+$0xC470] =	vst v4;
	v4 =	vmul.f32 v57, v54  }
0x4ef: {  	s21 =	spop (v2sf)  }
0x4f0: {  	v45 =	vmovc v29;
	v29 =	vld [tilespmem:s21+$0x0];
	v6 =	vadd.f32 v6, v7;
	v7 =	vmul.f32 v5, v36;
	v4 =	vadd.f32 v28, v4  }
0x4f1: {  	v50 =	vmov v54;
	v54 =	vbroadcast v23, $0x1  }
0x4f2: {  	v31 =	vmul.f32 v55, v61;
	[tilespmem:s1+$0xD860] =	vst v6;
	v7 =	vadd.f32 v4, v7  }
0x4f3: {  	v52 =	vbroadcast v39, $0x1;
	v6 =	vmul.f32 v54, v59;
	v9 =	vld [tilespmem:s18+$0x70]  }
0x4f4: {  	v24 =	vmovc v21;
	(v2sf) =	vpush v18, $0x2;
	v63 =	vmul.f32 v56, v60;
	v7 =	vadd.f32 v7, v31  }
0x4f5: {  	v21 =	vmovc v0;
	v0 =	vmovc v53;
	v53 =	vmul.f32 v52, v58;
	v4 =	vbroadcast v33, $0x1;
	v6 =	vadd.f32 v29, v6  }
0x4f6: {  	v11 =	vmul.f32 v44, v30;
	v7 =	vadd.f32 v7, v63  }
0x4f7: {  	v44 =	vmovc v32;
	v32 =	vmul.f32 v4, v20;
	v6 =	vadd.f32 v6, v53;
	v53 =	vbroadcast v41, $0x1  }
0x4f8: {  	v2 =	vmul.f32 v2, v34;
	v9 =	vadd.f32 v9, v11;
	[tilespmem:s14+$0xC410] =	vst v7  }
0x4f9: {  	v6 =	vadd.f32 v6, v32;
	v41 =	vmul.f32 v53, v21;
	v7 =	vld [tilespmem:s20+$0x20]  }
0x4fa: {  	v1 =	vmul.f32 v1, v42;
	v2 =	vadd.f32 v9, v2  }
0x4fb: {  	v6 =	vadd.f32 v6, v41  }
0x4fc: {  	v1 =	vadd.f32 v2, v1;
	v2 =	vmul.f32 v3, v0;
	v3 =	vmul.f32 v57, v17  }
0x4fd: {  	[tilespmem:s13+$0xD800] =	vst v6  }
0x4fe: {  	v1 =	vadd.f32 v1, v2;
	v2 =	vadd.f32 v7, v3;
	v3 =	vld [tilespmem:$0x1FF80];
	_ =	sdelay $0x2  }
0x4ff: {  	v6 =	vld [tilespmem:s21+$0x10];
	_ =	sdelay $0x1  }
0x500: {  	v3 =	vmul.f32 v5, v3  }
0x501: {  	s22 =	spop (v2sf);
	v7 =	vmul.f32 v54, v50;
	[tilespmem:s1+$0xD870] =	vst v1  }
0x502: {  	v63 =	vld [tilespmem:s22+$0x0];
	v2 =	vadd.f32 v2, v3;
	v3 =	vmul.f32 v55, v62  }
0x503: {  	v1 =	vbroadcast v37, $0x2;
	v6 =	vadd.f32 v6, v7  }
0x504: {  	v31 =	vmovc v36;
	v7 =	vmul.f32 v52, v36;
	v36 =	vmul.f32 v56, v27;
	v3 =	vadd.f32 v2, v3  }
0x505: {  	v29 =	vmov v20;
	v20 =	vbroadcast v26, $0x2;
	v34 =	vmul.f32 v1, v59  }
0x506: {  	v6 =	vadd.f32 v6, v7;
	v7 =	vmul.f32 v4, v61;
	v3 =	vadd.f32 v3, v36  }
0x507: {  	v8 =	vadd.f32 v63, v34;
	v2 =	vbroadcast v40, $0x2;
	v40 =	vmul.f32 v20, v58  }
0x508: {  	v6 =	vadd.f32 v6, v7;
	v7 =	vmul.f32 v53, v60;
	[tilespmem:s14+$0xC420] =	vst v3  }
0x509: {  	v34 =	vmovc v58;
	v8 =	vadd.f32 v8, v40;
	v58 =	vmul.f32 v2, v29;
	v3 =	vbroadcast v35, $0x2;
	v63 =	vld [tilespmem:s20+$0x30]  }
0x50a: {  	v6 =	vadd.f32 v6, v7  }
0x50b: {  	v7 =	vadd.f32 v8, v58;
	v32 =	vmul.f32 v3, v21  }
0x50c: {  	v36 =	vmul.f32 v5, v13;
	[tilespmem:s13+$0xD810] =	vst v6;
	v6 =	vmul.f32 v57, v16  }
0x50d: {  	v7 =	vadd.f32 v7, v32  }
0x50e: {  	v6 =	vadd.f32 v63, v6  }
0x50f: {  	v35 =	vld [tilespmem:s21+$0x20];
	[tilespmem:s1+$0xEC00] =	vst v7  }
0x510: {  	v40 =	vmul.f32 v55, v47;
	v6 =	vadd.f32 v6, v36;
	v36 =	vmov v47;
	v47 =	vld [tilespmem:$0x1FF80];
	_ =	sdelay $0x2  }
0x511: {  	v7 =	vmul.f32 v54, v17  }
0x512: {  	v10 =	vld [tilespmem:s22+$0x10]  }
0x513: {  	v7 =	vadd.f32 v35, v7;
	v9 =	vmul.f32 v52, v47;
	_ =	sdelay $0x1  }
0x514: {  	v30 =	vmovc v50;
	v50 =	vmul.f32 v1, v50;
	v63 =	vmul.f32 v4, v62;
	v7 =	vadd.f32 v7, v9  }
0x515: {  	v58 =	vmul.f32 v56, v51;
	v6 =	vadd.f32 v6, v40  }
0x516: {  	v32 =	vadd.f32 v10, v50;
	v50 =	vmul.f32 v53, v27;
	v7 =	vadd.f32 v7, v63  }
0x517: {  	v6 =	vadd.f32 v6, v58  }
0x518: {  	v7 =	vadd.f32 v7, v50  }
0x519: {  	v47 =	vmul.f32 v20, v31;
	[tilespmem:s14+$0xC430] =	vst v6  }
0x51a: {  	[tilespmem:s13+$0xD820] =	vst v7  }
0x51b: {  	v6 =	vadd.f32 v32, v47;
	v47 =	vld [tilespmem:$0x1FFC0];
	_ =	sdelay $0x1  }
0x51c: {  	v35 =	vmov v51;
	v51 =	vmul.f32 v2, v61;
	v58 =	vld [tilespmem:s20+$0x40];
	_ =	sdelay $0x1  }
0x51d: {  	v41 =	vmov v61;
	v61 =	vmul.f32 v3, v60;
	v6 =	vadd.f32 v6, v51  }
0x51e: {  	v7 =	vmul.f32 v57, v47  }
0x51f: {  	v6 =	vadd.f32 v6, v61  }
0x520: {  	v32 =	vmul.f32 v5, v14;
	v63 =	vld [tilespmem:s21+$0x30];
	v7 =	vadd.f32 v58, v7  }
0x521: {  	[tilespmem:s1+$0xEC10] =	vst v6  }
0x522: {  	v0 =	vld [tilespmem:$0x1FF10];
	v58 =	vmul.f32 v55, v24;
	v7 =	vadd.f32 v7, v32  }
0x523: {  	v6 =	vmul.f32 v54, v16;
	v50 =	vld [tilespmem:s22+$0x20]  }
0x524: {  	v7 =	vadd.f32 v7, v58;
	v58 =	vld [tilespmem:$0x1FF80]  }
0x525: {  	v51 =	vmov v60;
	v60 =	vmul.f32 v52, v13;
	v6 =	vadd.f32 v63, v6  }
0x526: {  	v61 =	vmul.f32 v1, v17  }
0x527: {  	v63 =	vmul.f32 v56, v0;
	v6 =	vadd.f32 v6, v60;
	v32 =	vmul.f32 v4, v36  }
0x528: {  	v50 =	vadd.f32 v50, v61;
	v60 =	vmul.f32 v53, v35  }
0x529: {  	v6 =	vadd.f32 v6, v32;
	v7 =	vadd.f32 v7, v63;
	v10 =	vmul.f32 v20, v58;
	_ =	sdelay $0x1  }
0x52a: {  	v61 =	vmul.f32 v2, v62;
	v6 =	vadd.f32 v6, v60;
	[tilespmem:s14+$0xC440] =	vst v7;
	v7 =	vadd.f32 v50, v10;
	_ =	sdelay $0x1  }
0x52b: {  	v32 =	vmul.f32 v3, v27;
	[tilespmem:s13+$0xD830] =	vst v6;
	v7 =	vadd.f32 v7, v61  }
0x52c: {  	s15 =	simm.s32 $0x180;
	v40 =	vmov v27;
	v27 =	vld [tilespmem:$0x1FE10]  }
0x52d: {  	v63 =	vld.idx.msk [tilespmem:v22+s15+$0x0 ss:$0x1], $0xffff;
	v7 =	vadd.f32 v7, v32  }
0x52e: {  	v62 =	vld [tilespmem:s20+$0x50]  }
0x52f: {  	v50 =	vld [tilespmem:s21+$0x40];
	[tilespmem:s1+$0xEC20] =	vst v7  }
0x530: {  	v26 =	vld [tilespmem:$0x1FEA0]  }
0x531: {  	v6 =	vmul.f32 v57, v27  }
0x532: {  	v28 =	vmov v21;
	v60 =	vmul.f32 v54, v47;
	v21 =	vld [tilespmem:$0x1FF20]  }
0x533: {  	v58 =	vmul.f32 v5, v43;
	v6 =	vadd.f32 v62, v6  }
0x534: {  	v62 =	vadd.f32 v50, v60;
	v7 =	vshll.u32 v63, $0x9;
	v63 =	vmul.f32 v52, v14;
	v61 =	vld [tilespmem:s22+$0x30]  }
0x535: {  	v12 =	vshra.s32 v7, $0x2;
	v6 =	vadd.f32 v6, v58;
	v7 =	vmul.f32 v55, v26  }
0x536: {  	v58 =	vmul.f32 v4, v24;
	v8 =	vadd.f32 v62, v63  }
0x537: {  	v32 =	vmul.f32 v1, v16;
	v6 =	vadd.f32 v6, v7;
	v7 =	vmul.f32 v56, v21  }
0x538: {  	v8 =	vadd.f32 v8, v58  }
0x539: {  	v6 =	vadd.f32 v6, v7;
	v7 =	vadd.f32 v61, v32;
	v61 =	vmul.f32 v53, v0;
	_ =	sdelay $0x1  }
0x53a: {  	[tilespmem:$0x1FBD0] =	vst v12;
	v8 =	vadd.f32 v8, v61  }
0x53b: {  	v60 =	vmul.f32 v20, v13;
	(v2sf) =	vpush v12, $0x0;
	[tilespmem:s14+$0xC450] =	vst v6  }
0x53c: {  	[tilespmem:s13+$0xD840] =	vst v8  }
0x53d: {  	v6 =	vadd.f32 v7, v60;
	v7 =	vmul.f32 v2, v36;
	v22 =	vld [tilespmem:$0x1FE20];
	_ =	sdelay $0x1  }
0x53e: {  	v62 =	vld [tilespmem:s20+$0x60];
	v6 =	vadd.f32 v6, v7;
	v7 =	vmul.f32 v3, v35  }
0x53f: {  	v32 =	vld [tilespmem:s21+$0x50]  }
0x540: {  	v6 =	vadd.f32 v6, v7  }
0x541: {  	v63 =	vmul.f32 v57, v22  }
0x542: {  	[tilespmem:s1+$0xEC30] =	vst v6;
	v6 =	vmul.f32 v54, v27  }
0x543: {  	v58 =	vmov v45;
	v45 =	vmul.f32 v5, v45;
	v7 =	vadd.f32 v62, v63  }
0x544: {  	s19 =	sadd.s32 $0x200, s19;
	v9 =	vmul.f32 v52, v43;
	v10 =	vld [tilespmem:s22+$0x40];
	v6 =	vadd.f32 v32, v6  }
0x545: {  	v12 =	vld [tilespmem:s19+$0xFFFFFF00];
	v60 =	vmul.f32 v55, v46;
	v7 =	vadd.f32 v7, v45  }
0x546: {  	v61 =	vmul.f32 v4, v26;
	v6 =	vadd.f32 v6, v9  }
0x547: {  	v11 =	vmul.f32 v1, v47;
	v8 =	vmul.f32 v56, v38;
	v7 =	vadd.f32 v7, v60  }
0x548: {  	v32 =	vld [tilespmem:s19+$0x0];
	v9 =	vmul.f32 v53, v21;
	v6 =	vadd.f32 v6, v61  }
0x549: {  	s18 =	spop (v2sf);
	v63 =	vmul.f32 v20, v14;
	v45 =	vld [tilespmem:s19+$0xFFFFFF80];
	v62 =	vadd.f32 v10, v11;
	v7 =	vadd.f32 v7, v8  }
0x54a: {  	v50 =	vmovc v24;
	v24 =	vmovc v46;
	v46 =	vmov v12;
	v60 =	vbroadcast v12, $0x0;
	v12 =	vld [tilespmem:s18+$0x0];
	[tilespmem:$0x1FBE0] =	vst v15;
	v6 =	vadd.f32 v6, v9  }
0x54b: {  	v8 =	vmul.f32 v2, v50;
	[tilespmem:s14+$0xC460] =	vst v7;
	v7 =	vadd.f32 v62, v63  }
0x54c: {  	(v2sf) =	vpush v15, $0x1;
	v15 =	vld [tilespmem:s19+$0x80];
	[tilespmem:s13+$0xD850] =	vst v6  }
0x54d: {  	v7 =	vadd.f32 v7, v8;
	v8 =	vmul.f32 v3, v0;
	v0 =	vld [tilespmem:$0x1FFD0]  }
0x54e: {  	v11 =	vld [tilespmem:s20+$0x70]  }
0x54f: {  	v18 =	vld [tilespmem:$0x1FFB0];
	_ =	sdelay $0x1  }
0x550: {  	v37 =	vmov v59;
	v59 =	vmul.f32 v60, v59;
	v62 =	vbroadcast v45, $0x0  }
0x551: {  	v6 =	vmul.f32 v57, v0  }
0x552: {  	v9 =	vadd.f32 v12, v59;
	v59 =	vmul.f32 v62, v34;
	v7 =	vadd.f32 v7, v8  }
0x553: {  	v61 =	vbroadcast v32, $0x0;
	v12 =	vld [tilespmem:s21+$0x60];
	[tilespmem:$0x1FBF0] =	vst v15;
	v5 =	vmul.f32 v5, v18;
	v6 =	vadd.f32 v11, v6  }
0x554: {  	v63 =	vbroadcast v15, $0x0;
	[tilespmem:s1+$0xEC40] =	vst v7;
	v57 =	vadd.f32 v9, v59  }
0x555: {  	v59 =	vmul.f32 v61, v29;
	v5 =	vadd.f32 v6, v5;
	v6 =	vmul.f32 v55, v42;
	v55 =	vld [tilespmem:$0x1FED0];
	_ =	sdelay $0x1  }
0x556: {  	v8 =	vadd.f32 v57, v59;
	v57 =	vmul.f32 v63, v28;
	_ =	sdelay $0x1  }
0x557: {  	v7 =	vmul.f32 v54, v22;
	v10 =	vld [tilespmem:s22+$0x50];
	v8 =	vadd.f32 v8, v57  }
0x558: {  	v5 =	vadd.f32 v5, v6;
	v6 =	vmul.f32 v56, v55  }
0x559: {  	v7 =	vadd.f32 v12, v7;
	v12 =	vld [tilespmem:$0x1FF80];
	v59 =	vmul.f32 v52, v58;
	[tilespmem:s15+$0xC400] =	vst v8  }
0x55a: {  	v9 =	vld [tilespmem:s18+$0x10];
	v56 =	vmul.f32 v1, v27;
	v5 =	vadd.f32 v5, v6  }
0x55b: {  	v7 =	vadd.f32 v7, v59;
	v57 =	vmul.f32 v4, v24  }
0x55c: {  	v15 =	vmov v58;
	s17 =	spop (v2sf);
	v58 =	vmul.f32 v20, v43;
	v6 =	vadd.f32 v10, v56;
	[tilespmem:s14+$0xC470] =	vst v5  }
0x55d: {  	v43 =	vmul.f32 v60, v30;
	v59 =	vmul.f32 v53, v38;
	v7 =	vadd.f32 v7, v57;
	v11 =	vld [tilespmem:s17+$0x0]  }
0x55e: {  	v57 =	vbroadcast v44, $0x1;
	v5 =	vadd.f32 v6, v58;
	v6 =	vmul.f32 v2, v26;
	v58 =	vld [tilespmem:$0x1FC00]  }
0x55f: {  	v7 =	vadd.f32 v7, v59;
	v59 =	vbroadcast v19, $0x1;
	v8 =	vadd.f32 v9, v43  }
0x560: {  	v43 =	vmul.f32 v62, v31;
	v5 =	vadd.f32 v5, v6;
	v6 =	vmul.f32 v3, v21  }
0x561: {  	v56 =	vmul.f32 v63, v51;
	[tilespmem:s13+$0xD860] =	vst v7;
	v7 =	vmul.f32 v59, v37  }
0x562: {  	v10 =	vld [tilespmem:s21+$0x70];
	v5 =	vadd.f32 v5, v6;
	v6 =	vadd.f32 v8, v43;
	v43 =	vmul.f32 v57, v34  }
0x563: {  	(v2sf) =	vpush v58, $0x2;
	v58 =	vbroadcast v49, $0x1;
	v7 =	vadd.f32 v11, v7  }
0x564: {  	v26 =	vmov v51;
	v51 =	vbroadcast v48, $0x1;
	v8 =	vmul.f32 v61, v41  }
0x565: {  	[tilespmem:s1+$0xEC50] =	vst v5;
	v5 =	vmul.f32 v54, v0;
	v7 =	vadd.f32 v7, v43;
	v43 =	vmul.f32 v58, v29  }
0x566: {  	v52 =	vmul.f32 v52, v18;
	v6 =	vadd.f32 v6, v8  }
0x567: {  	v54 =	vmul.f32 v51, v28;
	v5 =	vadd.f32 v10, v5;
	v7 =	vadd.f32 v7, v43  }
0x568: {  	v6 =	vadd.f32 v6, v56  }
0x569: {  	v4 =	vmul.f32 v4, v42;
	v5 =	vadd.f32 v5, v52;
	v7 =	vadd.f32 v7, v54  }
0x56a: {  	v11 =	vld [tilespmem:s22+$0x60];
	[tilespmem:s15+$0xC410] =	vst v6  }
0x56b: {  	v4 =	vadd.f32 v5, v4;
	v5 =	vmul.f32 v53, v55;
	[tilespmem:s14+$0xD800] =	vst v7  }
0x56c: {  	v52 =	vmul.f32 v2, v24;
	v24 =	vld [tilespmem:$0x1FE90]  }
0x56d: {  	v56 =	vmul.f32 v1, v22;
	v4 =	vadd.f32 v4, v5  }
0x56e: {  	v6 =	vld [tilespmem:s18+$0x20]  }
0x56f: {  	v22 =	vmov v32;
	v43 =	vmul.f32 v20, v15;
	v32 =	vadd.f32 v11, v56;
	[tilespmem:s13+$0xD870] =	vst v4  }
0x570: {  	v21 =	vld [tilespmem:$0x1FE60]  }
0x571: {  	v7 =	vadd.f32 v32, v43;
	v53 =	vmul.f32 v60, v24  }
0x572: {  	v56 =	vmul.f32 v62, v12  }
0x573: {  	v54 =	vld [tilespmem:s17+$0x10];
	v5 =	vadd.f32 v7, v52;
	v7 =	vmul.f32 v3, v38;
	v6 =	vadd.f32 v6, v53;
	_ =	sdelay $0x1  }
0x574: {  	v5 =	vadd.f32 v5, v7;
	v7 =	vmul.f32 v61, v21;
	v6 =	vadd.f32 v6, v56  }
0x575: {  	v4 =	vmul.f32 v59, v30  }
0x576: {  	v32 =	vld [tilespmem:$0x1FC10];
	[tilespmem:s1+$0xEC60] =	vst v5;
	v5 =	vadd.f32 v6, v7;
	v6 =	vmul.f32 v63, v40  }
0x577: {  	v38 =	vmul.f32 v57, v31;
	v4 =	vadd.f32 v54, v4  }
0x578: {  	s11 =	spop (v2sf);
	v5 =	vadd.f32 v5, v6  }
0x579: {  	v43 =	vmul.f32 v58, v41;
	v9 =	vld [tilespmem:s11+$0x0];
	v4 =	vadd.f32 v4, v38  }
0x57a: {  	v11 =	vbroadcast v23, $0x2;
	[tilespmem:s15+$0xC420] =	vst v5  }
0x57b: {  	v4 =	vadd.f32 v4, v43;
	v43 =	vmul.f32 v1, v0;
	v0 =	vld [tilespmem:$0x1FC20]  }
0x57c: {  	v53 =	vbroadcast v39, $0x2;
	v7 =	vmul.f32 v11, v37;
	_ =	sdelay $0x1  }
0x57d: {  	v54 =	vbroadcast v33, $0x2;
	v10 =	vld [tilespmem:s22+$0x70];
	v6 =	vadd.f32 v9, v7;
	v7 =	vmul.f32 v53, v34  }
0x57e: {  	(v2sf) =	vpush v32, $0x3  }
0x57f: {  	v5 =	vadd.f32 v6, v7;
	v6 =	vmul.f32 v54, v29;
	v38 =	vbroadcast v0, $0x2  }
0x580: {  	v32 =	vmul.f32 v51, v26  }
0x581: {  	v5 =	vadd.f32 v5, v6;
	v6 =	vmul.f32 v38, v28  }
0x582: {  	v1 =	vmul.f32 v20, v18;
	v4 =	vadd.f32 v4, v32;
	v7 =	vadd.f32 v10, v43  }
0x583: {  	v52 =	vld [tilespmem:s18+$0x30];
	v5 =	vadd.f32 v5, v6  }
0x584: {  	v2 =	vmul.f32 v2, v42;
	[tilespmem:s14+$0xD810] =	vst v4;
	v1 =	vadd.f32 v7, v1  }
0x585: {  	v6 =	vld [tilespmem:s17+$0x20];
	[tilespmem:s13+$0xEC00] =	vst v5  }
0x586: {  	v4 =	vmul.f32 v60, v16;
	v1 =	vadd.f32 v1, v2;
	v2 =	vmul.f32 v3, v55;
	v15 =	vmovc v0;
	v0 =	vld [tilespmem:$0x1FC30];
	_ =	sdelay $0x1  }
0x587: {  	v3 =	vadd.f32 v52, v4;
	v4 =	vmul.f32 v62, v13;
	v1 =	vadd.f32 v1, v2  }
0x588: {  	v5 =	vmul.f32 v59, v24  }
0x589: {  	v2 =	vadd.f32 v3, v4;
	v7 =	vld [tilespmem:s11+$0x10];
	[tilespmem:s1+$0xEC70] =	vst v1  }
0x58a: {  	v3 =	vmul.f32 v61, v36;
	v55 =	vbroadcast v0, $0x3;
	v0 =	vadd.f32 v6, v5;
	v6 =	vld [tilespmem:$0x1FC40];
	_ =	sdelay $0x1  }
0x58b: {  	v2 =	vadd.f32 v2, v3;
	v3 =	vmul.f32 v63, v35;
	v1 =	vmul.f32 v11, v30  }
0x58c: {  	s9 =	spop (v2sf);
	v4 =	vmul.f32 v57, v12  }
0x58d: {  	v2 =	vadd.f32 v2, v3;
	v3 =	vmul.f32 v53, v31;
	v5 =	vld [tilespmem:s9+$0x0];
	v1 =	vadd.f32 v7, v1  }
0x58e: {  	v0 =	vadd.f32 v0, v4;
	v4 =	vmul.f32 v58, v21;
	v43 =	vbroadcast v6, $0x3  }
0x58f: {  	[tilespmem:s15+$0xC430] =	vst v2;
	v1 =	vadd.f32 v1, v3  }
0x590: {  	v3 =	vld [tilespmem:$0x1FC50];
	v0 =	vadd.f32 v0, v4;
	v4 =	vmul.f32 v51, v40;
	v6 =	vmul.f32 v43, v37;
	_ =	sdelay $0x1  }
0x591: {  	v0 =	vadd.f32 v0, v4;
	v4 =	vadd.f32 v5, v6;
	v6 =	vld [tilespmem:$0x1FC60];
	_ =	sdelay $0x1  }
0x592: {  	v2 =	vmul.f32 v54, v41  }
0x593: {  	v42 =	vbroadcast v3, $0x3;
	v3 =	vld [tilespmem:s18+$0x40];
	v5 =	vmul.f32 v55, v34  }
0x594: {  	v1 =	vadd.f32 v1, v2;
	v2 =	vmul.f32 v38, v26  }
0x595: {  	[tilespmem:s14+$0xD820] =	vst v0;
	v0 =	vadd.f32 v4, v5;
	v4 =	vmul.f32 v42, v29;
	v40 =	vbroadcast v6, $0x3  }
0x596: {  	v5 =	vmul.f32 v60, v47  }
0x597: {  	v1 =	vadd.f32 v1, v2;
	v0 =	vadd.f32 v0, v4;
	v2 =	vmul.f32 v40, v28  }
0x598: {  	v3 =	vadd.f32 v3, v5;
	v4 =	vmul.f32 v62, v14  }
0x599: {  	v0 =	vadd.f32 v0, v2  }
0x59a: {  	[tilespmem:s13+$0xEC10] =	vst v1;
	v2 =	vadd.f32 v3, v4;
	v3 =	vmul.f32 v61, v50  }
0x59b: {  	[tilespmem:s1+$0x10000] =	vst v0  }
0x59c: {  	v2 =	vadd.f32 v2, v3;
	v3 =	vld [tilespmem:$0x1FF10]  }
0x59d: {  	v6 =	vld [tilespmem:s17+$0x30];
	_ =	sdelay $0x2  }
0x59e: {  	v1 =	vmul.f32 v59, v16  }
0x59f: {  	v3 =	vmul.f32 v63, v3  }
0x5a0: {  	v4 =	vmul.f32 v57, v13;
	v1 =	vadd.f32 v6, v1  }
0x5a1: {  	v2 =	vadd.f32 v2, v3  }
0x5a2: {  	v1 =	vadd.f32 v1, v4;
	v4 =	vmul.f32 v58, v36  }
0x5a3: {  	[tilespmem:s15+$0xC440] =	vst v2  }
0x5a4: {  	v4 =	vadd.f32 v1, v4;
	v1 =	vld [tilespmem:$0x1FC70];
	_ =	sdelay $0x1  }
0x5a5: {  	v5 =	vld [tilespmem:s11+$0x20]  }
0x5a6: {  	v6 =	vld [tilespmem:s9+$0x10];
	_ =	sdelay $0x1  }
0x5a7: {  	v0 =	vmul.f32 v11, v24  }
0x5a8: {  	v56 =	vmul.f32 v43, v30  }
0x5a9: {  	s16 =	simm.s32 $0x200;
	v7 =	vmul.f32 v51, v35;
	v0 =	vadd.f32 v5, v0;
	v3 =	vmul.f32 v53, v12  }
0x5aa: {  	v41 =	vmov v55;
	v37 =	vadd.f32 v6, v56;
	v2 =	vmul.f32 v54, v21;
	v5 =	vld.idx.msk [tilespmem:v1+s16+$0x0 ss:$0x1], $0xffff  }
0x5ab: {  	s8 =	sshll.u32 s8, $0x2;
	s20 =	simm.s32 $0xA00;
	v47 =	vmovc v11;
	v1 =	vadd.f32 v0, v3;
	v3 =	vadd.f32 v4, v7;
	v4 =	vld [tilespmem:s18+$0x50];
	v0 =	vmul.f32 v41, v31  }
.LBB2_6:
0x5ac: {  	[tilespmem:$0x1FAD0] =	vst v33;
	v33 =	vld [tilespmem:$0x1FEF0];
	_ =	sdelay $0x3  }
0x5ad: {  	v18 =	vld [tilespmem:$0x1FE10]  }
0x5ae: {  	v29 =	vld [tilespmem:$0x1FE50];
	v1 =	vadd.f32 v1, v2;
	v2 =	vmul.f32 v38, v33  }
0x5af: {  	v27 =	vld [tilespmem:$0x1FEC0]  }
0x5b0: {  	v32 =	vld [tilespmem:$0x1FEE0];
	[tilespmem:s14+$0xD830] =	vst v3;
	v1 =	vadd.f32 v1, v2  }
0x5b1: {  	v7 =	vld [tilespmem:s17+$0x40]  }
0x5b2: {  	v6 =	vmul.f32 v60, v18;
	[tilespmem:s13+$0xEC20] =	vst v1;
	v1 =	vshll.u32 v5, $0x9;
	v5 =	vmul.f32 v59, v25;
	v25 =	vld [tilespmem:$0x1FEA0]  }
0x5b3: {  	v0 =	vadd.f32 v37, v0;
	v3 =	vmul.f32 v42, v29;
	v8 =	vld [tilespmem:s11+$0x30]  }
0x5b4: {  	v55 =	vmov v38;
	v38 =	vld [tilespmem:$0x1FF20];
	v4 =	vadd.f32 v4, v6;
	v6 =	vmul.f32 v62, v27  }
0x5b5: {  	v35 =	vld [tilespmem:$0x1FE70];
	v0 =	vadd.f32 v0, v3;
	v2 =	vmul.f32 v40, v32  }
0x5b6: {  	v3 =	vshra.s32 v1, $0x2;
	v1 =	vadd.f32 v4, v6;
	v6 =	vmul.f32 v47, v16  }
0x5b7: {  	v24 =	vld [tilespmem:$0x1FE80];
	v0 =	vadd.f32 v0, v2;
	v2 =	vmul.f32 v61, v25  }
0x5b8: {  	[tilespmem:$0x1FAB0] =	vst v23;
	v28 =	vmul.f32 v53, v13;
	v23 =	vld [tilespmem:$0x1FF70];
	v6 =	vadd.f32 v8, v6  }
0x5b9: {  	v37 =	vld [tilespmem:$0x1FF10];
	[tilespmem:s1+$0x10010] =	vst v0;
	v1 =	vadd.f32 v1, v2;
	v2 =	vmul.f32 v63, v38  }
0x5ba: {  	s19 =	sadd.s32 $0x200, s19;
	v31 =	vmul.f32 v54, v35;
	v4 =	vadd.f32 v7, v5;
	v7 =	vld [tilespmem:s9+$0x20];
	v6 =	vadd.f32 v6, v28  }
0x5bb: {  	v9 =	vbroadcast v15, $0x3;
	v15 =	vld [tilespmem:s19+$0x80];
	v0 =	vmov v48;
	v10 =	vadd.f32 v1, v2  }
0x5bc: {  	[tilespmem:$0x1FC20] =	vst v0;
	v8 =	vadd.f32 v6, v31;
	v6 =	vld [tilespmem:$0x1FE20]  }
0x5bd: {  	v0 =	vld [tilespmem:s19+$0x0];
	[tilespmem:s15+$0xC450] =	vst v10  }
0x5be: {  	v5 =	vmul.f32 v57, v14;
	v10 =	vld [tilespmem:s18+$0x60]  }
0x5bf: {  	v36 =	vld [tilespmem:$0x1FF00]  }
0x5c0: {  	v4 =	vadd.f32 v4, v5;
	v5 =	vmul.f32 v58, v24;
	v2 =	vbroadcast v39, $0x3;
	v39 =	vld [tilespmem:$0x1FF30]  }
0x5c1: {  	v13 =	vmul.f32 v60, v6  }
0x5c2: {  	v56 =	vld [tilespmem:$0x1FBF0];
	v30 =	vmul.f32 v43, v17;
	(v2sf) =	vpush v3, $0x0;
	v4 =	vadd.f32 v4, v5  }
0x5c3: {  	v50 =	vld [tilespmem:$0x1FF40];
	v5 =	vmul.f32 v51, v37;
	v10 =	vadd.f32 v10, v13;
	v13 =	vmul.f32 v62, v23  }
0x5c4: {  	v11 =	vmul.f32 v55, v36;
	v7 =	vadd.f32 v7, v30;
	v30 =	vld [tilespmem:$0x1FE60]  }
0x5c5: {  	[tilespmem:$0x1FB30] =	vst v9;
	v5 =	vadd.f32 v4, v5;
	v17 =	vld [tilespmem:s19+$0xFFFFFF80];
	v10 =	vadd.f32 v10, v13;
	v13 =	vmul.f32 v61, v39  }
0x5c6: {  	[tilespmem:$0x1FAE0] =	vst v2;
	v2 =	vld [tilespmem:s19+$0xFFFFFF00];
	v8 =	vadd.f32 v8, v11  }
0x5c7: {  	v34 =	vmul.f32 v41, v12;
	v16 =	vmov v45;
	[tilespmem:s14+$0xD840] =	vst v5;
	v45 =	vadd.f32 v10, v13;
	v13 =	vld [tilespmem:$0x1FFC0]  }
0x5c8: {  	v14 =	vld [tilespmem:s17+$0x50];
	[tilespmem:s13+$0xEC30] =	vst v8  }
0x5c9: {  	[tilespmem:$0x1FB10] =	vst v16;
	v9 =	vadd.f32 v7, v34;
	v7 =	vbroadcast v16, $0x1;
	v16 =	vld [tilespmem:s11+$0x40];
	_ =	sdelay $0x1  }
0x5ca: {  	v12 =	vmul.f32 v42, v30  }
0x5cb: {  	v13 =	vmul.f32 v47, v13  }
0x5cc: {  	v1 =	vmov v44;
	v44 =	vmul.f32 v40, v33;
	v9 =	vadd.f32 v9, v12  }
0x5cd: {  	v52 =	vmul.f32 v63, v50;
	v48 =	vmov v56;
	v56 =	vadd.f32 v16, v13;
	v13 =	vld [tilespmem:$0x1FFA0]  }
0x5ce: {  	[tilespmem:$0x1FBF0] =	vst v15;
	v12 =	vbroadcast v15, $0x0;
	v15 =	vmul.f32 v59, v18;
	v9 =	vadd.f32 v9, v44  }
0x5cf: {  	[tilespmem:$0x1FAC0] =	vst v19;
	v5 =	vbroadcast v19, $0x2;
	v19 =	vld [tilespmem:$0x1FEB0]  }
0x5d0: {  	v44 =	vld [tilespmem:$0x1FFD0];
	v14 =	vadd.f32 v14, v15;
	v15 =	vmul.f32 v57, v27;
	[tilespmem:s1+$0x10020] =	vst v9;
	v9 =	vadd.f32 v45, v52  }
0x5d1: {  	s21 =	spop (v2sf);
	v18 =	vld [tilespmem:s9+$0x30]  }
0x5d2: {  	v14 =	vadd.f32 v14, v15;
	v15 =	vmul.f32 v58, v25;
	v20 =	vld [tilespmem:s21+$0x0];
	[tilespmem:s15+$0xC460] =	vst v9;
	v13 =	vmul.f32 v53, v13  }
0x5d3: {  	v21 =	vld [tilespmem:s18+$0x70]  }
0x5d4: {  	v14 =	vadd.f32 v14, v15;
	v15 =	vmul.f32 v51, v38;
	v28 =	vadd.f32 v56, v13;
	v13 =	vld [tilespmem:$0x1FF60]  }
0x5d5: {  	v31 =	vmul.f32 v54, v24;
	v16 =	vld [tilespmem:$0x1FE00]  }
0x5d6: {  	v26 =	vld [tilespmem:$0x1FFB0];
	[tilespmem:$0x1FB20] =	vst v0;
	v34 =	vmul.f32 v55, v37;
	v8 =	vbroadcast v0, $0x0;
	v14 =	vadd.f32 v14, v15  }
0x5d7: {  	[tilespmem:$0x1FAF0] =	vst v17;
	v11 =	vbroadcast v17, $0x0;
	v19 =	vmul.f32 v43, v19;
	v45 =	vld [tilespmem:$0x1FFE0];
	v9 =	vadd.f32 v28, v31  }
0x5d8: {  	v0 =	vld [tilespmem:$0x1FBD0];
	v17 =	vbroadcast v2, $0x0;
	[tilespmem:s14+$0xD850] =	vst v14;
	v14 =	vmul.f32 v60, v44  }
0x5d9: {  	v15 =	vadd.f32 v18, v19;
	v9 =	vadd.f32 v9, v34;
	v34 =	vld [tilespmem:$0x1FF90];
	v13 =	vmul.f32 v41, v13  }
0x5da: {  	v14 =	vadd.f32 v21, v14;
	v21 =	vld [tilespmem:$0x1FF50];
	v16 =	vmul.f32 v17, v16  }
0x5db: {  	v18 =	vmul.f32 v42, v35;
	v13 =	vadd.f32 v15, v13  }
0x5dc: {  	v19 =	vmul.f32 v11, v45;
	v16 =	vadd.f32 v20, v16  }
0x5dd: {  	v52 =	vmul.f32 v40, v36;
	v31 =	vld [tilespmem:$0x1FE40];
	v13 =	vadd.f32 v13, v18;
	v18 =	vmul.f32 v62, v26  }
0x5de: {  	(v2sf) =	vpush v0, $0x1;
	v60 =	vmovc v17;
	v16 =	vadd.f32 v16, v19;
	v19 =	vld [tilespmem:$0x1FE20];
	v17 =	vmul.f32 v8, v34  }
0x5df: {  	v15 =	vld [tilespmem:s17+$0x60];
	[tilespmem:s13+$0xEC40] =	vst v9;
	v10 =	vadd.f32 v13, v52;
	v28 =	vadd.f32 v14, v18;
	v13 =	vmul.f32 v61, v21  }
0x5e0: {  	v56 =	vadd.f32 v16, v17;
	v17 =	vld [tilespmem:s11+$0x50]  }
0x5e1: {  	[tilespmem:s1+$0x10030] =	vst v10;
	v10 =	vadd.f32 v28, v13;
	v28 =	vld [tilespmem:$0x1FED0]  }
0x5e2: {  	v16 =	vmul.f32 v12, v31;
	v13 =	vld [tilespmem:$0x1FE10]  }
0x5e3: {  	v19 =	vmul.f32 v59, v19  }
0x5e4: {  	v61 =	vmov v8;
	v8 =	vadd.f32 v56, v16  }
0x5e5: {  	v20 =	vld [tilespmem:$0x1FE30];
	v56 =	vadd.f32 v15, v19;
	v15 =	vmul.f32 v57, v23  }
0x5e6: {  	s18 =	smov.u32 s21;
	v14 =	vbroadcast v46, $0x1;
	v16 =	vld [tilespmem:s9+$0x40];
	[tilespmem:s16+$0xC400] =	vst v8  }
0x5e7: {  	v52 =	vmovc v46;
	v8 =	vadd.f32 v56, v15;
	v15 =	vld [tilespmem:s18+$0x10];
	v46 =	vmul.f32 v63, v28;
	v13 =	vmul.f32 v47, v13;
	_ =	sdelay $0x1  }
0x5e8: {  	v10 =	vadd.f32 v10, v46;
	v46 =	vadd.f32 v17, v13;
	v13 =	vmul.f32 v53, v27;
	v17 =	vld [tilespmem:$0x1FFC0]  }
0x5e9: {  	v18 =	vmul.f32 v60, v20;
	v56 =	vmul.f32 v58, v39  }
0x5ea: {  	[tilespmem:s15+$0xC470] =	vst v10;
	v10 =	vadd.f32 v46, v13;
	v13 =	vld [tilespmem:$0x1FFA0]  }
0x5eb: {  	v8 =	vadd.f32 v8, v56;
	v56 =	vmul.f32 v51, v50;
	v15 =	vadd.f32 v15, v18;
	v18 =	vld [tilespmem:$0x1FFF0]  }
0x5ec: {  	[tilespmem:$0x1FB00] =	vst v22;
	v6 =	vbroadcast v22, $0x1;
	v22 =	vld [tilespmem:$0x1FE00]  }
0x5ed: {  	s22 =	spop (v2sf);
	v17 =	vmul.f32 v43, v17  }
0x5ee: {  	v8 =	vadd.f32 v8, v56;
	v46 =	vmul.f32 v54, v25;
	v19 =	vld [tilespmem:s22+$0x0]  }
0x5ef: {  	v62 =	vmovc v11;
	v56 =	vmovc v54;
	v54 =	vmov v53;
	v53 =	vld [tilespmem:$0x1FBE0];
	v13 =	vmul.f32 v41, v13;
	v9 =	vadd.f32 v16, v17  }
0x5f0: {  	v11 =	vmul.f32 v55, v38;
	v63 =	vmovc v12;
	v10 =	vadd.f32 v10, v46;
	v16 =	vmul.f32 v62, v18  }
0x5f1: {  	v12 =	vmul.f32 v42, v24;
	[tilespmem:s14+$0xD860] =	vst v8;
	v8 =	vadd.f32 v9, v13;
	v9 =	vmul.f32 v14, v22  }
0x5f2: {  	v10 =	vadd.f32 v10, v11;
	v11 =	vmul.f32 v40, v37;
	v13 =	vld [tilespmem:s17+$0x70];
	v15 =	vadd.f32 v15, v16  }
0x5f3: {  	v16 =	vmul.f32 v61, v29;
	v8 =	vadd.f32 v8, v12;
	v9 =	vadd.f32 v19, v9;
	v19 =	vld [tilespmem:$0x1FE20]  }
0x5f4: {  	(v2sf) =	vpush v53, $0x2;
	v17 =	vmul.f32 v59, v44;
	[tilespmem:s13+$0xEC50] =	vst v10;
	v12 =	vmul.f32 v7, v45  }
0x5f5: {  	v10 =	vadd.f32 v15, v16;
	v15 =	vmul.f32 v63, v32;
	v16 =	vld [tilespmem:s11+$0x60];
	v8 =	vadd.f32 v8, v11  }
0x5f6: {  	v9 =	vadd.f32 v9, v12;
	v11 =	vmul.f32 v6, v34;
	v12 =	vbroadcast v48, $0x1  }
0x5f7: {  	v59 =	vmovc v14;
	v14 =	vmul.f32 v57, v26;
	v10 =	vadd.f32 v10, v15;
	v13 =	vadd.f32 v13, v17  }
0x5f8: {  	v46 =	vld [tilespmem:$0x1FE10];
	[tilespmem:s1+$0x10040] =	vst v8;
	v8 =	vadd.f32 v9, v11;
	v9 =	vmul.f32 v12, v31;
	v11 =	vmul.f32 v47, v19  }
0x5f9: {  	v57 =	vmov v7;
	v15 =	vld [tilespmem:s9+$0x50];
	[tilespmem:s16+$0xC410] =	vst v10;
	v7 =	vadd.f32 v13, v14;
	v10 =	vmul.f32 v58, v21  }
0x5fa: {  	v58 =	vmov v6;
	v8 =	vadd.f32 v8, v9;
	v9 =	vadd.f32 v16, v11  }
0x5fb: {  	v11 =	vmul.f32 v54, v23;
	v6 =	vadd.f32 v7, v10;
	v7 =	vmul.f32 v51, v28;
	v51 =	vmovc v12;
	v12 =	vld [tilespmem:$0x1FE90];
	_ =	sdelay $0x1  }
0x5fc: {  	v14 =	vld [tilespmem:s18+$0x20];
	v10 =	vmul.f32 v43, v46;
	v46 =	vmul.f32 v56, v39;
	[tilespmem:s15+$0xD800] =	vst v8;
	v8 =	vadd.f32 v9, v11;
	_ =	sdelay $0x1  }
0x5fd: {  	v8 =	vadd.f32 v8, v46;
	v46 =	vmul.f32 v55, v50  }
0x5fe: {  	v12 =	vmul.f32 v60, v12  }
0x5ff: {  	v8 =	vadd.f32 v8, v46;
	v46 =	vld [tilespmem:$0x1FC00]  }
0x600: {  	v12 =	vadd.f32 v14, v12;
	v14 =	vld [tilespmem:$0x1FF80];
	_ =	sdelay $0x1  }
0x601: {  	s17 =	smov.u32 s22  }
0x602: {  	v11 =	vmul.f32 v41, v27;
	v16 =	vld [tilespmem:s17+$0x10];
	v6 =	vadd.f32 v6, v7;
	v7 =	vadd.f32 v15, v10  }
0x603: {  	v25 =	vmul.f32 v42, v25;
	v13 =	vmul.f32 v40, v38  }
0x604: {  	[tilespmem:s14+$0xD870] =	vst v6;
	s22 =	spop (v2sf);
	v6 =	vadd.f32 v7, v11;
	(v2sf) =	vpush v46, $0x3;
	v46 =	vmovc v0;
	v14 =	vmul.f32 v62, v14  }
0x605: {  	v15 =	vmov v53;
	v10 =	vmul.f32 v5, v22;
	v7 =	vmul.f32 v59, v20;
	v11 =	vld [tilespmem:s22+$0x0]  }
0x606: {  	v6 =	vadd.f32 v6, v25;
	[tilespmem:s13+$0xEC60] =	vst v8;
	v53 =	vadd.f32 v12, v14;
	v12 =	vmul.f32 v61, v30  }
0x607: {  	v4 =	vbroadcast v1, $0x2;
	v38 =	vld [tilespmem:$0x1FC20];
	[tilespmem:$0x1FBE0] =	vst v46;
	v46 =	vmovc v3;
	v3 =	vadd.f32 v16, v7;
	v7 =	vmul.f32 v57, v18  }
0x608: {  	v6 =	vadd.f32 v6, v13;
	[tilespmem:$0x1FBD0] =	vst v46;
	v46 =	vmul.f32 v63, v33;
	v53 =	vadd.f32 v53, v12;
	v12 =	vld [tilespmem:s11+$0x70]  }
0x609: {  	v13 =	vbroadcast v49, $0x2;
	v3 =	vadd.f32 v3, v7;
	v7 =	vmul.f32 v58, v29  }
0x60a: {  	v9 =	vadd.f32 v11, v10;
	[tilespmem:s1+$0x10050] =	vst v6;
	v8 =	vadd.f32 v53, v46;
	v53 =	vmul.f32 v4, v45  }
0x60b: {  	v6 =	vmul.f32 v51, v32;
	v11 =	vld [tilespmem:s9+$0x60];
	v3 =	vadd.f32 v3, v7;
	v7 =	vmul.f32 v47, v44  }
0x60c: {  	v47 =	vmovc v5;
	[tilespmem:s16+$0xC420] =	vst v8;
	v5 =	vadd.f32 v9, v53;
	v8 =	vmul.f32 v13, v34;
	v9 =	vbroadcast v38, $0x2  }
0x60d: {  	v3 =	vadd.f32 v3, v6;
	v6 =	vadd.f32 v12, v7;
	v7 =	vmul.f32 v54, v26  }
0x60e: {  	v54 =	vmul.f32 v43, v19;
	v53 =	vmovc v4;
	v4 =	vadd.f32 v5, v8;
	v5 =	vmul.f32 v9, v31  }
0x60f: {  	v46 =	vld [tilespmem:s18+$0x30];
	[tilespmem:s15+$0xD810] =	vst v3;
	v3 =	vadd.f32 v6, v7;
	v6 =	vmul.f32 v56, v21  }
0x610: {  	v27 =	vld [tilespmem:$0x1FE90];
	v7 =	vmul.f32 v41, v23;
	v4 =	vadd.f32 v4, v5;
	v5 =	vadd.f32 v11, v54  }
0x611: {  	v16 =	vld [tilespmem:$0x1FEB0];
	v3 =	vadd.f32 v3, v6  }
0x612: {  	v14 =	vld [tilespmem:s17+$0x20];
	v6 =	vmul.f32 v55, v28;
	v55 =	vmul.f32 v42, v39;
	[tilespmem:s14+$0xEC00] =	vst v4;
	v4 =	vadd.f32 v5, v7;
	_ =	sdelay $0x1  }
0x613: {  	v4 =	vadd.f32 v4, v55;
	v55 =	vld [tilespmem:$0x1FF80];
	_ =	sdelay $0x1  }
0x614: {  	v0 =	vld [tilespmem:$0x1FAB0];
	v12 =	vmul.f32 v60, v16  }
0x615: {  	v5 =	vmul.f32 v59, v27  }
0x616: {  	v56 =	vadd.f32 v46, v12;
	v46 =	vld [tilespmem:$0x1FF60]  }
0x617: {  	v5 =	vadd.f32 v14, v5;
	v8 =	vmul.f32 v57, v55;
	_ =	sdelay $0x1  }
0x618: {  	v5 =	vadd.f32 v5, v8;
	v8 =	vbroadcast v0, $0x3;
	v0 =	vld [tilespmem:$0x1FAC0];
	_ =	sdelay $0x1  }
0x619: {  	s11 =	smov.u32 s22;
	v10 =	vmul.f32 v62, v46  }
0x61a: {  	v7 =	vld [tilespmem:s11+$0x10];
	v3 =	vadd.f32 v3, v6;
	v6 =	vmul.f32 v40, v50  }
0x61b: {  	[tilespmem:$0x1FC00] =	vst v15;
	v15 =	vmovc v38;
	v38 =	vmov v9;
	v50 =	vmul.f32 v61, v35;
	v9 =	vadd.f32 v56, v10  }
0x61c: {  	v4 =	vadd.f32 v4, v6;
	v23 =	vmov v0;
	v0 =	vld [tilespmem:$0x1FAD0]  }
0x61d: {  	[tilespmem:s13+$0xEC70] =	vst v3;
	v46 =	vmul.f32 v63, v36;
	v56 =	vmul.f32 v47, v20;
	v3 =	vadd.f32 v9, v50  }
0x61e: {  	s22 =	spop (v2sf)  }
0x61f: {  	v55 =	vmul.f32 v53, v18;
	v50 =	vld [tilespmem:s22+$0x0];
	v7 =	vadd.f32 v7, v56;
	[tilespmem:s1+$0x10060] =	vst v4;
	v3 =	vadd.f32 v3, v46  }
0x620: {  	v54 =	vmov v13;
	v56 =	vld [tilespmem:s9+$0x70]  }
0x621: {  	[tilespmem:s16+$0xC430] =	vst v3;
	v3 =	vadd.f32 v7, v55;
	v7 =	vmul.f32 v54, v29;
	v29 =	vbroadcast v0, $0x3;
	v0 =	vld [tilespmem:$0x1FAE0]  }
0x622: {  	v39 =	vmov v1;
	v1 =	vld [tilespmem:$0x1FB00];
	v6 =	vmul.f32 v58, v30;
	_ =	sdelay $0x1  }
0x623: {  	v4 =	vadd.f32 v5, v6;
	v5 =	vmul.f32 v51, v33;
	v6 =	vmul.f32 v8, v22  }
0x624: {  	v17 =	vld [tilespmem:$0x1FFC0]  }
0x625: {  	v14 =	vld [tilespmem:$0x1FFA0];
	v4 =	vadd.f32 v4, v5;
	v5 =	vadd.f32 v50, v6;
	v6 =	vmul.f32 v0, v45  }
0x626: {  	v33 =	vmov v49;
	v49 =	vmov v1;
	v1 =	vld [tilespmem:$0x1FB20]  }
0x627: {  	v46 =	vmovc v2;
	v2 =	vadd.f32 v5, v6;
	v5 =	vmul.f32 v41, v26;
	v41 =	vmov v0;
	v0 =	vld [tilespmem:$0x1FB30]  }
0x628: {  	v12 =	vld [tilespmem:s18+$0x40];
	v3 =	vadd.f32 v3, v7;
	v7 =	vmul.f32 v38, v32;
	v32 =	vmul.f32 v43, v44  }
0x629: {  	[tilespmem:s15+$0xD820] =	vst v4;
	v4 =	vmul.f32 v29, v34  }
0x62a: {  	v13 =	vld [tilespmem:s17+$0x30];
	v3 =	vadd.f32 v3, v7;
	v7 =	vadd.f32 v56, v32  }
0x62b: {  	v22 =	vmov v1;
	v6 =	vmul.f32 v60, v17;
	v1 =	vadd.f32 v2, v4  }
0x62c: {  	[tilespmem:s14+$0xEC10] =	vst v3;
	v4 =	vmul.f32 v42, v21;
	v3 =	vadd.f32 v7, v5;
	v2 =	vmul.f32 v0, v31  }
0x62d: {  	v50 =	vmul.f32 v62, v14;
	v6 =	vadd.f32 v12, v6;
	v5 =	vmul.f32 v59, v16  }
0x62e: {  	v3 =	vadd.f32 v3, v4;
	v1 =	vadd.f32 v1, v2;
	v2 =	vmul.f32 v40, v28  }
0x62f: {  	v4 =	vadd.f32 v13, v5;
	v13 =	vld [tilespmem:$0x1FF60];
	v40 =	vmovc v0;
	v0 =	vadd.f32 v6, v50;
	v6 =	vmul.f32 v61, v24  }
0x630: {  	s9 =	smov.u32 s22;
	v7 =	vld [tilespmem:s11+$0x20];
	[tilespmem:s13+$0x10000] =	vst v1;
	v2 =	vadd.f32 v3, v2  }
0x631: {  	v0 =	vadd.f32 v0, v6;
	v6 =	vld [tilespmem:s9+$0x10]  }
0x632: {  	[tilespmem:s1+$0x10070] =	vst v2;
	v2 =	vld [tilespmem:$0x1FC70]  }
0x633: {  	v12 =	vld [tilespmem:$0x1FF80]  }
0x634: {  	v5 =	vmul.f32 v57, v13  }
0x635: {  	v1 =	vmul.f32 v63, v37  }
0x636: {  	p1 =	sne.s32 s20, $0x4E00;
	v19 =	vmovc v52;
	v52 =	vmul.f32 v47, v27;
	v3 =	vadd.f32 v4, v5;
	v4 =	vmul.f32 v58, v35  }
.Ltmp1:
0x637: {  	v55 =	vmul.f32 v51, v36;
	v0 =	vadd.f32 v0, v1;
	(pc) =	sbr.rel @p1 .LBB2_6-.Ltmp1, $4  }
0x638: {  	v44 =	vld [tilespmem:$0x1FB10];
	v43 =	vmovc v8;
	v1 =	vadd.f32 v7, v52;
	v7 =	vmul.f32 v53, v12;
	s1 =	smov.u32 s13;
	s13 =	smov.u32 s14;
	v3 =	vadd.f32 v3, v4  }
0x639: {  	v25 =	vmov v17;
	v56 =	vmul.f32 v43, v20;
	v45 =	vld [tilespmem:$0x1FAF0];
	s14 =	smov.u32 s15;
	s15 =	smov.u32 s16;
	s16 =	sshra.s32 s20, $0x2  }
0x63a: {  	v17 =	vmov v27;
	v1 =	vadd.f32 v1, v7;
	v3 =	vadd.f32 v3, v55;
	v5 =	vld.idx.msk [tilespmem:v2+s16+$0x0 ss:$0x1], $0xffff;
	[tilespmem:s15+$0xC440] =	vst v0  }
0x63b: {  	v42 =	vmovc v29;
	s20 =	sadd.s32 $0x200, s20;
	v37 =	vadd.f32 v6, v56;
	v2 =	vmul.f32 v54, v30;
	v0 =	vmul.f32 v41, v18;
	v4 =	vld [tilespmem:s18+$0x50]  }
0x63c: {  	_ =	sdelay $0x2  }
0x63d: {  	v5 =	vshll.u32 v5, $0x9  }
0x63e: {  	v18 =	vshra.s32 v5, $0x2  }
0x63f: {  	(v2sf) =	vpush v18, $0x0;
	_ =	sdelay $0x8  }
0x640: {  	s20 =	sadd.s32 $0x200, s19;
	[tilespmem:$0x1FA50] =	vst v18  }
0x641: {  	v8 =	vld [tilespmem:s20+$0xFFFFFF80];
	_ =	sdelay $0x1  }
0x642: {  	v21 =	vld [tilespmem:s20+$0xFFFFFF00];
	_ =	sdelay $0x1  }
0x643: {  	v50 =	vmov v20;
	v20 =	vld [tilespmem:$0x1FE00]  }
0x644: {  	[tilespmem:$0x1FA80] =	vst v8;
	s21 =	spop (v2sf)  }
0x645: {  	v56 =	vld [tilespmem:s21+$0x0]  }
0x646: {  	v6 =	vbroadcast v21, $0x0;
	_ =	sdelay $0x1  }
0x647: {  	v7 =	vbroadcast v8, $0x0;
	v8 =	vmul.f32 v6, v20  }
0x648: {  	v36 =	vld [tilespmem:s20+$0x0]  }
0x649: {  	v5 =	vadd.f32 v56, v8;
	v56 =	vld [tilespmem:$0x1FFE0]  }
0x64a: {  	v24 =	vld [tilespmem:$0x1FF90];
	[tilespmem:$0x1FA70] =	vst v21  }
0x64b: {  	v11 =	vld [tilespmem:s20+$0x80];
	_ =	sdelay $0x1  }
0x64c: {  	v27 =	vld [tilespmem:$0x1FE40]  }
0x64d: {  	v9 =	vbroadcast v36, $0x0;
	v8 =	vmul.f32 v7, v56;
	_ =	sdelay $0x1  }
0x64e: {  	v10 =	vbroadcast v11, $0x0;
	v5 =	vadd.f32 v5, v8;
	v8 =	vmul.f32 v9, v24;
	_ =	sdelay $0x1  }
0x64f: {  	v5 =	vadd.f32 v5, v8;
	v8 =	vmul.f32 v10, v27;
	_ =	sdelay $0x1  }
0x650: {  	[tilespmem:$0x1FA90] =	vst v36;
	v5 =	vadd.f32 v5, v8  }
0x651: {  	[tilespmem:$0x1FAA0] =	vst v11  }
0x652: {  	[tilespmem:s16+$0xC400] =	vst v5  }
0x653: {  	v5 =	vld [tilespmem:s21+$0x10]  }
0x654: {  	v31 =	vld [tilespmem:$0x1FFF0];
	_ =	sdelay $0x1  }
0x655: {  	v32 =	vld [tilespmem:$0x1FE50]  }
0x656: {  	v8 =	vmul.f32 v6, v50  }
0x657: {  	v34 =	vld [tilespmem:$0x1FEE0]  }
0x658: {  	v5 =	vadd.f32 v5, v8;
	v8 =	vmul.f32 v7, v31;
	_ =	sdelay $0x1  }
0x659: {  	v5 =	vadd.f32 v5, v8;
	v8 =	vmul.f32 v9, v32;
	_ =	sdelay $0x1  }
0x65a: {  	v5 =	vadd.f32 v5, v8;
	v8 =	vmul.f32 v10, v34;
	_ =	sdelay $0x1  }
0x65b: {  	v5 =	vadd.f32 v5, v8;
	_ =	sdelay $0x1  }
0x65c: {  	[tilespmem:s16+$0xC410] =	vst v5  }
0x65d: {  	v5 =	vld [tilespmem:s21+$0x20];
	_ =	sdelay $0x1  }
0x65e: {  	v55 =	vld [tilespmem:$0x1FE60]  }
0x65f: {  	v8 =	vmul.f32 v6, v17;
	_ =	sdelay $0x1  }
0x660: {  	v5 =	vadd.f32 v5, v8;
	v8 =	vmul.f32 v7, v12;
	_ =	sdelay $0x1  }
0x661: {  	v5 =	vadd.f32 v5, v8;
	v8 =	vmul.f32 v9, v55;
	_ =	sdelay $0x1  }
0x662: {  	v5 =	vadd.f32 v5, v8;
	v8 =	vld [tilespmem:$0x1FEF0];
	_ =	sdelay $0x4  }
0x663: {  	v8 =	vmul.f32 v10, v8;
	_ =	sdelay $0x1  }
0x664: {  	v5 =	vadd.f32 v5, v8;
	_ =	sdelay $0x1  }
0x665: {  	[tilespmem:s16+$0xC420] =	vst v5  }
0x666: {  	v5 =	vld [tilespmem:s21+$0x30];
	_ =	sdelay $0x2  }
0x667: {  	v8 =	vmul.f32 v6, v16;
	_ =	sdelay $0x1  }
0x668: {  	v5 =	vadd.f32 v5, v8;
	v8 =	vmul.f32 v7, v13;
	_ =	sdelay $0x1  }
0x669: {  	v5 =	vadd.f32 v5, v8;
	v8 =	vld [tilespmem:$0x1FE70];
	_ =	sdelay $0x4  }
0x66a: {  	v8 =	vmul.f32 v9, v8;
	_ =	sdelay $0x1  }
0x66b: {  	v5 =	vadd.f32 v5, v8;
	v8 =	vld [tilespmem:$0x1FF00];
	_ =	sdelay $0x4  }
0x66c: {  	v8 =	vmul.f32 v10, v8;
	_ =	sdelay $0x1  }
0x66d: {  	v5 =	vadd.f32 v5, v8;
	_ =	sdelay $0x1  }
0x66e: {  	[tilespmem:s16+$0xC430] =	vst v5  }
0x66f: {  	v5 =	vld [tilespmem:s21+$0x40];
	_ =	sdelay $0x1  }
0x670: {  	v30 =	vld [tilespmem:$0x1FE80]  }
0x671: {  	v8 =	vmul.f32 v6, v25;
	_ =	sdelay $0x1  }
0x672: {  	v5 =	vadd.f32 v5, v8;
	v8 =	vmul.f32 v7, v14;
	_ =	sdelay $0x1  }
0x673: {  	v5 =	vadd.f32 v5, v8;
	v8 =	vmul.f32 v9, v30;
	_ =	sdelay $0x1  }
0x674: {  	v5 =	vadd.f32 v5, v8;
	v8 =	vld [tilespmem:$0x1FF10];
	_ =	sdelay $0x4  }
0x675: {  	v8 =	vmul.f32 v10, v8;
	_ =	sdelay $0x1  }
0x676: {  	v5 =	vadd.f32 v5, v8;
	_ =	sdelay $0x1  }
0x677: {  	[tilespmem:s16+$0xC440] =	vst v5  }
0x678: {  	v11 =	vld [tilespmem:$0x1FE10];
	_ =	sdelay $0x1  }
0x679: {  	v5 =	vld [tilespmem:s21+$0x50]  }
0x67a: {  	v29 =	vld [tilespmem:$0x1FEC0];
	_ =	sdelay $0x1  }
0x67b: {  	v8 =	vmul.f32 v60, v11  }
0x67c: {  	v11 =	vmul.f32 v6, v11  }
0x67d: {  	v4 =	vadd.f32 v4, v8  }
0x67e: {  	v8 =	vmul.f32 v62, v29;
	v5 =	vadd.f32 v5, v11;
	v11 =	vmul.f32 v7, v29;
	v29 =	vld [tilespmem:$0x1FEA0];
	_ =	sdelay $0x3  }
0x67f: {  	v4 =	vadd.f32 v4, v8  }
0x680: {  	v5 =	vadd.f32 v5, v11;
	v8 =	vmul.f32 v61, v29;
	v11 =	vmul.f32 v9, v29;
	v29 =	vld [tilespmem:$0x1FF20];
	_ =	sdelay $0x4  }
0x681: {  	v4 =	vadd.f32 v4, v8;
	v8 =	vmul.f32 v63, v29  }
0x682: {  	v5 =	vadd.f32 v5, v11;
	v11 =	vmul.f32 v10, v29  }
0x683: {  	v4 =	vadd.f32 v4, v8  }
0x684: {  	v5 =	vadd.f32 v5, v11  }
0x685: {  	[tilespmem:s15+$0xC450] =	vst v4  }
0x686: {  	[tilespmem:s16+$0xC450] =	vst v5  }
0x687: {  	v11 =	vld [tilespmem:$0x1FE20]  }
0x688: {  	v4 =	vld [tilespmem:s18+$0x60]  }
0x689: {  	v5 =	vld [tilespmem:s21+$0x60]  }
0x68a: {  	[tilespmem:$0x1FAC0] =	vst v19;
	v19 =	vld [tilespmem:$0x1FF70];
	_ =	sdelay $0x1  }
0x68b: {  	v8 =	vmul.f32 v60, v11  }
0x68c: {  	v11 =	vmul.f32 v6, v11  }
0x68d: {  	v4 =	vadd.f32 v4, v8  }
0x68e: {  	v8 =	vmul.f32 v62, v19;
	v5 =	vadd.f32 v5, v11;
	v11 =	vmul.f32 v7, v19;
	v19 =	vld [tilespmem:$0x1FF30];
	_ =	sdelay $0x3  }
0x68f: {  	v4 =	vadd.f32 v4, v8  }
0x690: {  	v5 =	vadd.f32 v5, v11;
	v8 =	vmul.f32 v61, v19;
	v11 =	vmul.f32 v9, v19;
	v19 =	vld [tilespmem:$0x1FF40];
	_ =	sdelay $0x4  }
0x691: {  	v4 =	vadd.f32 v4, v8;
	v8 =	vmul.f32 v63, v19  }
0x692: {  	v29 =	vld [tilespmem:$0x1FBD0]  }
0x693: {  	v4 =	vadd.f32 v4, v8;
	v8 =	vld [tilespmem:$0x1FBE0];
	_ =	sdelay $0x1  }
0x694: {  	v5 =	vadd.f32 v5, v11;
	v11 =	vmul.f32 v10, v19;
	_ =	sdelay $0x1  }
0x695: {  	(v2sf) =	vpush v29, $0x1;
	v5 =	vadd.f32 v5, v11  }
0x696: {  	(v2sf) =	vpush v8, $0x2;
	v8 =	vld [tilespmem:$0x1FC00];
	[tilespmem:s15+$0xC460] =	vst v4  }
0x697: {  	[tilespmem:s16+$0xC460] =	vst v5  }
0x698: {  	v29 =	vld [tilespmem:$0x1FFD0]  }
0x699: {  	v4 =	vld [tilespmem:s18+$0x70]  }
0x69a: {  	v11 =	vld [tilespmem:$0x1FFB0];
	_ =	sdelay $0x2  }
0x69b: {  	(v2sf) =	vpush v8, $0x3;
	v8 =	vmul.f32 v60, v29;
	_ =	sdelay $0x1  }
0x69c: {  	v4 =	vadd.f32 v4, v8;
	v8 =	vmul.f32 v62, v11  }
0x69d: {  	v5 =	vld [tilespmem:s21+$0x70];
	(v2sf) =	vpush v18, $0x1  }
0x69e: {  	v4 =	vadd.f32 v4, v8;
	v8 =	vld [tilespmem:$0x1FF50];
	_ =	sdelay $0x1  }
0x69f: {  	v52 =	vld [tilespmem:$0x1FED0];
	v6 =	vmul.f32 v6, v29;
	_ =	sdelay $0x1  }
0x6a0: {  	v5 =	vadd.f32 v5, v6;
	v6 =	vmul.f32 v7, v11  }
0x6a1: {  	v7 =	vmul.f32 v61, v8  }
0x6a2: {  	v5 =	vadd.f32 v5, v6;
	v6 =	vmul.f32 v9, v8  }
0x6a3: {  	v4 =	vadd.f32 v4, v7;
	v7 =	vmul.f32 v63, v52  }
0x6a4: {  	v5 =	vadd.f32 v5, v6;
	v6 =	vmul.f32 v10, v52  }
0x6a5: {  	v4 =	vadd.f32 v4, v7  }
0x6a6: {  	[tilespmem:$0x1FB00] =	vst v22;
	v5 =	vadd.f32 v5, v6  }
0x6a7: {  	s22 =	spop (v2sf);
	[tilespmem:s15+$0xC470] =	vst v4  }
0x6a8: {  	s19 =	spop (v2sf);
	[tilespmem:s16+$0xC470] =	vst v5;
	v6 =	vld [tilespmem:s22+$0x0]  }
0x6a9: {  	v63 =	vbroadcast v46, $0x1;
	s18 =	spop (v2sf);
	[tilespmem:$0x1FA60] =	vst v46;
	v46 =	vld [tilespmem:$0x1FA80]  }
0x6aa: {  	s21 =	spop (v2sf)  }
0x6ab: {  	v7 =	vld [tilespmem:s21+$0x0]  }
0x6ac: {  	v61 =	vbroadcast v45, $0x1;
	v4 =	vbroadcast v21, $0x1;
	v10 =	vld [tilespmem:$0x1FBF0]  }
0x6ad: {  	v8 =	vmul.f32 v63, v20;
	v21 =	vbroadcast v36, $0x1;
	v36 =	vld [tilespmem:$0x1FAA0]  }
0x6ae: {  	v9 =	vmul.f32 v4, v20;
	v11 =	vbroadcast v46, $0x1  }
0x6af: {  	v5 =	vbroadcast v22, $0x1;
	v6 =	vadd.f32 v6, v8;
	v8 =	vmul.f32 v61, v56  }
0x6b0: {  	v7 =	vadd.f32 v7, v9;
	v9 =	vmul.f32 v11, v56  }
0x6b1: {  	v62 =	vbroadcast v10, $0x1;
	v6 =	vadd.f32 v6, v8;
	v8 =	vmul.f32 v5, v24  }
0x6b2: {  	v60 =	vbroadcast v36, $0x1;
	v7 =	vadd.f32 v7, v9;
	v9 =	vmul.f32 v21, v24  }
0x6b3: {  	v6 =	vadd.f32 v6, v8;
	v8 =	vmul.f32 v62, v27  }
0x6b4: {  	v7 =	vadd.f32 v7, v9;
	v9 =	vmul.f32 v60, v27  }
0x6b5: {  	v6 =	vadd.f32 v6, v8  }
0x6b6: {  	v7 =	vadd.f32 v7, v9  }
0x6b7: {  	[tilespmem:s15+$0xD800] =	vst v6  }
0x6b8: {  	v6 =	vld [tilespmem:s22+$0x10];
	[tilespmem:s16+$0xD800] =	vst v7  }
0x6b9: {  	v7 =	vld [tilespmem:s21+$0x10];
	_ =	sdelay $0x1  }
0x6ba: {  	v8 =	vmul.f32 v63, v50  }
0x6bb: {  	v9 =	vmul.f32 v4, v50  }
0x6bc: {  	v6 =	vadd.f32 v6, v8;
	v8 =	vmul.f32 v61, v31  }
0x6bd: {  	v7 =	vadd.f32 v7, v9;
	v9 =	vmul.f32 v11, v31  }
0x6be: {  	v6 =	vadd.f32 v6, v8;
	v8 =	vmul.f32 v5, v32  }
0x6bf: {  	v7 =	vadd.f32 v7, v9;
	v9 =	vmul.f32 v21, v32  }
0x6c0: {  	v6 =	vadd.f32 v6, v8;
	v8 =	vmul.f32 v62, v34  }
0x6c1: {  	v7 =	vadd.f32 v7, v9;
	v9 =	vmul.f32 v60, v34  }
0x6c2: {  	v6 =	vadd.f32 v6, v8  }
0x6c3: {  	v7 =	vadd.f32 v7, v9  }
0x6c4: {  	[tilespmem:s15+$0xD810] =	vst v6  }
0x6c5: {  	v6 =	vld [tilespmem:s22+$0x20];
	[tilespmem:s16+$0xD810] =	vst v7  }
0x6c6: {  	v7 =	vld [tilespmem:s21+$0x20];
	_ =	sdelay $0x1  }
0x6c7: {  	v8 =	vmul.f32 v63, v17  }
0x6c8: {  	v9 =	vmul.f32 v4, v17;
	v34 =	vld [tilespmem:$0x1FEF0]  }
0x6c9: {  	v6 =	vadd.f32 v6, v8;
	v8 =	vmul.f32 v61, v12  }
0x6ca: {  	v7 =	vadd.f32 v7, v9;
	v9 =	vmul.f32 v11, v12  }
0x6cb: {  	v6 =	vadd.f32 v6, v8;
	v8 =	vmul.f32 v5, v55  }
0x6cc: {  	v7 =	vadd.f32 v7, v9;
	v9 =	vmul.f32 v21, v55  }
0x6cd: {  	v6 =	vadd.f32 v6, v8;
	v8 =	vmul.f32 v62, v34  }
0x6ce: {  	v7 =	vadd.f32 v7, v9;
	v9 =	vmul.f32 v60, v34  }
0x6cf: {  	v6 =	vadd.f32 v6, v8  }
0x6d0: {  	[tilespmem:s14+$0xD830] =	vst v3;
	v3 =	vadd.f32 v7, v9  }
0x6d1: {  	v7 =	vld [tilespmem:s17+$0x40];
	[tilespmem:s15+$0xD820] =	vst v6  }
0x6d2: {  	v6 =	vld [tilespmem:s22+$0x30];
	[tilespmem:s16+$0xD820] =	vst v3  }
0x6d3: {  	v3 =	vld [tilespmem:s21+$0x30];
	_ =	sdelay $0x1  }
0x6d4: {  	v8 =	vmul.f32 v63, v16;
	v18 =	vld [tilespmem:$0x1FE70]  }
0x6d5: {  	v10 =	vmul.f32 v4, v16;
	v9 =	vmul.f32 v59, v25  }
0x6d6: {  	v6 =	vadd.f32 v6, v8;
	v8 =	vmul.f32 v61, v13  }
0x6d7: {  	v7 =	vadd.f32 v7, v9;
	v9 =	vmul.f32 v11, v13;
	v3 =	vadd.f32 v3, v10  }
0x6d8: {  	v6 =	vadd.f32 v6, v8  }
0x6d9: {  	v8 =	vmul.f32 v5, v18;
	v3 =	vadd.f32 v3, v9;
	v9 =	vmul.f32 v21, v18;
	v18 =	vld [tilespmem:$0x1FF00];
	_ =	sdelay $0x2  }
0x6da: {  	v35 =	vld [tilespmem:$0x1FF10];
	v10 =	vmul.f32 v57, v14;
	_ =	sdelay $0x1  }
0x6db: {  	v7 =	vadd.f32 v7, v10;
	v6 =	vadd.f32 v6, v8;
	v8 =	vmul.f32 v62, v18  }
0x6dc: {  	v10 =	vmul.f32 v58, v30;
	v3 =	vadd.f32 v3, v9;
	v9 =	vmul.f32 v60, v18  }
0x6dd: {  	v6 =	vadd.f32 v6, v8  }
0x6de: {  	v7 =	vadd.f32 v7, v10;
	v8 =	vmul.f32 v51, v35;
	v3 =	vadd.f32 v3, v9  }
0x6df: {  	[tilespmem:s15+$0xD830] =	vst v6  }
0x6e0: {  	v6 =	vadd.f32 v7, v8;
	[tilespmem:s16+$0xD830] =	vst v3;
	v7 =	vld [tilespmem:s22+$0x40]  }
0x6e1: {  	v3 =	vld [tilespmem:s21+$0x40];
	_ =	sdelay $0x1  }
0x6e2: {  	v8 =	vmul.f32 v63, v25  }
0x6e3: {  	v9 =	vmul.f32 v4, v25  }
0x6e4: {  	[tilespmem:s14+$0xD840] =	vst v6;
	v7 =	vadd.f32 v7, v8;
	v8 =	vmul.f32 v61, v14  }
0x6e5: {  	v55 =	vld [tilespmem:$0x1FE10];
	v3 =	vadd.f32 v3, v9;
	v9 =	vmul.f32 v11, v14  }
0x6e6: {  	v6 =	vld [tilespmem:s17+$0x50];
	v7 =	vadd.f32 v7, v8  }
0x6e7: {  	v8 =	vmul.f32 v5, v30;
	v3 =	vadd.f32 v3, v9;
	v9 =	vmul.f32 v21, v30;
	v30 =	vld [tilespmem:$0x1FEC0];
	_ =	sdelay $0x1  }
0x6e8: {  	v20 =	vld [tilespmem:$0x1FEA0]  }
0x6e9: {  	v10 =	vmul.f32 v59, v55  }
0x6ea: {  	v18 =	vld [tilespmem:$0x1FF20]  }
0x6eb: {  	v6 =	vadd.f32 v6, v10;
	v10 =	vmul.f32 v57, v30  }
0x6ec: {  	v7 =	vadd.f32 v7, v8;
	v8 =	vmul.f32 v62, v35;
	v3 =	vadd.f32 v3, v9  }
0x6ed: {  	v9 =	vmul.f32 v60, v35;
	v6 =	vadd.f32 v6, v10;
	v10 =	vmul.f32 v58, v20  }
0x6ee: {  	v7 =	vadd.f32 v7, v8  }
0x6ef: {  	v3 =	vadd.f32 v3, v9;
	v8 =	vmul.f32 v51, v18;
	v6 =	vadd.f32 v6, v10  }
0x6f0: {  	[tilespmem:s15+$0xD840] =	vst v7  }
0x6f1: {  	[tilespmem:s16+$0xD840] =	vst v3;
	v7 =	vld [tilespmem:s22+$0x50];
	v3 =	vadd.f32 v6, v8;
	_ =	sdelay $0x1  }
0x6f2: {  	[tilespmem:s14+$0xD850] =	vst v3  }
0x6f3: {  	v3 =	vmul.f32 v63, v55;
	v32 =	vld [tilespmem:$0x1FE20]  }
0x6f4: {  	v8 =	vld [tilespmem:s17+$0x60]  }
0x6f5: {  	v27 =	vld [tilespmem:$0x1FF70];
	v3 =	vadd.f32 v7, v3;
	v7 =	vmul.f32 v61, v30  }
0x6f6: {  	v6 =	vld [tilespmem:s21+$0x50]  }
0x6f7: {  	v56 =	vmov v24;
	v24 =	vld [tilespmem:$0x1FF30];
	v3 =	vadd.f32 v3, v7;
	v7 =	vmul.f32 v5, v20  }
0x6f8: {  	v10 =	vmul.f32 v59, v32  }
0x6f9: {  	v9 =	vmul.f32 v4, v55;
	v3 =	vadd.f32 v3, v7;
	v7 =	vmul.f32 v62, v18  }
0x6fa: {  	v8 =	vadd.f32 v8, v10;
	v10 =	vmul.f32 v57, v27  }
0x6fb: {  	v6 =	vadd.f32 v6, v9;
	v9 =	vmul.f32 v11, v30;
	v3 =	vadd.f32 v3, v7  }
0x6fc: {  	v7 =	vadd.f32 v8, v10;
	v8 =	vmul.f32 v58, v24  }
0x6fd: {  	v6 =	vadd.f32 v6, v9;
	v9 =	vmul.f32 v21, v20;
	[tilespmem:s15+$0xD850] =	vst v3  }
0x6fe: {  	v3 =	vadd.f32 v7, v8;
	v8 =	vld [tilespmem:s22+$0x60]  }
0x6ff: {  	v6 =	vadd.f32 v6, v9;
	v9 =	vmul.f32 v60, v18;
	v7 =	vmul.f32 v51, v19;
	_ =	sdelay $0x1  }
0x700: {  	v6 =	vadd.f32 v6, v9;
	v3 =	vadd.f32 v3, v7;
	v7 =	vmul.f32 v63, v32;
	_ =	sdelay $0x1  }
0x701: {  	[tilespmem:s16+$0xD850] =	vst v6;
	v7 =	vadd.f32 v8, v7;
	v8 =	vmul.f32 v61, v27  }
0x702: {  	v6 =	vld [tilespmem:s21+$0x60]  }
0x703: {  	v7 =	vadd.f32 v7, v8;
	v8 =	vmul.f32 v5, v24;
	_ =	sdelay $0x1  }
0x704: {  	[tilespmem:s14+$0xD860] =	vst v3;
	v3 =	vmul.f32 v4, v32;
	v7 =	vadd.f32 v7, v8;
	v8 =	vmul.f32 v62, v19;
	_ =	sdelay $0x1  }
0x705: {  	v3 =	vadd.f32 v6, v3;
	v6 =	vmul.f32 v11, v27;
	v7 =	vadd.f32 v7, v8;
	v8 =	vld [tilespmem:$0x1FBD0];
	_ =	sdelay $0x1  }
0x706: {  	v9 =	vld [tilespmem:s17+$0x70];
	v3 =	vadd.f32 v3, v6;
	v6 =	vmul.f32 v21, v24  }
0x707: {  	v20 =	vld [tilespmem:$0x1FFB0]  }
0x708: {  	v3 =	vadd.f32 v3, v6;
	v6 =	vmul.f32 v60, v19;
	v19 =	vld [tilespmem:$0x1FF50]  }
0x709: {  	(v2sf) =	vpush v8, $0x2;
	v8 =	vld [tilespmem:$0x1FBE0];
	[tilespmem:s15+$0xD860] =	vst v7  }
0x70a: {  	v10 =	vmul.f32 v59, v29;
	v7 =	vld [tilespmem:$0x1FA50];
	_ =	sdelay $0x1  }
0x70b: {  	v9 =	vadd.f32 v9, v10;
	v10 =	vmul.f32 v57, v20  }
0x70c: {  	v3 =	vadd.f32 v3, v6  }
0x70d: {  	v6 =	vadd.f32 v9, v10;
	(v2sf) =	vpush v8, $0x3;
	v8 =	vmul.f32 v58, v19  }
0x70e: {  	(v2sf) =	vpush v7, $0x2;
	v7 =	vld [tilespmem:s22+$0x70]  }
0x70f: {  	[tilespmem:s16+$0xD860] =	vst v3;
	v3 =	vadd.f32 v6, v8;
	v6 =	vmul.f32 v51, v52;
	_ =	sdelay $0x1  }
0x710: {  	v8 =	vld [tilespmem:s21+$0x70];
	v3 =	vadd.f32 v3, v6;
	v6 =	vmul.f32 v63, v29;
	_ =	sdelay $0x1  }
0x711: {  	[tilespmem:s14+$0xD870] =	vst v3;
	v3 =	vadd.f32 v7, v6;
	v6 =	vmul.f32 v61, v20  }
0x712: {  	v4 =	vmul.f32 v4, v29;
	_ =	sdelay $0x1  }
0x713: {  	v4 =	vadd.f32 v8, v4;
	v8 =	vmul.f32 v11, v20  }
0x714: {  	v5 =	vmul.f32 v5, v19;
	v9 =	vld [tilespmem:$0x1FAC0];
	v3 =	vadd.f32 v3, v6;
	v6 =	vmov v19  }
0x715: {  	v4 =	vadd.f32 v4, v8;
	v6 =	vmul.f32 v21, v6  }
0x716: {  	v62 =	vmul.f32 v62, v52;
	v22 =	vld [tilespmem:$0x1FE00];
	v3 =	vadd.f32 v3, v5  }
0x717: {  	v7 =	vld [tilespmem:s19+$0x0];
	v4 =	vadd.f32 v4, v6;
	v6 =	vmul.f32 v60, v52  }
0x718: {  	v26 =	vmov v29;
	v29 =	vld [tilespmem:$0x1FFE0];
	v3 =	vadd.f32 v3, v62  }
0x719: {  	v10 =	vbroadcast v9, $0x2;
	v4 =	vadd.f32 v4, v6  }
0x71a: {  	[tilespmem:s15+$0xD870] =	vst v3  }
0x71b: {  	v19 =	vbroadcast v44, $0x2;
	v8 =	vmul.f32 v10, v22;
	[tilespmem:s16+$0xD870] =	vst v4  }
0x71c: {  	v9 =	vld [tilespmem:$0x1FE40]  }
0x71d: {  	v20 =	vbroadcast v49, $0x2;
	v7 =	vadd.f32 v7, v8;
	v8 =	vmul.f32 v19, v29;
	_ =	sdelay $0x1  }
0x71e: {  	v51 =	vmovc v56;
	v6 =	vmul.f32 v20, v56;
	v56 =	vbroadcast v48, $0x2;
	v63 =	vadd.f32 v7, v8;
	_ =	sdelay $0x1  }
0x71f: {  	v58 =	vadd.f32 v63, v6;
	v59 =	vmul.f32 v56, v9;
	_ =	sdelay $0x1  }
0x720: {  	v4 =	vadd.f32 v58, v59  }
0x721: {  	v7 =	vld [tilespmem:$0x1FA70]  }
0x722: {  	v6 =	vld [tilespmem:$0x1FA60];
	[tilespmem:s14+$0xEC00] =	vst v4  }
0x723: {  	v8 =	vld [tilespmem:$0x1FA90]  }
0x724: {  	s21 =	spop (v2sf)  }
0x725: {  	s17 =	spop (v2sf);
	v3 =	vld [tilespmem:s21+$0x0]  }
0x726: {  	s22 =	spop (v2sf);
	v4 =	vld [tilespmem:$0x1FB00]  }
0x727: {  	v11 =	vbroadcast v6, $0x2;
	v6 =	vld [tilespmem:s22+$0x0]  }
0x728: {  	v63 =	vbroadcast v7, $0x2;
	v59 =	vbroadcast v8, $0x2;
	v8 =	vld [tilespmem:$0x1FBF0]  }
0x729: {  	v61 =	vbroadcast v45, $0x2;
	v60 =	vmul.f32 v11, v22  }
0x72a: {  	v58 =	vbroadcast v46, $0x2;
	v7 =	vmul.f32 v63, v22  }
0x72b: {  	v62 =	vmul.f32 v61, v29;
	v3 =	vadd.f32 v3, v60;
	v57 =	vbroadcast v4, $0x2  }
0x72c: {  	v6 =	vadd.f32 v6, v7;
	v7 =	vmul.f32 v58, v29  }
0x72d: {  	v3 =	vadd.f32 v3, v62;
	v46 =	vmul.f32 v57, v51;
	v62 =	vbroadcast v8, $0x2  }
0x72e: {  	v6 =	vadd.f32 v6, v7  }
0x72f: {  	v7 =	vmul.f32 v59, v51;
	v51 =	vld [tilespmem:$0x1FE30];
	v3 =	vadd.f32 v3, v46;
	v46 =	vmul.f32 v62, v9  }
0x730: {  	v5 =	vld [tilespmem:s19+$0x10]  }
0x731: {  	v3 =	vadd.f32 v3, v46;
	v46 =	vld [tilespmem:$0x1FFF0];
	_ =	sdelay $0x1  }
0x732: {  	v60 =	vbroadcast v36, $0x2  }
0x733: {  	v8 =	vmul.f32 v10, v51  }
0x734: {  	v6 =	vadd.f32 v6, v7;
	v7 =	vmul.f32 v60, v9  }
0x735: {  	v5 =	vadd.f32 v5, v8;
	v36 =	vmul.f32 v19, v46  }
0x736: {  	v6 =	vadd.f32 v6, v7  }
0x737: {  	v4 =	vadd.f32 v5, v36;
	v36 =	vld [tilespmem:$0x1FE50];
	[tilespmem:s15+$0xEC00] =	vst v3  }
0x738: {  	[tilespmem:s16+$0xEC00] =	vst v6  }
0x739: {  	v8 =	vld [tilespmem:$0x1FEE0];
	_ =	sdelay $0x2  }
0x73a: {  	v3 =	vld [tilespmem:s21+$0x10];
	v5 =	vmul.f32 v20, v36  }
0x73b: {  	v6 =	vld [tilespmem:s22+$0x10]  }
0x73c: {  	v4 =	vadd.f32 v4, v5;
	v5 =	vmul.f32 v56, v8  }
0x73d: {  	v1 =	vadd.f32 v1, v2;
	v2 =	vmul.f32 v38, v34  }
0x73e: {  	v7 =	vmul.f32 v63, v51;
	v4 =	vadd.f32 v4, v5;
	v5 =	vmul.f32 v11, v51  }
0x73f: {  	v1 =	vadd.f32 v1, v2  }
0x740: {  	v3 =	vadd.f32 v3, v5;
	v5 =	vadd.f32 v6, v7;
	v6 =	vmul.f32 v58, v46  }
0x741: {  	v51 =	vmul.f32 v61, v46  }
0x742: {  	[tilespmem:s13+$0xEC20] =	vst v1;
	v1 =	vadd.f32 v5, v6;
	v5 =	vmul.f32 v59, v36  }
0x743: {  	[tilespmem:s14+$0xEC10] =	vst v4;
	v3 =	vadd.f32 v3, v51  }
0x744: {  	v46 =	vmovc v36;
	v2 =	vld [tilespmem:s19+$0x20];
	v51 =	vmul.f32 v57, v36;
	v36 =	vmul.f32 v60, v8;
	v1 =	vadd.f32 v1, v5;
	_ =	sdelay $0x1  }
0x745: {  	v1 =	vadd.f32 v1, v36;
	v36 =	vld [tilespmem:$0x1FE60]  }
0x746: {  	v7 =	vmul.f32 v10, v17;
	v3 =	vadd.f32 v3, v51;
	v51 =	vmul.f32 v62, v8;
	_ =	sdelay $0x1  }
0x747: {  	v2 =	vadd.f32 v2, v7;
	v7 =	vmul.f32 v19, v12;
	v3 =	vadd.f32 v3, v51;
	_ =	sdelay $0x1  }
0x748: {  	v6 =	vld [tilespmem:s11+$0x30];
	v2 =	vadd.f32 v2, v7;
	[tilespmem:s15+$0xEC10] =	vst v3;
	v5 =	vmul.f32 v20, v36  }
0x749: {  	[tilespmem:s16+$0xEC10] =	vst v1  }
0x74a: {  	v29 =	vmov v34;
	v1 =	vadd.f32 v2, v5;
	v2 =	vmul.f32 v56, v34;
	v34 =	vld [tilespmem:$0x1FE70]  }
0x74b: {  	v51 =	vmul.f32 v47, v16  }
0x74c: {  	v8 =	vld [tilespmem:$0x1FF00]  }
0x74d: {  	v3 =	vadd.f32 v6, v51;
	v51 =	vmul.f32 v53, v13;
	v6 =	vld [tilespmem:s21+$0x20]  }
0x74e: {  	v5 =	vld [tilespmem:s22+$0x20]  }
0x74f: {  	v3 =	vadd.f32 v3, v51;
	v51 =	vmul.f32 v54, v34  }
0x750: {  	v1 =	vadd.f32 v1, v2;
	v2 =	vmul.f32 v11, v17  }
0x751: {  	v7 =	vmul.f32 v63, v17;
	v3 =	vadd.f32 v3, v51;
	v51 =	vmul.f32 v38, v8  }
0x752: {  	[tilespmem:s14+$0xEC20] =	vst v1;
	v1 =	vadd.f32 v6, v2;
	v2 =	vmul.f32 v61, v12  }
0x753: {  	v6 =	vmul.f32 v58, v12;
	v4 =	vld [tilespmem:s19+$0x30];
	v5 =	vadd.f32 v5, v7;
	v3 =	vadd.f32 v3, v51  }
0x754: {  	v1 =	vadd.f32 v1, v2;
	v2 =	vmul.f32 v57, v36  }
0x755: {  	v36 =	vmul.f32 v59, v36;
	[tilespmem:s13+$0xEC30] =	vst v3;
	v3 =	vadd.f32 v5, v6  }
0x756: {  	v7 =	vmul.f32 v10, v16;
	v1 =	vadd.f32 v1, v2;
	v2 =	vmul.f32 v62, v29  }
0x757: {  	v51 =	vmul.f32 v60, v29;
	v3 =	vadd.f32 v3, v36  }
0x758: {  	v4 =	vadd.f32 v4, v7;
	v7 =	vmul.f32 v19, v13;
	v1 =	vadd.f32 v1, v2  }
0x759: {  	v3 =	vadd.f32 v3, v51  }
0x75a: {  	v6 =	vld [tilespmem:s11+$0x40];
	v4 =	vadd.f32 v4, v7;
	[tilespmem:s15+$0xEC20] =	vst v1;
	v36 =	vmul.f32 v20, v34  }
0x75b: {  	[tilespmem:s16+$0xEC20] =	vst v3  }
0x75c: {  	v3 =	vadd.f32 v4, v36;
	v36 =	vld [tilespmem:$0x1FE80]  }
0x75d: {  	v2 =	vmul.f32 v47, v25;
	_ =	sdelay $0x1  }
0x75e: {  	v1 =	vadd.f32 v6, v2;
	v2 =	vmul.f32 v53, v14;
	v6 =	vld [tilespmem:s21+$0x30]  }
0x75f: {  	v51 =	vmul.f32 v56, v8;
	v5 =	vld [tilespmem:s22+$0x30]  }
0x760: {  	v1 =	vadd.f32 v1, v2;
	v2 =	vmul.f32 v54, v36  }
0x761: {  	v3 =	vadd.f32 v3, v51;
	v51 =	vmul.f32 v11, v16  }
0x762: {  	v7 =	vmul.f32 v63, v16;
	v1 =	vadd.f32 v1, v2;
	v2 =	vmul.f32 v38, v35  }
0x763: {  	[tilespmem:s14+$0xEC30] =	vst v3;
	v3 =	vadd.f32 v6, v51;
	v51 =	vmul.f32 v61, v13  }
0x764: {  	v6 =	vmul.f32 v58, v13;
	v5 =	vadd.f32 v5, v7;
	v1 =	vadd.f32 v1, v2  }
0x765: {  	v4 =	vmul.f32 v57, v34;
	v3 =	vadd.f32 v3, v51  }
0x766: {  	v51 =	vmul.f32 v59, v34;
	[tilespmem:s13+$0xEC40] =	vst v1;
	v1 =	vadd.f32 v5, v6  }
0x767: {  	v34 =	vmul.f32 v62, v8;
	v3 =	vadd.f32 v3, v4;
	v2 =	vld [tilespmem:s19+$0x40]  }
0x768: {  	v1 =	vadd.f32 v1, v51;
	v51 =	vmul.f32 v60, v8  }
0x769: {  	v3 =	vadd.f32 v3, v34  }
0x76a: {  	v7 =	vmul.f32 v10, v25;
	v6 =	vld [tilespmem:s11+$0x50];
	v1 =	vadd.f32 v1, v51  }
0x76b: {  	[tilespmem:s15+$0xEC30] =	vst v3  }
0x76c: {  	v2 =	vadd.f32 v2, v7;
	v7 =	vmul.f32 v19, v14;
	[tilespmem:s16+$0xEC30] =	vst v1  }
0x76d: {  	v34 =	vmul.f32 v47, v55;
	v21 =	vld [tilespmem:$0x1FEA0]  }
0x76e: {  	v51 =	vmul.f32 v20, v36;
	v2 =	vadd.f32 v2, v7  }
0x76f: {  	v3 =	vadd.f32 v6, v34  }
0x770: {  	v34 =	vmul.f32 v53, v30;
	v6 =	vld [tilespmem:s21+$0x40];
	v1 =	vadd.f32 v2, v51;
	v2 =	vmul.f32 v56, v35  }
0x771: {  	v5 =	vld [tilespmem:s22+$0x40]  }
0x772: {  	v3 =	vadd.f32 v3, v34;
	v1 =	vadd.f32 v1, v2;
	v51 =	vmul.f32 v54, v21  }
0x773: {  	v2 =	vmul.f32 v11, v25  }
0x774: {  	v7 =	vmul.f32 v63, v25;
	v34 =	vmul.f32 v38, v18;
	[tilespmem:s14+$0xEC40] =	vst v1;
	v3 =	vadd.f32 v3, v51  }
0x775: {  	v1 =	vadd.f32 v6, v2;
	v2 =	vmul.f32 v61, v14;
	v51 =	vld [tilespmem:s19+$0x50]  }
0x776: {  	v6 =	vmul.f32 v58, v14;
	v5 =	vadd.f32 v5, v7;
	v3 =	vadd.f32 v3, v34  }
0x777: {  	v1 =	vadd.f32 v1, v2;
	v2 =	vmul.f32 v57, v36  }
0x778: {  	v7 =	vmul.f32 v10, v55;
	v34 =	vmul.f32 v59, v36;
	[tilespmem:s13+$0xEC50] =	vst v3;
	v3 =	vadd.f32 v5, v6  }
0x779: {  	v1 =	vadd.f32 v1, v2;
	v2 =	vmul.f32 v62, v35;
	v35 =	vmul.f32 v60, v35  }
0x77a: {  	v4 =	vadd.f32 v51, v7;
	v7 =	vmul.f32 v19, v30;
	v3 =	vadd.f32 v3, v34;
	_ =	sdelay $0x1  }
0x77b: {  	v36 =	vmul.f32 v20, v21;
	v4 =	vadd.f32 v4, v7;
	v3 =	vadd.f32 v3, v35  }
0x77c: {  	v6 =	vld [tilespmem:s11+$0x60]  }
0x77d: {  	v51 =	vmul.f32 v56, v18;
	[tilespmem:s16+$0xEC40] =	vst v3;
	v3 =	vadd.f32 v4, v36  }
0x77e: {  	v1 =	vadd.f32 v1, v2  }
0x77f: {  	v2 =	vmul.f32 v47, v32;
	v3 =	vadd.f32 v3, v51  }
0x780: {  	[tilespmem:s15+$0xEC40] =	vst v1  }
0x781: {  	v1 =	vadd.f32 v6, v2;
	v6 =	vld [tilespmem:s21+$0x50];
	[tilespmem:s14+$0xEC50] =	vst v3  }
0x782: {  	v2 =	vmul.f32 v53, v27;
	v51 =	vld [tilespmem:$0x1FF40]  }
0x783: {  	v34 =	vld [tilespmem:s22+$0x50]  }
0x784: {  	v1 =	vadd.f32 v1, v2;
	v2 =	vmul.f32 v54, v24  }
0x785: {  	v35 =	vmul.f32 v11, v55  }
0x786: {  	v7 =	vmul.f32 v63, v55;
	v1 =	vadd.f32 v1, v2  }
0x787: {  	v3 =	vmul.f32 v61, v30;
	v2 =	vadd.f32 v6, v35;
	v36 =	vmul.f32 v38, v51  }
0x788: {  	v5 =	vadd.f32 v34, v7;
	v7 =	vmul.f32 v58, v30  }
0x789: {  	v2 =	vadd.f32 v2, v3;
	v3 =	vmul.f32 v57, v21;
	v1 =	vadd.f32 v1, v36  }
0x78a: {  	v6 =	vld [tilespmem:s19+$0x60];
	v35 =	vmul.f32 v59, v21;
	v34 =	vadd.f32 v5, v7  }
0x78b: {  	v2 =	vadd.f32 v2, v3;
	v3 =	vmul.f32 v62, v18;
	[tilespmem:s13+$0xEC60] =	vst v1  }
0x78c: {  	v36 =	vmul.f32 v60, v18;
	v1 =	vadd.f32 v34, v35;
	v34 =	vld [tilespmem:s11+$0x70]  }
0x78d: {  	v7 =	vmul.f32 v10, v32;
	v2 =	vadd.f32 v2, v3  }
0x78e: {  	v1 =	vadd.f32 v1, v36  }
0x78f: {  	v6 =	vadd.f32 v6, v7;
	v3 =	vmul.f32 v19, v27;
	[tilespmem:s15+$0xEC50] =	vst v2;
	v2 =	vmul.f32 v47, v26  }
0x790: {  	[tilespmem:s16+$0xEC50] =	vst v1  }
0x791: {  	v3 =	vadd.f32 v6, v3;
	v35 =	vmul.f32 v20, v24;
	v2 =	vadd.f32 v34, v2;
	v34 =	vld [tilespmem:$0x1FFB0];
	_ =	sdelay $0x1  }
0x792: {  	v1 =	vadd.f32 v3, v35;
	v3 =	vmul.f32 v56, v51;
	_ =	sdelay $0x1  }
0x793: {  	v1 =	vadd.f32 v1, v3;
	v3 =	vmul.f32 v11, v32  }
0x794: {  	v18 =	vmov v32;
	v47 =	vmul.f32 v53, v34;
	v53 =	vmul.f32 v63, v32;
	v32 =	vld [tilespmem:$0x1FF50]  }
0x795: {  	v6 =	vld [tilespmem:s21+$0x60];
	_ =	sdelay $0x3  }
0x796: {  	v2 =	vadd.f32 v2, v47;
	v7 =	vmul.f32 v54, v32  }
0x797: {  	v36 =	vld [tilespmem:s22+$0x60];
	[tilespmem:s14+$0xEC60] =	vst v1;
	v1 =	vadd.f32 v6, v3;
	v3 =	vmul.f32 v61, v27  }
0x798: {  	v2 =	vadd.f32 v2, v7;
	v7 =	vmul.f32 v38, v52  }
0x799: {  	v1 =	vadd.f32 v1, v3;
	v3 =	vmul.f32 v57, v24  }
0x79a: {  	v2 =	vadd.f32 v2, v7  }
0x79b: {  	v1 =	vadd.f32 v1, v3;
	v3 =	vmul.f32 v62, v51  }
0x79c: {  	v4 =	vadd.f32 v36, v53;
	v36 =	vmul.f32 v58, v27;
	[tilespmem:s13+$0xEC70] =	vst v2  }
0x79d: {  	v1 =	vadd.f32 v1, v3;
	v2 =	vld [tilespmem:$0x1FBD0]  }
0x79e: {  	v47 =	vmul.f32 v59, v24;
	v4 =	vadd.f32 v4, v36  }
0x79f: {  	[tilespmem:s15+$0xEC60] =	vst v1  }
0x7a0: {  	v53 =	vmul.f32 v60, v51;
	v4 =	vadd.f32 v4, v47;
	v54 =	vld [tilespmem:$0x1FA50]  }
0x7a1: {  	v6 =	vld [tilespmem:s19+$0x70]  }
0x7a2: {  	(v2sf) =	vpush v2, $0x3;
	v2 =	vadd.f32 v4, v53;
	_ =	sdelay $0x1  }
0x7a3: {  	v8 =	vmul.f32 v10, v26;
	[tilespmem:s16+$0xEC60] =	vst v2  }
0x7a4: {  	(v2sf) =	vpush v54, $0x3;
	v54 =	vld [tilespmem:$0x1FEE0]  }
0x7a5: {  	v6 =	vadd.f32 v6, v8;
	v3 =	vmul.f32 v19, v34  }
0x7a6: {  	v0 =	vadd.f32 v37, v0;
	v1 =	vmul.f32 v42, v46  }
0x7a7: {  	v36 =	vmul.f32 v20, v32;
	v3 =	vadd.f32 v6, v3;
	v35 =	vld [tilespmem:s18+$0x0]  }
0x7a8: {  	v1 =	vadd.f32 v0, v1;
	v0 =	vbroadcast v23, $0x3;
	v2 =	vld [tilespmem:s22+$0x70]  }
0x7a9: {  	v37 =	vmul.f32 v56, v52;
	v3 =	vadd.f32 v3, v36;
	v7 =	vmul.f32 v40, v54  }
0x7aa: {  	v8 =	vmul.f32 v0, v22  }
0x7ab: {  	v7 =	vadd.f32 v1, v7;
	v1 =	vadd.f32 v3, v37;
	v3 =	vmul.f32 v63, v26  }
0x7ac: {  	v6 =	vld [tilespmem:s21+$0x70]  }
0x7ad: {  	v4 =	vadd.f32 v35, v8;
	v8 =	vmul.f32 v58, v34;
	v3 =	vadd.f32 v2, v3  }
0x7ae: {  	[tilespmem:s14+$0xEC70] =	vst v1  }
0x7af: {  	v9 =	vmul.f32 v11, v26;
	v3 =	vadd.f32 v3, v8;
	v8 =	vld [tilespmem:$0x1FAC0];
	_ =	sdelay $0x1  }
0x7b0: {  	v38 =	vadd.f32 v6, v9;
	v6 =	vmul.f32 v61, v34;
	_ =	sdelay $0x1  }
0x7b1: {  	v9 =	vmul.f32 v57, v32;
	v5 =	vadd.f32 v38, v6  }
0x7b2: {  	v37 =	vbroadcast v8, $0x3;
	v8 =	vmul.f32 v59, v32  }
0x7b3: {  	v5 =	vadd.f32 v5, v9;
	v9 =	vmul.f32 v62, v52  }
0x7b4: {  	v3 =	vadd.f32 v3, v8;
	v8 =	vmul.f32 v60, v52  }
0x7b5: {  	v5 =	vadd.f32 v5, v9;
	v56 =	vld [tilespmem:$0x1FFE0]  }
0x7b6: {  	v6 =	vld [tilespmem:s17+$0x0];
	v3 =	vadd.f32 v3, v8  }
0x7b7: {  	v63 =	vmov v32;
	v32 =	vbroadcast v15, $0x3;
	v15 =	vld [tilespmem:$0x1FF90];
	[tilespmem:s15+$0xEC70] =	vst v5  }
0x7b8: {  	v61 =	vmov v34;
	v34 =	vbroadcast v44, $0x3;
	v2 =	vbroadcast v39, $0x3;
	[tilespmem:s16+$0xEC70] =	vst v3  }
0x7b9: {  	v35 =	vbroadcast v49, $0x3;
	v10 =	vmul.f32 v37, v22;
	v49 =	vld [tilespmem:$0x1FE40]  }
0x7ba: {  	v1 =	vbroadcast v33, $0x3;
	v11 =	vmul.f32 v2, v56  }
0x7bb: {  	v9 =	vmul.f32 v34, v56;
	v6 =	vadd.f32 v6, v10  }
0x7bc: {  	v4 =	vadd.f32 v4, v11;
	v8 =	vmul.f32 v1, v15  }
0x7bd: {  	v33 =	vbroadcast v48, $0x3;
	v39 =	vadd.f32 v6, v9  }
0x7be: {  	v6 =	vmul.f32 v35, v15;
	v3 =	vadd.f32 v4, v8;
	v10 =	vld [tilespmem:$0x1FA70];
	v57 =	vmul.f32 v32, v49;
	_ =	sdelay $0x1  }
0x7bf: {  	v8 =	vld [tilespmem:$0x1FA60];
	v5 =	vadd.f32 v39, v6;
	v6 =	vmul.f32 v33, v49;
	v3 =	vadd.f32 v3, v57;
	_ =	sdelay $0x1  }
0x7c0: {  	v5 =	vadd.f32 v5, v6;
	v6 =	vld [tilespmem:$0x1FA80];
	[tilespmem:s13+$0x10000] =	vst v3  }
0x7c1: {  	s21 =	spop (v2sf);
	v48 =	vbroadcast v10, $0x3;
	v10 =	vld [tilespmem:$0x1FA90]  }
0x7c2: {  	s22 =	spop (v2sf);
	v9 =	vld [tilespmem:s21+$0x0]  }
0x7c3: {  	v53 =	vmov v46;
	v46 =	vbroadcast v8, $0x3;
	v8 =	vld [tilespmem:s22+$0x0]  }
0x7c4: {  	v3 =	vld [tilespmem:$0x1FB00]  }
0x7c5: {  	v39 =	vbroadcast v45, $0x3;
	v38 =	vbroadcast v6, $0x3  }
0x7c6: {  	v6 =	vmul.f32 v48, v22;
	v45 =	vbroadcast v10, $0x3;
	v10 =	vld [tilespmem:$0x1FBF0];
	[tilespmem:s14+$0x10000] =	vst v5  }
0x7c7: {  	v58 =	vmul.f32 v46, v22;
	v5 =	vld [tilespmem:$0x1FAA0]  }
0x7c8: {  	v6 =	vadd.f32 v8, v6;
	v11 =	vld [tilespmem:$0x1FE30]  }
0x7c9: {  	v8 =	vmul.f32 v38, v56;
	v44 =	vbroadcast v3, $0x3;
	v3 =	vadd.f32 v9, v58;
	v9 =	vld [tilespmem:s18+$0x10];
	[tilespmem:s1+$0x10010] =	vst v7  }
0x7ca: {  	v59 =	vmul.f32 v39, v56;
	v23 =	vld [tilespmem:$0x1FFF0]  }
0x7cb: {  	v62 =	vadd.f32 v6, v8;
	v60 =	vmul.f32 v44, v15  }
0x7cc: {  	v3 =	vadd.f32 v3, v59;
	v6 =	vmul.f32 v45, v15;
	v47 =	vbroadcast v10, $0x3  }
0x7cd: {  	v10 =	vld [tilespmem:s17+$0x10];
	v36 =	vbroadcast v5, $0x3;
	v8 =	vmul.f32 v0, v11  }
0x7ce: {  	v3 =	vadd.f32 v3, v60;
	v5 =	vadd.f32 v62, v6;
	v57 =	vmul.f32 v47, v49  }
0x7cf: {  	v6 =	vmul.f32 v36, v49;
	v7 =	vadd.f32 v9, v8;
	v8 =	vmul.f32 v2, v23  }
0x7d0: {  	v9 =	vmul.f32 v37, v11;
	v3 =	vadd.f32 v3, v57  }
0x7d1: {  	v5 =	vadd.f32 v5, v6;
	v6 =	vadd.f32 v7, v8;
	v7 =	vmul.f32 v1, v53  }
0x7d2: {  	v8 =	vmul.f32 v34, v23;
	[tilespmem:s15+$0x10000] =	vst v3;
	v3 =	vadd.f32 v10, v9  }
0x7d3: {  	v58 =	vld [tilespmem:s9+$0x20];
	v6 =	vadd.f32 v6, v7  }
0x7d4: {  	v9 =	vld [tilespmem:s21+$0x10];
	[tilespmem:s16+$0x10000] =	vst v5;
	v7 =	vmul.f32 v32, v54;
	v3 =	vadd.f32 v3, v8;
	v8 =	vmul.f32 v35, v53  }
0x7d5: {  	v10 =	vld [tilespmem:s22+$0x10]  }
0x7d6: {  	v60 =	vadd.f32 v6, v7;
	v7 =	vmul.f32 v33, v54;
	v3 =	vadd.f32 v3, v8  }
0x7d7: {  	v6 =	vmul.f32 v46, v11  }
0x7d8: {  	v59 =	vmul.f32 v43, v17;
	v8 =	vmul.f32 v48, v11;
	[tilespmem:s13+$0x10010] =	vst v60;
	v3 =	vadd.f32 v3, v7  }
0x7d9: {  	v62 =	vadd.f32 v9, v6;
	v6 =	vmul.f32 v39, v23;
	v9 =	vld [tilespmem:s18+$0x20]  }
0x7da: {  	v4 =	vadd.f32 v58, v59;
	v7 =	vadd.f32 v10, v8;
	v8 =	vmul.f32 v38, v23;
	[tilespmem:s14+$0x10010] =	vst v3  }
0x7db: {  	v30 =	vmovc v24;
	v11 =	vmul.f32 v41, v12;
	v5 =	vadd.f32 v62, v6;
	v6 =	vmul.f32 v44, v53;
	v24 =	vld [tilespmem:$0x1FE60]  }
0x7dc: {  	v3 =	vadd.f32 v7, v8;
	v7 =	vmul.f32 v45, v53;
	v8 =	vmul.f32 v0, v17;
	v10 =	vld [tilespmem:s17+$0x20]  }
0x7dd: {  	v4 =	vadd.f32 v4, v11;
	v5 =	vadd.f32 v5, v6;
	v6 =	vmul.f32 v47, v54  }
0x7de: {  	v3 =	vadd.f32 v3, v7;
	v8 =	vadd.f32 v9, v8;
	v9 =	vmul.f32 v2, v12  }
0x7df: {  	v7 =	vmul.f32 v36, v54;
	v5 =	vadd.f32 v5, v6;
	v6 =	vmul.f32 v37, v17  }
0x7e0: {  	v8 =	vadd.f32 v8, v9;
	v11 =	vmul.f32 v42, v24;
	v9 =	vmul.f32 v1, v24  }
0x7e1: {  	v3 =	vadd.f32 v3, v7;
	v57 =	vadd.f32 v10, v6;
	v6 =	vmul.f32 v34, v12  }
0x7e2: {  	v7 =	vmul.f32 v40, v29;
	v4 =	vadd.f32 v4, v11;
	v58 =	vadd.f32 v8, v9  }
0x7e3: {  	[tilespmem:s15+$0x10010] =	vst v5;
	v8 =	vmul.f32 v32, v29;
	v5 =	vadd.f32 v57, v6;
	v6 =	vmul.f32 v35, v24  }
0x7e4: {  	v10 =	vld [tilespmem:s21+$0x20];
	[tilespmem:s16+$0x10010] =	vst v3;
	v3 =	vadd.f32 v4, v7  }
0x7e5: {  	v7 =	vld [tilespmem:s22+$0x20];
	v4 =	vadd.f32 v58, v8;
	v5 =	vadd.f32 v5, v6;
	v8 =	vmul.f32 v33, v29;
	_ =	sdelay $0x1  }
0x7e6: {  	[tilespmem:s1+$0x10020] =	vst v3;
	v3 =	vmul.f32 v46, v17;
	v5 =	vadd.f32 v5, v8  }
0x7e7: {  	v6 =	vmul.f32 v48, v17;
	[tilespmem:s13+$0x10020] =	vst v4;
	v9 =	vld [tilespmem:s9+$0x30]  }
0x7e8: {  	v3 =	vadd.f32 v10, v3;
	v10 =	vmul.f32 v39, v12;
	[tilespmem:s14+$0x10020] =	vst v5  }
0x7e9: {  	v59 =	vadd.f32 v7, v6;
	v6 =	vmul.f32 v38, v12;
	v58 =	vld [tilespmem:$0x1FE70]  }
0x7ea: {  	v11 =	vmul.f32 v43, v16;
	v8 =	vmul.f32 v44, v24;
	v7 =	vld [tilespmem:s18+$0x30];
	v3 =	vadd.f32 v3, v10  }
0x7eb: {  	v60 =	vmul.f32 v47, v29;
	v4 =	vadd.f32 v59, v6;
	v6 =	vmul.f32 v45, v24;
	v59 =	vld [tilespmem:$0x1FF00]  }
0x7ec: {  	v10 =	vmul.f32 v41, v13;
	v9 =	vadd.f32 v9, v11;
	v3 =	vadd.f32 v3, v8  }
0x7ed: {  	v8 =	vmul.f32 v0, v16;
	v11 =	vld [tilespmem:s17+$0x30];
	v4 =	vadd.f32 v4, v6;
	v6 =	vmul.f32 v36, v29  }
0x7ee: {  	v9 =	vadd.f32 v9, v10;
	v10 =	vmul.f32 v42, v58;
	v3 =	vadd.f32 v3, v60  }
0x7ef: {  	v62 =	vmul.f32 v2, v13;
	v7 =	vadd.f32 v7, v8;
	v4 =	vadd.f32 v4, v6  }
0x7f0: {  	v6 =	vmul.f32 v40, v59;
	v8 =	vadd.f32 v9, v10;
	v9 =	vmul.f32 v37, v16  }
0x7f1: {  	[tilespmem:s15+$0x10020] =	vst v3;
	v3 =	vmul.f32 v1, v58;
	v5 =	vadd.f32 v7, v62  }
0x7f2: {  	v7 =	vld [tilespmem:s21+$0x30];
	v60 =	vadd.f32 v8, v6;
	v6 =	vmul.f32 v34, v13;
	v8 =	vadd.f32 v11, v9  }
0x7f3: {  	v10 =	vmul.f32 v32, v59;
	[tilespmem:s16+$0x10020] =	vst v4  }
0x7f4: {  	v62 =	vmul.f32 v35, v58;
	v3 =	vadd.f32 v5, v3;
	[tilespmem:s1+$0x10030] =	vst v60;
	v60 =	vadd.f32 v8, v6  }
0x7f5: {  	v9 =	vld [tilespmem:s22+$0x30];
	v6 =	vmul.f32 v46, v16  }
0x7f6: {  	v3 =	vadd.f32 v3, v10;
	v10 =	vmul.f32 v33, v59;
	v4 =	vadd.f32 v60, v62  }
0x7f7: {  	v62 =	vmul.f32 v39, v13;
	v6 =	vadd.f32 v7, v6  }
0x7f8: {  	v11 =	vmul.f32 v48, v16;
	v8 =	vld [tilespmem:s9+$0x40];
	v4 =	vadd.f32 v4, v10  }
0x7f9: {  	[tilespmem:s13+$0x10030] =	vst v3;
	v10 =	vmul.f32 v44, v58;
	v5 =	vadd.f32 v6, v62  }
0x7fa: {  	v3 =	vmul.f32 v38, v13;
	v9 =	vadd.f32 v9, v11;
	v11 =	vld [tilespmem:s18+$0x40];
	[tilespmem:s14+$0x10030] =	vst v4  }
0x7fb: {  	v7 =	vmul.f32 v43, v25;
	v60 =	vmul.f32 v47, v59;
	v5 =	vadd.f32 v5, v10;
	v28 =	vld [tilespmem:$0x1FE80]  }
0x7fc: {  	v3 =	vadd.f32 v9, v3;
	v9 =	vmul.f32 v45, v58  }
0x7fd: {  	v7 =	vadd.f32 v8, v7;
	v8 =	vmul.f32 v0, v25;
	v4 =	vadd.f32 v5, v60;
	v60 =	vld [tilespmem:$0x1FF10]  }
0x7fe: {  	v6 =	vmul.f32 v41, v14;
	v3 =	vadd.f32 v3, v9  }
0x7ff: {  	v9 =	vmul.f32 v36, v59;
	v5 =	vmul.f32 v2, v14;
	v8 =	vadd.f32 v11, v8  }
0x800: {  	v10 =	vld [tilespmem:s17+$0x40];
	v6 =	vadd.f32 v7, v6;
	v7 =	vmul.f32 v42, v28  }
0x801: {  	v3 =	vadd.f32 v3, v9;
	v5 =	vadd.f32 v8, v5  }
0x802: {  	v62 =	vmul.f32 v1, v28;
	v9 =	vmul.f32 v40, v60;
	v6 =	vadd.f32 v6, v7  }
0x803: {  	[tilespmem:s15+$0x10030] =	vst v4;
	v7 =	vmul.f32 v37, v25  }
0x804: {  	[tilespmem:s16+$0x10030] =	vst v3;
	v4 =	vadd.f32 v5, v62;
	v3 =	vadd.f32 v6, v9  }
0x805: {  	v6 =	vmul.f32 v34, v14;
	v7 =	vadd.f32 v10, v7;
	v10 =	vmul.f32 v32, v60  }
0x806: {  	v8 =	vld [tilespmem:s21+$0x40]  }
0x807: {  	v9 =	vld [tilespmem:s22+$0x40];
	[tilespmem:s1+$0x10040] =	vst v3;
	v3 =	vmul.f32 v35, v28;
	v62 =	vadd.f32 v7, v6;
	v4 =	vadd.f32 v4, v10;
	_ =	sdelay $0x1  }
0x808: {  	v6 =	vmul.f32 v46, v25;
	v10 =	vmul.f32 v33, v60;
	v7 =	vld [tilespmem:s9+$0x50];
	v3 =	vadd.f32 v62, v3;
	[tilespmem:s13+$0x10040] =	vst v4  }
0x809: {  	v11 =	vmul.f32 v48, v25;
	v19 =	vld [tilespmem:$0x1FEC0]  }
0x80a: {  	v5 =	vmul.f32 v39, v14;
	v6 =	vadd.f32 v8, v6;
	v3 =	vadd.f32 v3, v10  }
0x80b: {  	v8 =	vmul.f32 v43, v55;
	v62 =	vmul.f32 v38, v14;
	v9 =	vadd.f32 v9, v11  }
0x80c: {  	v11 =	vld [tilespmem:s18+$0x50];
	v10 =	vmul.f32 v44, v28;
	v5 =	vadd.f32 v6, v5;
	[tilespmem:s14+$0x10040] =	vst v3  }
0x80d: {  	v57 =	vmovc v29;
	v4 =	vadd.f32 v9, v62;
	v9 =	vmul.f32 v45, v28;
	v7 =	vadd.f32 v7, v8;
	v29 =	vld [tilespmem:$0x1FF20]  }
0x80e: {  	v3 =	vmul.f32 v47, v60;
	v5 =	vadd.f32 v5, v10;
	v6 =	vmul.f32 v41, v19  }
0x80f: {  	v8 =	vmul.f32 v0, v55;
	v10 =	vld [tilespmem:s17+$0x50];
	v4 =	vadd.f32 v4, v9;
	v9 =	vmul.f32 v36, v60  }
0x810: {  	v3 =	vadd.f32 v5, v3;
	v6 =	vadd.f32 v7, v6;
	v7 =	vmul.f32 v42, v21  }
0x811: {  	v62 =	vmul.f32 v2, v19;
	v8 =	vadd.f32 v11, v8;
	v4 =	vadd.f32 v4, v9  }
0x812: {  	[tilespmem:s15+$0x10040] =	vst v3;
	v9 =	vmul.f32 v40, v29;
	v6 =	vadd.f32 v6, v7;
	v7 =	vmul.f32 v37, v55  }
0x813: {  	v3 =	vmul.f32 v1, v21;
	v5 =	vadd.f32 v8, v62;
	v8 =	vld [tilespmem:s21+$0x50];
	[tilespmem:s16+$0x10040] =	vst v4  }
0x814: {  	v62 =	vadd.f32 v6, v9;
	v6 =	vmul.f32 v34, v19;
	v7 =	vadd.f32 v10, v7;
	v9 =	vld [tilespmem:s22+$0x50]  }
0x815: {  	v3 =	vadd.f32 v5, v3;
	v10 =	vmul.f32 v32, v29  }
0x816: {  	v4 =	vmul.f32 v35, v21;
	[tilespmem:s1+$0x10050] =	vst v62;
	v62 =	vadd.f32 v7, v6;
	v6 =	vmul.f32 v46, v55  }
0x817: {  	v11 =	vmul.f32 v48, v55;
	v3 =	vadd.f32 v3, v10;
	v10 =	vmul.f32 v33, v29;
	v7 =	vld [tilespmem:s9+$0x60]  }
0x818: {  	v55 =	vmul.f32 v39, v19;
	v4 =	vadd.f32 v62, v4;
	v6 =	vadd.f32 v8, v6  }
0x819: {  	v8 =	vmul.f32 v43, v18;
	[tilespmem:s13+$0x10050] =	vst v3;
	v3 =	vmul.f32 v38, v19;
	v9 =	vadd.f32 v9, v11  }
0x81a: {  	v11 =	vld [tilespmem:s18+$0x60];
	v4 =	vadd.f32 v4, v10;
	v10 =	vmul.f32 v44, v21;
	v5 =	vadd.f32 v6, v55  }
0x81b: {  	v62 =	vmul.f32 v47, v29;
	v3 =	vadd.f32 v9, v3;
	v9 =	vmul.f32 v45, v21  }
0x81c: {  	v6 =	vmul.f32 v41, v27;
	v7 =	vadd.f32 v7, v8;
	[tilespmem:s14+$0x10050] =	vst v4;
	v5 =	vadd.f32 v5, v10  }
0x81d: {  	v8 =	vmul.f32 v0, v18;
	v10 =	vld [tilespmem:s17+$0x60];
	v3 =	vadd.f32 v3, v9;
	v9 =	vmul.f32 v36, v29  }
0x81e: {  	v55 =	vmul.f32 v42, v30;
	v6 =	vadd.f32 v7, v6;
	v4 =	vadd.f32 v5, v62  }
0x81f: {  	v7 =	vadd.f32 v11, v8;
	v8 =	vmul.f32 v2, v27;
	v3 =	vadd.f32 v3, v9  }
0x820: {  	v9 =	vmul.f32 v40, v51;
	v5 =	vadd.f32 v6, v55;
	v6 =	vmul.f32 v37, v18;
	[tilespmem:s15+$0x10050] =	vst v4  }
0x821: {  	v62 =	vmul.f32 v1, v30;
	v7 =	vadd.f32 v7, v8;
	v8 =	vld [tilespmem:s21+$0x60];
	[tilespmem:s16+$0x10050] =	vst v3  }
0x822: {  	v55 =	vmul.f32 v34, v27;
	v3 =	vadd.f32 v5, v9;
	v6 =	vadd.f32 v10, v6;
	v9 =	vld [tilespmem:s22+$0x60]  }
0x823: {  	v10 =	vmul.f32 v32, v51;
	v4 =	vadd.f32 v7, v62  }
0x824: {  	[tilespmem:s1+$0x10060] =	vst v3;
	v3 =	vmul.f32 v35, v30;
	v5 =	vadd.f32 v6, v55;
	v6 =	vmul.f32 v46, v18  }
0x825: {  	v4 =	vadd.f32 v4, v10;
	v10 =	vmul.f32 v48, v18  }
0x826: {  	v62 =	vmul.f32 v39, v27;
	v7 =	vld [tilespmem:s9+$0x70];
	v3 =	vadd.f32 v5, v3;
	v6 =	vadd.f32 v8, v6  }
0x827: {  	v8 =	vmul.f32 v33, v51;
	v9 =	vadd.f32 v9, v10;
	v10 =	vmul.f32 v38, v27  }
0x828: {  	v11 =	vmul.f32 v43, v26;
	v5 =	vadd.f32 v6, v62;
	v6 =	vmul.f32 v44, v30  }
0x829: {  	v3 =	vadd.f32 v3, v8;
	v8 =	vadd.f32 v9, v10;
	v9 =	vmul.f32 v45, v30  }
0x82a: {  	v43 =	vmul.f32 v47, v51;
	[tilespmem:s13+$0x10060] =	vst v4;
	v10 =	vmul.f32 v41, v61;
	v5 =	vadd.f32 v5, v6  }
0x82b: {  	v7 =	vadd.f32 v7, v11;
	v6 =	vld [tilespmem:s18+$0x70];
	[tilespmem:s14+$0x10060] =	vst v3;
	v3 =	vmul.f32 v36, v51;
	v8 =	vadd.f32 v8, v9  }
0x82c: {  	v9 =	vld [tilespmem:s17+$0x70];
	v4 =	vadd.f32 v5, v43  }
0x82d: {  	v55 =	vadd.f32 v7, v10;
	v7 =	vmul.f32 v42, v63;
	v3 =	vadd.f32 v8, v3  }
0x82e: {  	v0 =	vmul.f32 v0, v26;
	[tilespmem:s15+$0x10060] =	vst v4  }
0x82f: {  	v8 =	vmul.f32 v37, v26;
	v5 =	vadd.f32 v55, v7;
	v7 =	vmul.f32 v40, v52;
	v4 =	vld [tilespmem:s21+$0x70];
	[tilespmem:s16+$0x10060] =	vst v3  }
0x830: {  	v2 =	vmul.f32 v2, v61;
	v0 =	vadd.f32 v6, v0;
	v3 =	vld [tilespmem:s22+$0x70]  }
0x831: {  	v5 =	vadd.f32 v5, v7;
	v6 =	vadd.f32 v9, v8;
	v7 =	vmul.f32 v34, v61  }
0x832: {  	v1 =	vmul.f32 v1, v63;
	v0 =	vadd.f32 v0, v2;
	v2 =	vmul.f32 v46, v26  }
0x833: {  	v8 =	vmul.f32 v48, v26;
	v6 =	vadd.f32 v6, v7;
	v7 =	vmul.f32 v35, v63  }
0x834: {  	v0 =	vadd.f32 v0, v1;
	v1 =	vadd.f32 v4, v2;
	v2 =	vmul.f32 v39, v61  }
0x835: {  	v62 =	vadd.f32 v6, v7;
	v6 =	vmul.f32 v38, v61;
	v3 =	vadd.f32 v3, v8  }
0x836: {  	v7 =	vmul.f32 v44, v63;
	v1 =	vadd.f32 v1, v2;
	v2 =	vmul.f32 v32, v52  }
0x837: {  	v8 =	vmul.f32 v45, v63;
	v3 =	vadd.f32 v3, v6;
	v6 =	vmul.f32 v33, v52  }
0x838: {  	s8 =	sor.u32 s7, s8;
	v43 =	vmovc v63;
	v0 =	vadd.f32 v0, v2;
	v1 =	vadd.f32 v1, v7;
	v2 =	vmul.f32 v47, v52  }
0x839: {  	s19 =	smul.u32 $0xC8, s8;
	[tilespmem:s1+$0x10070] =	vst v5;
	v63 =	vmul.f32 v36, v52;
	v4 =	vadd.f32 v62, v6;
	v3 =	vadd.f32 v3, v8  }
0x83a: {  	[tilespmem:s13+$0x10070] =	vst v0;
	v0 =	vadd.f32 v1, v2  }
0x83b: {  	s8 =	sadd.s32 s0, s19;
	[tilespmem:s14+$0x10070] =	vst v4;
	v1 =	vadd.f32 v3, v63  }
0x83c: {  	s8 =	sshll.u32 s8, $0x4;
	[tilespmem:s15+$0x10070] =	vst v0  }
0x83d: {  	s20 =	simm.s32 $0xC400;
	s8 =	sadd.s32 s4, s8;
	s21 =	sadd.s32 s19, s2;
	[tilespmem:s16+$0x10070] =	vst v1  }
0x83e: {  	[hbm4b:s8+s6] =	stream.linear.scatter [tilespmem:s20], [sflag:$0x2], $0x1400, $0x38;
	[tilespmem:$0x11400] =	vst v63  }
0x83f: {  	s10 =	sadd.s32 $0x1, s10;
	s31 =	sadd.s32 $0x8, s31;
	s8 =	sshll.u32 s21, $0x4  }
0x840: {  	p1 =	sne.s32 s10, $0x10;
	s22 =	sadd.s32 s19, s3;
	s8 =	sadd.s32 s4, s8  }
0x841: {  	[hbm4b:s8+s6] =	stream.linear.scatter [tilespmem:s23], [sflag:$0x2], $0x1400, $0x38;
	[tilespmem:$0x11400] =	vst v63  }
.Ltmp2:
0x842: {  	s1 =	sadd.s32 s19, s12;
	s8 =	sshll.u32 s22, $0x4;
	(pc) =	sbr.rel @p1 .LBB2_3-.Ltmp2, $4  }
0x843: {  	s26 =	sadd.s32 $0x8, s26;
	v22 =	vmovc v15;
	v41 =	vmov v27;
	v27 =	vmov v21;
	v11 =	vmov v52;
	s1 =	sshll.u32 s1, $0x4;
	s8 =	sadd.s32 s4, s8  }
0x844: {  	v10 =	vmovc v23;
	v23 =	vmovc v53;
	v40 =	vmov v57;
	v9 =	vmov v19;
	v48 =	vmov v60;
	[hbm4b:s8+s6] =	stream.linear.scatter [tilespmem:s24], [sflag:$0x2], $0x1400, $0x38;
	[tilespmem:$0x11400] =	vst v63  }
0x845: {  	s28 =	sadd.s32 $0x8, s28;
	s29 =	sadd.s32 $0x8, s29;
	s1 =	sadd.s32 s4, s1;
	v39 =	vmovc v54;
	v33 =	vmovc v58;
	v47 =	vmov v59;
	v8 =	vmov v56;
	v0 =	vmov v26  }
0x846: {  	v26 =	vmovc v28;
	v28 =	vmovc v30;
	v30 =	vmov v49;
	v49 =	vmov v29;
	v1 =	vmov v61;
	[hbm4b:s1+s6] =	stream.linear.scatter [tilespmem:s25], [sflag:$0x2], $0x1400, $0x38;
	[tilespmem:$0x11400] =	vst v63  }
.Ltmp3:
0x847: {  	(pc) =	sbr.rel @p0 .LBB2_2-.Ltmp3, $2  }
0x848: {  	_ =	sdelay $0x2  }
0x849: {  	s30 =	simm.s32 $0x1;
	p1 =	por $0x0, $0x0  }
0x84a: {  	s0 =	simm.s32 $0x1  }
0x84b: {  	_ =	swait.ge [sflag:s0], $0x1400  }
0x84c: {  	[sflag:s0] =	ssyncset.done $0x0  }
0x84d: {  	[sflag:s0] =	ssyncadd.s32 $0xFFFFEC00  }
0x84e: {  	_ =	swait.ge [sflag:s0], $0x1400  }
0x84f: {  	[sflag:s0] =	ssyncset.done $0x0  }
0x850: {  	[sflag:s0] =	ssyncadd.s32 $0xFFFFEC00  }
0x851: {  	_ =	swait.ge [sflag:s0], $0x1400  }
0x852: {  	[sflag:s0] =	ssyncset.done $0x0  }
0x853: {  	[sflag:s0] =	ssyncadd.s32 $0xFFFFEC00  }
0x854: {  	_ =	swait.ge [sflag:s0], $0x1400  }
0x855: {  	[sflag:s0] =	ssyncset.done $0x0  }
0x856: {  	s1 =	simm.s32 $0x2;
	[sflag:s0] =	ssyncadd.s32 $0xFFFFEC00  }
0x857: {  	_ =	swait.ge [sflag:s1], $0x1400  }
0x858: {  	[sflag:s1] =	ssyncset.done $0x0  }
0x859: {  	[sflag:s1] =	ssyncadd.s32 $0xFFFFEC00  }
0x85a: {  	_ =	swait.ge [sflag:s1], $0x1400  }
0x85b: {  	[sflag:s1] =	ssyncset.done $0x0  }
0x85c: {  	[sflag:s1] =	ssyncadd.s32 $0xFFFFEC00  }
0x85d: {  	_ =	swait.ge [sflag:s1], $0x1400  }
0x85e: {  	[sflag:s1] =	ssyncset.done $0x0  }
0x85f: {  	[sflag:s1] =	ssyncadd.s32 $0xFFFFEC00  }
0x860: {  	_ =	swait.ge [sflag:s1], $0x1400  }
0x861: {  	s2 =	rddreg [dreg:$0x9]  }
0x862: {  	s31 =	rddreg [dreg:$0x8];
	s2 =	sadd.s32 $0x1, s2  }
0x863: {  	p0 =	sne.s32 s2, s31  }
.Ltmp4:
0x864: {  	_ = 	snop;
	(pc) =	sbr.rel @p0 .LBB2_1-.Ltmp4, $3  }
0x865: {  	_ =	sdelay $0x1  }
0x866: {  	[sflag:s1] =	ssyncset.done $0x0  }
0x867: {  	[sflag:s1] =	ssyncadd.s32 $0xFFFFEC00  }
0x868: {  	_ =	sfence.sel $0x180000  }
0x869: {  	[bflag:$0x0] =	sbarrier.arrive $0xFFFF  }
0x86a: {  	_ =	strace $0x90000047  }
0x86b: {  	s0 =	stileid.u32;
	[bflag:$0x2] =	sbarrier.arrive $0xFFFF  }
0x86c: {  	p0 =	sne.s32 s0, $0x0;
	s0 =	rddreg [dreg:$0x5]  }
0x86d: {  	s0 =	sadd.s32 @!p0 $0x100000, s0  }
0x86e: {  	[sflag:s0] =	ssyncadd.tile.s32 @!p0 $0x1;
	_ =	shalt  }
.Lfunc_end2:
_tile_overlayer_lowered:
.L_overlay_start_2:
0x86f: {  	(tag) =	ssettag $0x2  }
0x870: {  	s0 =	rddreg [dreg:$0x0];
	s2 =	stileid.u32  }
0x871: {  	s1 =	rddreg [dreg:$0x1];
	p0 =	sne.s32 s2, $0x0  }
0x872: {  	s3 =	rddreg [dreg:$0x2];
	[bflag:$0x3] =	sbarrier.arrive $0xFFFF;
	s2 =	simm.s32 @!p0 $0x1C03  }
0x873: {  	[timem:s3], [sflag:s2] =	dma.local @!p0 [hbm:s0], s1  }
0x874: {  	s0 =	simm.s32 @!p0 $0x3  }
0x875: {  	_ =	swait.ge @!p0 [sflag:s0], s1  }
0x876: {  	s1 =	ssub.s32 @!p0 $0x0, s1;
	[sflag:s0] =	ssyncset.done @!p0 $0x0  }
0x877: {  	[sflag:s0] =	ssyncadd.s32 @!p0 s1  }
0x878: {  	[bflag:$0x3] =	sbarrier.arrive $0xFFFF  }
0x879: {  	_ =	shalt  }

</sc_bundles>
